<compile_context>
chip_gen: v7x
topology: tpu7x:2x2x1
jax: 0.10.2.dev20260603
libtpu: 0.0.44.dev20260713+nightly
codegen_flags: <defaults>
</compile_context>

<pallas_src>
import functools

import jax
import jax.numpy as jnp
from jax import lax
from jax.experimental import pallas as pl
from jax.experimental.pallas import tpu as pltpu
from jax.experimental.pallas import tpu_sc as plsc

D_MODEL = 64
SCALE = 8.0
NC, NS = 2, 16
NW = NC * NS
CB = 128
L = 16
NBUF = 4


@functools.cache
def _make_transpose(v):
    d = D_MODEL
    CBA = 2 * CB
    nfull = v // CBA
    tail = v - nfull * CBA
    mesh = plsc.VectorSubcoreMesh(core_axis_name="c", subcore_axis_name="s")

    @functools.partial(
        pl.kernel,
        out_type=jax.ShapeDtypeStruct((v * d // CB, CB), jnp.float32),
        mesh=mesh,
        scratch_types=[
            [pltpu.VMEM((d, CBA), jnp.float32)] * 3,
            [pltpu.VMEM((d * CBA // 128, 128), jnp.float32)] * 3,
            [pltpu.SemaphoreType.DMA] * 3,
            [pltpu.SemaphoreType.DMA] * 3,
        ],
        compiler_params=pltpu.CompilerParams(
            use_tc_tiling_on_sc=True, needs_layout_passes=False
        ),
    )
    def trans_kernel(lutt_hbm, out_hbm, inb, outb, isem, osem):
        w = lax.axis_index("s") * NC + lax.axis_index("c")
        iota = lax.iota(jnp.int32, L)
        nstep = (nfull - w + NW - 1) // NW

        def fire_in(step, b):
            t0 = pl.multiple_of(step * CBA, CB)
            for fb in range(d // 8):
                pltpu.async_copy(
                    lutt_hbm.at[pl.ds(fb * 8, 8), pl.ds(t0, CBA)],
                    inb[b].at[pl.ds(fb * 8, 8)],
                    isem[b],
                )

        def fire_in_tail(b):
            t0 = pl.multiple_of(w * 0 + nfull * CBA, CB)
            for fb in range(d // 8):
                pltpu.async_copy(
                    lutt_hbm.at[pl.ds(fb * 8, 8), pl.ds(t0, CB)],
                    inb[b].at[pl.ds(fb * 8, 8), pl.ds(0, CB)],
                    isem[b],
                )

        def wait_in(b, nt):
            pltpu.make_async_copy(
                out_hbm.at[pl.ds(0, d // 2)],
                inb[b].at[:, pl.ds(0, nt)],
                isem[b],
            ).wait()

        def transpose(b, ntg):
            @plsc.parallel_loop(0, ntg * L, step=1, unroll=4)
            def _(i):
                tg = lax.shift_right_logical(i, 4)
                k = lax.bitwise_and(i, 15)
                t_vec = tg * L + iota
                f_base = lax.bitwise_and(iota + k, 15)
                row = lax.shift_right_logical(t_vec, 1)
                half = lax.bitwise_and(t_vec, 1) * d
                for c in range(d // L):
                    f_vec = c * L + f_base
                    vals = plsc.load_gather(inb[b], [f_vec, t_vec])
                    plsc.store_scatter(outb[b], [row, half + f_vec], vals)

        def fire_out(step, b, nt):
            pltpu.async_copy(
                outb[b].at[pl.ds(0, nt * d // 128)],
                out_hbm.at[pl.ds(step * (CBA * d // 128), nt * d // 128)],
                osem[b],
            )

        def wait_out(b, nt):
            pltpu.make_async_copy(
                out_hbm.at[pl.ds(0, nt * d // 128)],
                outb[b].at[pl.ds(0, nt * d // 128)],
                osem[b],
            ).wait()

        @pl.when(nstep > 0)
        def _():
            fire_in(w, 0)

        def group_body(g3, carry):
            for bb in range(3):
                gi = g3 * 3 + bb

                @pl.when(gi < nstep)
                def _():
                    step = w + gi * NW

                    @pl.when(gi > 2)
                    def _():
                        wait_out(bb, CBA)

                    wait_in(bb, CBA)
                    transpose(bb, CBA // L)
                    fire_out(step, bb, CBA)

                    @pl.when(gi + 1 < nstep)
                    def _():
                        fire_in(step + NW, (bb + 1) % 3)

            return carry

        lax.fori_loop(0, (nstep + 2) // 3, group_body, 0)

        for bb in range(3):
            @pl.when(nstep > bb)
            def _():
                wait_out(bb, CBA)

        if tail:
            @pl.when(w == 0)
            def _():
                fire_in_tail(0)
                wait_in(0, CB)
                transpose(0, CB // L)
                fire_out(nfull, 0, tail)
                wait_out(0, tail)

    return trans_kernel


@functools.cache
def _make_kernel(n, s, v):
    assert n == NW * CB, (n, NW * CB)
    nfb = D_MODEL // 8
    mesh = plsc.VectorSubcoreMesh(core_axis_name="c", subcore_axis_name="s")

    @functools.partial(
        pl.kernel,
        out_type=jax.ShapeDtypeStruct((s, nfb, NW, 8, CB), jnp.float32),
        mesh=mesh,
        scratch_types=[
            pltpu.VMEM((s, CB), jnp.int32),
            [pltpu.VMEM((CB, D_MODEL), jnp.float32)] * NBUF,
            [pltpu.VMEM((D_MODEL, CB + 1), jnp.float32)] * NBUF,
            [pltpu.SemaphoreType.DMA] * NBUF,
            [pltpu.SemaphoreType.DMA] * NBUF,
        ],
        compiler_params=pltpu.CompilerParams(
            use_tc_tiling_on_sc=False, needs_layout_passes=False
        ),
    )
    def emb_kernel(xt_hbm, lut_hbm, out_hbm, idx_v, rows, tiles, gsem, wsem):
        w = lax.axis_index("s") * NC + lax.axis_index("c")
        pltpu.sync_copy(xt_hbm.at[:, pl.ds(w * CB, CB)], idx_v)

        iota = lax.iota(jnp.int32, L)

        def fire_gather(j, b):
            pltpu.async_copy(lut_hbm.at[idx_v.at[j]], rows[b], gsem[b])

        def wait_gather(b):
            pltpu.make_async_copy(out_hbm.at[0, 0, 0], rows[b], gsem[b]).wait()

        def fire_writes(j, b):
            for rb in range(nfb):
                pltpu.async_copy(
                    tiles[b].at[pl.ds(rb * 8, 8), pl.ds(0, CB)],
                    out_hbm.at[j, rb, w],
                    wsem[b],
                )

        def wait_writes(b):
            pltpu.make_async_copy(
                out_hbm.at[0], tiles[b].at[:, pl.ds(0, CB)], wsem[b]
            ).wait()

        for b in range(NBUF):
            fire_gather(b, b)

        ngrp = s // NBUF

        def group_body(g, carry):
            for b in range(NBUF):
                j = g * NBUF + b

                @pl.when(g > 0)
                def _():
                    wait_writes(b)

                wait_gather(b)

                @plsc.parallel_loop(0, CB, step=1, unroll=4)
                def _(r):
                    for c in range(D_MODEL // L):
                        vals = rows[b][r, pl.ds(c * L, L)] * SCALE
                        plsc.store_scatter(
                            tiles[b],
                            [c * L + iota, jnp.broadcast_to(r, (L,))],
                            vals,
                        )

                fire_writes(j, b)

                @pl.when(g + 1 < ngrp)
                def _():
                    fire_gather(j + NBUF, b)

            return carry

        lax.fori_loop(0, ngrp, group_body, 0)
        for b in range(NBUF):
            wait_writes(b)

    return emb_kernel


def kernel(x, lut):
    n, s = x.shape
    v, d = lut.shape
    xt = x.T.astype(jnp.int32)
    lut_packed = _make_transpose(v)(lut.T)
    out5 = _make_kernel(n, s, v)(xt, lut_packed.reshape(v, d))
    return out5.transpose(2, 4, 0, 1, 3).reshape(n, s, d)

# --- scband reference (transcript-rebuilt; emitter-appended) ---
"""Pipeline reference for scband-embeddings-14705968021919 (READ-ONLY COPY).

The authoritative reference and input builder live on the scoring server;
editing this copy changes nothing except your own understanding.
"""

import jax, jax.numpy as jnp
import numpy as np
import math

N_TOKEN = 1000000
D_MODEL = 64

def setup_inputs(seed: int = 0) -> dict:
    key = jax.random.key(seed)
    k1, k2 = jax.random.split(key)
    x = jax.random.randint(k1, (4096, 200), 0, N_TOKEN, dtype=jnp.int64)
    lut = jax.random.normal(k2, (N_TOKEN, D_MODEL), dtype=jnp.float32)
    return {"x": x, "lut": lut}

def reference(x, lut):
    # Embeddings.forward: self.lut(x) * sqrt(d_model)
    emb = jnp.take(lut, x, axis=0)
    return emb * math.sqrt(D_MODEL)

if __name__ == "__main__":
    import jax
    _d = setup_inputs()
    print(jax.jit(kernel)(*tuple(_d.values())))

</pallas_src>

<mosaic_0001>
#map = affine_map<(d0, d1) -> (0, 0)>
module attributes {stable_mosaic.version = 14 : i64} {
  func.func @trans_kernel(%arg0: i32, %arg1: i32, %arg2: memref<64x1000000xf32, #tpu.memory_space<hbm>>, %arg3: memref<500000x128xf32, #tpu.memory_space<hbm>>, %arg4: memref<64x256xf32, #tpu.memory_space<vmem>>, %arg5: memref<64x256xf32, #tpu.memory_space<vmem>>, %arg6: memref<64x256xf32, #tpu.memory_space<vmem>>, %arg7: memref<128x128xf32, #tpu.memory_space<vmem>>, %arg8: memref<128x128xf32, #tpu.memory_space<vmem>>, %arg9: memref<128x128xf32, #tpu.memory_space<vmem>>, %arg10: memref<!tpu.dma_semaphore, #tpu.memory_space<semaphore_mem>>, %arg11: memref<!tpu.dma_semaphore, #tpu.memory_space<semaphore_mem>>, %arg12: memref<!tpu.dma_semaphore, #tpu.memory_space<semaphore_mem>>, %arg13: memref<!tpu.dma_semaphore, #tpu.memory_space<semaphore_mem>>, %arg14: memref<!tpu.dma_semaphore, #tpu.memory_space<semaphore_mem>>, %arg15: memref<!tpu.dma_semaphore, #tpu.memory_space<semaphore_mem>>) attributes {dimension_semantics = [#tpu.dimension_semantics<core_parallel>, #tpu.dimension_semantics<subcore_parallel>], iteration_bounds = array<i64: 2, 16>, scalar_prefetch = 0 : i64, scratch_operands = 12 : i64, tpu.core_type = #tpu.core_type<sc_vector_subcore>, window_params = [{transform_indices = #map}, {transform_indices = #map}]} {
    %mul3A = arith.constant 2 : i32
    %mul3A_0 = arith.muli %arg1, %mul3A : i32
    %add3A = arith.addi %mul3A_0, %arg0 : i32
    %iota3A = tpu.iota {dimensions = array<i32: 0>} : vector<16xi32>
    %sub3A = arith.constant 3906 : i32
    %sub3A_1 = arith.subi %sub3A, %add3A : i32
    %add3A_2 = arith.constant 32 : i32
    %add3A_3 = arith.addi %sub3A_1, %add3A_2 : i32
    %sub3A_4 = arith.constant 1 : i32
    %sub3A_5 = arith.subi %add3A_3, %sub3A_4 : i32
    %jit3A = arith.constant 32 : i32
    %div3A = arith.divsi %sub3A_5, %jit3A : i32
    %sign3A = arith.constant 0 : i32
    %sign3A_6 = arith.cmpi sgt, %sub3A_5, %sign3A : i32
    %sign3A_7 = arith.extui %sign3A_6 : i1 to i32
    %sign3A_8 = arith.constant 0 : i32
    %sign3A_9 = arith.cmpi slt, %sub3A_5, %sign3A_8 : i32
    %sign3A_10 = arith.extui %sign3A_9 : i1 to i32
    %sign3A_11 = arith.subi %sign3A_7, %sign3A_10 : i32
    %sign3A_12 = arith.constant 0 : i32
    %sign3A_13 = arith.cmpi sgt, %jit3A, %sign3A_12 : i32
    %sign3A_14 = arith.extui %sign3A_13 : i1 to i32
    %sign3A_15 = arith.constant 0 : i32
    %sign3A_16 = arith.cmpi slt, %jit3A, %sign3A_15 : i32
    %sign3A_17 = arith.extui %sign3A_16 : i1 to i32
    %sign3A_18 = arith.subi %sign3A_14, %sign3A_17 : i32
    %ne3A = arith.cmpi ne, %sign3A_11, %sign3A_18 : i32
    %rem3A = arith.remsi %sub3A_5, %jit3A : i32
    %ne3A_19 = arith.constant 0 : i32
    %ne3A_20 = arith.cmpi ne, %rem3A, %ne3A_19 : i32
    %and3A = arith.andi %ne3A, %ne3A_20 : i1
    %sub3A_21 = arith.constant 1 : i32
    %sub3A_22 = arith.subi %div3A, %sub3A_21 : i32
    %select_n3A = arith.select %and3A, %sub3A_22, %div3A : i32
    %gt3A = arith.constant 0 : i32
    %gt3A_23 = arith.cmpi sgt, %select_n3A, %gt3A : i32
    %convert_element_type3A = arith.extui %gt3A_23 : i1 to i32
    %cond3A = arith.constant 0 : i32
    %cond3A_24 = arith.cmpi ne, %convert_element_type3A, %cond3A : i32
    scf.if %cond3A_24 {
      %mul3A_79 = arith.constant 256 : i32
      %mul3A_80 = arith.muli %add3A, %mul3A_79 : i32
      %multiple_of3A = tpu.assume_multiple %mul3A_80, 128 : i32
      %dma_start3A = arith.constant 0 : i32
      %dma_start3A_81 = arith.constant 0 : i32
      %dma_start3A_82 = tpu.memref_slice %arg4[%dma_start3A, %dma_start3A_81] : memref<64x256xf32, #tpu.memory_space<vmem>> -> memref<8x256xf32, #tpu.memory_space<vmem>>
      %dma_start3A_83 = arith.constant 0 : i32
      %dma_start3A_84 = tpu.memref_slice %arg2[%dma_start3A_83, %multiple_of3A] : memref<64x1000000xf32, #tpu.memory_space<hbm>> -> memref<8x256xf32, #tpu.memory_space<hbm>>
      %dma_start3A_85 = arith.constant 0 : i32
      %dma_start3A_86 = arith.constant 0 : i32
      %dma_start3A_87 = tpu.memref_slice %arg4[%dma_start3A_85, %dma_start3A_86] : memref<64x256xf32, #tpu.memory_space<vmem>> -> memref<8x256xf32, #tpu.memory_space<vmem>>
      %dma_start3A_88 = arith.constant 0 : i32
      %dma_start3A_89 = tpu.memref_slice %arg2[%dma_start3A_88, %multiple_of3A] : memref<64x1000000xf32, #tpu.memory_space<hbm>> -> memref<8x256xf32, #tpu.memory_space<hbm>>
      tpu.enqueue_dma source(%dma_start3A_89 : memref<8x256xf32, #tpu.memory_space<hbm>>) target(%dma_start3A_87 : memref<8x256xf32, #tpu.memory_space<vmem>>) target_semaphore(%arg10 : memref<!tpu.dma_semaphore, #tpu.memory_space<semaphore_mem>>)
      %dma_start3A_90 = arith.constant 8 : i32
      %dma_start3A_91 = arith.constant 0 : i32
      %dma_start3A_92 = tpu.memref_slice %arg4[%dma_start3A_90, %dma_start3A_91] : memref<64x256xf32, #tpu.memory_space<vmem>> -> memref<8x256xf32, #tpu.memory_space<vmem>>
      %dma_start3A_93 = arith.constant 8 : i32
      %dma_start3A_94 = tpu.memref_slice %arg2[%dma_start3A_93, %multiple_of3A] : memref<64x1000000xf32, #tpu.memory_space<hbm>> -> memref<8x256xf32, #tpu.memory_space<hbm>>
      %dma_start3A_95 = arith.constant 8 : i32
      %dma_start3A_96 = arith.constant 0 : i32
      %dma_start3A_97 = tpu.memref_slice %arg4[%dma_start3A_95, %dma_start3A_96] : memref<64x256xf32, #tpu.memory_space<vmem>> -> memref<8x256xf32, #tpu.memory_space<vmem>>
      %dma_start3A_98 = arith.constant 8 : i32
      %dma_start3A_99 = tpu.memref_slice %arg2[%dma_start3A_98, %multiple_of3A] : memref<64x1000000xf32, #tpu.memory_space<hbm>> -> memref<8x256xf32, #tpu.memory_space<hbm>>
      tpu.enqueue_dma source(%dma_start3A_99 : memref<8x256xf32, #tpu.memory_space<hbm>>) target(%dma_start3A_97 : memref<8x256xf32, #tpu.memory_space<vmem>>) target_semaphore(%arg10 : memref<!tpu.dma_semaphore, #tpu.memory_space<semaphore_mem>>)
      %dma_start3A_100 = arith.constant 16 : i32
      %dma_start3A_101 = arith.constant 0 : i32
      %dma_start3A_102 = tpu.memref_slice %arg4[%dma_start3A_100, %dma_start3A_101] : memref<64x256xf32, #tpu.memory_space<vmem>> -> memref<8x256xf32, #tpu.memory_space<vmem>>
      %dma_start3A_103 = arith.constant 16 : i32
      %dma_start3A_104 = tpu.memref_slice %arg2[%dma_start3A_103, %multiple_of3A] : memref<64x1000000xf32, #tpu.memory_space<hbm>> -> memref<8x256xf32, #tpu.memory_space<hbm>>
      %dma_start3A_105 = arith.constant 16 : i32
      %dma_start3A_106 = arith.constant 0 : i32
      %dma_start3A_107 = tpu.memref_slice %arg4[%dma_start3A_105, %dma_start3A_106] : memref<64x256xf32, #tpu.memory_space<vmem>> -> memref<8x256xf32, #tpu.memory_space<vmem>>
      %dma_start3A_108 = arith.constant 16 : i32
      %dma_start3A_109 = tpu.memref_slice %arg2[%dma_start3A_108, %multiple_of3A] : memref<64x1000000xf32, #tpu.memory_space<hbm>> -> memref<8x256xf32, #tpu.memory_space<hbm>>
      tpu.enqueue_dma source(%dma_start3A_109 : memref<8x256xf32, #tpu.memory_space<hbm>>) target(%dma_start3A_107 : memref<8x256xf32, #tpu.memory_space<vmem>>) target_semaphore(%arg10 : memref<!tpu.dma_semaphore, #tpu.memory_space<semaphore_mem>>)
      %dma_start3A_110 = arith.constant 24 : i32
      %dma_start3A_111 = arith.constant 0 : i32
      %dma_start3A_112 = tpu.memref_slice %arg4[%dma_start3A_110, %dma_start3A_111] : memref<64x256xf32, #tpu.memory_space<vmem>> -> memref<8x256xf32, #tpu.memory_space<vmem>>
      %dma_start3A_113 = arith.constant 24 : i32
      %dma_start3A_114 = tpu.memref_slice %arg2[%dma_start3A_113, %multiple_of3A] : memref<64x1000000xf32, #tpu.memory_space<hbm>> -> memref<8x256xf32, #tpu.memory_space<hbm>>
      %dma_start3A_115 = arith.constant 24 : i32
      %dma_start3A_116 = arith.constant 0 : i32
      %dma_start3A_117 = tpu.memref_slice %arg4[%dma_start3A_115, %dma_start3A_116] : memref<64x256xf32, #tpu.memory_space<vmem>> -> memref<8x256xf32, #tpu.memory_space<vmem>>
      %dma_start3A_118 = arith.constant 24 : i32
      %dma_start3A_119 = tpu.memref_slice %arg2[%dma_start3A_118, %multiple_of3A] : memref<64x1000000xf32, #tpu.memory_space<hbm>> -> memref<8x256xf32, #tpu.memory_space<hbm>>
      tpu.enqueue_dma source(%dma_start3A_119 : memref<8x256xf32, #tpu.memory_space<hbm>>) target(%dma_start3A_117 : memref<8x256xf32, #tpu.memory_space<vmem>>) target_semaphore(%arg10 : memref<!tpu.dma_semaphore, #tpu.memory_space<semaphore_mem>>)
      %dma_start3A_120 = arith.constant 32 : i32
      %dma_start3A_121 = arith.constant 0 : i32
      %dma_start3A_122 = tpu.memref_slice %arg4[%dma_start3A_120, %dma_start3A_121] : memref<64x256xf32, #tpu.memory_space<vmem>> -> memref<8x256xf32, #tpu.memory_space<vmem>>
      %dma_start3A_123 = arith.constant 32 : i32
      %dma_start3A_124 = tpu.memref_slice %arg2[%dma_start3A_123, %multiple_of3A] : memref<64x1000000xf32, #tpu.memory_space<hbm>> -> memref<8x256xf32, #tpu.memory_space<hbm>>
      %dma_start3A_125 = arith.constant 32 : i32
      %dma_start3A_126 = arith.constant 0 : i32
      %dma_start3A_127 = tpu.memref_slice %arg4[%dma_start3A_125, %dma_start3A_126] : memref<64x256xf32, #tpu.memory_space<vmem>> -> memref<8x256xf32, #tpu.memory_space<vmem>>
      %dma_start3A_128 = arith.constant 32 : i32
      %dma_start3A_129 = tpu.memref_slice %arg2[%dma_start3A_128, %multiple_of3A] : memref<64x1000000xf32, #tpu.memory_space<hbm>> -> memref<8x256xf32, #tpu.memory_space<hbm>>
      tpu.enqueue_dma source(%dma_start3A_129 : memref<8x256xf32, #tpu.memory_space<hbm>>) target(%dma_start3A_127 : memref<8x256xf32, #tpu.memory_space<vmem>>) target_semaphore(%arg10 : memref<!tpu.dma_semaphore, #tpu.memory_space<semaphore_mem>>)
      %dma_start3A_130 = arith.constant 40 : i32
      %dma_start3A_131 = arith.constant 0 : i32
      %dma_start3A_132 = tpu.memref_slice %arg4[%dma_start3A_130, %dma_start3A_131] : memref<64x256xf32, #tpu.memory_space<vmem>> -> memref<8x256xf32, #tpu.memory_space<vmem>>
      %dma_start3A_133 = arith.constant 40 : i32
      %dma_start3A_134 = tpu.memref_slice %arg2[%dma_start3A_133, %multiple_of3A] : memref<64x1000000xf32, #tpu.memory_space<hbm>> -> memref<8x256xf32, #tpu.memory_space<hbm>>
      %dma_start3A_135 = arith.constant 40 : i32
      %dma_start3A_136 = arith.constant 0 : i32
      %dma_start3A_137 = tpu.memref_slice %arg4[%dma_start3A_135, %dma_start3A_136] : memref<64x256xf32, #tpu.memory_space<vmem>> -> memref<8x256xf32, #tpu.memory_space<vmem>>
      %dma_start3A_138 = arith.constant 40 : i32
      %dma_start3A_139 = tpu.memref_slice %arg2[%dma_start3A_138, %multiple_of3A] : memref<64x1000000xf32, #tpu.memory_space<hbm>> -> memref<8x256xf32, #tpu.memory_space<hbm>>
      tpu.enqueue_dma source(%dma_start3A_139 : memref<8x256xf32, #tpu.memory_space<hbm>>) target(%dma_start3A_137 : memref<8x256xf32, #tpu.memory_space<vmem>>) target_semaphore(%arg10 : memref<!tpu.dma_semaphore, #tpu.memory_space<semaphore_mem>>)
      %dma_start3A_140 = arith.constant 48 : i32
      %dma_start3A_141 = arith.constant 0 : i32
      %dma_start3A_142 = tpu.memref_slice %arg4[%dma_start3A_140, %dma_start3A_141] : memref<64x256xf32, #tpu.memory_space<vmem>> -> memref<8x256xf32, #tpu.memory_space<vmem>>
      %dma_start3A_143 = arith.constant 48 : i32
      %dma_start3A_144 = tpu.memref_slice %arg2[%dma_start3A_143, %multiple_of3A] : memref<64x1000000xf32, #tpu.memory_space<hbm>> -> memref<8x256xf32, #tpu.memory_space<hbm>>
      %dma_start3A_145 = arith.constant 48 : i32
      %dma_start3A_146 = arith.constant 0 : i32
      %dma_start3A_147 = tpu.memref_slice %arg4[%dma_start3A_145, %dma_start3A_146] : memref<64x256xf32, #tpu.memory_space<vmem>> -> memref<8x256xf32, #tpu.memory_space<vmem>>
      %dma_start3A_148 = arith.constant 48 : i32
      %dma_start3A_149 = tpu.memref_slice %arg2[%dma_start3A_148, %multiple_of3A] : memref<64x1000000xf32, #tpu.memory_space<hbm>> -> memref<8x256xf32, #tpu.memory_space<hbm>>
      tpu.enqueue_dma source(%dma_start3A_149 : memref<8x256xf32, #tpu.memory_space<hbm>>) target(%dma_start3A_147 : memref<8x256xf32, #tpu.memory_space<vmem>>) target_semaphore(%arg10 : memref<!tpu.dma_semaphore, #tpu.memory_space<semaphore_mem>>)
      %dma_start3A_150 = arith.constant 56 : i32
      %dma_start3A_151 = arith.constant 0 : i32
      %dma_start3A_152 = tpu.memref_slice %arg4[%dma_start3A_150, %dma_start3A_151] : memref<64x256xf32, #tpu.memory_space<vmem>> -> memref<8x256xf32, #tpu.memory_space<vmem>>
      %dma_start3A_153 = arith.constant 56 : i32
      %dma_start3A_154 = tpu.memref_slice %arg2[%dma_start3A_153, %multiple_of3A] : memref<64x1000000xf32, #tpu.memory_space<hbm>> -> memref<8x256xf32, #tpu.memory_space<hbm>>
      %dma_start3A_155 = arith.constant 56 : i32
      %dma_start3A_156 = arith.constant 0 : i32
      %dma_start3A_157 = tpu.memref_slice %arg4[%dma_start3A_155, %dma_start3A_156] : memref<64x256xf32, #tpu.memory_space<vmem>> -> memref<8x256xf32, #tpu.memory_space<vmem>>
      %dma_start3A_158 = arith.constant 56 : i32
      %dma_start3A_159 = tpu.memref_slice %arg2[%dma_start3A_158, %multiple_of3A] : memref<64x1000000xf32, #tpu.memory_space<hbm>> -> memref<8x256xf32, #tpu.memory_space<hbm>>
      tpu.enqueue_dma source(%dma_start3A_159 : memref<8x256xf32, #tpu.memory_space<hbm>>) target(%dma_start3A_157 : memref<8x256xf32, #tpu.memory_space<vmem>>) target_semaphore(%arg10 : memref<!tpu.dma_semaphore, #tpu.memory_space<semaphore_mem>>)
    } else {
    }
    %add3A_25 = arith.constant 2 : i32
    %add3A_26 = arith.addi %select_n3A, %add3A_25 : i32
    %jit3A_27 = arith.constant 3 : i32
    %div3A_28 = arith.divsi %add3A_26, %jit3A_27 : i32
    %sign3A_29 = arith.constant 0 : i32
    %sign3A_30 = arith.cmpi sgt, %add3A_26, %sign3A_29 : i32
    %sign3A_31 = arith.extui %sign3A_30 : i1 to i32
    %sign3A_32 = arith.constant 0 : i32
    %sign3A_33 = arith.cmpi slt, %add3A_26, %sign3A_32 : i32
    %sign3A_34 = arith.extui %sign3A_33 : i1 to i32
    %sign3A_35 = arith.subi %sign3A_31, %sign3A_34 : i32
    %sign3A_36 = arith.constant 0 : i32
    %sign3A_37 = arith.cmpi sgt, %jit3A_27, %sign3A_36 : i32
    %sign3A_38 = arith.extui %sign3A_37 : i1 to i32
    %sign3A_39 = arith.constant 0 : i32
    %sign3A_40 = arith.cmpi slt, %jit3A_27, %sign3A_39 : i32
    %sign3A_41 = arith.extui %sign3A_40 : i1 to i32
    %sign3A_42 = arith.subi %sign3A_38, %sign3A_41 : i32
    %ne3A_43 = arith.cmpi ne, %sign3A_35, %sign3A_42 : i32
    %rem3A_44 = arith.remsi %add3A_26, %jit3A_27 : i32
    %ne3A_45 = arith.constant 0 : i32
    %ne3A_46 = arith.cmpi ne, %rem3A_44, %ne3A_45 : i32
    %and3A_47 = arith.andi %ne3A_43, %ne3A_46 : i1
    %sub3A_48 = arith.constant 1 : i32
    %sub3A_49 = arith.subi %div3A_28, %sub3A_48 : i32
    %select_n3A_50 = arith.select %and3A_47, %sub3A_49, %div3A_28 : i32
    %while3A = arith.constant 0 : i32
    %while3A_51 = arith.constant 0 : i32
    %while3A_52 = arith.subi %select_n3A_50, %while3A_51 : i32
    %while3A_53 = arith.addi %while3A_51, %while3A_52 : i32
    %while3A_54 = arith.constant 1 : i32
    %while3A_55 = arith.divsi %while3A_52, %while3A_54 : i32
    %while3A_56 = arith.muli %while3A_55, %while3A_54 : i32
    %while3A_57 = arith.addi %while3A_51, %while3A_56 : i32
    %while3A_58 = arith.constant 1 : i32
    scf.for %while3A_79 = %while3A_51 to %while3A_57 step %while3A_58  : i32 {
      %mul3A_80 = arith.constant 3 : i32
      %mul3A_81 = arith.muli %while3A_79, %mul3A_80 : i32
      %add3A_82 = arith.constant 0 : i32
      %add3A_83 = arith.addi %mul3A_81, %add3A_82 : i32
      %lt3A = arith.cmpi slt, %add3A_83, %select_n3A : i32
      %convert_element_type3A_84 = arith.extui %lt3A : i1 to i32
      %cond3A_85 = arith.constant 0 : i32
      %cond3A_86 = arith.cmpi ne, %convert_element_type3A_84, %cond3A_85 : i32
      scf.if %cond3A_86 {
        %mul3A_103 = arith.constant 32 : i32
        %mul3A_104 = arith.muli %add3A_83, %mul3A_103 : i32
        %add3A_105 = arith.addi %add3A, %mul3A_104 : i32
        %gt3A_106 = arith.constant 2 : i32
        %gt3A_107 = arith.cmpi sgt, %add3A_83, %gt3A_106 : i32
        %convert_element_type3A_108 = arith.extui %gt3A_107 : i1 to i32
        %cond3A_109 = arith.constant 0 : i32
        %cond3A_110 = arith.cmpi ne, %convert_element_type3A_108, %cond3A_109 : i32
        scf.if %cond3A_110 {
          %dma_wait3A_141 = arith.constant 0 : i32
          %dma_wait3A_142 = arith.constant 0 : i32
          %dma_wait3A_143 = tpu.memref_slice %arg7[%dma_wait3A_141, %dma_wait3A_142] : memref<128x128xf32, #tpu.memory_space<vmem>> -> memref<128x128xf32, #tpu.memory_space<vmem>>
          %dma_wait3A_144 = arith.constant 0 : i32
          %dma_wait3A_145 = arith.constant 0 : i32
          %dma_wait3A_146 = tpu.memref_slice %arg3[%dma_wait3A_144, %dma_wait3A_145] : memref<500000x128xf32, #tpu.memory_space<hbm>> -> memref<128x128xf32, #tpu.memory_space<hbm>>
          %dma_wait3A_147 = arith.constant 0 : i32
          %dma_wait3A_148 = arith.constant 0 : i32
          %dma_wait3A_149 = tpu.memref_slice %arg7[%dma_wait3A_147, %dma_wait3A_148] : memref<128x128xf32, #tpu.memory_space<vmem>> -> memref<128x128xf32, #tpu.memory_space<vmem>>
          %dma_wait3A_150 = arith.constant 0 : i32
          %dma_wait3A_151 = arith.constant 0 : i32
          %dma_wait3A_152 = tpu.memref_slice %arg3[%dma_wait3A_150, %dma_wait3A_151] : memref<500000x128xf32, #tpu.memory_space<hbm>> -> memref<128x128xf32, #tpu.memory_space<hbm>>
          tpu.wait_dma2 semaphore(%arg13 : memref<!tpu.dma_semaphore, #tpu.memory_space<semaphore_mem>>) src(%dma_wait3A_152 : memref<128x128xf32, #tpu.memory_space<hbm>>) dst(%dma_wait3A_149 : memref<128x128xf32, #tpu.memory_space<vmem>>)
        } else {
        }
        %dma_wait3A = arith.constant 0 : i32
        %dma_wait3A_111 = arith.constant 0 : i32
        %dma_wait3A_112 = tpu.memref_slice %arg4[%dma_wait3A, %dma_wait3A_111] : memref<64x256xf32, #tpu.memory_space<vmem>> -> memref<64x256xf32, #tpu.memory_space<vmem>>
        %dma_wait3A_113 = arith.constant 0 : i32
        %dma_wait3A_114 = arith.constant 0 : i32
        %dma_wait3A_115 = tpu.memref_slice %arg3[%dma_wait3A_113, %dma_wait3A_114] : memref<500000x128xf32, #tpu.memory_space<hbm>> -> memref<32x128xf32, #tpu.memory_space<hbm>>
        %dma_wait3A_116 = arith.constant 0 : i32
        %dma_wait3A_117 = arith.constant 0 : i32
        %dma_wait3A_118 = tpu.memref_slice %arg4[%dma_wait3A_116, %dma_wait3A_117] : memref<64x256xf32, #tpu.memory_space<vmem>> -> memref<64x256xf32, #tpu.memory_space<vmem>>
        %dma_wait3A_119 = arith.constant 0 : i32
        %dma_wait3A_120 = arith.constant 0 : i32
        %dma_wait3A_121 = tpu.memref_slice %arg3[%dma_wait3A_119, %dma_wait3A_120] : memref<500000x128xf32, #tpu.memory_space<hbm>> -> memref<32x128xf32, #tpu.memory_space<hbm>>
        tpu.wait_dma2 semaphore(%arg10 : memref<!tpu.dma_semaphore, #tpu.memory_space<semaphore_mem>>) src(%dma_wait3A_121 : memref<32x128xf32, #tpu.memory_space<hbm>>) dst(%dma_wait3A_118 : memref<64x256xf32, #tpu.memory_space<vmem>>)
        %parallel_loop3A = arith.constant 0 : i32
        %parallel_loop3A_122 = arith.constant 256 : i32
        %parallel_loop3A_123 = arith.constant 1 : i32
        scf.for %parallel_loop3A_141 = %parallel_loop3A to %parallel_loop3A_122 step %parallel_loop3A_123  : i32 {
          %parallel_loop3A_142 = arith.constant 4 : i32
          %parallel_loop3A_143 = arith.shrui %parallel_loop3A_141, %parallel_loop3A_142 : i32
          %parallel_loop3A_144 = arith.constant 15 : i32
          %parallel_loop3A_145 = arith.andi %parallel_loop3A_141, %parallel_loop3A_144 : i32
          %parallel_loop3A_146 = arith.constant 16 : i32
          %parallel_loop3A_147 = arith.muli %parallel_loop3A_143, %parallel_loop3A_146 : i32
          %parallel_loop3A_148 = vector.broadcast %parallel_loop3A_147 : i32 to vector<16xi32>
          %parallel_loop3A_149 = arith.addi %parallel_loop3A_148, %iota3A : vector<16xi32>
          %parallel_loop3A_150 = vector.broadcast %parallel_loop3A_145 : i32 to vector<16xi32>
          %parallel_loop3A_151 = arith.addi %iota3A, %parallel_loop3A_150 : vector<16xi32>
          %parallel_loop3A_152 = arith.constant 15 : i32
          %parallel_loop3A_153 = vector.broadcast %parallel_loop3A_152 : i32 to vector<16xi32>
          %parallel_loop3A_154 = arith.andi %parallel_loop3A_151, %parallel_loop3A_153 : vector<16xi32>
          %parallel_loop3A_155 = arith.constant 1 : i32
          %parallel_loop3A_156 = vector.broadcast %parallel_loop3A_155 : i32 to vector<16xi32>
          %parallel_loop3A_157 = arith.shrui %parallel_loop3A_149, %parallel_loop3A_156 : vector<16xi32>
          %parallel_loop3A_158 = arith.constant 1 : i32
          %parallel_loop3A_159 = vector.broadcast %parallel_loop3A_158 : i32 to vector<16xi32>
          %parallel_loop3A_160 = arith.andi %parallel_loop3A_149, %parallel_loop3A_159 : vector<16xi32>
          %parallel_loop3A_161 = arith.constant 64 : i32
          %parallel_loop3A_162 = vector.broadcast %parallel_loop3A_161 : i32 to vector<16xi32>
          %parallel_loop3A_163 = arith.muli %parallel_loop3A_160, %parallel_loop3A_162 : vector<16xi32>
          %parallel_loop3A_164 = arith.constant 0 : i32
          %parallel_loop3A_165 = vector.broadcast %parallel_loop3A_164 : i32 to vector<16xi32>
          %parallel_loop3A_166 = arith.addi %parallel_loop3A_165, %parallel_loop3A_154 : vector<16xi32>
          %parallel_loop3A_167 = tpu.vector_load_idx %arg4[%parallel_loop3A_166, %parallel_loop3A_149] : memref<64x256xf32, #tpu.memory_space<vmem>>[vector<16xi32>, vector<16xi32>], vector<16xf32>,
          %parallel_loop3A_168 = arith.addi %parallel_loop3A_163, %parallel_loop3A_166 : vector<16xi32>
          tpu.vector_store_idx %arg7[%parallel_loop3A_157, %parallel_loop3A_168], %parallel_loop3A_167 : memref<128x128xf32, #tpu.memory_space<vmem>>[vector<16xi32>, vector<16xi32>], vector<16xf32>,
          %parallel_loop3A_169 = arith.constant 16 : i32
          %parallel_loop3A_170 = vector.broadcast %parallel_loop3A_169 : i32 to vector<16xi32>
          %parallel_loop3A_171 = arith.addi %parallel_loop3A_170, %parallel_loop3A_154 : vector<16xi32>
          %parallel_loop3A_172 = tpu.vector_load_idx %arg4[%parallel_loop3A_171, %parallel_loop3A_149] : memref<64x256xf32, #tpu.memory_space<vmem>>[vector<16xi32>, vector<16xi32>], vector<16xf32>,
          %parallel_loop3A_173 = arith.addi %parallel_loop3A_163, %parallel_loop3A_171 : vector<16xi32>
          tpu.vector_store_idx %arg7[%parallel_loop3A_157, %parallel_loop3A_173], %parallel_loop3A_172 : memref<128x128xf32, #tpu.memory_space<vmem>>[vector<16xi32>, vector<16xi32>], vector<16xf32>,
          %parallel_loop3A_174 = arith.constant 32 : i32
          %parallel_loop3A_175 = vector.broadcast %parallel_loop3A_174 : i32 to vector<16xi32>
          %parallel_loop3A_176 = arith.addi %parallel_loop3A_175, %parallel_loop3A_154 : vector<16xi32>
          %parallel_loop3A_177 = tpu.vector_load_idx %arg4[%parallel_loop3A_176, %parallel_loop3A_149] : memref<64x256xf32, #tpu.memory_space<vmem>>[vector<16xi32>, vector<16xi32>], vector<16xf32>,
          %parallel_loop3A_178 = arith.addi %parallel_loop3A_163, %parallel_loop3A_176 : vector<16xi32>
          tpu.vector_store_idx %arg7[%parallel_loop3A_157, %parallel_loop3A_178], %parallel_loop3A_177 : memref<128x128xf32, #tpu.memory_space<vmem>>[vector<16xi32>, vector<16xi32>], vector<16xf32>,
          %parallel_loop3A_179 = arith.constant 48 : i32
          %parallel_loop3A_180 = vector.broadcast %parallel_loop3A_179 : i32 to vector<16xi32>
          %parallel_loop3A_181 = arith.addi %parallel_loop3A_180, %parallel_loop3A_154 : vector<16xi32>
          %parallel_loop3A_182 = tpu.vector_load_idx %arg4[%parallel_loop3A_181, %parallel_loop3A_149] : memref<64x256xf32, #tpu.memory_space<vmem>>[vector<16xi32>, vector<16xi32>], vector<16xf32>,
          %parallel_loop3A_183 = arith.addi %parallel_loop3A_163, %parallel_loop3A_181 : vector<16xi32>
          tpu.vector_store_idx %arg7[%parallel_loop3A_157, %parallel_loop3A_183], %parallel_loop3A_182 : memref<128x128xf32, #tpu.memory_space<vmem>>[vector<16xi32>, vector<16xi32>], vector<16xf32>,
        } {sc.loop_unroll_factor = 4 : i64, sc.parallel_access}
        %mul3A_124 = arith.constant 128 : i32
        %mul3A_125 = arith.muli %add3A_105, %mul3A_124 : i32
        %dma_start3A = arith.constant 0 : i32
        %dma_start3A_126 = arith.constant 0 : i32
        %dma_start3A_127 = tpu.memref_slice %arg7[%dma_start3A, %dma_start3A_126] : memref<128x128xf32, #tpu.memory_space<vmem>> -> memref<128x128xf32, #tpu.memory_space<vmem>>
        %dma_start3A_128 = arith.constant 0 : i32
        %dma_start3A_129 = tpu.memref_slice %arg3[%mul3A_125, %dma_start3A_128] : memref<500000x128xf32, #tpu.memory_space<hbm>> -> memref<128x128xf32, #tpu.memory_space<hbm>>
        %dma_start3A_130 = arith.constant 0 : i32
        %dma_start3A_131 = tpu.memref_slice %arg3[%mul3A_125, %dma_start3A_130] : memref<500000x128xf32, #tpu.memory_space<hbm>> -> memref<128x128xf32, #tpu.memory_space<hbm>>
        %dma_start3A_132 = arith.constant 0 : i32
        %dma_start3A_133 = arith.constant 0 : i32
        %dma_start3A_134 = tpu.memref_slice %arg7[%dma_start3A_132, %dma_start3A_133] : memref<128x128xf32, #tpu.memory_space<vmem>> -> memref<128x128xf32, #tpu.memory_space<vmem>>
        tpu.enqueue_dma source(%dma_start3A_134 : memref<128x128xf32, #tpu.memory_space<vmem>>) target(%dma_start3A_131 : memref<128x128xf32, #tpu.memory_space<hbm>>) target_semaphore(%arg13 : memref<!tpu.dma_semaphore, #tpu.memory_space<semaphore_mem>>)
        %add3A_135 = arith.constant 1 : i32
        %add3A_136 = arith.addi %add3A_83, %add3A_135 : i32
        %lt3A_137 = arith.cmpi slt, %add3A_136, %select_n3A : i32
        %convert_element_type3A_138 = arith.extui %lt3A_137 : i1 to i32
        %cond3A_139 = arith.constant 0 : i32
        %cond3A_140 = arith.cmpi ne, %convert_element_type3A_138, %cond3A_139 : i32
        scf.if %cond3A_140 {
          %add3A_141 = arith.constant 32 : i32
          %add3A_142 = arith.addi %add3A_105, %add3A_141 : i32
          %mul3A_143 = arith.constant 256 : i32
          %mul3A_144 = arith.muli %add3A_142, %mul3A_143 : i32
          %multiple_of3A = tpu.assume_multiple %mul3A_144, 128 : i32
          %dma_start3A_145 = arith.constant 0 : i32
          %dma_start3A_146 = arith.constant 0 : i32
          %dma_start3A_147 = tpu.memref_slice %arg5[%dma_start3A_145, %dma_start3A_146] : memref<64x256xf32, #tpu.memory_space<vmem>> -> memref<8x256xf32, #tpu.memory_space<vmem>>
          %dma_start3A_148 = arith.constant 0 : i32
          %dma_start3A_149 = tpu.memref_slice %arg2[%dma_start3A_148, %multiple_of3A] : memref<64x1000000xf32, #tpu.memory_space<hbm>> -> memref<8x256xf32, #tpu.memory_space<hbm>>
          %dma_start3A_150 = arith.constant 0 : i32
          %dma_start3A_151 = arith.constant 0 : i32
          %dma_start3A_152 = tpu.memref_slice %arg5[%dma_start3A_150, %dma_start3A_151] : memref<64x256xf32, #tpu.memory_space<vmem>> -> memref<8x256xf32, #tpu.memory_space<vmem>>
          %dma_start3A_153 = arith.constant 0 : i32
          %dma_start3A_154 = tpu.memref_slice %arg2[%dma_start3A_153, %multiple_of3A] : memref<64x1000000xf32, #tpu.memory_space<hbm>> -> memref<8x256xf32, #tpu.memory_space<hbm>>
          tpu.enqueue_dma source(%dma_start3A_154 : memref<8x256xf32, #tpu.memory_space<hbm>>) target(%dma_start3A_152 : memref<8x256xf32, #tpu.memory_space<vmem>>) target_semaphore(%arg11 : memref<!tpu.dma_semaphore, #tpu.memory_space<semaphore_mem>>)
          %dma_start3A_155 = arith.constant 8 : i32
          %dma_start3A_156 = arith.constant 0 : i32
          %dma_start3A_157 = tpu.memref_slice %arg5[%dma_start3A_155, %dma_start3A_156] : memref<64x256xf32, #tpu.memory_space<vmem>> -> memref<8x256xf32, #tpu.memory_space<vmem>>
          %dma_start3A_158 = arith.constant 8 : i32
          %dma_start3A_159 = tpu.memref_slice %arg2[%dma_start3A_158, %multiple_of3A] : memref<64x1000000xf32, #tpu.memory_space<hbm>> -> memref<8x256xf32, #tpu.memory_space<hbm>>
          %dma_start3A_160 = arith.constant 8 : i32
          %dma_start3A_161 = arith.constant 0 : i32
          %dma_start3A_162 = tpu.memref_slice %arg5[%dma_start3A_160, %dma_start3A_161] : memref<64x256xf32, #tpu.memory_space<vmem>> -> memref<8x256xf32, #tpu.memory_space<vmem>>
          %dma_start3A_163 = arith.constant 8 : i32
          %dma_start3A_164 = tpu.memref_slice %arg2[%dma_start3A_163, %multiple_of3A] : memref<64x1000000xf32, #tpu.memory_space<hbm>> -> memref<8x256xf32, #tpu.memory_space<hbm>>
          tpu.enqueue_dma source(%dma_start3A_164 : memref<8x256xf32, #tpu.memory_space<hbm>>) target(%dma_start3A_162 : memref<8x256xf32, #tpu.memory_space<vmem>>) target_semaphore(%arg11 : memref<!tpu.dma_semaphore, #tpu.memory_space<semaphore_mem>>)
          %dma_start3A_165 = arith.constant 16 : i32
          %dma_start3A_166 = arith.constant 0 : i32
          %dma_start3A_167 = tpu.memref_slice %arg5[%dma_start3A_165, %dma_start3A_166] : memref<64x256xf32, #tpu.memory_space<vmem>> -> memref<8x256xf32, #tpu.memory_space<vmem>>
          %dma_start3A_168 = arith.constant 16 : i32
          %dma_start3A_169 = tpu.memref_slice %arg2[%dma_start3A_168, %multiple_of3A] : memref<64x1000000xf32, #tpu.memory_space<hbm>> -> memref<8x256xf32, #tpu.memory_space<hbm>>
          %dma_start3A_170 = arith.constant 16 : i32
          %dma_start3A_171 = arith.constant 0 : i32
          %dma_start3A_172 = tpu.memref_slice %arg5[%dma_start3A_170, %dma_start3A_171] : memref<64x256xf32, #tpu.memory_space<vmem>> -> memref<8x256xf32, #tpu.memory_space<vmem>>
          %dma_start3A_173 = arith.constant 16 : i32
          %dma_start3A_174 = tpu.memref_slice %arg2[%dma_start3A_173, %multiple_of3A] : memref<64x1000000xf32, #tpu.memory_space<hbm>> -> memref<8x256xf32, #tpu.memory_space<hbm>>
          tpu.enqueue_dma source(%dma_start3A_174 : memref<8x256xf32, #tpu.memory_space<hbm>>) target(%dma_start3A_172 : memref<8x256xf32, #tpu.memory_space<vmem>>) target_semaphore(%arg11 : memref<!tpu.dma_semaphore, #tpu.memory_space<semaphore_mem>>)
          %dma_start3A_175 = arith.constant 24 : i32
          %dma_start3A_176 = arith.constant 0 : i32
          %dma_start3A_177 = tpu.memref_slice %arg5[%dma_start3A_175, %dma_start3A_176] : memref<64x256xf32, #tpu.memory_space<vmem>> -> memref<8x256xf32, #tpu.memory_space<vmem>>
          %dma_start3A_178 = arith.constant 24 : i32
          %dma_start3A_179 = tpu.memref_slice %arg2[%dma_start3A_178, %multiple_of3A] : memref<64x1000000xf32, #tpu.memory_space<hbm>> -> memref<8x256xf32, #tpu.memory_space<hbm>>
          %dma_start3A_180 = arith.constant 24 : i32
          %dma_start3A_181 = arith.constant 0 : i32
          %dma_start3A_182 = tpu.memref_slice %arg5[%dma_start3A_180, %dma_start3A_181] : memref<64x256xf32, #tpu.memory_space<vmem>> -> memref<8x256xf32, #tpu.memory_space<vmem>>
          %dma_start3A_183 = arith.constant 24 : i32
          %dma_start3A_184 = tpu.memref_slice %arg2[%dma_start3A_183, %multiple_of3A] : memref<64x1000000xf32, #tpu.memory_space<hbm>> -> memref<8x256xf32, #tpu.memory_space<hbm>>
          tpu.enqueue_dma source(%dma_start3A_184 : memref<8x256xf32, #tpu.memory_space<hbm>>) target(%dma_start3A_182 : memref<8x256xf32, #tpu.memory_space<vmem>>) target_semaphore(%arg11 : memref<!tpu.dma_semaphore, #tpu.memory_space<semaphore_mem>>)
          %dma_start3A_185 = arith.constant 32 : i32
          %dma_start3A_186 = arith.constant 0 : i32
          %dma_start3A_187 = tpu.memref_slice %arg5[%dma_start3A_185, %dma_start3A_186] : memref<64x256xf32, #tpu.memory_space<vmem>> -> memref<8x256xf32, #tpu.memory_space<vmem>>
          %dma_start3A_188 = arith.constant 32 : i32
          %dma_start3A_189 = tpu.memref_slice %arg2[%dma_start3A_188, %multiple_of3A] : memref<64x1000000xf32, #tpu.memory_space<hbm>> -> memref<8x256xf32, #tpu.memory_space<hbm>>
          %dma_start3A_190 = arith.constant 32 : i32
          %dma_start3A_191 = arith.constant 0 : i32
          %dma_start3A_192 = tpu.memref_slice %arg5[%dma_start3A_190, %dma_start3A_191] : memref<64x256xf32, #tpu.memory_space<vmem>> -> memref<8x256xf32, #tpu.memory_space<vmem>>
          %dma_start3A_193 = arith.constant 32 : i32
          %dma_start3A_194 = tpu.memref_slice %arg2[%dma_start3A_193, %multiple_of3A] : memref<64x1000000xf32, #tpu.memory_space<hbm>> -> memref<8x256xf32, #tpu.memory_space<hbm>>
          tpu.enqueue_dma source(%dma_start3A_194 : memref<8x256xf32, #tpu.memory_space<hbm>>) target(%dma_start3A_192 : memref<8x256xf32, #tpu.memory_space<vmem>>) target_semaphore(%arg11 : memref<!tpu.dma_semaphore, #tpu.memory_space<semaphore_mem>>)
          %dma_start3A_195 = arith.constant 40 : i32
          %dma_start3A_196 = arith.constant 0 : i32
          %dma_start3A_197 = tpu.memref_slice %arg5[%dma_start3A_195, %dma_start3A_196] : memref<64x256xf32, #tpu.memory_space<vmem>> -> memref<8x256xf32, #tpu.memory_space<vmem>>
          %dma_start3A_198 = arith.constant 40 : i32
          %dma_start3A_199 = tpu.memref_slice %arg2[%dma_start3A_198, %multiple_of3A] : memref<64x1000000xf32, #tpu.memory_space<hbm>> -> memref<8x256xf32, #tpu.memory_space<hbm>>
          %dma_start3A_200 = arith.constant 40 : i32
          %dma_start3A_201 = arith.constant 0 : i32
          %dma_start3A_202 = tpu.memref_slice %arg5[%dma_start3A_200, %dma_start3A_201] : memref<64x256xf32, #tpu.memory_space<vmem>> -> memref<8x256xf32, #tpu.memory_space<vmem>>
          %dma_start3A_203 = arith.constant 40 : i32
          %dma_start3A_204 = tpu.memref_slice %arg2[%dma_start3A_203, %multiple_of3A] : memref<64x1000000xf32, #tpu.memory_space<hbm>> -> memref<8x256xf32, #tpu.memory_space<hbm>>
          tpu.enqueue_dma source(%dma_start3A_204 : memref<8x256xf32, #tpu.memory_space<hbm>>) target(%dma_start3A_202 : memref<8x256xf32, #tpu.memory_space<vmem>>) target_semaphore(%arg11 : memref<!tpu.dma_semaphore, #tpu.memory_space<semaphore_mem>>)
          %dma_start3A_205 = arith.constant 48 : i32
          %dma_start3A_206 = arith.constant 0 : i32
          %dma_start3A_207 = tpu.memref_slice %arg5[%dma_start3A_205, %dma_start3A_206] : memref<64x256xf32, #tpu.memory_space<vmem>> -> memref<8x256xf32, #tpu.memory_space<vmem>>
          %dma_start3A_208 = arith.constant 48 : i32
          %dma_start3A_209 = tpu.memref_slice %arg2[%dma_start3A_208, %multiple_of3A] : memref<64x1000000xf32, #tpu.memory_space<hbm>> -> memref<8x256xf32, #tpu.memory_space<hbm>>
          %dma_start3A_210 = arith.constant 48 : i32
          %dma_start3A_211 = arith.constant 0 : i32
          %dma_start3A_212 = tpu.memref_slice %arg5[%dma_start3A_210, %dma_start3A_211] : memref<64x256xf32, #tpu.memory_space<vmem>> -> memref<8x256xf32, #tpu.memory_space<vmem>>
          %dma_start3A_213 = arith.constant 48 : i32
          %dma_start3A_214 = tpu.memref_slice %arg2[%dma_start3A_213, %multiple_of3A] : memref<64x1000000xf32, #tpu.memory_space<hbm>> -> memref<8x256xf32, #tpu.memory_space<hbm>>
          tpu.enqueue_dma source(%dma_start3A_214 : memref<8x256xf32, #tpu.memory_space<hbm>>) target(%dma_start3A_212 : memref<8x256xf32, #tpu.memory_space<vmem>>) target_semaphore(%arg11 : memref<!tpu.dma_semaphore, #tpu.memory_space<semaphore_mem>>)
          %dma_start3A_215 = arith.constant 56 : i32
          %dma_start3A_216 = arith.constant 0 : i32
          %dma_start3A_217 = tpu.memref_slice %arg5[%dma_start3A_215, %dma_start3A_216] : memref<64x256xf32, #tpu.memory_space<vmem>> -> memref<8x256xf32, #tpu.memory_space<vmem>>
          %dma_start3A_218 = arith.constant 56 : i32
          %dma_start3A_219 = tpu.memref_slice %arg2[%dma_start3A_218, %multiple_of3A] : memref<64x1000000xf32, #tpu.memory_space<hbm>> -> memref<8x256xf32, #tpu.memory_space<hbm>>
          %dma_start3A_220 = arith.constant 56 : i32
          %dma_start3A_221 = arith.constant 0 : i32
          %dma_start3A_222 = tpu.memref_slice %arg5[%dma_start3A_220, %dma_start3A_221] : memref<64x256xf32, #tpu.memory_space<vmem>> -> memref<8x256xf32, #tpu.memory_space<vmem>>
          %dma_start3A_223 = arith.constant 56 : i32
          %dma_start3A_224 = tpu.memref_slice %arg2[%dma_start3A_223, %multiple_of3A] : memref<64x1000000xf32, #tpu.memory_space<hbm>> -> memref<8x256xf32, #tpu.memory_space<hbm>>
          tpu.enqueue_dma source(%dma_start3A_224 : memref<8x256xf32, #tpu.memory_space<hbm>>) target(%dma_start3A_222 : memref<8x256xf32, #tpu.memory_space<vmem>>) target_semaphore(%arg11 : memref<!tpu.dma_semaphore, #tpu.memory_space<semaphore_mem>>)
        } else {
        }
      } else {
      }
      %mul3A_87 = arith.constant 3 : i32
      %mul3A_88 = arith.muli %while3A_79, %mul3A_87 : i32
      %add3A_89 = arith.constant 1 : i32
      %add3A_90 = arith.addi %mul3A_88, %add3A_89 : i32
      %lt3A_91 = arith.cmpi slt, %add3A_90, %select_n3A : i32
      %convert_element_type3A_92 = arith.extui %lt3A_91 : i1 to i32
      %cond3A_93 = arith.constant 0 : i32
      %cond3A_94 = arith.cmpi ne, %convert_element_type3A_92, %cond3A_93 : i32
      scf.if %cond3A_94 {
        %mul3A_103 = arith.constant 32 : i32
        %mul3A_104 = arith.muli %add3A_90, %mul3A_103 : i32
        %add3A_105 = arith.addi %add3A, %mul3A_104 : i32
        %gt3A_106 = arith.constant 2 : i32
        %gt3A_107 = arith.cmpi sgt, %add3A_90, %gt3A_106 : i32
        %convert_element_type3A_108 = arith.extui %gt3A_107 : i1 to i32
        %cond3A_109 = arith.constant 0 : i32
        %cond3A_110 = arith.cmpi ne, %convert_element_type3A_108, %cond3A_109 : i32
        scf.if %cond3A_110 {
          %dma_wait3A_141 = arith.constant 0 : i32
          %dma_wait3A_142 = arith.constant 0 : i32
          %dma_wait3A_143 = tpu.memref_slice %arg8[%dma_wait3A_141, %dma_wait3A_142] : memref<128x128xf32, #tpu.memory_space<vmem>> -> memref<128x128xf32, #tpu.memory_space<vmem>>
          %dma_wait3A_144 = arith.constant 0 : i32
          %dma_wait3A_145 = arith.constant 0 : i32
          %dma_wait3A_146 = tpu.memref_slice %arg3[%dma_wait3A_144, %dma_wait3A_145] : memref<500000x128xf32, #tpu.memory_space<hbm>> -> memref<128x128xf32, #tpu.memory_space<hbm>>
          %dma_wait3A_147 = arith.constant 0 : i32
          %dma_wait3A_148 = arith.constant 0 : i32
          %dma_wait3A_149 = tpu.memref_slice %arg8[%dma_wait3A_147, %dma_wait3A_148] : memref<128x128xf32, #tpu.memory_space<vmem>> -> memref<128x128xf32, #tpu.memory_space<vmem>>
          %dma_wait3A_150 = arith.constant 0 : i32
          %dma_wait3A_151 = arith.constant 0 : i32
          %dma_wait3A_152 = tpu.memref_slice %arg3[%dma_wait3A_150, %dma_wait3A_151] : memref<500000x128xf32, #tpu.memory_space<hbm>> -> memref<128x128xf32, #tpu.memory_space<hbm>>
          tpu.wait_dma2 semaphore(%arg14 : memref<!tpu.dma_semaphore, #tpu.memory_space<semaphore_mem>>) src(%dma_wait3A_152 : memref<128x128xf32, #tpu.memory_space<hbm>>) dst(%dma_wait3A_149 : memref<128x128xf32, #tpu.memory_space<vmem>>)
        } else {
        }
        %dma_wait3A = arith.constant 0 : i32
        %dma_wait3A_111 = arith.constant 0 : i32
        %dma_wait3A_112 = tpu.memref_slice %arg5[%dma_wait3A, %dma_wait3A_111] : memref<64x256xf32, #tpu.memory_space<vmem>> -> memref<64x256xf32, #tpu.memory_space<vmem>>
        %dma_wait3A_113 = arith.constant 0 : i32
        %dma_wait3A_114 = arith.constant 0 : i32
        %dma_wait3A_115 = tpu.memref_slice %arg3[%dma_wait3A_113, %dma_wait3A_114] : memref<500000x128xf32, #tpu.memory_space<hbm>> -> memref<32x128xf32, #tpu.memory_space<hbm>>
        %dma_wait3A_116 = arith.constant 0 : i32
        %dma_wait3A_117 = arith.constant 0 : i32
        %dma_wait3A_118 = tpu.memref_slice %arg5[%dma_wait3A_116, %dma_wait3A_117] : memref<64x256xf32, #tpu.memory_space<vmem>> -> memref<64x256xf32, #tpu.memory_space<vmem>>
        %dma_wait3A_119 = arith.constant 0 : i32
        %dma_wait3A_120 = arith.constant 0 : i32
        %dma_wait3A_121 = tpu.memref_slice %arg3[%dma_wait3A_119, %dma_wait3A_120] : memref<500000x128xf32, #tpu.memory_space<hbm>> -> memref<32x128xf32, #tpu.memory_space<hbm>>
        tpu.wait_dma2 semaphore(%arg11 : memref<!tpu.dma_semaphore, #tpu.memory_space<semaphore_mem>>) src(%dma_wait3A_121 : memref<32x128xf32, #tpu.memory_space<hbm>>) dst(%dma_wait3A_118 : memref<64x256xf32, #tpu.memory_space<vmem>>)
        %parallel_loop3A = arith.constant 0 : i32
        %parallel_loop3A_122 = arith.constant 256 : i32
        %parallel_loop3A_123 = arith.constant 1 : i32
        scf.for %parallel_loop3A_141 = %parallel_loop3A to %parallel_loop3A_122 step %parallel_loop3A_123  : i32 {
          %parallel_loop3A_142 = arith.constant 4 : i32
          %parallel_loop3A_143 = arith.shrui %parallel_loop3A_141, %parallel_loop3A_142 : i32
          %parallel_loop3A_144 = arith.constant 15 : i32
          %parallel_loop3A_145 = arith.andi %parallel_loop3A_141, %parallel_loop3A_144 : i32
          %parallel_loop3A_146 = arith.constant 16 : i32
          %parallel_loop3A_147 = arith.muli %parallel_loop3A_143, %parallel_loop3A_146 : i32
          %parallel_loop3A_148 = vector.broadcast %parallel_loop3A_147 : i32 to vector<16xi32>
          %parallel_loop3A_149 = arith.addi %parallel_loop3A_148, %iota3A : vector<16xi32>
          %parallel_loop3A_150 = vector.broadcast %parallel_loop3A_145 : i32 to vector<16xi32>
          %parallel_loop3A_151 = arith.addi %iota3A, %parallel_loop3A_150 : vector<16xi32>
          %parallel_loop3A_152 = arith.constant 15 : i32
          %parallel_loop3A_153 = vector.broadcast %parallel_loop3A_152 : i32 to vector<16xi32>
          %parallel_loop3A_154 = arith.andi %parallel_loop3A_151, %parallel_loop3A_153 : vector<16xi32>
          %parallel_loop3A_155 = arith.constant 1 : i32
          %parallel_loop3A_156 = vector.broadcast %parallel_loop3A_155 : i32 to vector<16xi32>
          %parallel_loop3A_157 = arith.shrui %parallel_loop3A_149, %parallel_loop3A_156 : vector<16xi32>
          %parallel_loop3A_158 = arith.constant 1 : i32
          %parallel_loop3A_159 = vector.broadcast %parallel_loop3A_158 : i32 to vector<16xi32>
          %parallel_loop3A_160 = arith.andi %parallel_loop3A_149, %parallel_loop3A_159 : vector<16xi32>
          %parallel_loop3A_161 = arith.constant 64 : i32
          %parallel_loop3A_162 = vector.broadcast %parallel_loop3A_161 : i32 to vector<16xi32>
          %parallel_loop3A_163 = arith.muli %parallel_loop3A_160, %parallel_loop3A_162 : vector<16xi32>
          %parallel_loop3A_164 = arith.constant 0 : i32
          %parallel_loop3A_165 = vector.broadcast %parallel_loop3A_164 : i32 to vector<16xi32>
          %parallel_loop3A_166 = arith.addi %parallel_loop3A_165, %parallel_loop3A_154 : vector<16xi32>
          %parallel_loop3A_167 = tpu.vector_load_idx %arg5[%parallel_loop3A_166, %parallel_loop3A_149] : memref<64x256xf32, #tpu.memory_space<vmem>>[vector<16xi32>, vector<16xi32>], vector<16xf32>,
          %parallel_loop3A_168 = arith.addi %parallel_loop3A_163, %parallel_loop3A_166 : vector<16xi32>
          tpu.vector_store_idx %arg8[%parallel_loop3A_157, %parallel_loop3A_168], %parallel_loop3A_167 : memref<128x128xf32, #tpu.memory_space<vmem>>[vector<16xi32>, vector<16xi32>], vector<16xf32>,
          %parallel_loop3A_169 = arith.constant 16 : i32
          %parallel_loop3A_170 = vector.broadcast %parallel_loop3A_169 : i32 to vector<16xi32>
          %parallel_loop3A_171 = arith.addi %parallel_loop3A_170, %parallel_loop3A_154 : vector<16xi32>
          %parallel_loop3A_172 = tpu.vector_load_idx %arg5[%parallel_loop3A_171, %parallel_loop3A_149] : memref<64x256xf32, #tpu.memory_space<vmem>>[vector<16xi32>, vector<16xi32>], vector<16xf32>,
          %parallel_loop3A_173 = arith.addi %parallel_loop3A_163, %parallel_loop3A_171 : vector<16xi32>
          tpu.vector_store_idx %arg8[%parallel_loop3A_157, %parallel_loop3A_173], %parallel_loop3A_172 : memref<128x128xf32, #tpu.memory_space<vmem>>[vector<16xi32>, vector<16xi32>], vector<16xf32>,
          %parallel_loop3A_174 = arith.constant 32 : i32
          %parallel_loop3A_175 = vector.broadcast %parallel_loop3A_174 : i32 to vector<16xi32>
          %parallel_loop3A_176 = arith.addi %parallel_loop3A_175, %parallel_loop3A_154 : vector<16xi32>
          %parallel_loop3A_177 = tpu.vector_load_idx %arg5[%parallel_loop3A_176, %parallel_loop3A_149] : memref<64x256xf32, #tpu.memory_space<vmem>>[vector<16xi32>, vector<16xi32>], vector<16xf32>,
          %parallel_loop3A_178 = arith.addi %parallel_loop3A_163, %parallel_loop3A_176 : vector<16xi32>
          tpu.vector_store_idx %arg8[%parallel_loop3A_157, %parallel_loop3A_178], %parallel_loop3A_177 : memref<128x128xf32, #tpu.memory_space<vmem>>[vector<16xi32>, vector<16xi32>], vector<16xf32>,
          %parallel_loop3A_179 = arith.constant 48 : i32
          %parallel_loop3A_180 = vector.broadcast %parallel_loop3A_179 : i32 to vector<16xi32>
          %parallel_loop3A_181 = arith.addi %parallel_loop3A_180, %parallel_loop3A_154 : vector<16xi32>
          %parallel_loop3A_182 = tpu.vector_load_idx %arg5[%parallel_loop3A_181, %parallel_loop3A_149] : memref<64x256xf32, #tpu.memory_space<vmem>>[vector<16xi32>, vector<16xi32>], vector<16xf32>,
          %parallel_loop3A_183 = arith.addi %parallel_loop3A_163, %parallel_loop3A_181 : vector<16xi32>
          tpu.vector_store_idx %arg8[%parallel_loop3A_157, %parallel_loop3A_183], %parallel_loop3A_182 : memref<128x128xf32, #tpu.memory_space<vmem>>[vector<16xi32>, vector<16xi32>], vector<16xf32>,
        } {sc.loop_unroll_factor = 4 : i64, sc.parallel_access}
        %mul3A_124 = arith.constant 128 : i32
        %mul3A_125 = arith.muli %add3A_105, %mul3A_124 : i32
        %dma_start3A = arith.constant 0 : i32
        %dma_start3A_126 = arith.constant 0 : i32
        %dma_start3A_127 = tpu.memref_slice %arg8[%dma_start3A, %dma_start3A_126] : memref<128x128xf32, #tpu.memory_space<vmem>> -> memref<128x128xf32, #tpu.memory_space<vmem>>
        %dma_start3A_128 = arith.constant 0 : i32
        %dma_start3A_129 = tpu.memref_slice %arg3[%mul3A_125, %dma_start3A_128] : memref<500000x128xf32, #tpu.memory_space<hbm>> -> memref<128x128xf32, #tpu.memory_space<hbm>>
        %dma_start3A_130 = arith.constant 0 : i32
        %dma_start3A_131 = tpu.memref_slice %arg3[%mul3A_125, %dma_start3A_130] : memref<500000x128xf32, #tpu.memory_space<hbm>> -> memref<128x128xf32, #tpu.memory_space<hbm>>
        %dma_start3A_132 = arith.constant 0 : i32
        %dma_start3A_133 = arith.constant 0 : i32
        %dma_start3A_134 = tpu.memref_slice %arg8[%dma_start3A_132, %dma_start3A_133] : memref<128x128xf32, #tpu.memory_space<vmem>> -> memref<128x128xf32, #tpu.memory_space<vmem>>
        tpu.enqueue_dma source(%dma_start3A_134 : memref<128x128xf32, #tpu.memory_space<vmem>>) target(%dma_start3A_131 : memref<128x128xf32, #tpu.memory_space<hbm>>) target_semaphore(%arg14 : memref<!tpu.dma_semaphore, #tpu.memory_space<semaphore_mem>>)
        %add3A_135 = arith.constant 1 : i32
        %add3A_136 = arith.addi %add3A_90, %add3A_135 : i32
        %lt3A_137 = arith.cmpi slt, %add3A_136, %select_n3A : i32
        %convert_element_type3A_138 = arith.extui %lt3A_137 : i1 to i32
        %cond3A_139 = arith.constant 0 : i32
        %cond3A_140 = arith.cmpi ne, %convert_element_type3A_138, %cond3A_139 : i32
        scf.if %cond3A_140 {
          %add3A_141 = arith.constant 32 : i32
          %add3A_142 = arith.addi %add3A_105, %add3A_141 : i32
          %mul3A_143 = arith.constant 256 : i32
          %mul3A_144 = arith.muli %add3A_142, %mul3A_143 : i32
          %multiple_of3A = tpu.assume_multiple %mul3A_144, 128 : i32
          %dma_start3A_145 = arith.constant 0 : i32
          %dma_start3A_146 = arith.constant 0 : i32
          %dma_start3A_147 = tpu.memref_slice %arg6[%dma_start3A_145, %dma_start3A_146] : memref<64x256xf32, #tpu.memory_space<vmem>> -> memref<8x256xf32, #tpu.memory_space<vmem>>
          %dma_start3A_148 = arith.constant 0 : i32
          %dma_start3A_149 = tpu.memref_slice %arg2[%dma_start3A_148, %multiple_of3A] : memref<64x1000000xf32, #tpu.memory_space<hbm>> -> memref<8x256xf32, #tpu.memory_space<hbm>>
          %dma_start3A_150 = arith.constant 0 : i32
          %dma_start3A_151 = arith.constant 0 : i32
          %dma_start3A_152 = tpu.memref_slice %arg6[%dma_start3A_150, %dma_start3A_151] : memref<64x256xf32, #tpu.memory_space<vmem>> -> memref<8x256xf32, #tpu.memory_space<vmem>>
          %dma_start3A_153 = arith.constant 0 : i32
          %dma_start3A_154 = tpu.memref_slice %arg2[%dma_start3A_153, %multiple_of3A] : memref<64x1000000xf32, #tpu.memory_space<hbm>> -> memref<8x256xf32, #tpu.memory_space<hbm>>
          tpu.enqueue_dma source(%dma_start3A_154 : memref<8x256xf32, #tpu.memory_space<hbm>>) target(%dma_start3A_152 : memref<8x256xf32, #tpu.memory_space<vmem>>) target_semaphore(%arg12 : memref<!tpu.dma_semaphore, #tpu.memory_space<semaphore_mem>>)
          %dma_start3A_155 = arith.constant 8 : i32
          %dma_start3A_156 = arith.constant 0 : i32
          %dma_start3A_157 = tpu.memref_slice %arg6[%dma_start3A_155, %dma_start3A_156] : memref<64x256xf32, #tpu.memory_space<vmem>> -> memref<8x256xf32, #tpu.memory_space<vmem>>
          %dma_start3A_158 = arith.constant 8 : i32
          %dma_start3A_159 = tpu.memref_slice %arg2[%dma_start3A_158, %multiple_of3A] : memref<64x1000000xf32, #tpu.memory_space<hbm>> -> memref<8x256xf32, #tpu.memory_space<hbm>>
          %dma_start3A_160 = arith.constant 8 : i32
          %dma_start3A_161 = arith.constant 0 : i32
          %dma_start3A_162 = tpu.memref_slice %arg6[%dma_start3A_160, %dma_start3A_161] : memref<64x256xf32, #tpu.memory_space<vmem>> -> memref<8x256xf32, #tpu.memory_space<vmem>>
          %dma_start3A_163 = arith.constant 8 : i32
          %dma_start3A_164 = tpu.memref_slice %arg2[%dma_start3A_163, %multiple_of3A] : memref<64x1000000xf32, #tpu.memory_space<hbm>> -> memref<8x256xf32, #tpu.memory_space<hbm>>
          tpu.enqueue_dma source(%dma_start3A_164 : memref<8x256xf32, #tpu.memory_space<hbm>>) target(%dma_start3A_162 : memref<8x256xf32, #tpu.memory_space<vmem>>) target_semaphore(%arg12 : memref<!tpu.dma_semaphore, #tpu.memory_space<semaphore_mem>>)
          %dma_start3A_165 = arith.constant 16 : i32
          %dma_start3A_166 = arith.constant 0 : i32
          %dma_start3A_167 = tpu.memref_slice %arg6[%dma_start3A_165, %dma_start3A_166] : memref<64x256xf32, #tpu.memory_space<vmem>> -> memref<8x256xf32, #tpu.memory_space<vmem>>
          %dma_start3A_168 = arith.constant 16 : i32
          %dma_start3A_169 = tpu.memref_slice %arg2[%dma_start3A_168, %multiple_of3A] : memref<64x1000000xf32, #tpu.memory_space<hbm>> -> memref<8x256xf32, #tpu.memory_space<hbm>>
          %dma_start3A_170 = arith.constant 16 : i32
          %dma_start3A_171 = arith.constant 0 : i32
          %dma_start3A_172 = tpu.memref_slice %arg6[%dma_start3A_170, %dma_start3A_171] : memref<64x256xf32, #tpu.memory_space<vmem>> -> memref<8x256xf32, #tpu.memory_space<vmem>>
          %dma_start3A_173 = arith.constant 16 : i32
          %dma_start3A_174 = tpu.memref_slice %arg2[%dma_start3A_173, %multiple_of3A] : memref<64x1000000xf32, #tpu.memory_space<hbm>> -> memref<8x256xf32, #tpu.memory_space<hbm>>
          tpu.enqueue_dma source(%dma_start3A_174 : memref<8x256xf32, #tpu.memory_space<hbm>>) target(%dma_start3A_172 : memref<8x256xf32, #tpu.memory_space<vmem>>) target_semaphore(%arg12 : memref<!tpu.dma_semaphore, #tpu.memory_space<semaphore_mem>>)
          %dma_start3A_175 = arith.constant 24 : i32
          %dma_start3A_176 = arith.constant 0 : i32
          %dma_start3A_177 = tpu.memref_slice %arg6[%dma_start3A_175, %dma_start3A_176] : memref<64x256xf32, #tpu.memory_space<vmem>> -> memref<8x256xf32, #tpu.memory_space<vmem>>
          %dma_start3A_178 = arith.constant 24 : i32
          %dma_start3A_179 = tpu.memref_slice %arg2[%dma_start3A_178, %multiple_of3A] : memref<64x1000000xf32, #tpu.memory_space<hbm>> -> memref<8x256xf32, #tpu.memory_space<hbm>>
          %dma_start3A_180 = arith.constant 24 : i32
          %dma_start3A_181 = arith.constant 0 : i32
          %dma_start3A_182 = tpu.memref_slice %arg6[%dma_start3A_180, %dma_start3A_181] : memref<64x256xf32, #tpu.memory_space<vmem>> -> memref<8x256xf32, #tpu.memory_space<vmem>>
          %dma_start3A_183 = arith.constant 24 : i32
          %dma_start3A_184 = tpu.memref_slice %arg2[%dma_start3A_183, %multiple_of3A] : memref<64x1000000xf32, #tpu.memory_space<hbm>> -> memref<8x256xf32, #tpu.memory_space<hbm>>
          tpu.enqueue_dma source(%dma_start3A_184 : memref<8x256xf32, #tpu.memory_space<hbm>>) target(%dma_start3A_182 : memref<8x256xf32, #tpu.memory_space<vmem>>) target_semaphore(%arg12 : memref<!tpu.dma_semaphore, #tpu.memory_space<semaphore_mem>>)
          %dma_start3A_185 = arith.constant 32 : i32
          %dma_start3A_186 = arith.constant 0 : i32
          %dma_start3A_187 = tpu.memref_slice %arg6[%dma_start3A_185, %dma_start3A_186] : memref<64x256xf32, #tpu.memory_space<vmem>> -> memref<8x256xf32, #tpu.memory_space<vmem>>
          %dma_start3A_188 = arith.constant 32 : i32
          %dma_start3A_189 = tpu.memref_slice %arg2[%dma_start3A_188, %multiple_of3A] : memref<64x1000000xf32, #tpu.memory_space<hbm>> -> memref<8x256xf32, #tpu.memory_space<hbm>>
          %dma_start3A_190 = arith.constant 32 : i32
          %dma_start3A_191 = arith.constant 0 : i32
          %dma_start3A_192 = tpu.memref_slice %arg6[%dma_start3A_190, %dma_start3A_191] : memref<64x256xf32, #tpu.memory_space<vmem>> -> memref<8x256xf32, #tpu.memory_space<vmem>>
          %dma_start3A_193 = arith.constant 32 : i32
          %dma_start3A_194 = tpu.memref_slice %arg2[%dma_start3A_193, %multiple_of3A] : memref<64x1000000xf32, #tpu.memory_space<hbm>> -> memref<8x256xf32, #tpu.memory_space<hbm>>
          tpu.enqueue_dma source(%dma_start3A_194 : memref<8x256xf32, #tpu.memory_space<hbm>>) target(%dma_start3A_192 : memref<8x256xf32, #tpu.memory_space<vmem>>) target_semaphore(%arg12 : memref<!tpu.dma_semaphore, #tpu.memory_space<semaphore_mem>>)
          %dma_start3A_195 = arith.constant 40 : i32
          %dma_start3A_196 = arith.constant 0 : i32
          %dma_start3A_197 = tpu.memref_slice %arg6[%dma_start3A_195, %dma_start3A_196] : memref<64x256xf32, #tpu.memory_space<vmem>> -> memref<8x256xf32, #tpu.memory_space<vmem>>
          %dma_start3A_198 = arith.constant 40 : i32
          %dma_start3A_199 = tpu.memref_slice %arg2[%dma_start3A_198, %multiple_of3A] : memref<64x1000000xf32, #tpu.memory_space<hbm>> -> memref<8x256xf32, #tpu.memory_space<hbm>>
          %dma_start3A_200 = arith.constant 40 : i32
          %dma_start3A_201 = arith.constant 0 : i32
          %dma_start3A_202 = tpu.memref_slice %arg6[%dma_start3A_200, %dma_start3A_201] : memref<64x256xf32, #tpu.memory_space<vmem>> -> memref<8x256xf32, #tpu.memory_space<vmem>>
          %dma_start3A_203 = arith.constant 40 : i32
          %dma_start3A_204 = tpu.memref_slice %arg2[%dma_start3A_203, %multiple_of3A] : memref<64x1000000xf32, #tpu.memory_space<hbm>> -> memref<8x256xf32, #tpu.memory_space<hbm>>
          tpu.enqueue_dma source(%dma_start3A_204 : memref<8x256xf32, #tpu.memory_space<hbm>>) target(%dma_start3A_202 : memref<8x256xf32, #tpu.memory_space<vmem>>) target_semaphore(%arg12 : memref<!tpu.dma_semaphore, #tpu.memory_space<semaphore_mem>>)
          %dma_start3A_205 = arith.constant 48 : i32
          %dma_start3A_206 = arith.constant 0 : i32
          %dma_start3A_207 = tpu.memref_slice %arg6[%dma_start3A_205, %dma_start3A_206] : memref<64x256xf32, #tpu.memory_space<vmem>> -> memref<8x256xf32, #tpu.memory_space<vmem>>
          %dma_start3A_208 = arith.constant 48 : i32
          %dma_start3A_209 = tpu.memref_slice %arg2[%dma_start3A_208, %multiple_of3A] : memref<64x1000000xf32, #tpu.memory_space<hbm>> -> memref<8x256xf32, #tpu.memory_space<hbm>>
          %dma_start3A_210 = arith.constant 48 : i32
          %dma_start3A_211 = arith.constant 0 : i32
          %dma_start3A_212 = tpu.memref_slice %arg6[%dma_start3A_210, %dma_start3A_211] : memref<64x256xf32, #tpu.memory_space<vmem>> -> memref<8x256xf32, #tpu.memory_space<vmem>>
          %dma_start3A_213 = arith.constant 48 : i32
          %dma_start3A_214 = tpu.memref_slice %arg2[%dma_start3A_213, %multiple_of3A] : memref<64x1000000xf32, #tpu.memory_space<hbm>> -> memref<8x256xf32, #tpu.memory_space<hbm>>
          tpu.enqueue_dma source(%dma_start3A_214 : memref<8x256xf32, #tpu.memory_space<hbm>>) target(%dma_start3A_212 : memref<8x256xf32, #tpu.memory_space<vmem>>) target_semaphore(%arg12 : memref<!tpu.dma_semaphore, #tpu.memory_space<semaphore_mem>>)
          %dma_start3A_215 = arith.constant 56 : i32
          %dma_start3A_216 = arith.constant 0 : i32
          %dma_start3A_217 = tpu.memref_slice %arg6[%dma_start3A_215, %dma_start3A_216] : memref<64x256xf32, #tpu.memory_space<vmem>> -> memref<8x256xf32, #tpu.memory_space<vmem>>
          %dma_start3A_218 = arith.constant 56 : i32
          %dma_start3A_219 = tpu.memref_slice %arg2[%dma_start3A_218, %multiple_of3A] : memref<64x1000000xf32, #tpu.memory_space<hbm>> -> memref<8x256xf32, #tpu.memory_space<hbm>>
          %dma_start3A_220 = arith.constant 56 : i32
          %dma_start3A_221 = arith.constant 0 : i32
          %dma_start3A_222 = tpu.memref_slice %arg6[%dma_start3A_220, %dma_start3A_221] : memref<64x256xf32, #tpu.memory_space<vmem>> -> memref<8x256xf32, #tpu.memory_space<vmem>>
          %dma_start3A_223 = arith.constant 56 : i32
          %dma_start3A_224 = tpu.memref_slice %arg2[%dma_start3A_223, %multiple_of3A] : memref<64x1000000xf32, #tpu.memory_space<hbm>> -> memref<8x256xf32, #tpu.memory_space<hbm>>
          tpu.enqueue_dma source(%dma_start3A_224 : memref<8x256xf32, #tpu.memory_space<hbm>>) target(%dma_start3A_222 : memref<8x256xf32, #tpu.memory_space<vmem>>) target_semaphore(%arg12 : memref<!tpu.dma_semaphore, #tpu.memory_space<semaphore_mem>>)
        } else {
        }
      } else {
      }
      %mul3A_95 = arith.constant 3 : i32
      %mul3A_96 = arith.muli %while3A_79, %mul3A_95 : i32
      %add3A_97 = arith.constant 2 : i32
      %add3A_98 = arith.addi %mul3A_96, %add3A_97 : i32
      %lt3A_99 = arith.cmpi slt, %add3A_98, %select_n3A : i32
      %convert_element_type3A_100 = arith.extui %lt3A_99 : i1 to i32
      %cond3A_101 = arith.constant 0 : i32
      %cond3A_102 = arith.cmpi ne, %convert_element_type3A_100, %cond3A_101 : i32
      scf.if %cond3A_102 {
        %mul3A_103 = arith.constant 32 : i32
        %mul3A_104 = arith.muli %add3A_98, %mul3A_103 : i32
        %add3A_105 = arith.addi %add3A, %mul3A_104 : i32
        %gt3A_106 = arith.constant 2 : i32
        %gt3A_107 = arith.cmpi sgt, %add3A_98, %gt3A_106 : i32
        %convert_element_type3A_108 = arith.extui %gt3A_107 : i1 to i32
        %cond3A_109 = arith.constant 0 : i32
        %cond3A_110 = arith.cmpi ne, %convert_element_type3A_108, %cond3A_109 : i32
        scf.if %cond3A_110 {
          %dma_wait3A_141 = arith.constant 0 : i32
          %dma_wait3A_142 = arith.constant 0 : i32
          %dma_wait3A_143 = tpu.memref_slice %arg9[%dma_wait3A_141, %dma_wait3A_142] : memref<128x128xf32, #tpu.memory_space<vmem>> -> memref<128x128xf32, #tpu.memory_space<vmem>>
          %dma_wait3A_144 = arith.constant 0 : i32
          %dma_wait3A_145 = arith.constant 0 : i32
          %dma_wait3A_146 = tpu.memref_slice %arg3[%dma_wait3A_144, %dma_wait3A_145] : memref<500000x128xf32, #tpu.memory_space<hbm>> -> memref<128x128xf32, #tpu.memory_space<hbm>>
          %dma_wait3A_147 = arith.constant 0 : i32
          %dma_wait3A_148 = arith.constant 0 : i32
          %dma_wait3A_149 = tpu.memref_slice %arg9[%dma_wait3A_147, %dma_wait3A_148] : memref<128x128xf32, #tpu.memory_space<vmem>> -> memref<128x128xf32, #tpu.memory_space<vmem>>
          %dma_wait3A_150 = arith.constant 0 : i32
          %dma_wait3A_151 = arith.constant 0 : i32
          %dma_wait3A_152 = tpu.memref_slice %arg3[%dma_wait3A_150, %dma_wait3A_151] : memref<500000x128xf32, #tpu.memory_space<hbm>> -> memref<128x128xf32, #tpu.memory_space<hbm>>
          tpu.wait_dma2 semaphore(%arg15 : memref<!tpu.dma_semaphore, #tpu.memory_space<semaphore_mem>>) src(%dma_wait3A_152 : memref<128x128xf32, #tpu.memory_space<hbm>>) dst(%dma_wait3A_149 : memref<128x128xf32, #tpu.memory_space<vmem>>)
        } else {
        }
        %dma_wait3A = arith.constant 0 : i32
        %dma_wait3A_111 = arith.constant 0 : i32
        %dma_wait3A_112 = tpu.memref_slice %arg6[%dma_wait3A, %dma_wait3A_111] : memref<64x256xf32, #tpu.memory_space<vmem>> -> memref<64x256xf32, #tpu.memory_space<vmem>>
        %dma_wait3A_113 = arith.constant 0 : i32
        %dma_wait3A_114 = arith.constant 0 : i32
        %dma_wait3A_115 = tpu.memref_slice %arg3[%dma_wait3A_113, %dma_wait3A_114] : memref<500000x128xf32, #tpu.memory_space<hbm>> -> memref<32x128xf32, #tpu.memory_space<hbm>>
        %dma_wait3A_116 = arith.constant 0 : i32
        %dma_wait3A_117 = arith.constant 0 : i32
        %dma_wait3A_118 = tpu.memref_slice %arg6[%dma_wait3A_116, %dma_wait3A_117] : memref<64x256xf32, #tpu.memory_space<vmem>> -> memref<64x256xf32, #tpu.memory_space<vmem>>
        %dma_wait3A_119 = arith.constant 0 : i32
        %dma_wait3A_120 = arith.constant 0 : i32
        %dma_wait3A_121 = tpu.memref_slice %arg3[%dma_wait3A_119, %dma_wait3A_120] : memref<500000x128xf32, #tpu.memory_space<hbm>> -> memref<32x128xf32, #tpu.memory_space<hbm>>
        tpu.wait_dma2 semaphore(%arg12 : memref<!tpu.dma_semaphore, #tpu.memory_space<semaphore_mem>>) src(%dma_wait3A_121 : memref<32x128xf32, #tpu.memory_space<hbm>>) dst(%dma_wait3A_118 : memref<64x256xf32, #tpu.memory_space<vmem>>)
        %parallel_loop3A = arith.constant 0 : i32
        %parallel_loop3A_122 = arith.constant 256 : i32
        %parallel_loop3A_123 = arith.constant 1 : i32
        scf.for %parallel_loop3A_141 = %parallel_loop3A to %parallel_loop3A_122 step %parallel_loop3A_123  : i32 {
          %parallel_loop3A_142 = arith.constant 4 : i32
          %parallel_loop3A_143 = arith.shrui %parallel_loop3A_141, %parallel_loop3A_142 : i32
          %parallel_loop3A_144 = arith.constant 15 : i32
          %parallel_loop3A_145 = arith.andi %parallel_loop3A_141, %parallel_loop3A_144 : i32
          %parallel_loop3A_146 = arith.constant 16 : i32
          %parallel_loop3A_147 = arith.muli %parallel_loop3A_143, %parallel_loop3A_146 : i32
          %parallel_loop3A_148 = vector.broadcast %parallel_loop3A_147 : i32 to vector<16xi32>
          %parallel_loop3A_149 = arith.addi %parallel_loop3A_148, %iota3A : vector<16xi32>
          %parallel_loop3A_150 = vector.broadcast %parallel_loop3A_145 : i32 to vector<16xi32>
          %parallel_loop3A_151 = arith.addi %iota3A, %parallel_loop3A_150 : vector<16xi32>
          %parallel_loop3A_152 = arith.constant 15 : i32
          %parallel_loop3A_153 = vector.broadcast %parallel_loop3A_152 : i32 to vector<16xi32>
          %parallel_loop3A_154 = arith.andi %parallel_loop3A_151, %parallel_loop3A_153 : vector<16xi32>
          %parallel_loop3A_155 = arith.constant 1 : i32
          %parallel_loop3A_156 = vector.broadcast %parallel_loop3A_155 : i32 to vector<16xi32>
          %parallel_loop3A_157 = arith.shrui %parallel_loop3A_149, %parallel_loop3A_156 : vector<16xi32>
          %parallel_loop3A_158 = arith.constant 1 : i32
          %parallel_loop3A_159 = vector.broadcast %parallel_loop3A_158 : i32 to vector<16xi32>
          %parallel_loop3A_160 = arith.andi %parallel_loop3A_149, %parallel_loop3A_159 : vector<16xi32>
          %parallel_loop3A_161 = arith.constant 64 : i32
          %parallel_loop3A_162 = vector.broadcast %parallel_loop3A_161 : i32 to vector<16xi32>
          %parallel_loop3A_163 = arith.muli %parallel_loop3A_160, %parallel_loop3A_162 : vector<16xi32>
          %parallel_loop3A_164 = arith.constant 0 : i32
          %parallel_loop3A_165 = vector.broadcast %parallel_loop3A_164 : i32 to vector<16xi32>
          %parallel_loop3A_166 = arith.addi %parallel_loop3A_165, %parallel_loop3A_154 : vector<16xi32>
          %parallel_loop3A_167 = tpu.vector_load_idx %arg6[%parallel_loop3A_166, %parallel_loop3A_149] : memref<64x256xf32, #tpu.memory_space<vmem>>[vector<16xi32>, vector<16xi32>], vector<16xf32>,
          %parallel_loop3A_168 = arith.addi %parallel_loop3A_163, %parallel_loop3A_166 : vector<16xi32>
          tpu.vector_store_idx %arg9[%parallel_loop3A_157, %parallel_loop3A_168], %parallel_loop3A_167 : memref<128x128xf32, #tpu.memory_space<vmem>>[vector<16xi32>, vector<16xi32>], vector<16xf32>,
          %parallel_loop3A_169 = arith.constant 16 : i32
          %parallel_loop3A_170 = vector.broadcast %parallel_loop3A_169 : i32 to vector<16xi32>
          %parallel_loop3A_171 = arith.addi %parallel_loop3A_170, %parallel_loop3A_154 : vector<16xi32>
          %parallel_loop3A_172 = tpu.vector_load_idx %arg6[%parallel_loop3A_171, %parallel_loop3A_149] : memref<64x256xf32, #tpu.memory_space<vmem>>[vector<16xi32>, vector<16xi32>], vector<16xf32>,
          %parallel_loop3A_173 = arith.addi %parallel_loop3A_163, %parallel_loop3A_171 : vector<16xi32>
          tpu.vector_store_idx %arg9[%parallel_loop3A_157, %parallel_loop3A_173], %parallel_loop3A_172 : memref<128x128xf32, #tpu.memory_space<vmem>>[vector<16xi32>, vector<16xi32>], vector<16xf32>,
          %parallel_loop3A_174 = arith.constant 32 : i32
          %parallel_loop3A_175 = vector.broadcast %parallel_loop3A_174 : i32 to vector<16xi32>
          %parallel_loop3A_176 = arith.addi %parallel_loop3A_175, %parallel_loop3A_154 : vector<16xi32>
          %parallel_loop3A_177 = tpu.vector_load_idx %arg6[%parallel_loop3A_176, %parallel_loop3A_149] : memref<64x256xf32, #tpu.memory_space<vmem>>[vector<16xi32>, vector<16xi32>], vector<16xf32>,
          %parallel_loop3A_178 = arith.addi %parallel_loop3A_163, %parallel_loop3A_176 : vector<16xi32>
          tpu.vector_store_idx %arg9[%parallel_loop3A_157, %parallel_loop3A_178], %parallel_loop3A_177 : memref<128x128xf32, #tpu.memory_space<vmem>>[vector<16xi32>, vector<16xi32>], vector<16xf32>,
          %parallel_loop3A_179 = arith.constant 48 : i32
          %parallel_loop3A_180 = vector.broadcast %parallel_loop3A_179 : i32 to vector<16xi32>
          %parallel_loop3A_181 = arith.addi %parallel_loop3A_180, %parallel_loop3A_154 : vector<16xi32>
          %parallel_loop3A_182 = tpu.vector_load_idx %arg6[%parallel_loop3A_181, %parallel_loop3A_149] : memref<64x256xf32, #tpu.memory_space<vmem>>[vector<16xi32>, vector<16xi32>], vector<16xf32>,
          %parallel_loop3A_183 = arith.addi %parallel_loop3A_163, %parallel_loop3A_181 : vector<16xi32>
          tpu.vector_store_idx %arg9[%parallel_loop3A_157, %parallel_loop3A_183], %parallel_loop3A_182 : memref<128x128xf32, #tpu.memory_space<vmem>>[vector<16xi32>, vector<16xi32>], vector<16xf32>,
        } {sc.loop_unroll_factor = 4 : i64, sc.parallel_access}
        %mul3A_124 = arith.constant 128 : i32
        %mul3A_125 = arith.muli %add3A_105, %mul3A_124 : i32
        %dma_start3A = arith.constant 0 : i32
        %dma_start3A_126 = arith.constant 0 : i32
        %dma_start3A_127 = tpu.memref_slice %arg9[%dma_start3A, %dma_start3A_126] : memref<128x128xf32, #tpu.memory_space<vmem>> -> memref<128x128xf32, #tpu.memory_space<vmem>>
        %dma_start3A_128 = arith.constant 0 : i32
        %dma_start3A_129 = tpu.memref_slice %arg3[%mul3A_125, %dma_start3A_128] : memref<500000x128xf32, #tpu.memory_space<hbm>> -> memref<128x128xf32, #tpu.memory_space<hbm>>
        %dma_start3A_130 = arith.constant 0 : i32
        %dma_start3A_131 = tpu.memref_slice %arg3[%mul3A_125, %dma_start3A_130] : memref<500000x128xf32, #tpu.memory_space<hbm>> -> memref<128x128xf32, #tpu.memory_space<hbm>>
        %dma_start3A_132 = arith.constant 0 : i32
        %dma_start3A_133 = arith.constant 0 : i32
        %dma_start3A_134 = tpu.memref_slice %arg9[%dma_start3A_132, %dma_start3A_133] : memref<128x128xf32, #tpu.memory_space<vmem>> -> memref<128x128xf32, #tpu.memory_space<vmem>>
        tpu.enqueue_dma source(%dma_start3A_134 : memref<128x128xf32, #tpu.memory_space<vmem>>) target(%dma_start3A_131 : memref<128x128xf32, #tpu.memory_space<hbm>>) target_semaphore(%arg15 : memref<!tpu.dma_semaphore, #tpu.memory_space<semaphore_mem>>)
        %add3A_135 = arith.constant 1 : i32
        %add3A_136 = arith.addi %add3A_98, %add3A_135 : i32
        %lt3A_137 = arith.cmpi slt, %add3A_136, %select_n3A : i32
        %convert_element_type3A_138 = arith.extui %lt3A_137 : i1 to i32
        %cond3A_139 = arith.constant 0 : i32
        %cond3A_140 = arith.cmpi ne, %convert_element_type3A_138, %cond3A_139 : i32
        scf.if %cond3A_140 {
          %add3A_141 = arith.constant 32 : i32
          %add3A_142 = arith.addi %add3A_105, %add3A_141 : i32
          %mul3A_143 = arith.constant 256 : i32
          %mul3A_144 = arith.muli %add3A_142, %mul3A_143 : i32
          %multiple_of3A = tpu.assume_multiple %mul3A_144, 128 : i32
          %dma_start3A_145 = arith.constant 0 : i32
          %dma_start3A_146 = arith.constant 0 : i32
          %dma_start3A_147 = tpu.memref_slice %arg4[%dma_start3A_145, %dma_start3A_146] : memref<64x256xf32, #tpu.memory_space<vmem>> -> memref<8x256xf32, #tpu.memory_space<vmem>>
          %dma_start3A_148 = arith.constant 0 : i32
          %dma_start3A_149 = tpu.memref_slice %arg2[%dma_start3A_148, %multiple_of3A] : memref<64x1000000xf32, #tpu.memory_space<hbm>> -> memref<8x256xf32, #tpu.memory_space<hbm>>
          %dma_start3A_150 = arith.constant 0 : i32
          %dma_start3A_151 = arith.constant 0 : i32
          %dma_start3A_152 = tpu.memref_slice %arg4[%dma_start3A_150, %dma_start3A_151] : memref<64x256xf32, #tpu.memory_space<vmem>> -> memref<8x256xf32, #tpu.memory_space<vmem>>
          %dma_start3A_153 = arith.constant 0 : i32
          %dma_start3A_154 = tpu.memref_slice %arg2[%dma_start3A_153, %multiple_of3A] : memref<64x1000000xf32, #tpu.memory_space<hbm>> -> memref<8x256xf32, #tpu.memory_space<hbm>>
          tpu.enqueue_dma source(%dma_start3A_154 : memref<8x256xf32, #tpu.memory_space<hbm>>) target(%dma_start3A_152 : memref<8x256xf32, #tpu.memory_space<vmem>>) target_semaphore(%arg10 : memref<!tpu.dma_semaphore, #tpu.memory_space<semaphore_mem>>)
          %dma_start3A_155 = arith.constant 8 : i32
          %dma_start3A_156 = arith.constant 0 : i32
          %dma_start3A_157 = tpu.memref_slice %arg4[%dma_start3A_155, %dma_start3A_156] : memref<64x256xf32, #tpu.memory_space<vmem>> -> memref<8x256xf32, #tpu.memory_space<vmem>>
          %dma_start3A_158 = arith.constant 8 : i32
          %dma_start3A_159 = tpu.memref_slice %arg2[%dma_start3A_158, %multiple_of3A] : memref<64x1000000xf32, #tpu.memory_space<hbm>> -> memref<8x256xf32, #tpu.memory_space<hbm>>
          %dma_start3A_160 = arith.constant 8 : i32
          %dma_start3A_161 = arith.constant 0 : i32
          %dma_start3A_162 = tpu.memref_slice %arg4[%dma_start3A_160, %dma_start3A_161] : memref<64x256xf32, #tpu.memory_space<vmem>> -> memref<8x256xf32, #tpu.memory_space<vmem>>
          %dma_start3A_163 = arith.constant 8 : i32
          %dma_start3A_164 = tpu.memref_slice %arg2[%dma_start3A_163, %multiple_of3A] : memref<64x1000000xf32, #tpu.memory_space<hbm>> -> memref<8x256xf32, #tpu.memory_space<hbm>>
          tpu.enqueue_dma source(%dma_start3A_164 : memref<8x256xf32, #tpu.memory_space<hbm>>) target(%dma_start3A_162 : memref<8x256xf32, #tpu.memory_space<vmem>>) target_semaphore(%arg10 : memref<!tpu.dma_semaphore, #tpu.memory_space<semaphore_mem>>)
          %dma_start3A_165 = arith.constant 16 : i32
          %dma_start3A_166 = arith.constant 0 : i32
          %dma_start3A_167 = tpu.memref_slice %arg4[%dma_start3A_165, %dma_start3A_166] : memref<64x256xf32, #tpu.memory_space<vmem>> -> memref<8x256xf32, #tpu.memory_space<vmem>>
          %dma_start3A_168 = arith.constant 16 : i32
          %dma_start3A_169 = tpu.memref_slice %arg2[%dma_start3A_168, %multiple_of3A] : memref<64x1000000xf32, #tpu.memory_space<hbm>> -> memref<8x256xf32, #tpu.memory_space<hbm>>
          %dma_start3A_170 = arith.constant 16 : i32
          %dma_start3A_171 = arith.constant 0 : i32
          %dma_start3A_172 = tpu.memref_slice %arg4[%dma_start3A_170, %dma_start3A_171] : memref<64x256xf32, #tpu.memory_space<vmem>> -> memref<8x256xf32, #tpu.memory_space<vmem>>
          %dma_start3A_173 = arith.constant 16 : i32
          %dma_start3A_174 = tpu.memref_slice %arg2[%dma_start3A_173, %multiple_of3A] : memref<64x1000000xf32, #tpu.memory_space<hbm>> -> memref<8x256xf32, #tpu.memory_space<hbm>>
          tpu.enqueue_dma source(%dma_start3A_174 : memref<8x256xf32, #tpu.memory_space<hbm>>) target(%dma_start3A_172 : memref<8x256xf32, #tpu.memory_space<vmem>>) target_semaphore(%arg10 : memref<!tpu.dma_semaphore, #tpu.memory_space<semaphore_mem>>)
          %dma_start3A_175 = arith.constant 24 : i32
          %dma_start3A_176 = arith.constant 0 : i32
          %dma_start3A_177 = tpu.memref_slice %arg4[%dma_start3A_175, %dma_start3A_176] : memref<64x256xf32, #tpu.memory_space<vmem>> -> memref<8x256xf32, #tpu.memory_space<vmem>>
          %dma_start3A_178 = arith.constant 24 : i32
          %dma_start3A_179 = tpu.memref_slice %arg2[%dma_start3A_178, %multiple_of3A] : memref<64x1000000xf32, #tpu.memory_space<hbm>> -> memref<8x256xf32, #tpu.memory_space<hbm>>
          %dma_start3A_180 = arith.constant 24 : i32
          %dma_start3A_181 = arith.constant 0 : i32
          %dma_start3A_182 = tpu.memref_slice %arg4[%dma_start3A_180, %dma_start3A_181] : memref<64x256xf32, #tpu.memory_space<vmem>> -> memref<8x256xf32, #tpu.memory_space<vmem>>
          %dma_start3A_183 = arith.constant 24 : i32
          %dma_start3A_184 = tpu.memref_slice %arg2[%dma_start3A_183, %multiple_of3A] : memref<64x1000000xf32, #tpu.memory_space<hbm>> -> memref<8x256xf32, #tpu.memory_space<hbm>>
          tpu.enqueue_dma source(%dma_start3A_184 : memref<8x256xf32, #tpu.memory_space<hbm>>) target(%dma_start3A_182 : memref<8x256xf32, #tpu.memory_space<vmem>>) target_semaphore(%arg10 : memref<!tpu.dma_semaphore, #tpu.memory_space<semaphore_mem>>)
          %dma_start3A_185 = arith.constant 32 : i32
          %dma_start3A_186 = arith.constant 0 : i32
          %dma_start3A_187 = tpu.memref_slice %arg4[%dma_start3A_185, %dma_start3A_186] : memref<64x256xf32, #tpu.memory_space<vmem>> -> memref<8x256xf32, #tpu.memory_space<vmem>>
          %dma_start3A_188 = arith.constant 32 : i32
          %dma_start3A_189 = tpu.memref_slice %arg2[%dma_start3A_188, %multiple_of3A] : memref<64x1000000xf32, #tpu.memory_space<hbm>> -> memref<8x256xf32, #tpu.memory_space<hbm>>
          %dma_start3A_190 = arith.constant 32 : i32
          %dma_start3A_191 = arith.constant 0 : i32
          %dma_start3A_192 = tpu.memref_slice %arg4[%dma_start3A_190, %dma_start3A_191] : memref<64x256xf32, #tpu.memory_space<vmem>> -> memref<8x256xf32, #tpu.memory_space<vmem>>
          %dma_start3A_193 = arith.constant 32 : i32
          %dma_start3A_194 = tpu.memref_slice %arg2[%dma_start3A_193, %multiple_of3A] : memref<64x1000000xf32, #tpu.memory_space<hbm>> -> memref<8x256xf32, #tpu.memory_space<hbm>>
          tpu.enqueue_dma source(%dma_start3A_194 : memref<8x256xf32, #tpu.memory_space<hbm>>) target(%dma_start3A_192 : memref<8x256xf32, #tpu.memory_space<vmem>>) target_semaphore(%arg10 : memref<!tpu.dma_semaphore, #tpu.memory_space<semaphore_mem>>)
          %dma_start3A_195 = arith.constant 40 : i32
          %dma_start3A_196 = arith.constant 0 : i32
          %dma_start3A_197 = tpu.memref_slice %arg4[%dma_start3A_195, %dma_start3A_196] : memref<64x256xf32, #tpu.memory_space<vmem>> -> memref<8x256xf32, #tpu.memory_space<vmem>>
          %dma_start3A_198 = arith.constant 40 : i32
          %dma_start3A_199 = tpu.memref_slice %arg2[%dma_start3A_198, %multiple_of3A] : memref<64x1000000xf32, #tpu.memory_space<hbm>> -> memref<8x256xf32, #tpu.memory_space<hbm>>
          %dma_start3A_200 = arith.constant 40 : i32
          %dma_start3A_201 = arith.constant 0 : i32
          %dma_start3A_202 = tpu.memref_slice %arg4[%dma_start3A_200, %dma_start3A_201] : memref<64x256xf32, #tpu.memory_space<vmem>> -> memref<8x256xf32, #tpu.memory_space<vmem>>
          %dma_start3A_203 = arith.constant 40 : i32
          %dma_start3A_204 = tpu.memref_slice %arg2[%dma_start3A_203, %multiple_of3A] : memref<64x1000000xf32, #tpu.memory_space<hbm>> -> memref<8x256xf32, #tpu.memory_space<hbm>>
          tpu.enqueue_dma source(%dma_start3A_204 : memref<8x256xf32, #tpu.memory_space<hbm>>) target(%dma_start3A_202 : memref<8x256xf32, #tpu.memory_space<vmem>>) target_semaphore(%arg10 : memref<!tpu.dma_semaphore, #tpu.memory_space<semaphore_mem>>)
          %dma_start3A_205 = arith.constant 48 : i32
          %dma_start3A_206 = arith.constant 0 : i32
          %dma_start3A_207 = tpu.memref_slice %arg4[%dma_start3A_205, %dma_start3A_206] : memref<64x256xf32, #tpu.memory_space<vmem>> -> memref<8x256xf32, #tpu.memory_space<vmem>>
          %dma_start3A_208 = arith.constant 48 : i32
          %dma_start3A_209 = tpu.memref_slice %arg2[%dma_start3A_208, %multiple_of3A] : memref<64x1000000xf32, #tpu.memory_space<hbm>> -> memref<8x256xf32, #tpu.memory_space<hbm>>
          %dma_start3A_210 = arith.constant 48 : i32
          %dma_start3A_211 = arith.constant 0 : i32
          %dma_start3A_212 = tpu.memref_slice %arg4[%dma_start3A_210, %dma_start3A_211] : memref<64x256xf32, #tpu.memory_space<vmem>> -> memref<8x256xf32, #tpu.memory_space<vmem>>
          %dma_start3A_213 = arith.constant 48 : i32
          %dma_start3A_214 = tpu.memref_slice %arg2[%dma_start3A_213, %multiple_of3A] : memref<64x1000000xf32, #tpu.memory_space<hbm>> -> memref<8x256xf32, #tpu.memory_space<hbm>>
          tpu.enqueue_dma source(%dma_start3A_214 : memref<8x256xf32, #tpu.memory_space<hbm>>) target(%dma_start3A_212 : memref<8x256xf32, #tpu.memory_space<vmem>>) target_semaphore(%arg10 : memref<!tpu.dma_semaphore, #tpu.memory_space<semaphore_mem>>)
          %dma_start3A_215 = arith.constant 56 : i32
          %dma_start3A_216 = arith.constant 0 : i32
          %dma_start3A_217 = tpu.memref_slice %arg4[%dma_start3A_215, %dma_start3A_216] : memref<64x256xf32, #tpu.memory_space<vmem>> -> memref<8x256xf32, #tpu.memory_space<vmem>>
          %dma_start3A_218 = arith.constant 56 : i32
          %dma_start3A_219 = tpu.memref_slice %arg2[%dma_start3A_218, %multiple_of3A] : memref<64x1000000xf32, #tpu.memory_space<hbm>> -> memref<8x256xf32, #tpu.memory_space<hbm>>
          %dma_start3A_220 = arith.constant 56 : i32
          %dma_start3A_221 = arith.constant 0 : i32
          %dma_start3A_222 = tpu.memref_slice %arg4[%dma_start3A_220, %dma_start3A_221] : memref<64x256xf32, #tpu.memory_space<vmem>> -> memref<8x256xf32, #tpu.memory_space<vmem>>
          %dma_start3A_223 = arith.constant 56 : i32
          %dma_start3A_224 = tpu.memref_slice %arg2[%dma_start3A_223, %multiple_of3A] : memref<64x1000000xf32, #tpu.memory_space<hbm>> -> memref<8x256xf32, #tpu.memory_space<hbm>>
          tpu.enqueue_dma source(%dma_start3A_224 : memref<8x256xf32, #tpu.memory_space<hbm>>) target(%dma_start3A_222 : memref<8x256xf32, #tpu.memory_space<vmem>>) target_semaphore(%arg10 : memref<!tpu.dma_semaphore, #tpu.memory_space<semaphore_mem>>)
        } else {
        }
      } else {
      }
    }
    %while3A_59 = arith.constant 1 : i32
    scf.for %while3A_79 = %while3A_57 to %while3A_53 step %while3A_59  : i32 {
      %mul3A_80 = arith.constant 3 : i32
      %mul3A_81 = arith.muli %while3A_79, %mul3A_80 : i32
      %add3A_82 = arith.constant 0 : i32
      %add3A_83 = arith.addi %mul3A_81, %add3A_82 : i32
      %lt3A = arith.cmpi slt, %add3A_83, %select_n3A : i32
      %convert_element_type3A_84 = arith.extui %lt3A : i1 to i32
      %cond3A_85 = arith.constant 0 : i32
      %cond3A_86 = arith.cmpi ne, %convert_element_type3A_84, %cond3A_85 : i32
      scf.if %cond3A_86 {
        %mul3A_103 = arith.constant 32 : i32
        %mul3A_104 = arith.muli %add3A_83, %mul3A_103 : i32
        %add3A_105 = arith.addi %add3A, %mul3A_104 : i32
        %gt3A_106 = arith.constant 2 : i32
        %gt3A_107 = arith.cmpi sgt, %add3A_83, %gt3A_106 : i32
        %convert_element_type3A_108 = arith.extui %gt3A_107 : i1 to i32
        %cond3A_109 = arith.constant 0 : i32
        %cond3A_110 = arith.cmpi ne, %convert_element_type3A_108, %cond3A_109 : i32
        scf.if %cond3A_110 {
          %dma_wait3A_141 = arith.constant 0 : i32
          %dma_wait3A_142 = arith.constant 0 : i32
          %dma_wait3A_143 = tpu.memref_slice %arg7[%dma_wait3A_141, %dma_wait3A_142] : memref<128x128xf32, #tpu.memory_space<vmem>> -> memref<128x128xf32, #tpu.memory_space<vmem>>
          %dma_wait3A_144 = arith.constant 0 : i32
          %dma_wait3A_145 = arith.constant 0 : i32
          %dma_wait3A_146 = tpu.memref_slice %arg3[%dma_wait3A_144, %dma_wait3A_145] : memref<500000x128xf32, #tpu.memory_space<hbm>> -> memref<128x128xf32, #tpu.memory_space<hbm>>
          %dma_wait3A_147 = arith.constant 0 : i32
          %dma_wait3A_148 = arith.constant 0 : i32
          %dma_wait3A_149 = tpu.memref_slice %arg7[%dma_wait3A_147, %dma_wait3A_148] : memref<128x128xf32, #tpu.memory_space<vmem>> -> memref<128x128xf32, #tpu.memory_space<vmem>>
          %dma_wait3A_150 = arith.constant 0 : i32
          %dma_wait3A_151 = arith.constant 0 : i32
          %dma_wait3A_152 = tpu.memref_slice %arg3[%dma_wait3A_150, %dma_wait3A_151] : memref<500000x128xf32, #tpu.memory_space<hbm>> -> memref<128x128xf32, #tpu.memory_space<hbm>>
          tpu.wait_dma2 semaphore(%arg13 : memref<!tpu.dma_semaphore, #tpu.memory_space<semaphore_mem>>) src(%dma_wait3A_152 : memref<128x128xf32, #tpu.memory_space<hbm>>) dst(%dma_wait3A_149 : memref<128x128xf32, #tpu.memory_space<vmem>>)
        } else {
        }
        %dma_wait3A = arith.constant 0 : i32
        %dma_wait3A_111 = arith.constant 0 : i32
        %dma_wait3A_112 = tpu.memref_slice %arg4[%dma_wait3A, %dma_wait3A_111] : memref<64x256xf32, #tpu.memory_space<vmem>> -> memref<64x256xf32, #tpu.memory_space<vmem>>
        %dma_wait3A_113 = arith.constant 0 : i32
        %dma_wait3A_114 = arith.constant 0 : i32
        %dma_wait3A_115 = tpu.memref_slice %arg3[%dma_wait3A_113, %dma_wait3A_114] : memref<500000x128xf32, #tpu.memory_space<hbm>> -> memref<32x128xf32, #tpu.memory_space<hbm>>
        %dma_wait3A_116 = arith.constant 0 : i32
        %dma_wait3A_117 = arith.constant 0 : i32
        %dma_wait3A_118 = tpu.memref_slice %arg4[%dma_wait3A_116, %dma_wait3A_117] : memref<64x256xf32, #tpu.memory_space<vmem>> -> memref<64x256xf32, #tpu.memory_space<vmem>>
        %dma_wait3A_119 = arith.constant 0 : i32
        %dma_wait3A_120 = arith.constant 0 : i32
        %dma_wait3A_121 = tpu.memref_slice %arg3[%dma_wait3A_119, %dma_wait3A_120] : memref<500000x128xf32, #tpu.memory_space<hbm>> -> memref<32x128xf32, #tpu.memory_space<hbm>>
        tpu.wait_dma2 semaphore(%arg10 : memref<!tpu.dma_semaphore, #tpu.memory_space<semaphore_mem>>) src(%dma_wait3A_121 : memref<32x128xf32, #tpu.memory_space<hbm>>) dst(%dma_wait3A_118 : memref<64x256xf32, #tpu.memory_space<vmem>>)
        %parallel_loop3A = arith.constant 0 : i32
        %parallel_loop3A_122 = arith.constant 256 : i32
        %parallel_loop3A_123 = arith.constant 1 : i32
        scf.for %parallel_loop3A_141 = %parallel_loop3A to %parallel_loop3A_122 step %parallel_loop3A_123  : i32 {
          %parallel_loop3A_142 = arith.constant 4 : i32
          %parallel_loop3A_143 = arith.shrui %parallel_loop3A_141, %parallel_loop3A_142 : i32
          %parallel_loop3A_144 = arith.constant 15 : i32
          %parallel_loop3A_145 = arith.andi %parallel_loop3A_141, %parallel_loop3A_144 : i32
          %parallel_loop3A_146 = arith.constant 16 : i32
          %parallel_loop3A_147 = arith.muli %parallel_loop3A_143, %parallel_loop3A_146 : i32
          %parallel_loop3A_148 = vector.broadcast %parallel_loop3A_147 : i32 to vector<16xi32>
          %parallel_loop3A_149 = arith.addi %parallel_loop3A_148, %iota3A : vector<16xi32>
          %parallel_loop3A_150 = vector.broadcast %parallel_loop3A_145 : i32 to vector<16xi32>
          %parallel_loop3A_151 = arith.addi %iota3A, %parallel_loop3A_150 : vector<16xi32>
          %parallel_loop3A_152 = arith.constant 15 : i32
          %parallel_loop3A_153 = vector.broadcast %parallel_loop3A_152 : i32 to vector<16xi32>
          %parallel_loop3A_154 = arith.andi %parallel_loop3A_151, %parallel_loop3A_153 : vector<16xi32>
          %parallel_loop3A_155 = arith.constant 1 : i32
          %parallel_loop3A_156 = vector.broadcast %parallel_loop3A_155 : i32 to vector<16xi32>
          %parallel_loop3A_157 = arith.shrui %parallel_loop3A_149, %parallel_loop3A_156 : vector<16xi32>
          %parallel_loop3A_158 = arith.constant 1 : i32
          %parallel_loop3A_159 = vector.broadcast %parallel_loop3A_158 : i32 to vector<16xi32>
          %parallel_loop3A_160 = arith.andi %parallel_loop3A_149, %parallel_loop3A_159 : vector<16xi32>
          %parallel_loop3A_161 = arith.constant 64 : i32
          %parallel_loop3A_162 = vector.broadcast %parallel_loop3A_161 : i32 to vector<16xi32>
          %parallel_loop3A_163 = arith.muli %parallel_loop3A_160, %parallel_loop3A_162 : vector<16xi32>
          %parallel_loop3A_164 = arith.constant 0 : i32
          %parallel_loop3A_165 = vector.broadcast %parallel_loop3A_164 : i32 to vector<16xi32>
          %parallel_loop3A_166 = arith.addi %parallel_loop3A_165, %parallel_loop3A_154 : vector<16xi32>
          %parallel_loop3A_167 = tpu.vector_load_idx %arg4[%parallel_loop3A_166, %parallel_loop3A_149] : memref<64x256xf32, #tpu.memory_space<vmem>>[vector<16xi32>, vector<16xi32>], vector<16xf32>,
          %parallel_loop3A_168 = arith.addi %parallel_loop3A_163, %parallel_loop3A_166 : vector<16xi32>
          tpu.vector_store_idx %arg7[%parallel_loop3A_157, %parallel_loop3A_168], %parallel_loop3A_167 : memref<128x128xf32, #tpu.memory_space<vmem>>[vector<16xi32>, vector<16xi32>], vector<16xf32>,
          %parallel_loop3A_169 = arith.constant 16 : i32
          %parallel_loop3A_170 = vector.broadcast %parallel_loop3A_169 : i32 to vector<16xi32>
          %parallel_loop3A_171 = arith.addi %parallel_loop3A_170, %parallel_loop3A_154 : vector<16xi32>
          %parallel_loop3A_172 = tpu.vector_load_idx %arg4[%parallel_loop3A_171, %parallel_loop3A_149] : memref<64x256xf32, #tpu.memory_space<vmem>>[vector<16xi32>, vector<16xi32>], vector<16xf32>,
          %parallel_loop3A_173 = arith.addi %parallel_loop3A_163, %parallel_loop3A_171 : vector<16xi32>
          tpu.vector_store_idx %arg7[%parallel_loop3A_157, %parallel_loop3A_173], %parallel_loop3A_172 : memref<128x128xf32, #tpu.memory_space<vmem>>[vector<16xi32>, vector<16xi32>], vector<16xf32>,
          %parallel_loop3A_174 = arith.constant 32 : i32
          %parallel_loop3A_175 = vector.broadcast %parallel_loop3A_174 : i32 to vector<16xi32>
          %parallel_loop3A_176 = arith.addi %parallel_loop3A_175, %parallel_loop3A_154 : vector<16xi32>
          %parallel_loop3A_177 = tpu.vector_load_idx %arg4[%parallel_loop3A_176, %parallel_loop3A_149] : memref<64x256xf32, #tpu.memory_space<vmem>>[vector<16xi32>, vector<16xi32>], vector<16xf32>,
          %parallel_loop3A_178 = arith.addi %parallel_loop3A_163, %parallel_loop3A_176 : vector<16xi32>
          tpu.vector_store_idx %arg7[%parallel_loop3A_157, %parallel_loop3A_178], %parallel_loop3A_177 : memref<128x128xf32, #tpu.memory_space<vmem>>[vector<16xi32>, vector<16xi32>], vector<16xf32>,
          %parallel_loop3A_179 = arith.constant 48 : i32
          %parallel_loop3A_180 = vector.broadcast %parallel_loop3A_179 : i32 to vector<16xi32>
          %parallel_loop3A_181 = arith.addi %parallel_loop3A_180, %parallel_loop3A_154 : vector<16xi32>
          %parallel_loop3A_182 = tpu.vector_load_idx %arg4[%parallel_loop3A_181, %parallel_loop3A_149] : memref<64x256xf32, #tpu.memory_space<vmem>>[vector<16xi32>, vector<16xi32>], vector<16xf32>,
          %parallel_loop3A_183 = arith.addi %parallel_loop3A_163, %parallel_loop3A_181 : vector<16xi32>
          tpu.vector_store_idx %arg7[%parallel_loop3A_157, %parallel_loop3A_183], %parallel_loop3A_182 : memref<128x128xf32, #tpu.memory_space<vmem>>[vector<16xi32>, vector<16xi32>], vector<16xf32>,
        } {sc.loop_unroll_factor = 4 : i64, sc.parallel_access}
        %mul3A_124 = arith.constant 128 : i32
        %mul3A_125 = arith.muli %add3A_105, %mul3A_124 : i32
        %dma_start3A = arith.constant 0 : i32
        %dma_start3A_126 = arith.constant 0 : i32
        %dma_start3A_127 = tpu.memref_slice %arg7[%dma_start3A, %dma_start3A_126] : memref<128x128xf32, #tpu.memory_space<vmem>> -> memref<128x128xf32, #tpu.memory_space<vmem>>
        %dma_start3A_128 = arith.constant 0 : i32
        %dma_start3A_129 = tpu.memref_slice %arg3[%mul3A_125, %dma_start3A_128] : memref<500000x128xf32, #tpu.memory_space<hbm>> -> memref<128x128xf32, #tpu.memory_space<hbm>>
        %dma_start3A_130 = arith.constant 0 : i32
        %dma_start3A_131 = tpu.memref_slice %arg3[%mul3A_125, %dma_start3A_130] : memref<500000x128xf32, #tpu.memory_space<hbm>> -> memref<128x128xf32, #tpu.memory_space<hbm>>
        %dma_start3A_132 = arith.constant 0 : i32
        %dma_start3A_133 = arith.constant 0 : i32
        %dma_start3A_134 = tpu.memref_slice %arg7[%dma_start3A_132, %dma_start3A_133] : memref<128x128xf32, #tpu.memory_space<vmem>> -> memref<128x128xf32, #tpu.memory_space<vmem>>
        tpu.enqueue_dma source(%dma_start3A_134 : memref<128x128xf32, #tpu.memory_space<vmem>>) target(%dma_start3A_131 : memref<128x128xf32, #tpu.memory_space<hbm>>) target_semaphore(%arg13 : memref<!tpu.dma_semaphore, #tpu.memory_space<semaphore_mem>>)
        %add3A_135 = arith.constant 1 : i32
        %add3A_136 = arith.addi %add3A_83, %add3A_135 : i32
        %lt3A_137 = arith.cmpi slt, %add3A_136, %select_n3A : i32
        %convert_element_type3A_138 = arith.extui %lt3A_137 : i1 to i32
        %cond3A_139 = arith.constant 0 : i32
        %cond3A_140 = arith.cmpi ne, %convert_element_type3A_138, %cond3A_139 : i32
        scf.if %cond3A_140 {
          %add3A_141 = arith.constant 32 : i32
          %add3A_142 = arith.addi %add3A_105, %add3A_141 : i32
          %mul3A_143 = arith.constant 256 : i32
          %mul3A_144 = arith.muli %add3A_142, %mul3A_143 : i32
          %multiple_of3A = tpu.assume_multiple %mul3A_144, 128 : i32
          %dma_start3A_145 = arith.constant 0 : i32
          %dma_start3A_146 = arith.constant 0 : i32
          %dma_start3A_147 = tpu.memref_slice %arg5[%dma_start3A_145, %dma_start3A_146] : memref<64x256xf32, #tpu.memory_space<vmem>> -> memref<8x256xf32, #tpu.memory_space<vmem>>
          %dma_start3A_148 = arith.constant 0 : i32
          %dma_start3A_149 = tpu.memref_slice %arg2[%dma_start3A_148, %multiple_of3A] : memref<64x1000000xf32, #tpu.memory_space<hbm>> -> memref<8x256xf32, #tpu.memory_space<hbm>>
          %dma_start3A_150 = arith.constant 0 : i32
          %dma_start3A_151 = arith.constant 0 : i32
          %dma_start3A_152 = tpu.memref_slice %arg5[%dma_start3A_150, %dma_start3A_151] : memref<64x256xf32, #tpu.memory_space<vmem>> -> memref<8x256xf32, #tpu.memory_space<vmem>>
          %dma_start3A_153 = arith.constant 0 : i32
          %dma_start3A_154 = tpu.memref_slice %arg2[%dma_start3A_153, %multiple_of3A] : memref<64x1000000xf32, #tpu.memory_space<hbm>> -> memref<8x256xf32, #tpu.memory_space<hbm>>
          tpu.enqueue_dma source(%dma_start3A_154 : memref<8x256xf32, #tpu.memory_space<hbm>>) target(%dma_start3A_152 : memref<8x256xf32, #tpu.memory_space<vmem>>) target_semaphore(%arg11 : memref<!tpu.dma_semaphore, #tpu.memory_space<semaphore_mem>>)
          %dma_start3A_155 = arith.constant 8 : i32
          %dma_start3A_156 = arith.constant 0 : i32
          %dma_start3A_157 = tpu.memref_slice %arg5[%dma_start3A_155, %dma_start3A_156] : memref<64x256xf32, #tpu.memory_space<vmem>> -> memref<8x256xf32, #tpu.memory_space<vmem>>
          %dma_start3A_158 = arith.constant 8 : i32
          %dma_start3A_159 = tpu.memref_slice %arg2[%dma_start3A_158, %multiple_of3A] : memref<64x1000000xf32, #tpu.memory_space<hbm>> -> memref<8x256xf32, #tpu.memory_space<hbm>>
          %dma_start3A_160 = arith.constant 8 : i32
          %dma_start3A_161 = arith.constant 0 : i32
          %dma_start3A_162 = tpu.memref_slice %arg5[%dma_start3A_160, %dma_start3A_161] : memref<64x256xf32, #tpu.memory_space<vmem>> -> memref<8x256xf32, #tpu.memory_space<vmem>>
          %dma_start3A_163 = arith.constant 8 : i32
          %dma_start3A_164 = tpu.memref_slice %arg2[%dma_start3A_163, %multiple_of3A] : memref<64x1000000xf32, #tpu.memory_space<hbm>> -> memref<8x256xf32, #tpu.memory_space<hbm>>
          tpu.enqueue_dma source(%dma_start3A_164 : memref<8x256xf32, #tpu.memory_space<hbm>>) target(%dma_start3A_162 : memref<8x256xf32, #tpu.memory_space<vmem>>) target_semaphore(%arg11 : memref<!tpu.dma_semaphore, #tpu.memory_space<semaphore_mem>>)
          %dma_start3A_165 = arith.constant 16 : i32
          %dma_start3A_166 = arith.constant 0 : i32
          %dma_start3A_167 = tpu.memref_slice %arg5[%dma_start3A_165, %dma_start3A_166] : memref<64x256xf32, #tpu.memory_space<vmem>> -> memref<8x256xf32, #tpu.memory_space<vmem>>
          %dma_start3A_168 = arith.constant 16 : i32
          %dma_start3A_169 = tpu.memref_slice %arg2[%dma_start3A_168, %multiple_of3A] : memref<64x1000000xf32, #tpu.memory_space<hbm>> -> memref<8x256xf32, #tpu.memory_space<hbm>>
          %dma_start3A_170 = arith.constant 16 : i32
          %dma_start3A_171 = arith.constant 0 : i32
          %dma_start3A_172 = tpu.memref_slice %arg5[%dma_start3A_170, %dma_start3A_171] : memref<64x256xf32, #tpu.memory_space<vmem>> -> memref<8x256xf32, #tpu.memory_space<vmem>>
          %dma_start3A_173 = arith.constant 16 : i32
          %dma_start3A_174 = tpu.memref_slice %arg2[%dma_start3A_173, %multiple_of3A] : memref<64x1000000xf32, #tpu.memory_space<hbm>> -> memref<8x256xf32, #tpu.memory_space<hbm>>
          tpu.enqueue_dma source(%dma_start3A_174 : memref<8x256xf32, #tpu.memory_space<hbm>>) target(%dma_start3A_172 : memref<8x256xf32, #tpu.memory_space<vmem>>) target_semaphore(%arg11 : memref<!tpu.dma_semaphore, #tpu.memory_space<semaphore_mem>>)
          %dma_start3A_175 = arith.constant 24 : i32
          %dma_start3A_176 = arith.constant 0 : i32
          %dma_start3A_177 = tpu.memref_slice %arg5[%dma_start3A_175, %dma_start3A_176] : memref<64x256xf32, #tpu.memory_space<vmem>> -> memref<8x256xf32, #tpu.memory_space<vmem>>
          %dma_start3A_178 = arith.constant 24 : i32
          %dma_start3A_179 = tpu.memref_slice %arg2[%dma_start3A_178, %multiple_of3A] : memref<64x1000000xf32, #tpu.memory_space<hbm>> -> memref<8x256xf32, #tpu.memory_space<hbm>>
          %dma_start3A_180 = arith.constant 24 : i32
          %dma_start3A_181 = arith.constant 0 : i32
          %dma_start3A_182 = tpu.memref_slice %arg5[%dma_start3A_180, %dma_start3A_181] : memref<64x256xf32, #tpu.memory_space<vmem>> -> memref<8x256xf32, #tpu.memory_space<vmem>>
          %dma_start3A_183 = arith.constant 24 : i32
          %dma_start3A_184 = tpu.memref_slice %arg2[%dma_start3A_183, %multiple_of3A] : memref<64x1000000xf32, #tpu.memory_space<hbm>> -> memref<8x256xf32, #tpu.memory_space<hbm>>
          tpu.enqueue_dma source(%dma_start3A_184 : memref<8x256xf32, #tpu.memory_space<hbm>>) target(%dma_start3A_182 : memref<8x256xf32, #tpu.memory_space<vmem>>) target_semaphore(%arg11 : memref<!tpu.dma_semaphore, #tpu.memory_space<semaphore_mem>>)
          %dma_start3A_185 = arith.constant 32 : i32
          %dma_start3A_186 = arith.constant 0 : i32
          %dma_start3A_187 = tpu.memref_slice %arg5[%dma_start3A_185, %dma_start3A_186] : memref<64x256xf32, #tpu.memory_space<vmem>> -> memref<8x256xf32, #tpu.memory_space<vmem>>
          %dma_start3A_188 = arith.constant 32 : i32
          %dma_start3A_189 = tpu.memref_slice %arg2[%dma_start3A_188, %multiple_of3A] : memref<64x1000000xf32, #tpu.memory_space<hbm>> -> memref<8x256xf32, #tpu.memory_space<hbm>>
          %dma_start3A_190 = arith.constant 32 : i32
          %dma_start3A_191 = arith.constant 0 : i32
          %dma_start3A_192 = tpu.memref_slice %arg5[%dma_start3A_190, %dma_start3A_191] : memref<64x256xf32, #tpu.memory_space<vmem>> -> memref<8x256xf32, #tpu.memory_space<vmem>>
          %dma_start3A_193 = arith.constant 32 : i32
          %dma_start3A_194 = tpu.memref_slice %arg2[%dma_start3A_193, %multiple_of3A] : memref<64x1000000xf32, #tpu.memory_space<hbm>> -> memref<8x256xf32, #tpu.memory_space<hbm>>
          tpu.enqueue_dma source(%dma_start3A_194 : memref<8x256xf32, #tpu.memory_space<hbm>>) target(%dma_start3A_192 : memref<8x256xf32, #tpu.memory_space<vmem>>) target_semaphore(%arg11 : memref<!tpu.dma_semaphore, #tpu.memory_space<semaphore_mem>>)
          %dma_start3A_195 = arith.constant 40 : i32
          %dma_start3A_196 = arith.constant 0 : i32
          %dma_start3A_197 = tpu.memref_slice %arg5[%dma_start3A_195, %dma_start3A_196] : memref<64x256xf32, #tpu.memory_space<vmem>> -> memref<8x256xf32, #tpu.memory_space<vmem>>
          %dma_start3A_198 = arith.constant 40 : i32
          %dma_start3A_199 = tpu.memref_slice %arg2[%dma_start3A_198, %multiple_of3A] : memref<64x1000000xf32, #tpu.memory_space<hbm>> -> memref<8x256xf32, #tpu.memory_space<hbm>>
          %dma_start3A_200 = arith.constant 40 : i32
          %dma_start3A_201 = arith.constant 0 : i32
          %dma_start3A_202 = tpu.memref_slice %arg5[%dma_start3A_200, %dma_start3A_201] : memref<64x256xf32, #tpu.memory_space<vmem>> -> memref<8x256xf32, #tpu.memory_space<vmem>>
          %dma_start3A_203 = arith.constant 40 : i32
          %dma_start3A_204 = tpu.memref_slice %arg2[%dma_start3A_203, %multiple_of3A] : memref<64x1000000xf32, #tpu.memory_space<hbm>> -> memref<8x256xf32, #tpu.memory_space<hbm>>
          tpu.enqueue_dma source(%dma_start3A_204 : memref<8x256xf32, #tpu.memory_space<hbm>>) target(%dma_start3A_202 : memref<8x256xf32, #tpu.memory_space<vmem>>) target_semaphore(%arg11 : memref<!tpu.dma_semaphore, #tpu.memory_space<semaphore_mem>>)
          %dma_start3A_205 = arith.constant 48 : i32
          %dma_start3A_206 = arith.constant 0 : i32
          %dma_start3A_207 = tpu.memref_slice %arg5[%dma_start3A_205, %dma_start3A_206] : memref<64x256xf32, #tpu.memory_space<vmem>> -> memref<8x256xf32, #tpu.memory_space<vmem>>
          %dma_start3A_208 = arith.constant 48 : i32
          %dma_start3A_209 = tpu.memref_slice %arg2[%dma_start3A_208, %multiple_of3A] : memref<64x1000000xf32, #tpu.memory_space<hbm>> -> memref<8x256xf32, #tpu.memory_space<hbm>>
          %dma_start3A_210 = arith.constant 48 : i32
          %dma_start3A_211 = arith.constant 0 : i32
          %dma_start3A_212 = tpu.memref_slice %arg5[%dma_start3A_210, %dma_start3A_211] : memref<64x256xf32, #tpu.memory_space<vmem>> -> memref<8x256xf32, #tpu.memory_space<vmem>>
          %dma_start3A_213 = arith.constant 48 : i32
          %dma_start3A_214 = tpu.memref_slice %arg2[%dma_start3A_213, %multiple_of3A] : memref<64x1000000xf32, #tpu.memory_space<hbm>> -> memref<8x256xf32, #tpu.memory_space<hbm>>
          tpu.enqueue_dma source(%dma_start3A_214 : memref<8x256xf32, #tpu.memory_space<hbm>>) target(%dma_start3A_212 : memref<8x256xf32, #tpu.memory_space<vmem>>) target_semaphore(%arg11 : memref<!tpu.dma_semaphore, #tpu.memory_space<semaphore_mem>>)
          %dma_start3A_215 = arith.constant 56 : i32
          %dma_start3A_216 = arith.constant 0 : i32
          %dma_start3A_217 = tpu.memref_slice %arg5[%dma_start3A_215, %dma_start3A_216] : memref<64x256xf32, #tpu.memory_space<vmem>> -> memref<8x256xf32, #tpu.memory_space<vmem>>
          %dma_start3A_218 = arith.constant 56 : i32
          %dma_start3A_219 = tpu.memref_slice %arg2[%dma_start3A_218, %multiple_of3A] : memref<64x1000000xf32, #tpu.memory_space<hbm>> -> memref<8x256xf32, #tpu.memory_space<hbm>>
          %dma_start3A_220 = arith.constant 56 : i32
          %dma_start3A_221 = arith.constant 0 : i32
          %dma_start3A_222 = tpu.memref_slice %arg5[%dma_start3A_220, %dma_start3A_221] : memref<64x256xf32, #tpu.memory_space<vmem>> -> memref<8x256xf32, #tpu.memory_space<vmem>>
          %dma_start3A_223 = arith.constant 56 : i32
          %dma_start3A_224 = tpu.memref_slice %arg2[%dma_start3A_223, %multiple_of3A] : memref<64x1000000xf32, #tpu.memory_space<hbm>> -> memref<8x256xf32, #tpu.memory_space<hbm>>
          tpu.enqueue_dma source(%dma_start3A_224 : memref<8x256xf32, #tpu.memory_space<hbm>>) target(%dma_start3A_222 : memref<8x256xf32, #tpu.memory_space<vmem>>) target_semaphore(%arg11 : memref<!tpu.dma_semaphore, #tpu.memory_space<semaphore_mem>>)
        } else {
        }
      } else {
      }
      %mul3A_87 = arith.constant 3 : i32
      %mul3A_88 = arith.muli %while3A_79, %mul3A_87 : i32
      %add3A_89 = arith.constant 1 : i32
      %add3A_90 = arith.addi %mul3A_88, %add3A_89 : i32
      %lt3A_91 = arith.cmpi slt, %add3A_90, %select_n3A : i32
      %convert_element_type3A_92 = arith.extui %lt3A_91 : i1 to i32
      %cond3A_93 = arith.constant 0 : i32
      %cond3A_94 = arith.cmpi ne, %convert_element_type3A_92, %cond3A_93 : i32
      scf.if %cond3A_94 {
        %mul3A_103 = arith.constant 32 : i32
        %mul3A_104 = arith.muli %add3A_90, %mul3A_103 : i32
        %add3A_105 = arith.addi %add3A, %mul3A_104 : i32
        %gt3A_106 = arith.constant 2 : i32
        %gt3A_107 = arith.cmpi sgt, %add3A_90, %gt3A_106 : i32
        %convert_element_type3A_108 = arith.extui %gt3A_107 : i1 to i32
        %cond3A_109 = arith.constant 0 : i32
        %cond3A_110 = arith.cmpi ne, %convert_element_type3A_108, %cond3A_109 : i32
        scf.if %cond3A_110 {
          %dma_wait3A_141 = arith.constant 0 : i32
          %dma_wait3A_142 = arith.constant 0 : i32
          %dma_wait3A_143 = tpu.memref_slice %arg8[%dma_wait3A_141, %dma_wait3A_142] : memref<128x128xf32, #tpu.memory_space<vmem>> -> memref<128x128xf32, #tpu.memory_space<vmem>>
          %dma_wait3A_144 = arith.constant 0 : i32
          %dma_wait3A_145 = arith.constant 0 : i32
          %dma_wait3A_146 = tpu.memref_slice %arg3[%dma_wait3A_144, %dma_wait3A_145] : memref<500000x128xf32, #tpu.memory_space<hbm>> -> memref<128x128xf32, #tpu.memory_space<hbm>>
          %dma_wait3A_147 = arith.constant 0 : i32
          %dma_wait3A_148 = arith.constant 0 : i32
          %dma_wait3A_149 = tpu.memref_slice %arg8[%dma_wait3A_147, %dma_wait3A_148] : memref<128x128xf32, #tpu.memory_space<vmem>> -> memref<128x128xf32, #tpu.memory_space<vmem>>
          %dma_wait3A_150 = arith.constant 0 : i32
          %dma_wait3A_151 = arith.constant 0 : i32
          %dma_wait3A_152 = tpu.memref_slice %arg3[%dma_wait3A_150, %dma_wait3A_151] : memref<500000x128xf32, #tpu.memory_space<hbm>> -> memref<128x128xf32, #tpu.memory_space<hbm>>
          tpu.wait_dma2 semaphore(%arg14 : memref<!tpu.dma_semaphore, #tpu.memory_space<semaphore_mem>>) src(%dma_wait3A_152 : memref<128x128xf32, #tpu.memory_space<hbm>>) dst(%dma_wait3A_149 : memref<128x128xf32, #tpu.memory_space<vmem>>)
        } else {
        }
        %dma_wait3A = arith.constant 0 : i32
        %dma_wait3A_111 = arith.constant 0 : i32
        %dma_wait3A_112 = tpu.memref_slice %arg5[%dma_wait3A, %dma_wait3A_111] : memref<64x256xf32, #tpu.memory_space<vmem>> -> memref<64x256xf32, #tpu.memory_space<vmem>>
        %dma_wait3A_113 = arith.constant 0 : i32
        %dma_wait3A_114 = arith.constant 0 : i32
        %dma_wait3A_115 = tpu.memref_slice %arg3[%dma_wait3A_113, %dma_wait3A_114] : memref<500000x128xf32, #tpu.memory_space<hbm>> -> memref<32x128xf32, #tpu.memory_space<hbm>>
        %dma_wait3A_116 = arith.constant 0 : i32
        %dma_wait3A_117 = arith.constant 0 : i32
        %dma_wait3A_118 = tpu.memref_slice %arg5[%dma_wait3A_116, %dma_wait3A_117] : memref<64x256xf32, #tpu.memory_space<vmem>> -> memref<64x256xf32, #tpu.memory_space<vmem>>
        %dma_wait3A_119 = arith.constant 0 : i32
        %dma_wait3A_120 = arith.constant 0 : i32
        %dma_wait3A_121 = tpu.memref_slice %arg3[%dma_wait3A_119, %dma_wait3A_120] : memref<500000x128xf32, #tpu.memory_space<hbm>> -> memref<32x128xf32, #tpu.memory_space<hbm>>
        tpu.wait_dma2 semaphore(%arg11 : memref<!tpu.dma_semaphore, #tpu.memory_space<semaphore_mem>>) src(%dma_wait3A_121 : memref<32x128xf32, #tpu.memory_space<hbm>>) dst(%dma_wait3A_118 : memref<64x256xf32, #tpu.memory_space<vmem>>)
        %parallel_loop3A = arith.constant 0 : i32
        %parallel_loop3A_122 = arith.constant 256 : i32
        %parallel_loop3A_123 = arith.constant 1 : i32
        scf.for %parallel_loop3A_141 = %parallel_loop3A to %parallel_loop3A_122 step %parallel_loop3A_123  : i32 {
          %parallel_loop3A_142 = arith.constant 4 : i32
          %parallel_loop3A_143 = arith.shrui %parallel_loop3A_141, %parallel_loop3A_142 : i32
          %parallel_loop3A_144 = arith.constant 15 : i32
          %parallel_loop3A_145 = arith.andi %parallel_loop3A_141, %parallel_loop3A_144 : i32
          %parallel_loop3A_146 = arith.constant 16 : i32
          %parallel_loop3A_147 = arith.muli %parallel_loop3A_143, %parallel_loop3A_146 : i32
          %parallel_loop3A_148 = vector.broadcast %parallel_loop3A_147 : i32 to vector<16xi32>
          %parallel_loop3A_149 = arith.addi %parallel_loop3A_148, %iota3A : vector<16xi32>
          %parallel_loop3A_150 = vector.broadcast %parallel_loop3A_145 : i32 to vector<16xi32>
          %parallel_loop3A_151 = arith.addi %iota3A, %parallel_loop3A_150 : vector<16xi32>
          %parallel_loop3A_152 = arith.constant 15 : i32
          %parallel_loop3A_153 = vector.broadcast %parallel_loop3A_152 : i32 to vector<16xi32>
          %parallel_loop3A_154 = arith.andi %parallel_loop3A_151, %parallel_loop3A_153 : vector<16xi32>
          %parallel_loop3A_155 = arith.constant 1 : i32
          %parallel_loop3A_156 = vector.broadcast %parallel_loop3A_155 : i32 to vector<16xi32>
          %parallel_loop3A_157 = arith.shrui %parallel_loop3A_149, %parallel_loop3A_156 : vector<16xi32>
          %parallel_loop3A_158 = arith.constant 1 : i32
          %parallel_loop3A_159 = vector.broadcast %parallel_loop3A_158 : i32 to vector<16xi32>
          %parallel_loop3A_160 = arith.andi %parallel_loop3A_149, %parallel_loop3A_159 : vector<16xi32>
          %parallel_loop3A_161 = arith.constant 64 : i32
          %parallel_loop3A_162 = vector.broadcast %parallel_loop3A_161 : i32 to vector<16xi32>
          %parallel_loop3A_163 = arith.muli %parallel_loop3A_160, %parallel_loop3A_162 : vector<16xi32>
          %parallel_loop3A_164 = arith.constant 0 : i32
          %parallel_loop3A_165 = vector.broadcast %parallel_loop3A_164 : i32 to vector<16xi32>
          %parallel_loop3A_166 = arith.addi %parallel_loop3A_165, %parallel_loop3A_154 : vector<16xi32>
          %parallel_loop3A_167 = tpu.vector_load_idx %arg5[%parallel_loop3A_166, %parallel_loop3A_149] : memref<64x256xf32, #tpu.memory_space<vmem>>[vector<16xi32>, vector<16xi32>], vector<16xf32>,
          %parallel_loop3A_168 = arith.addi %parallel_loop3A_163, %parallel_loop3A_166 : vector<16xi32>
          tpu.vector_store_idx %arg8[%parallel_loop3A_157, %parallel_loop3A_168], %parallel_loop3A_167 : memref<128x128xf32, #tpu.memory_space<vmem>>[vector<16xi32>, vector<16xi32>], vector<16xf32>,
          %parallel_loop3A_169 = arith.constant 16 : i32
          %parallel_loop3A_170 = vector.broadcast %parallel_loop3A_169 : i32 to vector<16xi32>
          %parallel_loop3A_171 = arith.addi %parallel_loop3A_170, %parallel_loop3A_154 : vector<16xi32>
          %parallel_loop3A_172 = tpu.vector_load_idx %arg5[%parallel_loop3A_171, %parallel_loop3A_149] : memref<64x256xf32, #tpu.memory_space<vmem>>[vector<16xi32>, vector<16xi32>], vector<16xf32>,
          %parallel_loop3A_173 = arith.addi %parallel_loop3A_163, %parallel_loop3A_171 : vector<16xi32>
          tpu.vector_store_idx %arg8[%parallel_loop3A_157, %parallel_loop3A_173], %parallel_loop3A_172 : memref<128x128xf32, #tpu.memory_space<vmem>>[vector<16xi32>, vector<16xi32>], vector<16xf32>,
          %parallel_loop3A_174 = arith.constant 32 : i32
          %parallel_loop3A_175 = vector.broadcast %parallel_loop3A_174 : i32 to vector<16xi32>
          %parallel_loop3A_176 = arith.addi %parallel_loop3A_175, %parallel_loop3A_154 : vector<16xi32>
          %parallel_loop3A_177 = tpu.vector_load_idx %arg5[%parallel_loop3A_176, %parallel_loop3A_149] : memref<64x256xf32, #tpu.memory_space<vmem>>[vector<16xi32>, vector<16xi32>], vector<16xf32>,
          %parallel_loop3A_178 = arith.addi %parallel_loop3A_163, %parallel_loop3A_176 : vector<16xi32>
          tpu.vector_store_idx %arg8[%parallel_loop3A_157, %parallel_loop3A_178], %parallel_loop3A_177 : memref<128x128xf32, #tpu.memory_space<vmem>>[vector<16xi32>, vector<16xi32>], vector<16xf32>,
          %parallel_loop3A_179 = arith.constant 48 : i32
          %parallel_loop3A_180 = vector.broadcast %parallel_loop3A_179 : i32 to vector<16xi32>
          %parallel_loop3A_181 = arith.addi %parallel_loop3A_180, %parallel_loop3A_154 : vector<16xi32>
          %parallel_loop3A_182 = tpu.vector_load_idx %arg5[%parallel_loop3A_181, %parallel_loop3A_149] : memref<64x256xf32, #tpu.memory_space<vmem>>[vector<16xi32>, vector<16xi32>], vector<16xf32>,
          %parallel_loop3A_183 = arith.addi %parallel_loop3A_163, %parallel_loop3A_181 : vector<16xi32>
          tpu.vector_store_idx %arg8[%parallel_loop3A_157, %parallel_loop3A_183], %parallel_loop3A_182 : memref<128x128xf32, #tpu.memory_space<vmem>>[vector<16xi32>, vector<16xi32>], vector<16xf32>,
        } {sc.loop_unroll_factor = 4 : i64, sc.parallel_access}
        %mul3A_124 = arith.constant 128 : i32
        %mul3A_125 = arith.muli %add3A_105, %mul3A_124 : i32
        %dma_start3A = arith.constant 0 : i32
        %dma_start3A_126 = arith.constant 0 : i32
        %dma_start3A_127 = tpu.memref_slice %arg8[%dma_start3A, %dma_start3A_126] : memref<128x128xf32, #tpu.memory_space<vmem>> -> memref<128x128xf32, #tpu.memory_space<vmem>>
        %dma_start3A_128 = arith.constant 0 : i32
        %dma_start3A_129 = tpu.memref_slice %arg3[%mul3A_125, %dma_start3A_128] : memref<500000x128xf32, #tpu.memory_space<hbm>> -> memref<128x128xf32, #tpu.memory_space<hbm>>
        %dma_start3A_130 = arith.constant 0 : i32
        %dma_start3A_131 = tpu.memref_slice %arg3[%mul3A_125, %dma_start3A_130] : memref<500000x128xf32, #tpu.memory_space<hbm>> -> memref<128x128xf32, #tpu.memory_space<hbm>>
        %dma_start3A_132 = arith.constant 0 : i32
        %dma_start3A_133 = arith.constant 0 : i32
        %dma_start3A_134 = tpu.memref_slice %arg8[%dma_start3A_132, %dma_start3A_133] : memref<128x128xf32, #tpu.memory_space<vmem>> -> memref<128x128xf32, #tpu.memory_space<vmem>>
        tpu.enqueue_dma source(%dma_start3A_134 : memref<128x128xf32, #tpu.memory_space<vmem>>) target(%dma_start3A_131 : memref<128x128xf32, #tpu.memory_space<hbm>>) target_semaphore(%arg14 : memref<!tpu.dma_semaphore, #tpu.memory_space<semaphore_mem>>)
        %add3A_135 = arith.constant 1 : i32
        %add3A_136 = arith.addi %add3A_90, %add3A_135 : i32
        %lt3A_137 = arith.cmpi slt, %add3A_136, %select_n3A : i32
        %convert_element_type3A_138 = arith.extui %lt3A_137 : i1 to i32
        %cond3A_139 = arith.constant 0 : i32
        %cond3A_140 = arith.cmpi ne, %convert_element_type3A_138, %cond3A_139 : i32
        scf.if %cond3A_140 {
          %add3A_141 = arith.constant 32 : i32
          %add3A_142 = arith.addi %add3A_105, %add3A_141 : i32
          %mul3A_143 = arith.constant 256 : i32
          %mul3A_144 = arith.muli %add3A_142, %mul3A_143 : i32
          %multiple_of3A = tpu.assume_multiple %mul3A_144, 128 : i32
          %dma_start3A_145 = arith.constant 0 : i32
          %dma_start3A_146 = arith.constant 0 : i32
          %dma_start3A_147 = tpu.memref_slice %arg6[%dma_start3A_145, %dma_start3A_146] : memref<64x256xf32, #tpu.memory_space<vmem>> -> memref<8x256xf32, #tpu.memory_space<vmem>>
          %dma_start3A_148 = arith.constant 0 : i32
          %dma_start3A_149 = tpu.memref_slice %arg2[%dma_start3A_148, %multiple_of3A] : memref<64x1000000xf32, #tpu.memory_space<hbm>> -> memref<8x256xf32, #tpu.memory_space<hbm>>
          %dma_start3A_150 = arith.constant 0 : i32
          %dma_start3A_151 = arith.constant 0 : i32
          %dma_start3A_152 = tpu.memref_slice %arg6[%dma_start3A_150, %dma_start3A_151] : memref<64x256xf32, #tpu.memory_space<vmem>> -> memref<8x256xf32, #tpu.memory_space<vmem>>
          %dma_start3A_153 = arith.constant 0 : i32
          %dma_start3A_154 = tpu.memref_slice %arg2[%dma_start3A_153, %multiple_of3A] : memref<64x1000000xf32, #tpu.memory_space<hbm>> -> memref<8x256xf32, #tpu.memory_space<hbm>>
          tpu.enqueue_dma source(%dma_start3A_154 : memref<8x256xf32, #tpu.memory_space<hbm>>) target(%dma_start3A_152 : memref<8x256xf32, #tpu.memory_space<vmem>>) target_semaphore(%arg12 : memref<!tpu.dma_semaphore, #tpu.memory_space<semaphore_mem>>)
          %dma_start3A_155 = arith.constant 8 : i32
          %dma_start3A_156 = arith.constant 0 : i32
          %dma_start3A_157 = tpu.memref_slice %arg6[%dma_start3A_155, %dma_start3A_156] : memref<64x256xf32, #tpu.memory_space<vmem>> -> memref<8x256xf32, #tpu.memory_space<vmem>>
          %dma_start3A_158 = arith.constant 8 : i32
          %dma_start3A_159 = tpu.memref_slice %arg2[%dma_start3A_158, %multiple_of3A] : memref<64x1000000xf32, #tpu.memory_space<hbm>> -> memref<8x256xf32, #tpu.memory_space<hbm>>
          %dma_start3A_160 = arith.constant 8 : i32
          %dma_start3A_161 = arith.constant 0 : i32
          %dma_start3A_162 = tpu.memref_slice %arg6[%dma_start3A_160, %dma_start3A_161] : memref<64x256xf32, #tpu.memory_space<vmem>> -> memref<8x256xf32, #tpu.memory_space<vmem>>
          %dma_start3A_163 = arith.constant 8 : i32
          %dma_start3A_164 = tpu.memref_slice %arg2[%dma_start3A_163, %multiple_of3A] : memref<64x1000000xf32, #tpu.memory_space<hbm>> -> memref<8x256xf32, #tpu.memory_space<hbm>>
          tpu.enqueue_dma source(%dma_start3A_164 : memref<8x256xf32, #tpu.memory_space<hbm>>) target(%dma_start3A_162 : memref<8x256xf32, #tpu.memory_space<vmem>>) target_semaphore(%arg12 : memref<!tpu.dma_semaphore, #tpu.memory_space<semaphore_mem>>)
          %dma_start3A_165 = arith.constant 16 : i32
          %dma_start3A_166 = arith.constant 0 : i32
          %dma_start3A_167 = tpu.memref_slice %arg6[%dma_start3A_165, %dma_start3A_166] : memref<64x256xf32, #tpu.memory_space<vmem>> -> memref<8x256xf32, #tpu.memory_space<vmem>>
          %dma_start3A_168 = arith.constant 16 : i32
          %dma_start3A_169 = tpu.memref_slice %arg2[%dma_start3A_168, %multiple_of3A] : memref<64x1000000xf32, #tpu.memory_space<hbm>> -> memref<8x256xf32, #tpu.memory_space<hbm>>
          %dma_start3A_170 = arith.constant 16 : i32
          %dma_start3A_171 = arith.constant 0 : i32
          %dma_start3A_172 = tpu.memref_slice %arg6[%dma_start3A_170, %dma_start3A_171] : memref<64x256xf32, #tpu.memory_space<vmem>> -> memref<8x256xf32, #tpu.memory_space<vmem>>
          %dma_start3A_173 = arith.constant 16 : i32
          %dma_start3A_174 = tpu.memref_slice %arg2[%dma_start3A_173, %multiple_of3A] : memref<64x1000000xf32, #tpu.memory_space<hbm>> -> memref<8x256xf32, #tpu.memory_space<hbm>>
          tpu.enqueue_dma source(%dma_start3A_174 : memref<8x256xf32, #tpu.memory_space<hbm>>) target(%dma_start3A_172 : memref<8x256xf32, #tpu.memory_space<vmem>>) target_semaphore(%arg12 : memref<!tpu.dma_semaphore, #tpu.memory_space<semaphore_mem>>)
          %dma_start3A_175 = arith.constant 24 : i32
          %dma_start3A_176 = arith.constant 0 : i32
          %dma_start3A_177 = tpu.memref_slice %arg6[%dma_start3A_175, %dma_start3A_176] : memref<64x256xf32, #tpu.memory_space<vmem>> -> memref<8x256xf32, #tpu.memory_space<vmem>>
          %dma_start3A_178 = arith.constant 24 : i32
          %dma_start3A_179 = tpu.memref_slice %arg2[%dma_start3A_178, %multiple_of3A] : memref<64x1000000xf32, #tpu.memory_space<hbm>> -> memref<8x256xf32, #tpu.memory_space<hbm>>
          %dma_start3A_180 = arith.constant 24 : i32
          %dma_start3A_181 = arith.constant 0 : i32
          %dma_start3A_182 = tpu.memref_slice %arg6[%dma_start3A_180, %dma_start3A_181] : memref<64x256xf32, #tpu.memory_space<vmem>> -> memref<8x256xf32, #tpu.memory_space<vmem>>
          %dma_start3A_183 = arith.constant 24 : i32
          %dma_start3A_184 = tpu.memref_slice %arg2[%dma_start3A_183, %multiple_of3A] : memref<64x1000000xf32, #tpu.memory_space<hbm>> -> memref<8x256xf32, #tpu.memory_space<hbm>>
          tpu.enqueue_dma source(%dma_start3A_184 : memref<8x256xf32, #tpu.memory_space<hbm>>) target(%dma_start3A_182 : memref<8x256xf32, #tpu.memory_space<vmem>>) target_semaphore(%arg12 : memref<!tpu.dma_semaphore, #tpu.memory_space<semaphore_mem>>)
          %dma_start3A_185 = arith.constant 32 : i32
          %dma_start3A_186 = arith.constant 0 : i32
          %dma_start3A_187 = tpu.memref_slice %arg6[%dma_start3A_185, %dma_start3A_186] : memref<64x256xf32, #tpu.memory_space<vmem>> -> memref<8x256xf32, #tpu.memory_space<vmem>>
          %dma_start3A_188 = arith.constant 32 : i32
          %dma_start3A_189 = tpu.memref_slice %arg2[%dma_start3A_188, %multiple_of3A] : memref<64x1000000xf32, #tpu.memory_space<hbm>> -> memref<8x256xf32, #tpu.memory_space<hbm>>
          %dma_start3A_190 = arith.constant 32 : i32
          %dma_start3A_191 = arith.constant 0 : i32
          %dma_start3A_192 = tpu.memref_slice %arg6[%dma_start3A_190, %dma_start3A_191] : memref<64x256xf32, #tpu.memory_space<vmem>> -> memref<8x256xf32, #tpu.memory_space<vmem>>
          %dma_start3A_193 = arith.constant 32 : i32
          %dma_start3A_194 = tpu.memref_slice %arg2[%dma_start3A_193, %multiple_of3A] : memref<64x1000000xf32, #tpu.memory_space<hbm>> -> memref<8x256xf32, #tpu.memory_space<hbm>>
          tpu.enqueue_dma source(%dma_start3A_194 : memref<8x256xf32, #tpu.memory_space<hbm>>) target(%dma_start3A_192 : memref<8x256xf32, #tpu.memory_space<vmem>>) target_semaphore(%arg12 : memref<!tpu.dma_semaphore, #tpu.memory_space<semaphore_mem>>)
          %dma_start3A_195 = arith.constant 40 : i32
          %dma_start3A_196 = arith.constant 0 : i32
          %dma_start3A_197 = tpu.memref_slice %arg6[%dma_start3A_195, %dma_start3A_196] : memref<64x256xf32, #tpu.memory_space<vmem>> -> memref<8x256xf32, #tpu.memory_space<vmem>>
          %dma_start3A_198 = arith.constant 40 : i32
          %dma_start3A_199 = tpu.memref_slice %arg2[%dma_start3A_198, %multiple_of3A] : memref<64x1000000xf32, #tpu.memory_space<hbm>> -> memref<8x256xf32, #tpu.memory_space<hbm>>
          %dma_start3A_200 = arith.constant 40 : i32
          %dma_start3A_201 = arith.constant 0 : i32
          %dma_start3A_202 = tpu.memref_slice %arg6[%dma_start3A_200, %dma_start3A_201] : memref<64x256xf32, #tpu.memory_space<vmem>> -> memref<8x256xf32, #tpu.memory_space<vmem>>
          %dma_start3A_203 = arith.constant 40 : i32
          %dma_start3A_204 = tpu.memref_slice %arg2[%dma_start3A_203, %multiple_of3A] : memref<64x1000000xf32, #tpu.memory_space<hbm>> -> memref<8x256xf32, #tpu.memory_space<hbm>>
          tpu.enqueue_dma source(%dma_start3A_204 : memref<8x256xf32, #tpu.memory_space<hbm>>) target(%dma_start3A_202 : memref<8x256xf32, #tpu.memory_space<vmem>>) target_semaphore(%arg12 : memref<!tpu.dma_semaphore, #tpu.memory_space<semaphore_mem>>)
          %dma_start3A_205 = arith.constant 48 : i32
          %dma_start3A_206 = arith.constant 0 : i32
          %dma_start3A_207 = tpu.memref_slice %arg6[%dma_start3A_205, %dma_start3A_206] : memref<64x256xf32, #tpu.memory_space<vmem>> -> memref<8x256xf32, #tpu.memory_space<vmem>>
          %dma_start3A_208 = arith.constant 48 : i32
          %dma_start3A_209 = tpu.memref_slice %arg2[%dma_start3A_208, %multiple_of3A] : memref<64x1000000xf32, #tpu.memory_space<hbm>> -> memref<8x256xf32, #tpu.memory_space<hbm>>
          %dma_start3A_210 = arith.constant 48 : i32
          %dma_start3A_211 = arith.constant 0 : i32
          %dma_start3A_212 = tpu.memref_slice %arg6[%dma_start3A_210, %dma_start3A_211] : memref<64x256xf32, #tpu.memory_space<vmem>> -> memref<8x256xf32, #tpu.memory_space<vmem>>
          %dma_start3A_213 = arith.constant 48 : i32
          %dma_start3A_214 = tpu.memref_slice %arg2[%dma_start3A_213, %multiple_of3A] : memref<64x1000000xf32, #tpu.memory_space<hbm>> -> memref<8x256xf32, #tpu.memory_space<hbm>>
          tpu.enqueue_dma source(%dma_start3A_214 : memref<8x256xf32, #tpu.memory_space<hbm>>) target(%dma_start3A_212 : memref<8x256xf32, #tpu.memory_space<vmem>>) target_semaphore(%arg12 : memref<!tpu.dma_semaphore, #tpu.memory_space<semaphore_mem>>)
          %dma_start3A_215 = arith.constant 56 : i32
          %dma_start3A_216 = arith.constant 0 : i32
          %dma_start3A_217 = tpu.memref_slice %arg6[%dma_start3A_215, %dma_start3A_216] : memref<64x256xf32, #tpu.memory_space<vmem>> -> memref<8x256xf32, #tpu.memory_space<vmem>>
          %dma_start3A_218 = arith.constant 56 : i32
          %dma_start3A_219 = tpu.memref_slice %arg2[%dma_start3A_218, %multiple_of3A] : memref<64x1000000xf32, #tpu.memory_space<hbm>> -> memref<8x256xf32, #tpu.memory_space<hbm>>
          %dma_start3A_220 = arith.constant 56 : i32
          %dma_start3A_221 = arith.constant 0 : i32
          %dma_start3A_222 = tpu.memref_slice %arg6[%dma_start3A_220, %dma_start3A_221] : memref<64x256xf32, #tpu.memory_space<vmem>> -> memref<8x256xf32, #tpu.memory_space<vmem>>
          %dma_start3A_223 = arith.constant 56 : i32
          %dma_start3A_224 = tpu.memref_slice %arg2[%dma_start3A_223, %multiple_of3A] : memref<64x1000000xf32, #tpu.memory_space<hbm>> -> memref<8x256xf32, #tpu.memory_space<hbm>>
          tpu.enqueue_dma source(%dma_start3A_224 : memref<8x256xf32, #tpu.memory_space<hbm>>) target(%dma_start3A_222 : memref<8x256xf32, #tpu.memory_space<vmem>>) target_semaphore(%arg12 : memref<!tpu.dma_semaphore, #tpu.memory_space<semaphore_mem>>)
        } else {
        }
      } else {
      }
      %mul3A_95 = arith.constant 3 : i32
      %mul3A_96 = arith.muli %while3A_79, %mul3A_95 : i32
      %add3A_97 = arith.constant 2 : i32
      %add3A_98 = arith.addi %mul3A_96, %add3A_97 : i32
      %lt3A_99 = arith.cmpi slt, %add3A_98, %select_n3A : i32
      %convert_element_type3A_100 = arith.extui %lt3A_99 : i1 to i32
      %cond3A_101 = arith.constant 0 : i32
      %cond3A_102 = arith.cmpi ne, %convert_element_type3A_100, %cond3A_101 : i32
      scf.if %cond3A_102 {
        %mul3A_103 = arith.constant 32 : i32
        %mul3A_104 = arith.muli %add3A_98, %mul3A_103 : i32
        %add3A_105 = arith.addi %add3A, %mul3A_104 : i32
        %gt3A_106 = arith.constant 2 : i32
        %gt3A_107 = arith.cmpi sgt, %add3A_98, %gt3A_106 : i32
        %convert_element_type3A_108 = arith.extui %gt3A_107 : i1 to i32
        %cond3A_109 = arith.constant 0 : i32
        %cond3A_110 = arith.cmpi ne, %convert_element_type3A_108, %cond3A_109 : i32
        scf.if %cond3A_110 {
          %dma_wait3A_141 = arith.constant 0 : i32
          %dma_wait3A_142 = arith.constant 0 : i32
          %dma_wait3A_143 = tpu.memref_slice %arg9[%dma_wait3A_141, %dma_wait3A_142] : memref<128x128xf32, #tpu.memory_space<vmem>> -> memref<128x128xf32, #tpu.memory_space<vmem>>
          %dma_wait3A_144 = arith.constant 0 : i32
          %dma_wait3A_145 = arith.constant 0 : i32
          %dma_wait3A_146 = tpu.memref_slice %arg3[%dma_wait3A_144, %dma_wait3A_145] : memref<500000x128xf32, #tpu.memory_space<hbm>> -> memref<128x128xf32, #tpu.memory_space<hbm>>
          %dma_wait3A_147 = arith.constant 0 : i32
          %dma_wait3A_148 = arith.constant 0 : i32
          %dma_wait3A_149 = tpu.memref_slice %arg9[%dma_wait3A_147, %dma_wait3A_148] : memref<128x128xf32, #tpu.memory_space<vmem>> -> memref<128x128xf32, #tpu.memory_space<vmem>>
          %dma_wait3A_150 = arith.constant 0 : i32
          %dma_wait3A_151 = arith.constant 0 : i32
          %dma_wait3A_152 = tpu.memref_slice %arg3[%dma_wait3A_150, %dma_wait3A_151] : memref<500000x128xf32, #tpu.memory_space<hbm>> -> memref<128x128xf32, #tpu.memory_space<hbm>>
          tpu.wait_dma2 semaphore(%arg15 : memref<!tpu.dma_semaphore, #tpu.memory_space<semaphore_mem>>) src(%dma_wait3A_152 : memref<128x128xf32, #tpu.memory_space<hbm>>) dst(%dma_wait3A_149 : memref<128x128xf32, #tpu.memory_space<vmem>>)
        } else {
        }
        %dma_wait3A = arith.constant 0 : i32
        %dma_wait3A_111 = arith.constant 0 : i32
        %dma_wait3A_112 = tpu.memref_slice %arg6[%dma_wait3A, %dma_wait3A_111] : memref<64x256xf32, #tpu.memory_space<vmem>> -> memref<64x256xf32, #tpu.memory_space<vmem>>
        %dma_wait3A_113 = arith.constant 0 : i32
        %dma_wait3A_114 = arith.constant 0 : i32
        %dma_wait3A_115 = tpu.memref_slice %arg3[%dma_wait3A_113, %dma_wait3A_114] : memref<500000x128xf32, #tpu.memory_space<hbm>> -> memref<32x128xf32, #tpu.memory_space<hbm>>
        %dma_wait3A_116 = arith.constant 0 : i32
        %dma_wait3A_117 = arith.constant 0 : i32
        %dma_wait3A_118 = tpu.memref_slice %arg6[%dma_wait3A_116, %dma_wait3A_117] : memref<64x256xf32, #tpu.memory_space<vmem>> -> memref<64x256xf32, #tpu.memory_space<vmem>>
        %dma_wait3A_119 = arith.constant 0 : i32
        %dma_wait3A_120 = arith.constant 0 : i32
        %dma_wait3A_121 = tpu.memref_slice %arg3[%dma_wait3A_119, %dma_wait3A_120] : memref<500000x128xf32, #tpu.memory_space<hbm>> -> memref<32x128xf32, #tpu.memory_space<hbm>>
        tpu.wait_dma2 semaphore(%arg12 : memref<!tpu.dma_semaphore, #tpu.memory_space<semaphore_mem>>) src(%dma_wait3A_121 : memref<32x128xf32, #tpu.memory_space<hbm>>) dst(%dma_wait3A_118 : memref<64x256xf32, #tpu.memory_space<vmem>>)
        %parallel_loop3A = arith.constant 0 : i32
        %parallel_loop3A_122 = arith.constant 256 : i32
        %parallel_loop3A_123 = arith.constant 1 : i32
        scf.for %parallel_loop3A_141 = %parallel_loop3A to %parallel_loop3A_122 step %parallel_loop3A_123  : i32 {
          %parallel_loop3A_142 = arith.constant 4 : i32
          %parallel_loop3A_143 = arith.shrui %parallel_loop3A_141, %parallel_loop3A_142 : i32
          %parallel_loop3A_144 = arith.constant 15 : i32
          %parallel_loop3A_145 = arith.andi %parallel_loop3A_141, %parallel_loop3A_144 : i32
          %parallel_loop3A_146 = arith.constant 16 : i32
          %parallel_loop3A_147 = arith.muli %parallel_loop3A_143, %parallel_loop3A_146 : i32
          %parallel_loop3A_148 = vector.broadcast %parallel_loop3A_147 : i32 to vector<16xi32>
          %parallel_loop3A_149 = arith.addi %parallel_loop3A_148, %iota3A : vector<16xi32>
          %parallel_loop3A_150 = vector.broadcast %parallel_loop3A_145 : i32 to vector<16xi32>
          %parallel_loop3A_151 = arith.addi %iota3A, %parallel_loop3A_150 : vector<16xi32>
          %parallel_loop3A_152 = arith.constant 15 : i32
          %parallel_loop3A_153 = vector.broadcast %parallel_loop3A_152 : i32 to vector<16xi32>
          %parallel_loop3A_154 = arith.andi %parallel_loop3A_151, %parallel_loop3A_153 : vector<16xi32>
          %parallel_loop3A_155 = arith.constant 1 : i32
          %parallel_loop3A_156 = vector.broadcast %parallel_loop3A_155 : i32 to vector<16xi32>
          %parallel_loop3A_157 = arith.shrui %parallel_loop3A_149, %parallel_loop3A_156 : vector<16xi32>
          %parallel_loop3A_158 = arith.constant 1 : i32
          %parallel_loop3A_159 = vector.broadcast %parallel_loop3A_158 : i32 to vector<16xi32>
          %parallel_loop3A_160 = arith.andi %parallel_loop3A_149, %parallel_loop3A_159 : vector<16xi32>
          %parallel_loop3A_161 = arith.constant 64 : i32
          %parallel_loop3A_162 = vector.broadcast %parallel_loop3A_161 : i32 to vector<16xi32>
          %parallel_loop3A_163 = arith.muli %parallel_loop3A_160, %parallel_loop3A_162 : vector<16xi32>
          %parallel_loop3A_164 = arith.constant 0 : i32
          %parallel_loop3A_165 = vector.broadcast %parallel_loop3A_164 : i32 to vector<16xi32>
          %parallel_loop3A_166 = arith.addi %parallel_loop3A_165, %parallel_loop3A_154 : vector<16xi32>
          %parallel_loop3A_167 = tpu.vector_load_idx %arg6[%parallel_loop3A_166, %parallel_loop3A_149] : memref<64x256xf32, #tpu.memory_space<vmem>>[vector<16xi32>, vector<16xi32>], vector<16xf32>,
          %parallel_loop3A_168 = arith.addi %parallel_loop3A_163, %parallel_loop3A_166 : vector<16xi32>
          tpu.vector_store_idx %arg9[%parallel_loop3A_157, %parallel_loop3A_168], %parallel_loop3A_167 : memref<128x128xf32, #tpu.memory_space<vmem>>[vector<16xi32>, vector<16xi32>], vector<16xf32>,
          %parallel_loop3A_169 = arith.constant 16 : i32
          %parallel_loop3A_170 = vector.broadcast %parallel_loop3A_169 : i32 to vector<16xi32>
          %parallel_loop3A_171 = arith.addi %parallel_loop3A_170, %parallel_loop3A_154 : vector<16xi32>
          %parallel_loop3A_172 = tpu.vector_load_idx %arg6[%parallel_loop3A_171, %parallel_loop3A_149] : memref<64x256xf32, #tpu.memory_space<vmem>>[vector<16xi32>, vector<16xi32>], vector<16xf32>,
          %parallel_loop3A_173 = arith.addi %parallel_loop3A_163, %parallel_loop3A_171 : vector<16xi32>
          tpu.vector_store_idx %arg9[%parallel_loop3A_157, %parallel_loop3A_173], %parallel_loop3A_172 : memref<128x128xf32, #tpu.memory_space<vmem>>[vector<16xi32>, vector<16xi32>], vector<16xf32>,
          %parallel_loop3A_174 = arith.constant 32 : i32
          %parallel_loop3A_175 = vector.broadcast %parallel_loop3A_174 : i32 to vector<16xi32>
          %parallel_loop3A_176 = arith.addi %parallel_loop3A_175, %parallel_loop3A_154 : vector<16xi32>
          %parallel_loop3A_177 = tpu.vector_load_idx %arg6[%parallel_loop3A_176, %parallel_loop3A_149] : memref<64x256xf32, #tpu.memory_space<vmem>>[vector<16xi32>, vector<16xi32>], vector<16xf32>,
          %parallel_loop3A_178 = arith.addi %parallel_loop3A_163, %parallel_loop3A_176 : vector<16xi32>
          tpu.vector_store_idx %arg9[%parallel_loop3A_157, %parallel_loop3A_178], %parallel_loop3A_177 : memref<128x128xf32, #tpu.memory_space<vmem>>[vector<16xi32>, vector<16xi32>], vector<16xf32>,
          %parallel_loop3A_179 = arith.constant 48 : i32
          %parallel_loop3A_180 = vector.broadcast %parallel_loop3A_179 : i32 to vector<16xi32>
          %parallel_loop3A_181 = arith.addi %parallel_loop3A_180, %parallel_loop3A_154 : vector<16xi32>
          %parallel_loop3A_182 = tpu.vector_load_idx %arg6[%parallel_loop3A_181, %parallel_loop3A_149] : memref<64x256xf32, #tpu.memory_space<vmem>>[vector<16xi32>, vector<16xi32>], vector<16xf32>,
          %parallel_loop3A_183 = arith.addi %parallel_loop3A_163, %parallel_loop3A_181 : vector<16xi32>
          tpu.vector_store_idx %arg9[%parallel_loop3A_157, %parallel_loop3A_183], %parallel_loop3A_182 : memref<128x128xf32, #tpu.memory_space<vmem>>[vector<16xi32>, vector<16xi32>], vector<16xf32>,
        } {sc.loop_unroll_factor = 4 : i64, sc.parallel_access}
        %mul3A_124 = arith.constant 128 : i32
        %mul3A_125 = arith.muli %add3A_105, %mul3A_124 : i32
        %dma_start3A = arith.constant 0 : i32
        %dma_start3A_126 = arith.constant 0 : i32
        %dma_start3A_127 = tpu.memref_slice %arg9[%dma_start3A, %dma_start3A_126] : memref<128x128xf32, #tpu.memory_space<vmem>> -> memref<128x128xf32, #tpu.memory_space<vmem>>
        %dma_start3A_128 = arith.constant 0 : i32
        %dma_start3A_129 = tpu.memref_slice %arg3[%mul3A_125, %dma_start3A_128] : memref<500000x128xf32, #tpu.memory_space<hbm>> -> memref<128x128xf32, #tpu.memory_space<hbm>>
        %dma_start3A_130 = arith.constant 0 : i32
        %dma_start3A_131 = tpu.memref_slice %arg3[%mul3A_125, %dma_start3A_130] : memref<500000x128xf32, #tpu.memory_space<hbm>> -> memref<128x128xf32, #tpu.memory_space<hbm>>
        %dma_start3A_132 = arith.constant 0 : i32
        %dma_start3A_133 = arith.constant 0 : i32
        %dma_start3A_134 = tpu.memref_slice %arg9[%dma_start3A_132, %dma_start3A_133] : memref<128x128xf32, #tpu.memory_space<vmem>> -> memref<128x128xf32, #tpu.memory_space<vmem>>
        tpu.enqueue_dma source(%dma_start3A_134 : memref<128x128xf32, #tpu.memory_space<vmem>>) target(%dma_start3A_131 : memref<128x128xf32, #tpu.memory_space<hbm>>) target_semaphore(%arg15 : memref<!tpu.dma_semaphore, #tpu.memory_space<semaphore_mem>>)
        %add3A_135 = arith.constant 1 : i32
        %add3A_136 = arith.addi %add3A_98, %add3A_135 : i32
        %lt3A_137 = arith.cmpi slt, %add3A_136, %select_n3A : i32
        %convert_element_type3A_138 = arith.extui %lt3A_137 : i1 to i32
        %cond3A_139 = arith.constant 0 : i32
        %cond3A_140 = arith.cmpi ne, %convert_element_type3A_138, %cond3A_139 : i32
        scf.if %cond3A_140 {
          %add3A_141 = arith.constant 32 : i32
          %add3A_142 = arith.addi %add3A_105, %add3A_141 : i32
          %mul3A_143 = arith.constant 256 : i32
          %mul3A_144 = arith.muli %add3A_142, %mul3A_143 : i32
          %multiple_of3A = tpu.assume_multiple %mul3A_144, 128 : i32
          %dma_start3A_145 = arith.constant 0 : i32
          %dma_start3A_146 = arith.constant 0 : i32
          %dma_start3A_147 = tpu.memref_slice %arg4[%dma_start3A_145, %dma_start3A_146] : memref<64x256xf32, #tpu.memory_space<vmem>> -> memref<8x256xf32, #tpu.memory_space<vmem>>
          %dma_start3A_148 = arith.constant 0 : i32
          %dma_start3A_149 = tpu.memref_slice %arg2[%dma_start3A_148, %multiple_of3A] : memref<64x1000000xf32, #tpu.memory_space<hbm>> -> memref<8x256xf32, #tpu.memory_space<hbm>>
          %dma_start3A_150 = arith.constant 0 : i32
          %dma_start3A_151 = arith.constant 0 : i32
          %dma_start3A_152 = tpu.memref_slice %arg4[%dma_start3A_150, %dma_start3A_151] : memref<64x256xf32, #tpu.memory_space<vmem>> -> memref<8x256xf32, #tpu.memory_space<vmem>>
          %dma_start3A_153 = arith.constant 0 : i32
          %dma_start3A_154 = tpu.memref_slice %arg2[%dma_start3A_153, %multiple_of3A] : memref<64x1000000xf32, #tpu.memory_space<hbm>> -> memref<8x256xf32, #tpu.memory_space<hbm>>
          tpu.enqueue_dma source(%dma_start3A_154 : memref<8x256xf32, #tpu.memory_space<hbm>>) target(%dma_start3A_152 : memref<8x256xf32, #tpu.memory_space<vmem>>) target_semaphore(%arg10 : memref<!tpu.dma_semaphore, #tpu.memory_space<semaphore_mem>>)
          %dma_start3A_155 = arith.constant 8 : i32
          %dma_start3A_156 = arith.constant 0 : i32
          %dma_start3A_157 = tpu.memref_slice %arg4[%dma_start3A_155, %dma_start3A_156] : memref<64x256xf32, #tpu.memory_space<vmem>> -> memref<8x256xf32, #tpu.memory_space<vmem>>
          %dma_start3A_158 = arith.constant 8 : i32
          %dma_start3A_159 = tpu.memref_slice %arg2[%dma_start3A_158, %multiple_of3A] : memref<64x1000000xf32, #tpu.memory_space<hbm>> -> memref<8x256xf32, #tpu.memory_space<hbm>>
          %dma_start3A_160 = arith.constant 8 : i32
          %dma_start3A_161 = arith.constant 0 : i32
          %dma_start3A_162 = tpu.memref_slice %arg4[%dma_start3A_160, %dma_start3A_161] : memref<64x256xf32, #tpu.memory_space<vmem>> -> memref<8x256xf32, #tpu.memory_space<vmem>>
          %dma_start3A_163 = arith.constant 8 : i32
          %dma_start3A_164 = tpu.memref_slice %arg2[%dma_start3A_163, %multiple_of3A] : memref<64x1000000xf32, #tpu.memory_space<hbm>> -> memref<8x256xf32, #tpu.memory_space<hbm>>
          tpu.enqueue_dma source(%dma_start3A_164 : memref<8x256xf32, #tpu.memory_space<hbm>>) target(%dma_start3A_162 : memref<8x256xf32, #tpu.memory_space<vmem>>) target_semaphore(%arg10 : memref<!tpu.dma_semaphore, #tpu.memory_space<semaphore_mem>>)
          %dma_start3A_165 = arith.constant 16 : i32
          %dma_start3A_166 = arith.constant 0 : i32
          %dma_start3A_167 = tpu.memref_slice %arg4[%dma_start3A_165, %dma_start3A_166] : memref<64x256xf32, #tpu.memory_space<vmem>> -> memref<8x256xf32, #tpu.memory_space<vmem>>
          %dma_start3A_168 = arith.constant 16 : i32
          %dma_start3A_169 = tpu.memref_slice %arg2[%dma_start3A_168, %multiple_of3A] : memref<64x1000000xf32, #tpu.memory_space<hbm>> -> memref<8x256xf32, #tpu.memory_space<hbm>>
          %dma_start3A_170 = arith.constant 16 : i32
          %dma_start3A_171 = arith.constant 0 : i32
          %dma_start3A_172 = tpu.memref_slice %arg4[%dma_start3A_170, %dma_start3A_171] : memref<64x256xf32, #tpu.memory_space<vmem>> -> memref<8x256xf32, #tpu.memory_space<vmem>>
          %dma_start3A_173 = arith.constant 16 : i32
          %dma_start3A_174 = tpu.memref_slice %arg2[%dma_start3A_173, %multiple_of3A] : memref<64x1000000xf32, #tpu.memory_space<hbm>> -> memref<8x256xf32, #tpu.memory_space<hbm>>
          tpu.enqueue_dma source(%dma_start3A_174 : memref<8x256xf32, #tpu.memory_space<hbm>>) target(%dma_start3A_172 : memref<8x256xf32, #tpu.memory_space<vmem>>) target_semaphore(%arg10 : memref<!tpu.dma_semaphore, #tpu.memory_space<semaphore_mem>>)
          %dma_start3A_175 = arith.constant 24 : i32
          %dma_start3A_176 = arith.constant 0 : i32
          %dma_start3A_177 = tpu.memref_slice %arg4[%dma_start3A_175, %dma_start3A_176] : memref<64x256xf32, #tpu.memory_space<vmem>> -> memref<8x256xf32, #tpu.memory_space<vmem>>
          %dma_start3A_178 = arith.constant 24 : i32
          %dma_start3A_179 = tpu.memref_slice %arg2[%dma_start3A_178, %multiple_of3A] : memref<64x1000000xf32, #tpu.memory_space<hbm>> -> memref<8x256xf32, #tpu.memory_space<hbm>>
          %dma_start3A_180 = arith.constant 24 : i32
          %dma_start3A_181 = arith.constant 0 : i32
          %dma_start3A_182 = tpu.memref_slice %arg4[%dma_start3A_180, %dma_start3A_181] : memref<64x256xf32, #tpu.memory_space<vmem>> -> memref<8x256xf32, #tpu.memory_space<vmem>>
          %dma_start3A_183 = arith.constant 24 : i32
          %dma_start3A_184 = tpu.memref_slice %arg2[%dma_start3A_183, %multiple_of3A] : memref<64x1000000xf32, #tpu.memory_space<hbm>> -> memref<8x256xf32, #tpu.memory_space<hbm>>
          tpu.enqueue_dma source(%dma_start3A_184 : memref<8x256xf32, #tpu.memory_space<hbm>>) target(%dma_start3A_182 : memref<8x256xf32, #tpu.memory_space<vmem>>) target_semaphore(%arg10 : memref<!tpu.dma_semaphore, #tpu.memory_space<semaphore_mem>>)
          %dma_start3A_185 = arith.constant 32 : i32
          %dma_start3A_186 = arith.constant 0 : i32
          %dma_start3A_187 = tpu.memref_slice %arg4[%dma_start3A_185, %dma_start3A_186] : memref<64x256xf32, #tpu.memory_space<vmem>> -> memref<8x256xf32, #tpu.memory_space<vmem>>
          %dma_start3A_188 = arith.constant 32 : i32
          %dma_start3A_189 = tpu.memref_slice %arg2[%dma_start3A_188, %multiple_of3A] : memref<64x1000000xf32, #tpu.memory_space<hbm>> -> memref<8x256xf32, #tpu.memory_space<hbm>>
          %dma_start3A_190 = arith.constant 32 : i32
          %dma_start3A_191 = arith.constant 0 : i32
          %dma_start3A_192 = tpu.memref_slice %arg4[%dma_start3A_190, %dma_start3A_191] : memref<64x256xf32, #tpu.memory_space<vmem>> -> memref<8x256xf32, #tpu.memory_space<vmem>>
          %dma_start3A_193 = arith.constant 32 : i32
          %dma_start3A_194 = tpu.memref_slice %arg2[%dma_start3A_193, %multiple_of3A] : memref<64x1000000xf32, #tpu.memory_space<hbm>> -> memref<8x256xf32, #tpu.memory_space<hbm>>
          tpu.enqueue_dma source(%dma_start3A_194 : memref<8x256xf32, #tpu.memory_space<hbm>>) target(%dma_start3A_192 : memref<8x256xf32, #tpu.memory_space<vmem>>) target_semaphore(%arg10 : memref<!tpu.dma_semaphore, #tpu.memory_space<semaphore_mem>>)
          %dma_start3A_195 = arith.constant 40 : i32
          %dma_start3A_196 = arith.constant 0 : i32
          %dma_start3A_197 = tpu.memref_slice %arg4[%dma_start3A_195, %dma_start3A_196] : memref<64x256xf32, #tpu.memory_space<vmem>> -> memref<8x256xf32, #tpu.memory_space<vmem>>
          %dma_start3A_198 = arith.constant 40 : i32
          %dma_start3A_199 = tpu.memref_slice %arg2[%dma_start3A_198, %multiple_of3A] : memref<64x1000000xf32, #tpu.memory_space<hbm>> -> memref<8x256xf32, #tpu.memory_space<hbm>>
          %dma_start3A_200 = arith.constant 40 : i32
          %dma_start3A_201 = arith.constant 0 : i32
          %dma_start3A_202 = tpu.memref_slice %arg4[%dma_start3A_200, %dma_start3A_201] : memref<64x256xf32, #tpu.memory_space<vmem>> -> memref<8x256xf32, #tpu.memory_space<vmem>>
          %dma_start3A_203 = arith.constant 40 : i32
          %dma_start3A_204 = tpu.memref_slice %arg2[%dma_start3A_203, %multiple_of3A] : memref<64x1000000xf32, #tpu.memory_space<hbm>> -> memref<8x256xf32, #tpu.memory_space<hbm>>
          tpu.enqueue_dma source(%dma_start3A_204 : memref<8x256xf32, #tpu.memory_space<hbm>>) target(%dma_start3A_202 : memref<8x256xf32, #tpu.memory_space<vmem>>) target_semaphore(%arg10 : memref<!tpu.dma_semaphore, #tpu.memory_space<semaphore_mem>>)
          %dma_start3A_205 = arith.constant 48 : i32
          %dma_start3A_206 = arith.constant 0 : i32
          %dma_start3A_207 = tpu.memref_slice %arg4[%dma_start3A_205, %dma_start3A_206] : memref<64x256xf32, #tpu.memory_space<vmem>> -> memref<8x256xf32, #tpu.memory_space<vmem>>
          %dma_start3A_208 = arith.constant 48 : i32
          %dma_start3A_209 = tpu.memref_slice %arg2[%dma_start3A_208, %multiple_of3A] : memref<64x1000000xf32, #tpu.memory_space<hbm>> -> memref<8x256xf32, #tpu.memory_space<hbm>>
          %dma_start3A_210 = arith.constant 48 : i32
          %dma_start3A_211 = arith.constant 0 : i32
          %dma_start3A_212 = tpu.memref_slice %arg4[%dma_start3A_210, %dma_start3A_211] : memref<64x256xf32, #tpu.memory_space<vmem>> -> memref<8x256xf32, #tpu.memory_space<vmem>>
          %dma_start3A_213 = arith.constant 48 : i32
          %dma_start3A_214 = tpu.memref_slice %arg2[%dma_start3A_213, %multiple_of3A] : memref<64x1000000xf32, #tpu.memory_space<hbm>> -> memref<8x256xf32, #tpu.memory_space<hbm>>
          tpu.enqueue_dma source(%dma_start3A_214 : memref<8x256xf32, #tpu.memory_space<hbm>>) target(%dma_start3A_212 : memref<8x256xf32, #tpu.memory_space<vmem>>) target_semaphore(%arg10 : memref<!tpu.dma_semaphore, #tpu.memory_space<semaphore_mem>>)
          %dma_start3A_215 = arith.constant 56 : i32
          %dma_start3A_216 = arith.constant 0 : i32
          %dma_start3A_217 = tpu.memref_slice %arg4[%dma_start3A_215, %dma_start3A_216] : memref<64x256xf32, #tpu.memory_space<vmem>> -> memref<8x256xf32, #tpu.memory_space<vmem>>
          %dma_start3A_218 = arith.constant 56 : i32
          %dma_start3A_219 = tpu.memref_slice %arg2[%dma_start3A_218, %multiple_of3A] : memref<64x1000000xf32, #tpu.memory_space<hbm>> -> memref<8x256xf32, #tpu.memory_space<hbm>>
          %dma_start3A_220 = arith.constant 56 : i32
          %dma_start3A_221 = arith.constant 0 : i32
          %dma_start3A_222 = tpu.memref_slice %arg4[%dma_start3A_220, %dma_start3A_221] : memref<64x256xf32, #tpu.memory_space<vmem>> -> memref<8x256xf32, #tpu.memory_space<vmem>>
          %dma_start3A_223 = arith.constant 56 : i32
          %dma_start3A_224 = tpu.memref_slice %arg2[%dma_start3A_223, %multiple_of3A] : memref<64x1000000xf32, #tpu.memory_space<hbm>> -> memref<8x256xf32, #tpu.memory_space<hbm>>
          tpu.enqueue_dma source(%dma_start3A_224 : memref<8x256xf32, #tpu.memory_space<hbm>>) target(%dma_start3A_222 : memref<8x256xf32, #tpu.memory_space<vmem>>) target_semaphore(%arg10 : memref<!tpu.dma_semaphore, #tpu.memory_space<semaphore_mem>>)
        } else {
        }
      } else {
      }
    }
    %gt3A_60 = arith.constant 0 : i32
    %gt3A_61 = arith.cmpi sgt, %select_n3A, %gt3A_60 : i32
    %convert_element_type3A_62 = arith.extui %gt3A_61 : i1 to i32
    %cond3A_63 = arith.constant 0 : i32
    %cond3A_64 = arith.cmpi ne, %convert_element_type3A_62, %cond3A_63 : i32
    scf.if %cond3A_64 {
      %dma_wait3A = arith.constant 0 : i32
      %dma_wait3A_79 = arith.constant 0 : i32
      %dma_wait3A_80 = tpu.memref_slice %arg7[%dma_wait3A, %dma_wait3A_79] : memref<128x128xf32, #tpu.memory_space<vmem>> -> memref<128x128xf32, #tpu.memory_space<vmem>>
      %dma_wait3A_81 = arith.constant 0 : i32
      %dma_wait3A_82 = arith.constant 0 : i32
      %dma_wait3A_83 = tpu.memref_slice %arg3[%dma_wait3A_81, %dma_wait3A_82] : memref<500000x128xf32, #tpu.memory_space<hbm>> -> memref<128x128xf32, #tpu.memory_space<hbm>>
      %dma_wait3A_84 = arith.constant 0 : i32
      %dma_wait3A_85 = arith.constant 0 : i32
      %dma_wait3A_86 = tpu.memref_slice %arg7[%dma_wait3A_84, %dma_wait3A_85] : memref<128x128xf32, #tpu.memory_space<vmem>> -> memref<128x128xf32, #tpu.memory_space<vmem>>
      %dma_wait3A_87 = arith.constant 0 : i32
      %dma_wait3A_88 = arith.constant 0 : i32
      %dma_wait3A_89 = tpu.memref_slice %arg3[%dma_wait3A_87, %dma_wait3A_88] : memref<500000x128xf32, #tpu.memory_space<hbm>> -> memref<128x128xf32, #tpu.memory_space<hbm>>
      tpu.wait_dma2 semaphore(%arg13 : memref<!tpu.dma_semaphore, #tpu.memory_space<semaphore_mem>>) src(%dma_wait3A_89 : memref<128x128xf32, #tpu.memory_space<hbm>>) dst(%dma_wait3A_86 : memref<128x128xf32, #tpu.memory_space<vmem>>)
    } else {
    }
    %gt3A_65 = arith.constant 1 : i32
    %gt3A_66 = arith.cmpi sgt, %select_n3A, %gt3A_65 : i32
    %convert_element_type3A_67 = arith.extui %gt3A_66 : i1 to i32
    %cond3A_68 = arith.constant 0 : i32
    %cond3A_69 = arith.cmpi ne, %convert_element_type3A_67, %cond3A_68 : i32
    scf.if %cond3A_69 {
      %dma_wait3A = arith.constant 0 : i32
      %dma_wait3A_79 = arith.constant 0 : i32
      %dma_wait3A_80 = tpu.memref_slice %arg8[%dma_wait3A, %dma_wait3A_79] : memref<128x128xf32, #tpu.memory_space<vmem>> -> memref<128x128xf32, #tpu.memory_space<vmem>>
      %dma_wait3A_81 = arith.constant 0 : i32
      %dma_wait3A_82 = arith.constant 0 : i32
      %dma_wait3A_83 = tpu.memref_slice %arg3[%dma_wait3A_81, %dma_wait3A_82] : memref<500000x128xf32, #tpu.memory_space<hbm>> -> memref<128x128xf32, #tpu.memory_space<hbm>>
      %dma_wait3A_84 = arith.constant 0 : i32
      %dma_wait3A_85 = arith.constant 0 : i32
      %dma_wait3A_86 = tpu.memref_slice %arg8[%dma_wait3A_84, %dma_wait3A_85] : memref<128x128xf32, #tpu.memory_space<vmem>> -> memref<128x128xf32, #tpu.memory_space<vmem>>
      %dma_wait3A_87 = arith.constant 0 : i32
      %dma_wait3A_88 = arith.constant 0 : i32
      %dma_wait3A_89 = tpu.memref_slice %arg3[%dma_wait3A_87, %dma_wait3A_88] : memref<500000x128xf32, #tpu.memory_space<hbm>> -> memref<128x128xf32, #tpu.memory_space<hbm>>
      tpu.wait_dma2 semaphore(%arg14 : memref<!tpu.dma_semaphore, #tpu.memory_space<semaphore_mem>>) src(%dma_wait3A_89 : memref<128x128xf32, #tpu.memory_space<hbm>>) dst(%dma_wait3A_86 : memref<128x128xf32, #tpu.memory_space<vmem>>)
    } else {
    }
    %gt3A_70 = arith.constant 2 : i32
    %gt3A_71 = arith.cmpi sgt, %select_n3A, %gt3A_70 : i32
    %convert_element_type3A_72 = arith.extui %gt3A_71 : i1 to i32
    %cond3A_73 = arith.constant 0 : i32
    %cond3A_74 = arith.cmpi ne, %convert_element_type3A_72, %cond3A_73 : i32
    scf.if %cond3A_74 {
      %dma_wait3A = arith.constant 0 : i32
      %dma_wait3A_79 = arith.constant 0 : i32
      %dma_wait3A_80 = tpu.memref_slice %arg9[%dma_wait3A, %dma_wait3A_79] : memref<128x128xf32, #tpu.memory_space<vmem>> -> memref<128x128xf32, #tpu.memory_space<vmem>>
      %dma_wait3A_81 = arith.constant 0 : i32
      %dma_wait3A_82 = arith.constant 0 : i32
      %dma_wait3A_83 = tpu.memref_slice %arg3[%dma_wait3A_81, %dma_wait3A_82] : memref<500000x128xf32, #tpu.memory_space<hbm>> -> memref<128x128xf32, #tpu.memory_space<hbm>>
      %dma_wait3A_84 = arith.constant 0 : i32
      %dma_wait3A_85 = arith.constant 0 : i32
      %dma_wait3A_86 = tpu.memref_slice %arg9[%dma_wait3A_84, %dma_wait3A_85] : memref<128x128xf32, #tpu.memory_space<vmem>> -> memref<128x128xf32, #tpu.memory_space<vmem>>
      %dma_wait3A_87 = arith.constant 0 : i32
      %dma_wait3A_88 = arith.constant 0 : i32
      %dma_wait3A_89 = tpu.memref_slice %arg3[%dma_wait3A_87, %dma_wait3A_88] : memref<500000x128xf32, #tpu.memory_space<hbm>> -> memref<128x128xf32, #tpu.memory_space<hbm>>
      tpu.wait_dma2 semaphore(%arg15 : memref<!tpu.dma_semaphore, #tpu.memory_space<semaphore_mem>>) src(%dma_wait3A_89 : memref<128x128xf32, #tpu.memory_space<hbm>>) dst(%dma_wait3A_86 : memref<128x128xf32, #tpu.memory_space<vmem>>)
    } else {
    }
    %eq3A = arith.constant 0 : i32
    %eq3A_75 = arith.cmpi eq, %add3A, %eq3A : i32
    %convert_element_type3A_76 = arith.extui %eq3A_75 : i1 to i32
    %cond3A_77 = arith.constant 0 : i32
    %cond3A_78 = arith.cmpi ne, %convert_element_type3A_76, %cond3A_77 : i32
    scf.if %cond3A_78 {
      %mul3A_79 = arith.constant 0 : i32
      %mul3A_80 = arith.muli %add3A, %mul3A_79 : i32
      %add3A_81 = arith.constant 999936 : i32
      %add3A_82 = arith.addi %mul3A_80, %add3A_81 : i32
      %multiple_of3A = tpu.assume_multiple %add3A_82, 128 : i32
      %dma_start3A = arith.constant 0 : i32
      %dma_start3A_83 = arith.constant 0 : i32
      %dma_start3A_84 = tpu.memref_slice %arg4[%dma_start3A, %dma_start3A_83] : memref<64x256xf32, #tpu.memory_space<vmem>> -> memref<8x128xf32, #tpu.memory_space<vmem>>
      %dma_start3A_85 = arith.constant 0 : i32
      %dma_start3A_86 = tpu.memref_slice %arg2[%dma_start3A_85, %multiple_of3A] : memref<64x1000000xf32, #tpu.memory_space<hbm>> -> memref<8x128xf32, #tpu.memory_space<hbm>>
      %dma_start3A_87 = arith.constant 0 : i32
      %dma_start3A_88 = arith.constant 0 : i32
      %dma_start3A_89 = tpu.memref_slice %arg4[%dma_start3A_87, %dma_start3A_88] : memref<64x256xf32, #tpu.memory_space<vmem>> -> memref<8x128xf32, #tpu.memory_space<vmem>>
      %dma_start3A_90 = arith.constant 0 : i32
      %dma_start3A_91 = tpu.memref_slice %arg2[%dma_start3A_90, %multiple_of3A] : memref<64x1000000xf32, #tpu.memory_space<hbm>> -> memref<8x128xf32, #tpu.memory_space<hbm>>
      tpu.enqueue_dma source(%dma_start3A_91 : memref<8x128xf32, #tpu.memory_space<hbm>>) target(%dma_start3A_89 : memref<8x128xf32, #tpu.memory_space<vmem>>) target_semaphore(%arg10 : memref<!tpu.dma_semaphore, #tpu.memory_space<semaphore_mem>>)
      %dma_start3A_92 = arith.constant 8 : i32
      %dma_start3A_93 = arith.constant 0 : i32
      %dma_start3A_94 = tpu.memref_slice %arg4[%dma_start3A_92, %dma_start3A_93] : memref<64x256xf32, #tpu.memory_space<vmem>> -> memref<8x128xf32, #tpu.memory_space<vmem>>
      %dma_start3A_95 = arith.constant 8 : i32
      %dma_start3A_96 = tpu.memref_slice %arg2[%dma_start3A_95, %multiple_of3A] : memref<64x1000000xf32, #tpu.memory_space<hbm>> -> memref<8x128xf32, #tpu.memory_space<hbm>>
      %dma_start3A_97 = arith.constant 8 : i32
      %dma_start3A_98 = arith.constant 0 : i32
      %dma_start3A_99 = tpu.memref_slice %arg4[%dma_start3A_97, %dma_start3A_98] : memref<64x256xf32, #tpu.memory_space<vmem>> -> memref<8x128xf32, #tpu.memory_space<vmem>>
      %dma_start3A_100 = arith.constant 8 : i32
      %dma_start3A_101 = tpu.memref_slice %arg2[%dma_start3A_100, %multiple_of3A] : memref<64x1000000xf32, #tpu.memory_space<hbm>> -> memref<8x128xf32, #tpu.memory_space<hbm>>
      tpu.enqueue_dma source(%dma_start3A_101 : memref<8x128xf32, #tpu.memory_space<hbm>>) target(%dma_start3A_99 : memref<8x128xf32, #tpu.memory_space<vmem>>) target_semaphore(%arg10 : memref<!tpu.dma_semaphore, #tpu.memory_space<semaphore_mem>>)
      %dma_start3A_102 = arith.constant 16 : i32
      %dma_start3A_103 = arith.constant 0 : i32
      %dma_start3A_104 = tpu.memref_slice %arg4[%dma_start3A_102, %dma_start3A_103] : memref<64x256xf32, #tpu.memory_space<vmem>> -> memref<8x128xf32, #tpu.memory_space<vmem>>
      %dma_start3A_105 = arith.constant 16 : i32
      %dma_start3A_106 = tpu.memref_slice %arg2[%dma_start3A_105, %multiple_of3A] : memref<64x1000000xf32, #tpu.memory_space<hbm>> -> memref<8x128xf32, #tpu.memory_space<hbm>>
      %dma_start3A_107 = arith.constant 16 : i32
      %dma_start3A_108 = arith.constant 0 : i32
      %dma_start3A_109 = tpu.memref_slice %arg4[%dma_start3A_107, %dma_start3A_108] : memref<64x256xf32, #tpu.memory_space<vmem>> -> memref<8x128xf32, #tpu.memory_space<vmem>>
      %dma_start3A_110 = arith.constant 16 : i32
      %dma_start3A_111 = tpu.memref_slice %arg2[%dma_start3A_110, %multiple_of3A] : memref<64x1000000xf32, #tpu.memory_space<hbm>> -> memref<8x128xf32, #tpu.memory_space<hbm>>
      tpu.enqueue_dma source(%dma_start3A_111 : memref<8x128xf32, #tpu.memory_space<hbm>>) target(%dma_start3A_109 : memref<8x128xf32, #tpu.memory_space<vmem>>) target_semaphore(%arg10 : memref<!tpu.dma_semaphore, #tpu.memory_space<semaphore_mem>>)
      %dma_start3A_112 = arith.constant 24 : i32
      %dma_start3A_113 = arith.constant 0 : i32
      %dma_start3A_114 = tpu.memref_slice %arg4[%dma_start3A_112, %dma_start3A_113] : memref<64x256xf32, #tpu.memory_space<vmem>> -> memref<8x128xf32, #tpu.memory_space<vmem>>
      %dma_start3A_115 = arith.constant 24 : i32
      %dma_start3A_116 = tpu.memref_slice %arg2[%dma_start3A_115, %multiple_of3A] : memref<64x1000000xf32, #tpu.memory_space<hbm>> -> memref<8x128xf32, #tpu.memory_space<hbm>>
      %dma_start3A_117 = arith.constant 24 : i32
      %dma_start3A_118 = arith.constant 0 : i32
      %dma_start3A_119 = tpu.memref_slice %arg4[%dma_start3A_117, %dma_start3A_118] : memref<64x256xf32, #tpu.memory_space<vmem>> -> memref<8x128xf32, #tpu.memory_space<vmem>>
      %dma_start3A_120 = arith.constant 24 : i32
      %dma_start3A_121 = tpu.memref_slice %arg2[%dma_start3A_120, %multiple_of3A] : memref<64x1000000xf32, #tpu.memory_space<hbm>> -> memref<8x128xf32, #tpu.memory_space<hbm>>
      tpu.enqueue_dma source(%dma_start3A_121 : memref<8x128xf32, #tpu.memory_space<hbm>>) target(%dma_start3A_119 : memref<8x128xf32, #tpu.memory_space<vmem>>) target_semaphore(%arg10 : memref<!tpu.dma_semaphore, #tpu.memory_space<semaphore_mem>>)
      %dma_start3A_122 = arith.constant 32 : i32
      %dma_start3A_123 = arith.constant 0 : i32
      %dma_start3A_124 = tpu.memref_slice %arg4[%dma_start3A_122, %dma_start3A_123] : memref<64x256xf32, #tpu.memory_space<vmem>> -> memref<8x128xf32, #tpu.memory_space<vmem>>
      %dma_start3A_125 = arith.constant 32 : i32
      %dma_start3A_126 = tpu.memref_slice %arg2[%dma_start3A_125, %multiple_of3A] : memref<64x1000000xf32, #tpu.memory_space<hbm>> -> memref<8x128xf32, #tpu.memory_space<hbm>>
      %dma_start3A_127 = arith.constant 32 : i32
      %dma_start3A_128 = arith.constant 0 : i32
      %dma_start3A_129 = tpu.memref_slice %arg4[%dma_start3A_127, %dma_start3A_128] : memref<64x256xf32, #tpu.memory_space<vmem>> -> memref<8x128xf32, #tpu.memory_space<vmem>>
      %dma_start3A_130 = arith.constant 32 : i32
      %dma_start3A_131 = tpu.memref_slice %arg2[%dma_start3A_130, %multiple_of3A] : memref<64x1000000xf32, #tpu.memory_space<hbm>> -> memref<8x128xf32, #tpu.memory_space<hbm>>
      tpu.enqueue_dma source(%dma_start3A_131 : memref<8x128xf32, #tpu.memory_space<hbm>>) target(%dma_start3A_129 : memref<8x128xf32, #tpu.memory_space<vmem>>) target_semaphore(%arg10 : memref<!tpu.dma_semaphore, #tpu.memory_space<semaphore_mem>>)
      %dma_start3A_132 = arith.constant 40 : i32
      %dma_start3A_133 = arith.constant 0 : i32
      %dma_start3A_134 = tpu.memref_slice %arg4[%dma_start3A_132, %dma_start3A_133] : memref<64x256xf32, #tpu.memory_space<vmem>> -> memref<8x128xf32, #tpu.memory_space<vmem>>
      %dma_start3A_135 = arith.constant 40 : i32
      %dma_start3A_136 = tpu.memref_slice %arg2[%dma_start3A_135, %multiple_of3A] : memref<64x1000000xf32, #tpu.memory_space<hbm>> -> memref<8x128xf32, #tpu.memory_space<hbm>>
      %dma_start3A_137 = arith.constant 40 : i32
      %dma_start3A_138 = arith.constant 0 : i32
      %dma_start3A_139 = tpu.memref_slice %arg4[%dma_start3A_137, %dma_start3A_138] : memref<64x256xf32, #tpu.memory_space<vmem>> -> memref<8x128xf32, #tpu.memory_space<vmem>>
      %dma_start3A_140 = arith.constant 40 : i32
      %dma_start3A_141 = tpu.memref_slice %arg2[%dma_start3A_140, %multiple_of3A] : memref<64x1000000xf32, #tpu.memory_space<hbm>> -> memref<8x128xf32, #tpu.memory_space<hbm>>
      tpu.enqueue_dma source(%dma_start3A_141 : memref<8x128xf32, #tpu.memory_space<hbm>>) target(%dma_start3A_139 : memref<8x128xf32, #tpu.memory_space<vmem>>) target_semaphore(%arg10 : memref<!tpu.dma_semaphore, #tpu.memory_space<semaphore_mem>>)
      %dma_start3A_142 = arith.constant 48 : i32
      %dma_start3A_143 = arith.constant 0 : i32
      %dma_start3A_144 = tpu.memref_slice %arg4[%dma_start3A_142, %dma_start3A_143] : memref<64x256xf32, #tpu.memory_space<vmem>> -> memref<8x128xf32, #tpu.memory_space<vmem>>
      %dma_start3A_145 = arith.constant 48 : i32
      %dma_start3A_146 = tpu.memref_slice %arg2[%dma_start3A_145, %multiple_of3A] : memref<64x1000000xf32, #tpu.memory_space<hbm>> -> memref<8x128xf32, #tpu.memory_space<hbm>>
      %dma_start3A_147 = arith.constant 48 : i32
      %dma_start3A_148 = arith.constant 0 : i32
      %dma_start3A_149 = tpu.memref_slice %arg4[%dma_start3A_147, %dma_start3A_148] : memref<64x256xf32, #tpu.memory_space<vmem>> -> memref<8x128xf32, #tpu.memory_space<vmem>>
      %dma_start3A_150 = arith.constant 48 : i32
      %dma_start3A_151 = tpu.memref_slice %arg2[%dma_start3A_150, %multiple_of3A] : memref<64x1000000xf32, #tpu.memory_space<hbm>> -> memref<8x128xf32, #tpu.memory_space<hbm>>
      tpu.enqueue_dma source(%dma_start3A_151 : memref<8x128xf32, #tpu.memory_space<hbm>>) target(%dma_start3A_149 : memref<8x128xf32, #tpu.memory_space<vmem>>) target_semaphore(%arg10 : memref<!tpu.dma_semaphore, #tpu.memory_space<semaphore_mem>>)
      %dma_start3A_152 = arith.constant 56 : i32
      %dma_start3A_153 = arith.constant 0 : i32
      %dma_start3A_154 = tpu.memref_slice %arg4[%dma_start3A_152, %dma_start3A_153] : memref<64x256xf32, #tpu.memory_space<vmem>> -> memref<8x128xf32, #tpu.memory_space<vmem>>
      %dma_start3A_155 = arith.constant 56 : i32
      %dma_start3A_156 = tpu.memref_slice %arg2[%dma_start3A_155, %multiple_of3A] : memref<64x1000000xf32, #tpu.memory_space<hbm>> -> memref<8x128xf32, #tpu.memory_space<hbm>>
      %dma_start3A_157 = arith.constant 56 : i32
      %dma_start3A_158 = arith.constant 0 : i32
      %dma_start3A_159 = tpu.memref_slice %arg4[%dma_start3A_157, %dma_start3A_158] : memref<64x256xf32, #tpu.memory_space<vmem>> -> memref<8x128xf32, #tpu.memory_space<vmem>>
      %dma_start3A_160 = arith.constant 56 : i32
      %dma_start3A_161 = tpu.memref_slice %arg2[%dma_start3A_160, %multiple_of3A] : memref<64x1000000xf32, #tpu.memory_space<hbm>> -> memref<8x128xf32, #tpu.memory_space<hbm>>
      tpu.enqueue_dma source(%dma_start3A_161 : memref<8x128xf32, #tpu.memory_space<hbm>>) target(%dma_start3A_159 : memref<8x128xf32, #tpu.memory_space<vmem>>) target_semaphore(%arg10 : memref<!tpu.dma_semaphore, #tpu.memory_space<semaphore_mem>>)
      %dma_wait3A = arith.constant 0 : i32
      %dma_wait3A_162 = arith.constant 0 : i32
      %dma_wait3A_163 = tpu.memref_slice %arg4[%dma_wait3A, %dma_wait3A_162] : memref<64x256xf32, #tpu.memory_space<vmem>> -> memref<64x128xf32, #tpu.memory_space<vmem>>
      %dma_wait3A_164 = arith.constant 0 : i32
      %dma_wait3A_165 = arith.constant 0 : i32
      %dma_wait3A_166 = tpu.memref_slice %arg3[%dma_wait3A_164, %dma_wait3A_165] : memref<500000x128xf32, #tpu.memory_space<hbm>> -> memref<32x128xf32, #tpu.memory_space<hbm>>
      %dma_wait3A_167 = arith.constant 0 : i32
      %dma_wait3A_168 = arith.constant 0 : i32
      %dma_wait3A_169 = tpu.memref_slice %arg4[%dma_wait3A_167, %dma_wait3A_168] : memref<64x256xf32, #tpu.memory_space<vmem>> -> memref<64x128xf32, #tpu.memory_space<vmem>>
      %dma_wait3A_170 = arith.constant 0 : i32
      %dma_wait3A_171 = arith.constant 0 : i32
      %dma_wait3A_172 = tpu.memref_slice %arg3[%dma_wait3A_170, %dma_wait3A_171] : memref<500000x128xf32, #tpu.memory_space<hbm>> -> memref<32x128xf32, #tpu.memory_space<hbm>>
      tpu.wait_dma2 semaphore(%arg10 : memref<!tpu.dma_semaphore, #tpu.memory_space<semaphore_mem>>) src(%dma_wait3A_172 : memref<32x128xf32, #tpu.memory_space<hbm>>) dst(%dma_wait3A_169 : memref<64x128xf32, #tpu.memory_space<vmem>>)
      %parallel_loop3A = arith.constant 0 : i32
      %parallel_loop3A_173 = arith.constant 128 : i32
      %parallel_loop3A_174 = arith.constant 1 : i32
      scf.for %parallel_loop3A_199 = %parallel_loop3A to %parallel_loop3A_173 step %parallel_loop3A_174  : i32 {
        %parallel_loop3A_200 = arith.constant 4 : i32
        %parallel_loop3A_201 = arith.shrui %parallel_loop3A_199, %parallel_loop3A_200 : i32
        %parallel_loop3A_202 = arith.constant 15 : i32
        %parallel_loop3A_203 = arith.andi %parallel_loop3A_199, %parallel_loop3A_202 : i32
        %parallel_loop3A_204 = arith.constant 16 : i32
        %parallel_loop3A_205 = arith.muli %parallel_loop3A_201, %parallel_loop3A_204 : i32
        %parallel_loop3A_206 = vector.broadcast %parallel_loop3A_205 : i32 to vector<16xi32>
        %parallel_loop3A_207 = arith.addi %parallel_loop3A_206, %iota3A : vector<16xi32>
        %parallel_loop3A_208 = vector.broadcast %parallel_loop3A_203 : i32 to vector<16xi32>
        %parallel_loop3A_209 = arith.addi %iota3A, %parallel_loop3A_208 : vector<16xi32>
        %parallel_loop3A_210 = arith.constant 15 : i32
        %parallel_loop3A_211 = vector.broadcast %parallel_loop3A_210 : i32 to vector<16xi32>
        %parallel_loop3A_212 = arith.andi %parallel_loop3A_209, %parallel_loop3A_211 : vector<16xi32>
        %parallel_loop3A_213 = arith.constant 1 : i32
        %parallel_loop3A_214 = vector.broadcast %parallel_loop3A_213 : i32 to vector<16xi32>
        %parallel_loop3A_215 = arith.shrui %parallel_loop3A_207, %parallel_loop3A_214 : vector<16xi32>
        %parallel_loop3A_216 = arith.constant 1 : i32
        %parallel_loop3A_217 = vector.broadcast %parallel_loop3A_216 : i32 to vector<16xi32>
        %parallel_loop3A_218 = arith.andi %parallel_loop3A_207, %parallel_loop3A_217 : vector<16xi32>
        %parallel_loop3A_219 = arith.constant 64 : i32
        %parallel_loop3A_220 = vector.broadcast %parallel_loop3A_219 : i32 to vector<16xi32>
        %parallel_loop3A_221 = arith.muli %parallel_loop3A_218, %parallel_loop3A_220 : vector<16xi32>
        %parallel_loop3A_222 = arith.constant 0 : i32
        %parallel_loop3A_223 = vector.broadcast %parallel_loop3A_222 : i32 to vector<16xi32>
        %parallel_loop3A_224 = arith.addi %parallel_loop3A_223, %parallel_loop3A_212 : vector<16xi32>
        %parallel_loop3A_225 = tpu.vector_load_idx %arg4[%parallel_loop3A_224, %parallel_loop3A_207] : memref<64x256xf32, #tpu.memory_space<vmem>>[vector<16xi32>, vector<16xi32>], vector<16xf32>,
        %parallel_loop3A_226 = arith.addi %parallel_loop3A_221, %parallel_loop3A_224 : vector<16xi32>
        tpu.vector_store_idx %arg7[%parallel_loop3A_215, %parallel_loop3A_226], %parallel_loop3A_225 : memref<128x128xf32, #tpu.memory_space<vmem>>[vector<16xi32>, vector<16xi32>], vector<16xf32>,
        %parallel_loop3A_227 = arith.constant 16 : i32
        %parallel_loop3A_228 = vector.broadcast %parallel_loop3A_227 : i32 to vector<16xi32>
        %parallel_loop3A_229 = arith.addi %parallel_loop3A_228, %parallel_loop3A_212 : vector<16xi32>
        %parallel_loop3A_230 = tpu.vector_load_idx %arg4[%parallel_loop3A_229, %parallel_loop3A_207] : memref<64x256xf32, #tpu.memory_space<vmem>>[vector<16xi32>, vector<16xi32>], vector<16xf32>,
        %parallel_loop3A_231 = arith.addi %parallel_loop3A_221, %parallel_loop3A_229 : vector<16xi32>
        tpu.vector_store_idx %arg7[%parallel_loop3A_215, %parallel_loop3A_231], %parallel_loop3A_230 : memref<128x128xf32, #tpu.memory_space<vmem>>[vector<16xi32>, vector<16xi32>], vector<16xf32>,
        %parallel_loop3A_232 = arith.constant 32 : i32
        %parallel_loop3A_233 = vector.broadcast %parallel_loop3A_232 : i32 to vector<16xi32>
        %parallel_loop3A_234 = arith.addi %parallel_loop3A_233, %parallel_loop3A_212 : vector<16xi32>
        %parallel_loop3A_235 = tpu.vector_load_idx %arg4[%parallel_loop3A_234, %parallel_loop3A_207] : memref<64x256xf32, #tpu.memory_space<vmem>>[vector<16xi32>, vector<16xi32>], vector<16xf32>,
        %parallel_loop3A_236 = arith.addi %parallel_loop3A_221, %parallel_loop3A_234 : vector<16xi32>
        tpu.vector_store_idx %arg7[%parallel_loop3A_215, %parallel_loop3A_236], %parallel_loop3A_235 : memref<128x128xf32, #tpu.memory_space<vmem>>[vector<16xi32>, vector<16xi32>], vector<16xf32>,
        %parallel_loop3A_237 = arith.constant 48 : i32
        %parallel_loop3A_238 = vector.broadcast %parallel_loop3A_237 : i32 to vector<16xi32>
        %parallel_loop3A_239 = arith.addi %parallel_loop3A_238, %parallel_loop3A_212 : vector<16xi32>
        %parallel_loop3A_240 = tpu.vector_load_idx %arg4[%parallel_loop3A_239, %parallel_loop3A_207] : memref<64x256xf32, #tpu.memory_space<vmem>>[vector<16xi32>, vector<16xi32>], vector<16xf32>,
        %parallel_loop3A_241 = arith.addi %parallel_loop3A_221, %parallel_loop3A_239 : vector<16xi32>
        tpu.vector_store_idx %arg7[%parallel_loop3A_215, %parallel_loop3A_241], %parallel_loop3A_240 : memref<128x128xf32, #tpu.memory_space<vmem>>[vector<16xi32>, vector<16xi32>], vector<16xf32>,
      } {sc.loop_unroll_factor = 4 : i64, sc.parallel_access}
      %dma_start3A_175 = arith.constant 0 : i32
      %dma_start3A_176 = arith.constant 0 : i32
      %dma_start3A_177 = tpu.memref_slice %arg7[%dma_start3A_175, %dma_start3A_176] : memref<128x128xf32, #tpu.memory_space<vmem>> -> memref<32x128xf32, #tpu.memory_space<vmem>>
      %dma_start3A_178 = arith.constant 499968 : i32
      %dma_start3A_179 = arith.constant 0 : i32
      %dma_start3A_180 = tpu.memref_slice %arg3[%dma_start3A_178, %dma_start3A_179] : memref<500000x128xf32, #tpu.memory_space<hbm>> -> memref<32x128xf32, #tpu.memory_space<hbm>>
      %dma_start3A_181 = arith.constant 499968 : i32
      %dma_start3A_182 = arith.constant 0 : i32
      %dma_start3A_183 = tpu.memref_slice %arg3[%dma_start3A_181, %dma_start3A_182] : memref<500000x128xf32, #tpu.memory_space<hbm>> -> memref<32x128xf32, #tpu.memory_space<hbm>>
      %dma_start3A_184 = arith.constant 0 : i32
      %dma_start3A_185 = arith.constant 0 : i32
      %dma_start3A_186 = tpu.memref_slice %arg7[%dma_start3A_184, %dma_start3A_185] : memref<128x128xf32, #tpu.memory_space<vmem>> -> memref<32x128xf32, #tpu.memory_space<vmem>>
      tpu.enqueue_dma source(%dma_start3A_186 : memref<32x128xf32, #tpu.memory_space<vmem>>) target(%dma_start3A_183 : memref<32x128xf32, #tpu.memory_space<hbm>>) target_semaphore(%arg13 : memref<!tpu.dma_semaphore, #tpu.memory_space<semaphore_mem>>)
      %dma_wait3A_187 = arith.constant 0 : i32
      %dma_wait3A_188 = arith.constant 0 : i32
      %dma_wait3A_189 = tpu.memref_slice %arg7[%dma_wait3A_187, %dma_wait3A_188] : memref<128x128xf32, #tpu.memory_space<vmem>> -> memref<32x128xf32, #tpu.memory_space<vmem>>
      %dma_wait3A_190 = arith.constant 0 : i32
      %dma_wait3A_191 = arith.constant 0 : i32
      %dma_wait3A_192 = tpu.memref_slice %arg3[%dma_wait3A_190, %dma_wait3A_191] : memref<500000x128xf32, #tpu.memory_space<hbm>> -> memref<32x128xf32, #tpu.memory_space<hbm>>
      %dma_wait3A_193 = arith.constant 0 : i32
      %dma_wait3A_194 = arith.constant 0 : i32
      %dma_wait3A_195 = tpu.memref_slice %arg7[%dma_wait3A_193, %dma_wait3A_194] : memref<128x128xf32, #tpu.memory_space<vmem>> -> memref<32x128xf32, #tpu.memory_space<vmem>>
      %dma_wait3A_196 = arith.constant 0 : i32
      %dma_wait3A_197 = arith.constant 0 : i32
      %dma_wait3A_198 = tpu.memref_slice %arg3[%dma_wait3A_196, %dma_wait3A_197] : memref<500000x128xf32, #tpu.memory_space<hbm>> -> memref<32x128xf32, #tpu.memory_space<hbm>>
      tpu.wait_dma2 semaphore(%arg13 : memref<!tpu.dma_semaphore, #tpu.memory_space<semaphore_mem>>) src(%dma_wait3A_198 : memref<32x128xf32, #tpu.memory_space<hbm>>) dst(%dma_wait3A_195 : memref<32x128xf32, #tpu.memory_space<vmem>>)
    } else {
    }
    return
  }
}

#map = affine_map<(d0, d1) -> (0, 0)>
#map1 = affine_map<(d0, d1) -> (0, 0, 0, 0, 0)>
module attributes {stable_mosaic.version = 14 : i64} {
  func.func @emb_kernel(%arg0: i32, %arg1: i32, %arg2: memref<200x4096xi32, #tpu.memory_space<hbm>>, %arg3: memref<1000000x64xf32, #tpu.memory_space<hbm>>, %arg4: memref<200x8x32x8x128xf32, #tpu.memory_space<hbm>>, %arg5: memref<200x128xi32, #tpu.memory_space<vmem>>, %arg6: memref<128x64xf32, #tpu.memory_space<vmem>>, %arg7: memref<128x64xf32, #tpu.memory_space<vmem>>, %arg8: memref<128x64xf32, #tpu.memory_space<vmem>>, %arg9: memref<128x64xf32, #tpu.memory_space<vmem>>, %arg10: memref<64x129xf32, #tpu.memory_space<vmem>>, %arg11: memref<64x129xf32, #tpu.memory_space<vmem>>, %arg12: memref<64x129xf32, #tpu.memory_space<vmem>>, %arg13: memref<64x129xf32, #tpu.memory_space<vmem>>, %arg14: memref<!tpu.dma_semaphore, #tpu.memory_space<semaphore_mem>>, %arg15: memref<!tpu.dma_semaphore, #tpu.memory_space<semaphore_mem>>, %arg16: memref<!tpu.dma_semaphore, #tpu.memory_space<semaphore_mem>>, %arg17: memref<!tpu.dma_semaphore, #tpu.memory_space<semaphore_mem>>, %arg18: memref<!tpu.dma_semaphore, #tpu.memory_space<semaphore_mem>>, %arg19: memref<!tpu.dma_semaphore, #tpu.memory_space<semaphore_mem>>, %arg20: memref<!tpu.dma_semaphore, #tpu.memory_space<semaphore_mem>>, %arg21: memref<!tpu.dma_semaphore, #tpu.memory_space<semaphore_mem>>) attributes {dimension_semantics = [#tpu.dimension_semantics<core_parallel>, #tpu.dimension_semantics<subcore_parallel>], iteration_bounds = array<i64: 2, 16>, scalar_prefetch = 0 : i64, scratch_operands = 17 : i64, tpu.core_type = #tpu.core_type<sc_vector_subcore>, window_params = [{transform_indices = #map}, {transform_indices = #map}, {transform_indices = #map1}]} {
    %mul3A = arith.constant 2 : i32
    %mul3A_0 = arith.muli %arg1, %mul3A : i32
    %add3A = arith.addi %mul3A_0, %arg0 : i32
    %mul3A_1 = arith.constant 128 : i32
    %mul3A_2 = arith.muli %add3A, %mul3A_1 : i32
    "tpu.region"() ({
      %run_scoped3A = tpu.sem_alloc : memref<!tpu.dma_semaphore, #tpu.memory_space<semaphore_mem>>
      %dma_start3A_110 = arith.constant 0 : i32
      %dma_start3A_111 = tpu.memref_slice %arg2[%dma_start3A_110, %mul3A_2] : memref<200x4096xi32, #tpu.memory_space<hbm>> -> memref<200x128xi32, #tpu.memory_space<hbm>>
      %dma_start3A_112 = arith.constant 0 : i32
      %dma_start3A_113 = tpu.memref_slice %arg2[%dma_start3A_112, %mul3A_2] : memref<200x4096xi32, #tpu.memory_space<hbm>> -> memref<200x128xi32, #tpu.memory_space<hbm>>
      tpu.enqueue_dma source(%dma_start3A_113 : memref<200x128xi32, #tpu.memory_space<hbm>>) target(%arg5 : memref<200x128xi32, #tpu.memory_space<vmem>>) target_semaphore(%run_scoped3A : memref<!tpu.dma_semaphore, #tpu.memory_space<semaphore_mem>>)
      %dma_wait3A_114 = arith.constant 0 : i32
      %dma_wait3A_115 = tpu.memref_slice %arg2[%dma_wait3A_114, %mul3A_2] : memref<200x4096xi32, #tpu.memory_space<hbm>> -> memref<200x128xi32, #tpu.memory_space<hbm>>
      %dma_wait3A_116 = arith.constant 0 : i32
      %dma_wait3A_117 = tpu.memref_slice %arg2[%dma_wait3A_116, %mul3A_2] : memref<200x4096xi32, #tpu.memory_space<hbm>> -> memref<200x128xi32, #tpu.memory_space<hbm>>
      tpu.wait_dma2 semaphore(%run_scoped3A : memref<!tpu.dma_semaphore, #tpu.memory_space<semaphore_mem>>) src(%dma_wait3A_117 : memref<200x128xi32, #tpu.memory_space<hbm>>) dst(%arg5 : memref<200x128xi32, #tpu.memory_space<vmem>>)
      tpu.yield
    }) : () -> ()
    %iota3A = tpu.iota {dimensions = array<i32: 0>} : vector<16xi32>
    %dma_start3A = arith.constant 0 : i32
    %dma_start3A_3 = arith.constant 0 : i32
    %dma_start3A_4 = tpu.memref_slice %arg5[%dma_start3A, %dma_start3A_3] : memref<200x128xi32, #tpu.memory_space<vmem>> -> memref<1x128xi32, #tpu.memory_space<vmem>>
    %dma_start3A_5 = tpu.memref_squeeze %dma_start3A_4 : memref<1x128xi32, #tpu.memory_space<vmem>> -> memref<128xi32, #tpu.memory_space<vmem>>
    %dma_start3A_6 = arith.constant 0 : i32
    %dma_start3A_7 = arith.constant 0 : i32
    %dma_start3A_8 = tpu.memref_slice %arg3[%dma_start3A_6, %dma_start3A_7] : memref<1000000x64xf32, #tpu.memory_space<hbm>> -> memref<1000000x64xf32, #tpu.memory_space<hbm>>
    tpu.enqueue_indirect_dma source(%dma_start3A_8 : memref<1000000x64xf32, #tpu.memory_space<hbm>>) target(%arg6 : memref<128x64xf32, #tpu.memory_space<vmem>>) offsets(%dma_start3A_5 : memref<128xi32, #tpu.memory_space<vmem>>) semaphore(%arg14 : memref<!tpu.dma_semaphore, #tpu.memory_space<semaphore_mem>>)
    %dma_start3A_9 = arith.constant 1 : i32
    %dma_start3A_10 = arith.constant 0 : i32
    %dma_start3A_11 = tpu.memref_slice %arg5[%dma_start3A_9, %dma_start3A_10] : memref<200x128xi32, #tpu.memory_space<vmem>> -> memref<1x128xi32, #tpu.memory_space<vmem>>
    %dma_start3A_12 = tpu.memref_squeeze %dma_start3A_11 : memref<1x128xi32, #tpu.memory_space<vmem>> -> memref<128xi32, #tpu.memory_space<vmem>>
    %dma_start3A_13 = arith.constant 0 : i32
    %dma_start3A_14 = arith.constant 0 : i32
    %dma_start3A_15 = tpu.memref_slice %arg3[%dma_start3A_13, %dma_start3A_14] : memref<1000000x64xf32, #tpu.memory_space<hbm>> -> memref<1000000x64xf32, #tpu.memory_space<hbm>>
    tpu.enqueue_indirect_dma source(%dma_start3A_15 : memref<1000000x64xf32, #tpu.memory_space<hbm>>) target(%arg7 : memref<128x64xf32, #tpu.memory_space<vmem>>) offsets(%dma_start3A_12 : memref<128xi32, #tpu.memory_space<vmem>>) semaphore(%arg15 : memref<!tpu.dma_semaphore, #tpu.memory_space<semaphore_mem>>)
    %dma_start3A_16 = arith.constant 2 : i32
    %dma_start3A_17 = arith.constant 0 : i32
    %dma_start3A_18 = tpu.memref_slice %arg5[%dma_start3A_16, %dma_start3A_17] : memref<200x128xi32, #tpu.memory_space<vmem>> -> memref<1x128xi32, #tpu.memory_space<vmem>>
    %dma_start3A_19 = tpu.memref_squeeze %dma_start3A_18 : memref<1x128xi32, #tpu.memory_space<vmem>> -> memref<128xi32, #tpu.memory_space<vmem>>
    %dma_start3A_20 = arith.constant 0 : i32
    %dma_start3A_21 = arith.constant 0 : i32
    %dma_start3A_22 = tpu.memref_slice %arg3[%dma_start3A_20, %dma_start3A_21] : memref<1000000x64xf32, #tpu.memory_space<hbm>> -> memref<1000000x64xf32, #tpu.memory_space<hbm>>
    tpu.enqueue_indirect_dma source(%dma_start3A_22 : memref<1000000x64xf32, #tpu.memory_space<hbm>>) target(%arg8 : memref<128x64xf32, #tpu.memory_space<vmem>>) offsets(%dma_start3A_19 : memref<128xi32, #tpu.memory_space<vmem>>) semaphore(%arg16 : memref<!tpu.dma_semaphore, #tpu.memory_space<semaphore_mem>>)
    %dma_start3A_23 = arith.constant 3 : i32
    %dma_start3A_24 = arith.constant 0 : i32
    %dma_start3A_25 = tpu.memref_slice %arg5[%dma_start3A_23, %dma_start3A_24] : memref<200x128xi32, #tpu.memory_space<vmem>> -> memref<1x128xi32, #tpu.memory_space<vmem>>
    %dma_start3A_26 = tpu.memref_squeeze %dma_start3A_25 : memref<1x128xi32, #tpu.memory_space<vmem>> -> memref<128xi32, #tpu.memory_space<vmem>>
    %dma_start3A_27 = arith.constant 0 : i32
    %dma_start3A_28 = arith.constant 0 : i32
    %dma_start3A_29 = tpu.memref_slice %arg3[%dma_start3A_27, %dma_start3A_28] : memref<1000000x64xf32, #tpu.memory_space<hbm>> -> memref<1000000x64xf32, #tpu.memory_space<hbm>>
    tpu.enqueue_indirect_dma source(%dma_start3A_29 : memref<1000000x64xf32, #tpu.memory_space<hbm>>) target(%arg9 : memref<128x64xf32, #tpu.memory_space<vmem>>) offsets(%dma_start3A_26 : memref<128xi32, #tpu.memory_space<vmem>>) semaphore(%arg17 : memref<!tpu.dma_semaphore, #tpu.memory_space<semaphore_mem>>)
    %scan3A = arith.constant 0 : i32
    %scan3A_30 = arith.constant 0 : i32
    %scan3A_31 = arith.constant 50 : i32
    %scan3A_32 = arith.addi %scan3A_30, %scan3A_31 : i32
    %scan3A_33 = arith.constant 1 : i32
    scf.for %scan3A_110 = %scan3A_30 to %scan3A_32 step %scan3A_33  : i32 {
      %mul3A_111 = arith.constant 4 : i32
      %mul3A_112 = arith.muli %scan3A_110, %mul3A_111 : i32
      %add3A_113 = arith.constant 0 : i32
      %add3A_114 = arith.addi %mul3A_112, %add3A_113 : i32
      %gt3A = arith.constant 0 : i32
      %gt3A_115 = arith.cmpi sgt, %scan3A_110, %gt3A : i32
      %convert_element_type3A = arith.extui %gt3A_115 : i1 to i32
      %cond3A = arith.constant 0 : i32
      %cond3A_116 = arith.cmpi ne, %convert_element_type3A, %cond3A : i32
      scf.if %cond3A_116 {
        %dma_wait3A_706 = arith.constant 0 : i32
        %dma_wait3A_707 = arith.constant 0 : i32
        %dma_wait3A_708 = arith.constant 0 : i32
        %dma_wait3A_709 = tpu.memref_slice %arg10[%dma_wait3A_707, %dma_wait3A_708] : memref<64x129xf32, #tpu.memory_space<vmem>> -> memref<64x128xf32, #tpu.memory_space<vmem>>
        %dma_wait3A_710 = arith.constant 0 : i32
        %dma_wait3A_711 = arith.constant 0 : i32
        %dma_wait3A_712 = arith.constant 0 : i32
        %dma_wait3A_713 = arith.constant 0 : i32
        %dma_wait3A_714 = tpu.memref_slice %arg4[%dma_wait3A_706, %dma_wait3A_710, %dma_wait3A_711, %dma_wait3A_712, %dma_wait3A_713] : memref<200x8x32x8x128xf32, #tpu.memory_space<hbm>> -> memref<1x8x32x8x128xf32, #tpu.memory_space<hbm>>
        %dma_wait3A_715 = tpu.memref_squeeze %dma_wait3A_714 : memref<1x8x32x8x128xf32, #tpu.memory_space<hbm>> -> memref<8x32x8x128xf32, #tpu.memory_space<hbm>>
        %dma_wait3A_716 = arith.constant 0 : i32
        %dma_wait3A_717 = arith.constant 0 : i32
        %dma_wait3A_718 = tpu.memref_slice %arg10[%dma_wait3A_716, %dma_wait3A_717] : memref<64x129xf32, #tpu.memory_space<vmem>> -> memref<64x128xf32, #tpu.memory_space<vmem>>
        %dma_wait3A_719 = arith.constant 0 : i32
        %dma_wait3A_720 = arith.constant 0 : i32
        %dma_wait3A_721 = arith.constant 0 : i32
        %dma_wait3A_722 = arith.constant 0 : i32
        %dma_wait3A_723 = tpu.memref_slice %arg4[%dma_wait3A_706, %dma_wait3A_719, %dma_wait3A_720, %dma_wait3A_721, %dma_wait3A_722] : memref<200x8x32x8x128xf32, #tpu.memory_space<hbm>> -> memref<1x8x32x8x128xf32, #tpu.memory_space<hbm>>
        %dma_wait3A_724 = tpu.memref_squeeze %dma_wait3A_723 : memref<1x8x32x8x128xf32, #tpu.memory_space<hbm>> -> memref<8x32x8x128xf32, #tpu.memory_space<hbm>>
        tpu.wait_dma2 semaphore(%arg18 : memref<!tpu.dma_semaphore, #tpu.memory_space<semaphore_mem>>) src(%dma_wait3A_724 : memref<8x32x8x128xf32, #tpu.memory_space<hbm>>) dst(%dma_wait3A_718 : memref<64x128xf32, #tpu.memory_space<vmem>>)
      } else {
      }
      %dma_wait3A_117 = arith.constant 0 : i32
      %dma_wait3A_118 = arith.constant 0 : i32
      %dma_wait3A_119 = arith.constant 0 : i32
      %dma_wait3A_120 = arith.constant 0 : i32
      %dma_wait3A_121 = arith.constant 0 : i32
      %dma_wait3A_122 = tpu.memref_slice %arg4[%dma_wait3A_117, %dma_wait3A_118, %dma_wait3A_119, %dma_wait3A_120, %dma_wait3A_121] : memref<200x8x32x8x128xf32, #tpu.memory_space<hbm>> -> memref<1x1x1x8x128xf32, #tpu.memory_space<hbm>>
      %dma_wait3A_123 = tpu.memref_squeeze %dma_wait3A_122 : memref<1x1x1x8x128xf32, #tpu.memory_space<hbm>> -> memref<8x128xf32, #tpu.memory_space<hbm>>
      %dma_wait3A_124 = arith.constant 0 : i32
      %dma_wait3A_125 = arith.constant 0 : i32
      %dma_wait3A_126 = tpu.memref_slice %arg4[%dma_wait3A_117, %dma_wait3A_118, %dma_wait3A_119, %dma_wait3A_124, %dma_wait3A_125] : memref<200x8x32x8x128xf32, #tpu.memory_space<hbm>> -> memref<1x1x1x8x128xf32, #tpu.memory_space<hbm>>
      %dma_wait3A_127 = tpu.memref_squeeze %dma_wait3A_126 : memref<1x1x1x8x128xf32, #tpu.memory_space<hbm>> -> memref<8x128xf32, #tpu.memory_space<hbm>>
      tpu.wait_dma2 semaphore(%arg14 : memref<!tpu.dma_semaphore, #tpu.memory_space<semaphore_mem>>) src(%dma_wait3A_127 : memref<8x128xf32, #tpu.memory_space<hbm>>) dst(%arg6 : memref<128x64xf32, #tpu.memory_space<vmem>>)
      %parallel_loop3A = arith.constant 0 : i32
      %parallel_loop3A_128 = arith.constant 128 : i32
      %parallel_loop3A_129 = arith.constant 1 : i32
      scf.for %parallel_loop3A_706 = %parallel_loop3A to %parallel_loop3A_128 step %parallel_loop3A_129  : i32 {
        %parallel_loop3A_707 = arith.index_cast %parallel_loop3A_706 : i32 to index
        %parallel_loop3A_708 = arith.constant 0 : index
        %parallel_loop3A_709 = tpu.vector_load %arg6[%parallel_loop3A_707, %parallel_loop3A_708] {strides = array<i32>} : memref<128x64xf32, #tpu.memory_space<vmem>>, vector<16xf32>,
        %parallel_loop3A_710 = arith.constant 8.000000e+00 : f32
        %parallel_loop3A_711 = vector.broadcast %parallel_loop3A_710 : f32 to vector<16xf32>
        %parallel_loop3A_712 = arith.mulf %parallel_loop3A_709, %parallel_loop3A_711 : vector<16xf32>
        %parallel_loop3A_713 = arith.constant 0 : i32
        %parallel_loop3A_714 = vector.broadcast %parallel_loop3A_713 : i32 to vector<16xi32>
        %parallel_loop3A_715 = arith.addi %parallel_loop3A_714, %iota3A : vector<16xi32>
        %parallel_loop3A_716 = vector.broadcast %parallel_loop3A_706 : i32 to vector<16xi32>
        tpu.vector_store_idx %arg10[%parallel_loop3A_715, %parallel_loop3A_716], %parallel_loop3A_712 : memref<64x129xf32, #tpu.memory_space<vmem>>[vector<16xi32>, vector<16xi32>], vector<16xf32>,
        %parallel_loop3A_717 = arith.index_cast %parallel_loop3A_706 : i32 to index
        %parallel_loop3A_718 = arith.constant 16 : index
        %parallel_loop3A_719 = tpu.vector_load %arg6[%parallel_loop3A_717, %parallel_loop3A_718] {strides = array<i32>} : memref<128x64xf32, #tpu.memory_space<vmem>>, vector<16xf32>,
        %parallel_loop3A_720 = arith.constant 8.000000e+00 : f32
        %parallel_loop3A_721 = vector.broadcast %parallel_loop3A_720 : f32 to vector<16xf32>
        %parallel_loop3A_722 = arith.mulf %parallel_loop3A_719, %parallel_loop3A_721 : vector<16xf32>
        %parallel_loop3A_723 = arith.constant 16 : i32
        %parallel_loop3A_724 = vector.broadcast %parallel_loop3A_723 : i32 to vector<16xi32>
        %parallel_loop3A_725 = arith.addi %parallel_loop3A_724, %iota3A : vector<16xi32>
        %parallel_loop3A_726 = vector.broadcast %parallel_loop3A_706 : i32 to vector<16xi32>
        tpu.vector_store_idx %arg10[%parallel_loop3A_725, %parallel_loop3A_726], %parallel_loop3A_722 : memref<64x129xf32, #tpu.memory_space<vmem>>[vector<16xi32>, vector<16xi32>], vector<16xf32>,
        %parallel_loop3A_727 = arith.index_cast %parallel_loop3A_706 : i32 to index
        %parallel_loop3A_728 = arith.constant 32 : index
        %parallel_loop3A_729 = tpu.vector_load %arg6[%parallel_loop3A_727, %parallel_loop3A_728] {strides = array<i32>} : memref<128x64xf32, #tpu.memory_space<vmem>>, vector<16xf32>,
        %parallel_loop3A_730 = arith.constant 8.000000e+00 : f32
        %parallel_loop3A_731 = vector.broadcast %parallel_loop3A_730 : f32 to vector<16xf32>
        %parallel_loop3A_732 = arith.mulf %parallel_loop3A_729, %parallel_loop3A_731 : vector<16xf32>
        %parallel_loop3A_733 = arith.constant 32 : i32
        %parallel_loop3A_734 = vector.broadcast %parallel_loop3A_733 : i32 to vector<16xi32>
        %parallel_loop3A_735 = arith.addi %parallel_loop3A_734, %iota3A : vector<16xi32>
        %parallel_loop3A_736 = vector.broadcast %parallel_loop3A_706 : i32 to vector<16xi32>
        tpu.vector_store_idx %arg10[%parallel_loop3A_735, %parallel_loop3A_736], %parallel_loop3A_732 : memref<64x129xf32, #tpu.memory_space<vmem>>[vector<16xi32>, vector<16xi32>], vector<16xf32>,
        %parallel_loop3A_737 = arith.index_cast %parallel_loop3A_706 : i32 to index
        %parallel_loop3A_738 = arith.constant 48 : index
        %parallel_loop3A_739 = tpu.vector_load %arg6[%parallel_loop3A_737, %parallel_loop3A_738] {strides = array<i32>} : memref<128x64xf32, #tpu.memory_space<vmem>>, vector<16xf32>,
        %parallel_loop3A_740 = arith.constant 8.000000e+00 : f32
        %parallel_loop3A_741 = vector.broadcast %parallel_loop3A_740 : f32 to vector<16xf32>
        %parallel_loop3A_742 = arith.mulf %parallel_loop3A_739, %parallel_loop3A_741 : vector<16xf32>
        %parallel_loop3A_743 = arith.constant 48 : i32
        %parallel_loop3A_744 = vector.broadcast %parallel_loop3A_743 : i32 to vector<16xi32>
        %parallel_loop3A_745 = arith.addi %parallel_loop3A_744, %iota3A : vector<16xi32>
        %parallel_loop3A_746 = vector.broadcast %parallel_loop3A_706 : i32 to vector<16xi32>
        tpu.vector_store_idx %arg10[%parallel_loop3A_745, %parallel_loop3A_746], %parallel_loop3A_742 : memref<64x129xf32, #tpu.memory_space<vmem>>[vector<16xi32>, vector<16xi32>], vector<16xf32>,
      } {sc.loop_unroll_factor = 4 : i64, sc.parallel_access}
      %dma_start3A_130 = arith.constant 0 : i32
      %dma_start3A_131 = arith.constant 0 : i32
      %dma_start3A_132 = arith.constant 0 : i32
      %dma_start3A_133 = tpu.memref_slice %arg10[%dma_start3A_131, %dma_start3A_132] : memref<64x129xf32, #tpu.memory_space<vmem>> -> memref<8x128xf32, #tpu.memory_space<vmem>>
      %dma_start3A_134 = arith.constant 0 : i32
      %dma_start3A_135 = arith.constant 0 : i32
      %dma_start3A_136 = tpu.memref_slice %arg4[%add3A_114, %dma_start3A_130, %add3A, %dma_start3A_134, %dma_start3A_135] : memref<200x8x32x8x128xf32, #tpu.memory_space<hbm>> -> memref<1x1x1x8x128xf32, #tpu.memory_space<hbm>>
      %dma_start3A_137 = tpu.memref_squeeze %dma_start3A_136 : memref<1x1x1x8x128xf32, #tpu.memory_space<hbm>> -> memref<8x128xf32, #tpu.memory_space<hbm>>
      %dma_start3A_138 = arith.constant 0 : i32
      %dma_start3A_139 = arith.constant 0 : i32
      %dma_start3A_140 = tpu.memref_slice %arg4[%add3A_114, %dma_start3A_130, %add3A, %dma_start3A_138, %dma_start3A_139] : memref<200x8x32x8x128xf32, #tpu.memory_space<hbm>> -> memref<1x1x1x8x128xf32, #tpu.memory_space<hbm>>
      %dma_start3A_141 = tpu.memref_squeeze %dma_start3A_140 : memref<1x1x1x8x128xf32, #tpu.memory_space<hbm>> -> memref<8x128xf32, #tpu.memory_space<hbm>>
      %dma_start3A_142 = arith.constant 0 : i32
      %dma_start3A_143 = arith.constant 0 : i32
      %dma_start3A_144 = tpu.memref_slice %arg10[%dma_start3A_142, %dma_start3A_143] : memref<64x129xf32, #tpu.memory_space<vmem>> -> memref<8x128xf32, #tpu.memory_space<vmem>>
      tpu.enqueue_dma source(%dma_start3A_144 : memref<8x128xf32, #tpu.memory_space<vmem>>) target(%dma_start3A_141 : memref<8x128xf32, #tpu.memory_space<hbm>>) target_semaphore(%arg18 : memref<!tpu.dma_semaphore, #tpu.memory_space<semaphore_mem>>)
      %dma_start3A_145 = arith.constant 1 : i32
      %dma_start3A_146 = arith.constant 8 : i32
      %dma_start3A_147 = arith.constant 0 : i32
      %dma_start3A_148 = tpu.memref_slice %arg10[%dma_start3A_146, %dma_start3A_147] : memref<64x129xf32, #tpu.memory_space<vmem>> -> memref<8x128xf32, #tpu.memory_space<vmem>>
      %dma_start3A_149 = arith.constant 0 : i32
      %dma_start3A_150 = arith.constant 0 : i32
      %dma_start3A_151 = tpu.memref_slice %arg4[%add3A_114, %dma_start3A_145, %add3A, %dma_start3A_149, %dma_start3A_150] : memref<200x8x32x8x128xf32, #tpu.memory_space<hbm>> -> memref<1x1x1x8x128xf32, #tpu.memory_space<hbm>>
      %dma_start3A_152 = tpu.memref_squeeze %dma_start3A_151 : memref<1x1x1x8x128xf32, #tpu.memory_space<hbm>> -> memref<8x128xf32, #tpu.memory_space<hbm>>
      %dma_start3A_153 = arith.constant 0 : i32
      %dma_start3A_154 = arith.constant 0 : i32
      %dma_start3A_155 = tpu.memref_slice %arg4[%add3A_114, %dma_start3A_145, %add3A, %dma_start3A_153, %dma_start3A_154] : memref<200x8x32x8x128xf32, #tpu.memory_space<hbm>> -> memref<1x1x1x8x128xf32, #tpu.memory_space<hbm>>
      %dma_start3A_156 = tpu.memref_squeeze %dma_start3A_155 : memref<1x1x1x8x128xf32, #tpu.memory_space<hbm>> -> memref<8x128xf32, #tpu.memory_space<hbm>>
      %dma_start3A_157 = arith.constant 8 : i32
      %dma_start3A_158 = arith.constant 0 : i32
      %dma_start3A_159 = tpu.memref_slice %arg10[%dma_start3A_157, %dma_start3A_158] : memref<64x129xf32, #tpu.memory_space<vmem>> -> memref<8x128xf32, #tpu.memory_space<vmem>>
      tpu.enqueue_dma source(%dma_start3A_159 : memref<8x128xf32, #tpu.memory_space<vmem>>) target(%dma_start3A_156 : memref<8x128xf32, #tpu.memory_space<hbm>>) target_semaphore(%arg18 : memref<!tpu.dma_semaphore, #tpu.memory_space<semaphore_mem>>)
      %dma_start3A_160 = arith.constant 2 : i32
      %dma_start3A_161 = arith.constant 16 : i32
      %dma_start3A_162 = arith.constant 0 : i32
      %dma_start3A_163 = tpu.memref_slice %arg10[%dma_start3A_161, %dma_start3A_162] : memref<64x129xf32, #tpu.memory_space<vmem>> -> memref<8x128xf32, #tpu.memory_space<vmem>>
      %dma_start3A_164 = arith.constant 0 : i32
      %dma_start3A_165 = arith.constant 0 : i32
      %dma_start3A_166 = tpu.memref_slice %arg4[%add3A_114, %dma_start3A_160, %add3A, %dma_start3A_164, %dma_start3A_165] : memref<200x8x32x8x128xf32, #tpu.memory_space<hbm>> -> memref<1x1x1x8x128xf32, #tpu.memory_space<hbm>>
      %dma_start3A_167 = tpu.memref_squeeze %dma_start3A_166 : memref<1x1x1x8x128xf32, #tpu.memory_space<hbm>> -> memref<8x128xf32, #tpu.memory_space<hbm>>
      %dma_start3A_168 = arith.constant 0 : i32
      %dma_start3A_169 = arith.constant 0 : i32
      %dma_start3A_170 = tpu.memref_slice %arg4[%add3A_114, %dma_start3A_160, %add3A, %dma_start3A_168, %dma_start3A_169] : memref<200x8x32x8x128xf32, #tpu.memory_space<hbm>> -> memref<1x1x1x8x128xf32, #tpu.memory_space<hbm>>
      %dma_start3A_171 = tpu.memref_squeeze %dma_start3A_170 : memref<1x1x1x8x128xf32, #tpu.memory_space<hbm>> -> memref<8x128xf32, #tpu.memory_space<hbm>>
      %dma_start3A_172 = arith.constant 16 : i32
      %dma_start3A_173 = arith.constant 0 : i32
      %dma_start3A_174 = tpu.memref_slice %arg10[%dma_start3A_172, %dma_start3A_173] : memref<64x129xf32, #tpu.memory_space<vmem>> -> memref<8x128xf32, #tpu.memory_space<vmem>>
      tpu.enqueue_dma source(%dma_start3A_174 : memref<8x128xf32, #tpu.memory_space<vmem>>) target(%dma_start3A_171 : memref<8x128xf32, #tpu.memory_space<hbm>>) target_semaphore(%arg18 : memref<!tpu.dma_semaphore, #tpu.memory_space<semaphore_mem>>)
      %dma_start3A_175 = arith.constant 3 : i32
      %dma_start3A_176 = arith.constant 24 : i32
      %dma_start3A_177 = arith.constant 0 : i32
      %dma_start3A_178 = tpu.memref_slice %arg10[%dma_start3A_176, %dma_start3A_177] : memref<64x129xf32, #tpu.memory_space<vmem>> -> memref<8x128xf32, #tpu.memory_space<vmem>>
      %dma_start3A_179 = arith.constant 0 : i32
      %dma_start3A_180 = arith.constant 0 : i32
      %dma_start3A_181 = tpu.memref_slice %arg4[%add3A_114, %dma_start3A_175, %add3A, %dma_start3A_179, %dma_start3A_180] : memref<200x8x32x8x128xf32, #tpu.memory_space<hbm>> -> memref<1x1x1x8x128xf32, #tpu.memory_space<hbm>>
      %dma_start3A_182 = tpu.memref_squeeze %dma_start3A_181 : memref<1x1x1x8x128xf32, #tpu.memory_space<hbm>> -> memref<8x128xf32, #tpu.memory_space<hbm>>
      %dma_start3A_183 = arith.constant 0 : i32
      %dma_start3A_184 = arith.constant 0 : i32
      %dma_start3A_185 = tpu.memref_slice %arg4[%add3A_114, %dma_start3A_175, %add3A, %dma_start3A_183, %dma_start3A_184] : memref<200x8x32x8x128xf32, #tpu.memory_space<hbm>> -> memref<1x1x1x8x128xf32, #tpu.memory_space<hbm>>
      %dma_start3A_186 = tpu.memref_squeeze %dma_start3A_185 : memref<1x1x1x8x128xf32, #tpu.memory_space<hbm>> -> memref<8x128xf32, #tpu.memory_space<hbm>>
      %dma_start3A_187 = arith.constant 24 : i32
      %dma_start3A_188 = arith.constant 0 : i32
      %dma_start3A_189 = tpu.memref_slice %arg10[%dma_start3A_187, %dma_start3A_188] : memref<64x129xf32, #tpu.memory_space<vmem>> -> memref<8x128xf32, #tpu.memory_space<vmem>>
      tpu.enqueue_dma source(%dma_start3A_189 : memref<8x128xf32, #tpu.memory_space<vmem>>) target(%dma_start3A_186 : memref<8x128xf32, #tpu.memory_space<hbm>>) target_semaphore(%arg18 : memref<!tpu.dma_semaphore, #tpu.memory_space<semaphore_mem>>)
      %dma_start3A_190 = arith.constant 4 : i32
      %dma_start3A_191 = arith.constant 32 : i32
      %dma_start3A_192 = arith.constant 0 : i32
      %dma_start3A_193 = tpu.memref_slice %arg10[%dma_start3A_191, %dma_start3A_192] : memref<64x129xf32, #tpu.memory_space<vmem>> -> memref<8x128xf32, #tpu.memory_space<vmem>>
      %dma_start3A_194 = arith.constant 0 : i32
      %dma_start3A_195 = arith.constant 0 : i32
      %dma_start3A_196 = tpu.memref_slice %arg4[%add3A_114, %dma_start3A_190, %add3A, %dma_start3A_194, %dma_start3A_195] : memref<200x8x32x8x128xf32, #tpu.memory_space<hbm>> -> memref<1x1x1x8x128xf32, #tpu.memory_space<hbm>>
      %dma_start3A_197 = tpu.memref_squeeze %dma_start3A_196 : memref<1x1x1x8x128xf32, #tpu.memory_space<hbm>> -> memref<8x128xf32, #tpu.memory_space<hbm>>
      %dma_start3A_198 = arith.constant 0 : i32
      %dma_start3A_199 = arith.constant 0 : i32
      %dma_start3A_200 = tpu.memref_slice %arg4[%add3A_114, %dma_start3A_190, %add3A, %dma_start3A_198, %dma_start3A_199] : memref<200x8x32x8x128xf32, #tpu.memory_space<hbm>> -> memref<1x1x1x8x128xf32, #tpu.memory_space<hbm>>
      %dma_start3A_201 = tpu.memref_squeeze %dma_start3A_200 : memref<1x1x1x8x128xf32, #tpu.memory_space<hbm>> -> memref<8x128xf32, #tpu.memory_space<hbm>>
      %dma_start3A_202 = arith.constant 32 : i32
      %dma_start3A_203 = arith.constant 0 : i32
      %dma_start3A_204 = tpu.memref_slice %arg10[%dma_start3A_202, %dma_start3A_203] : memref<64x129xf32, #tpu.memory_space<vmem>> -> memref<8x128xf32, #tpu.memory_space<vmem>>
      tpu.enqueue_dma source(%dma_start3A_204 : memref<8x128xf32, #tpu.memory_space<vmem>>) target(%dma_start3A_201 : memref<8x128xf32, #tpu.memory_space<hbm>>) target_semaphore(%arg18 : memref<!tpu.dma_semaphore, #tpu.memory_space<semaphore_mem>>)
      %dma_start3A_205 = arith.constant 5 : i32
      %dma_start3A_206 = arith.constant 40 : i32
      %dma_start3A_207 = arith.constant 0 : i32
      %dma_start3A_208 = tpu.memref_slice %arg10[%dma_start3A_206, %dma_start3A_207] : memref<64x129xf32, #tpu.memory_space<vmem>> -> memref<8x128xf32, #tpu.memory_space<vmem>>
      %dma_start3A_209 = arith.constant 0 : i32
      %dma_start3A_210 = arith.constant 0 : i32
      %dma_start3A_211 = tpu.memref_slice %arg4[%add3A_114, %dma_start3A_205, %add3A, %dma_start3A_209, %dma_start3A_210] : memref<200x8x32x8x128xf32, #tpu.memory_space<hbm>> -> memref<1x1x1x8x128xf32, #tpu.memory_space<hbm>>
      %dma_start3A_212 = tpu.memref_squeeze %dma_start3A_211 : memref<1x1x1x8x128xf32, #tpu.memory_space<hbm>> -> memref<8x128xf32, #tpu.memory_space<hbm>>
      %dma_start3A_213 = arith.constant 0 : i32
      %dma_start3A_214 = arith.constant 0 : i32
      %dma_start3A_215 = tpu.memref_slice %arg4[%add3A_114, %dma_start3A_205, %add3A, %dma_start3A_213, %dma_start3A_214] : memref<200x8x32x8x128xf32, #tpu.memory_space<hbm>> -> memref<1x1x1x8x128xf32, #tpu.memory_space<hbm>>
      %dma_start3A_216 = tpu.memref_squeeze %dma_start3A_215 : memref<1x1x1x8x128xf32, #tpu.memory_space<hbm>> -> memref<8x128xf32, #tpu.memory_space<hbm>>
      %dma_start3A_217 = arith.constant 40 : i32
      %dma_start3A_218 = arith.constant 0 : i32
      %dma_start3A_219 = tpu.memref_slice %arg10[%dma_start3A_217, %dma_start3A_218] : memref<64x129xf32, #tpu.memory_space<vmem>> -> memref<8x128xf32, #tpu.memory_space<vmem>>
      tpu.enqueue_dma source(%dma_start3A_219 : memref<8x128xf32, #tpu.memory_space<vmem>>) target(%dma_start3A_216 : memref<8x128xf32, #tpu.memory_space<hbm>>) target_semaphore(%arg18 : memref<!tpu.dma_semaphore, #tpu.memory_space<semaphore_mem>>)
      %dma_start3A_220 = arith.constant 6 : i32
      %dma_start3A_221 = arith.constant 48 : i32
      %dma_start3A_222 = arith.constant 0 : i32
      %dma_start3A_223 = tpu.memref_slice %arg10[%dma_start3A_221, %dma_start3A_222] : memref<64x129xf32, #tpu.memory_space<vmem>> -> memref<8x128xf32, #tpu.memory_space<vmem>>
      %dma_start3A_224 = arith.constant 0 : i32
      %dma_start3A_225 = arith.constant 0 : i32
      %dma_start3A_226 = tpu.memref_slice %arg4[%add3A_114, %dma_start3A_220, %add3A, %dma_start3A_224, %dma_start3A_225] : memref<200x8x32x8x128xf32, #tpu.memory_space<hbm>> -> memref<1x1x1x8x128xf32, #tpu.memory_space<hbm>>
      %dma_start3A_227 = tpu.memref_squeeze %dma_start3A_226 : memref<1x1x1x8x128xf32, #tpu.memory_space<hbm>> -> memref<8x128xf32, #tpu.memory_space<hbm>>
      %dma_start3A_228 = arith.constant 0 : i32
      %dma_start3A_229 = arith.constant 0 : i32
      %dma_start3A_230 = tpu.memref_slice %arg4[%add3A_114, %dma_start3A_220, %add3A, %dma_start3A_228, %dma_start3A_229] : memref<200x8x32x8x128xf32, #tpu.memory_space<hbm>> -> memref<1x1x1x8x128xf32, #tpu.memory_space<hbm>>
      %dma_start3A_231 = tpu.memref_squeeze %dma_start3A_230 : memref<1x1x1x8x128xf32, #tpu.memory_space<hbm>> -> memref<8x128xf32, #tpu.memory_space<hbm>>
      %dma_start3A_232 = arith.constant 48 : i32
      %dma_start3A_233 = arith.constant 0 : i32
      %dma_start3A_234 = tpu.memref_slice %arg10[%dma_start3A_232, %dma_start3A_233] : memref<64x129xf32, #tpu.memory_space<vmem>> -> memref<8x128xf32, #tpu.memory_space<vmem>>
      tpu.enqueue_dma source(%dma_start3A_234 : memref<8x128xf32, #tpu.memory_space<vmem>>) target(%dma_start3A_231 : memref<8x128xf32, #tpu.memory_space<hbm>>) target_semaphore(%arg18 : memref<!tpu.dma_semaphore, #tpu.memory_space<semaphore_mem>>)
      %dma_start3A_235 = arith.constant 7 : i32
      %dma_start3A_236 = arith.constant 56 : i32
      %dma_start3A_237 = arith.constant 0 : i32
      %dma_start3A_238 = tpu.memref_slice %arg10[%dma_start3A_236, %dma_start3A_237] : memref<64x129xf32, #tpu.memory_space<vmem>> -> memref<8x128xf32, #tpu.memory_space<vmem>>
      %dma_start3A_239 = arith.constant 0 : i32
      %dma_start3A_240 = arith.constant 0 : i32
      %dma_start3A_241 = tpu.memref_slice %arg4[%add3A_114, %dma_start3A_235, %add3A, %dma_start3A_239, %dma_start3A_240] : memref<200x8x32x8x128xf32, #tpu.memory_space<hbm>> -> memref<1x1x1x8x128xf32, #tpu.memory_space<hbm>>
      %dma_start3A_242 = tpu.memref_squeeze %dma_start3A_241 : memref<1x1x1x8x128xf32, #tpu.memory_space<hbm>> -> memref<8x128xf32, #tpu.memory_space<hbm>>
      %dma_start3A_243 = arith.constant 0 : i32
      %dma_start3A_244 = arith.constant 0 : i32
      %dma_start3A_245 = tpu.memref_slice %arg4[%add3A_114, %dma_start3A_235, %add3A, %dma_start3A_243, %dma_start3A_244] : memref<200x8x32x8x128xf32, #tpu.memory_space<hbm>> -> memref<1x1x1x8x128xf32, #tpu.memory_space<hbm>>
      %dma_start3A_246 = tpu.memref_squeeze %dma_start3A_245 : memref<1x1x1x8x128xf32, #tpu.memory_space<hbm>> -> memref<8x128xf32, #tpu.memory_space<hbm>>
      %dma_start3A_247 = arith.constant 56 : i32
      %dma_start3A_248 = arith.constant 0 : i32
      %dma_start3A_249 = tpu.memref_slice %arg10[%dma_start3A_247, %dma_start3A_248] : memref<64x129xf32, #tpu.memory_space<vmem>> -> memref<8x128xf32, #tpu.memory_space<vmem>>
      tpu.enqueue_dma source(%dma_start3A_249 : memref<8x128xf32, #tpu.memory_space<vmem>>) target(%dma_start3A_246 : memref<8x128xf32, #tpu.memory_space<hbm>>) target_semaphore(%arg18 : memref<!tpu.dma_semaphore, #tpu.memory_space<semaphore_mem>>)
      %add3A_250 = arith.constant 1 : i32
      %add3A_251 = arith.addi %scan3A_110, %add3A_250 : i32
      %lt3A = arith.constant 50 : i32
      %lt3A_252 = arith.cmpi slt, %add3A_251, %lt3A : i32
      %convert_element_type3A_253 = arith.extui %lt3A_252 : i1 to i32
      %cond3A_254 = arith.constant 0 : i32
      %cond3A_255 = arith.cmpi ne, %convert_element_type3A_253, %cond3A_254 : i32
      scf.if %cond3A_255 {
        %add3A_706 = arith.constant 4 : i32
        %add3A_707 = arith.addi %add3A_114, %add3A_706 : i32
        %dma_start3A_708 = arith.constant 0 : i32
        %dma_start3A_709 = tpu.memref_slice %arg5[%add3A_707, %dma_start3A_708] : memref<200x128xi32, #tpu.memory_space<vmem>> -> memref<1x128xi32, #tpu.memory_space<vmem>>
        %dma_start3A_710 = tpu.memref_squeeze %dma_start3A_709 : memref<1x128xi32, #tpu.memory_space<vmem>> -> memref<128xi32, #tpu.memory_space<vmem>>
        %dma_start3A_711 = arith.constant 0 : i32
        %dma_start3A_712 = arith.constant 0 : i32
        %dma_start3A_713 = tpu.memref_slice %arg3[%dma_start3A_711, %dma_start3A_712] : memref<1000000x64xf32, #tpu.memory_space<hbm>> -> memref<1000000x64xf32, #tpu.memory_space<hbm>>
        tpu.enqueue_indirect_dma source(%dma_start3A_713 : memref<1000000x64xf32, #tpu.memory_space<hbm>>) target(%arg6 : memref<128x64xf32, #tpu.memory_space<vmem>>) offsets(%dma_start3A_710 : memref<128xi32, #tpu.memory_space<vmem>>) semaphore(%arg14 : memref<!tpu.dma_semaphore, #tpu.memory_space<semaphore_mem>>)
      } else {
      }
      %mul3A_256 = arith.constant 4 : i32
      %mul3A_257 = arith.muli %scan3A_110, %mul3A_256 : i32
      %add3A_258 = arith.constant 1 : i32
      %add3A_259 = arith.addi %mul3A_257, %add3A_258 : i32
      %gt3A_260 = arith.constant 0 : i32
      %gt3A_261 = arith.cmpi sgt, %scan3A_110, %gt3A_260 : i32
      %convert_element_type3A_262 = arith.extui %gt3A_261 : i1 to i32
      %cond3A_263 = arith.constant 0 : i32
      %cond3A_264 = arith.cmpi ne, %convert_element_type3A_262, %cond3A_263 : i32
      scf.if %cond3A_264 {
        %dma_wait3A_706 = arith.constant 0 : i32
        %dma_wait3A_707 = arith.constant 0 : i32
        %dma_wait3A_708 = arith.constant 0 : i32
        %dma_wait3A_709 = tpu.memref_slice %arg11[%dma_wait3A_707, %dma_wait3A_708] : memref<64x129xf32, #tpu.memory_space<vmem>> -> memref<64x128xf32, #tpu.memory_space<vmem>>
        %dma_wait3A_710 = arith.constant 0 : i32
        %dma_wait3A_711 = arith.constant 0 : i32
        %dma_wait3A_712 = arith.constant 0 : i32
        %dma_wait3A_713 = arith.constant 0 : i32
        %dma_wait3A_714 = tpu.memref_slice %arg4[%dma_wait3A_706, %dma_wait3A_710, %dma_wait3A_711, %dma_wait3A_712, %dma_wait3A_713] : memref<200x8x32x8x128xf32, #tpu.memory_space<hbm>> -> memref<1x8x32x8x128xf32, #tpu.memory_space<hbm>>
        %dma_wait3A_715 = tpu.memref_squeeze %dma_wait3A_714 : memref<1x8x32x8x128xf32, #tpu.memory_space<hbm>> -> memref<8x32x8x128xf32, #tpu.memory_space<hbm>>
        %dma_wait3A_716 = arith.constant 0 : i32
        %dma_wait3A_717 = arith.constant 0 : i32
        %dma_wait3A_718 = tpu.memref_slice %arg11[%dma_wait3A_716, %dma_wait3A_717] : memref<64x129xf32, #tpu.memory_space<vmem>> -> memref<64x128xf32, #tpu.memory_space<vmem>>
        %dma_wait3A_719 = arith.constant 0 : i32
        %dma_wait3A_720 = arith.constant 0 : i32
        %dma_wait3A_721 = arith.constant 0 : i32
        %dma_wait3A_722 = arith.constant 0 : i32
        %dma_wait3A_723 = tpu.memref_slice %arg4[%dma_wait3A_706, %dma_wait3A_719, %dma_wait3A_720, %dma_wait3A_721, %dma_wait3A_722] : memref<200x8x32x8x128xf32, #tpu.memory_space<hbm>> -> memref<1x8x32x8x128xf32, #tpu.memory_space<hbm>>
        %dma_wait3A_724 = tpu.memref_squeeze %dma_wait3A_723 : memref<1x8x32x8x128xf32, #tpu.memory_space<hbm>> -> memref<8x32x8x128xf32, #tpu.memory_space<hbm>>
        tpu.wait_dma2 semaphore(%arg19 : memref<!tpu.dma_semaphore, #tpu.memory_space<semaphore_mem>>) src(%dma_wait3A_724 : memref<8x32x8x128xf32, #tpu.memory_space<hbm>>) dst(%dma_wait3A_718 : memref<64x128xf32, #tpu.memory_space<vmem>>)
      } else {
      }
      %dma_wait3A_265 = arith.constant 0 : i32
      %dma_wait3A_266 = arith.constant 0 : i32
      %dma_wait3A_267 = arith.constant 0 : i32
      %dma_wait3A_268 = arith.constant 0 : i32
      %dma_wait3A_269 = arith.constant 0 : i32
      %dma_wait3A_270 = tpu.memref_slice %arg4[%dma_wait3A_265, %dma_wait3A_266, %dma_wait3A_267, %dma_wait3A_268, %dma_wait3A_269] : memref<200x8x32x8x128xf32, #tpu.memory_space<hbm>> -> memref<1x1x1x8x128xf32, #tpu.memory_space<hbm>>
      %dma_wait3A_271 = tpu.memref_squeeze %dma_wait3A_270 : memref<1x1x1x8x128xf32, #tpu.memory_space<hbm>> -> memref<8x128xf32, #tpu.memory_space<hbm>>
      %dma_wait3A_272 = arith.constant 0 : i32
      %dma_wait3A_273 = arith.constant 0 : i32
      %dma_wait3A_274 = tpu.memref_slice %arg4[%dma_wait3A_265, %dma_wait3A_266, %dma_wait3A_267, %dma_wait3A_272, %dma_wait3A_273] : memref<200x8x32x8x128xf32, #tpu.memory_space<hbm>> -> memref<1x1x1x8x128xf32, #tpu.memory_space<hbm>>
      %dma_wait3A_275 = tpu.memref_squeeze %dma_wait3A_274 : memref<1x1x1x8x128xf32, #tpu.memory_space<hbm>> -> memref<8x128xf32, #tpu.memory_space<hbm>>
      tpu.wait_dma2 semaphore(%arg15 : memref<!tpu.dma_semaphore, #tpu.memory_space<semaphore_mem>>) src(%dma_wait3A_275 : memref<8x128xf32, #tpu.memory_space<hbm>>) dst(%arg7 : memref<128x64xf32, #tpu.memory_space<vmem>>)
      %parallel_loop3A_276 = arith.constant 0 : i32
      %parallel_loop3A_277 = arith.constant 128 : i32
      %parallel_loop3A_278 = arith.constant 1 : i32
      scf.for %parallel_loop3A_706 = %parallel_loop3A_276 to %parallel_loop3A_277 step %parallel_loop3A_278  : i32 {
        %parallel_loop3A_707 = arith.index_cast %parallel_loop3A_706 : i32 to index
        %parallel_loop3A_708 = arith.constant 0 : index
        %parallel_loop3A_709 = tpu.vector_load %arg7[%parallel_loop3A_707, %parallel_loop3A_708] {strides = array<i32>} : memref<128x64xf32, #tpu.memory_space<vmem>>, vector<16xf32>,
        %parallel_loop3A_710 = arith.constant 8.000000e+00 : f32
        %parallel_loop3A_711 = vector.broadcast %parallel_loop3A_710 : f32 to vector<16xf32>
        %parallel_loop3A_712 = arith.mulf %parallel_loop3A_709, %parallel_loop3A_711 : vector<16xf32>
        %parallel_loop3A_713 = arith.constant 0 : i32
        %parallel_loop3A_714 = vector.broadcast %parallel_loop3A_713 : i32 to vector<16xi32>
        %parallel_loop3A_715 = arith.addi %parallel_loop3A_714, %iota3A : vector<16xi32>
        %parallel_loop3A_716 = vector.broadcast %parallel_loop3A_706 : i32 to vector<16xi32>
        tpu.vector_store_idx %arg11[%parallel_loop3A_715, %parallel_loop3A_716], %parallel_loop3A_712 : memref<64x129xf32, #tpu.memory_space<vmem>>[vector<16xi32>, vector<16xi32>], vector<16xf32>,
        %parallel_loop3A_717 = arith.index_cast %parallel_loop3A_706 : i32 to index
        %parallel_loop3A_718 = arith.constant 16 : index
        %parallel_loop3A_719 = tpu.vector_load %arg7[%parallel_loop3A_717, %parallel_loop3A_718] {strides = array<i32>} : memref<128x64xf32, #tpu.memory_space<vmem>>, vector<16xf32>,
        %parallel_loop3A_720 = arith.constant 8.000000e+00 : f32
        %parallel_loop3A_721 = vector.broadcast %parallel_loop3A_720 : f32 to vector<16xf32>
        %parallel_loop3A_722 = arith.mulf %parallel_loop3A_719, %parallel_loop3A_721 : vector<16xf32>
        %parallel_loop3A_723 = arith.constant 16 : i32
        %parallel_loop3A_724 = vector.broadcast %parallel_loop3A_723 : i32 to vector<16xi32>
        %parallel_loop3A_725 = arith.addi %parallel_loop3A_724, %iota3A : vector<16xi32>
        %parallel_loop3A_726 = vector.broadcast %parallel_loop3A_706 : i32 to vector<16xi32>
        tpu.vector_store_idx %arg11[%parallel_loop3A_725, %parallel_loop3A_726], %parallel_loop3A_722 : memref<64x129xf32, #tpu.memory_space<vmem>>[vector<16xi32>, vector<16xi32>], vector<16xf32>,
        %parallel_loop3A_727 = arith.index_cast %parallel_loop3A_706 : i32 to index
        %parallel_loop3A_728 = arith.constant 32 : index
        %parallel_loop3A_729 = tpu.vector_load %arg7[%parallel_loop3A_727, %parallel_loop3A_728] {strides = array<i32>} : memref<128x64xf32, #tpu.memory_space<vmem>>, vector<16xf32>,
        %parallel_loop3A_730 = arith.constant 8.000000e+00 : f32
        %parallel_loop3A_731 = vector.broadcast %parallel_loop3A_730 : f32 to vector<16xf32>
        %parallel_loop3A_732 = arith.mulf %parallel_loop3A_729, %parallel_loop3A_731 : vector<16xf32>
        %parallel_loop3A_733 = arith.constant 32 : i32
        %parallel_loop3A_734 = vector.broadcast %parallel_loop3A_733 : i32 to vector<16xi32>
        %parallel_loop3A_735 = arith.addi %parallel_loop3A_734, %iota3A : vector<16xi32>
        %parallel_loop3A_736 = vector.broadcast %parallel_loop3A_706 : i32 to vector<16xi32>
        tpu.vector_store_idx %arg11[%parallel_loop3A_735, %parallel_loop3A_736], %parallel_loop3A_732 : memref<64x129xf32, #tpu.memory_space<vmem>>[vector<16xi32>, vector<16xi32>], vector<16xf32>,
        %parallel_loop3A_737 = arith.index_cast %parallel_loop3A_706 : i32 to index
        %parallel_loop3A_738 = arith.constant 48 : index
        %parallel_loop3A_739 = tpu.vector_load %arg7[%parallel_loop3A_737, %parallel_loop3A_738] {strides = array<i32>} : memref<128x64xf32, #tpu.memory_space<vmem>>, vector<16xf32>,
        %parallel_loop3A_740 = arith.constant 8.000000e+00 : f32
        %parallel_loop3A_741 = vector.broadcast %parallel_loop3A_740 : f32 to vector<16xf32>
        %parallel_loop3A_742 = arith.mulf %parallel_loop3A_739, %parallel_loop3A_741 : vector<16xf32>
        %parallel_loop3A_743 = arith.constant 48 : i32
        %parallel_loop3A_744 = vector.broadcast %parallel_loop3A_743 : i32 to vector<16xi32>
        %parallel_loop3A_745 = arith.addi %parallel_loop3A_744, %iota3A : vector<16xi32>
        %parallel_loop3A_746 = vector.broadcast %parallel_loop3A_706 : i32 to vector<16xi32>
        tpu.vector_store_idx %arg11[%parallel_loop3A_745, %parallel_loop3A_746], %parallel_loop3A_742 : memref<64x129xf32, #tpu.memory_space<vmem>>[vector<16xi32>, vector<16xi32>], vector<16xf32>,
      } {sc.loop_unroll_factor = 4 : i64, sc.parallel_access}
      %dma_start3A_279 = arith.constant 0 : i32
      %dma_start3A_280 = arith.constant 0 : i32
      %dma_start3A_281 = arith.constant 0 : i32
      %dma_start3A_282 = tpu.memref_slice %arg11[%dma_start3A_280, %dma_start3A_281] : memref<64x129xf32, #tpu.memory_space<vmem>> -> memref<8x128xf32, #tpu.memory_space<vmem>>
      %dma_start3A_283 = arith.constant 0 : i32
      %dma_start3A_284 = arith.constant 0 : i32
      %dma_start3A_285 = tpu.memref_slice %arg4[%add3A_259, %dma_start3A_279, %add3A, %dma_start3A_283, %dma_start3A_284] : memref<200x8x32x8x128xf32, #tpu.memory_space<hbm>> -> memref<1x1x1x8x128xf32, #tpu.memory_space<hbm>>
      %dma_start3A_286 = tpu.memref_squeeze %dma_start3A_285 : memref<1x1x1x8x128xf32, #tpu.memory_space<hbm>> -> memref<8x128xf32, #tpu.memory_space<hbm>>
      %dma_start3A_287 = arith.constant 0 : i32
      %dma_start3A_288 = arith.constant 0 : i32
      %dma_start3A_289 = tpu.memref_slice %arg4[%add3A_259, %dma_start3A_279, %add3A, %dma_start3A_287, %dma_start3A_288] : memref<200x8x32x8x128xf32, #tpu.memory_space<hbm>> -> memref<1x1x1x8x128xf32, #tpu.memory_space<hbm>>
      %dma_start3A_290 = tpu.memref_squeeze %dma_start3A_289 : memref<1x1x1x8x128xf32, #tpu.memory_space<hbm>> -> memref<8x128xf32, #tpu.memory_space<hbm>>
      %dma_start3A_291 = arith.constant 0 : i32
      %dma_start3A_292 = arith.constant 0 : i32
      %dma_start3A_293 = tpu.memref_slice %arg11[%dma_start3A_291, %dma_start3A_292] : memref<64x129xf32, #tpu.memory_space<vmem>> -> memref<8x128xf32, #tpu.memory_space<vmem>>
      tpu.enqueue_dma source(%dma_start3A_293 : memref<8x128xf32, #tpu.memory_space<vmem>>) target(%dma_start3A_290 : memref<8x128xf32, #tpu.memory_space<hbm>>) target_semaphore(%arg19 : memref<!tpu.dma_semaphore, #tpu.memory_space<semaphore_mem>>)
      %dma_start3A_294 = arith.constant 1 : i32
      %dma_start3A_295 = arith.constant 8 : i32
      %dma_start3A_296 = arith.constant 0 : i32
      %dma_start3A_297 = tpu.memref_slice %arg11[%dma_start3A_295, %dma_start3A_296] : memref<64x129xf32, #tpu.memory_space<vmem>> -> memref<8x128xf32, #tpu.memory_space<vmem>>
      %dma_start3A_298 = arith.constant 0 : i32
      %dma_start3A_299 = arith.constant 0 : i32
      %dma_start3A_300 = tpu.memref_slice %arg4[%add3A_259, %dma_start3A_294, %add3A, %dma_start3A_298, %dma_start3A_299] : memref<200x8x32x8x128xf32, #tpu.memory_space<hbm>> -> memref<1x1x1x8x128xf32, #tpu.memory_space<hbm>>
      %dma_start3A_301 = tpu.memref_squeeze %dma_start3A_300 : memref<1x1x1x8x128xf32, #tpu.memory_space<hbm>> -> memref<8x128xf32, #tpu.memory_space<hbm>>
      %dma_start3A_302 = arith.constant 0 : i32
      %dma_start3A_303 = arith.constant 0 : i32
      %dma_start3A_304 = tpu.memref_slice %arg4[%add3A_259, %dma_start3A_294, %add3A, %dma_start3A_302, %dma_start3A_303] : memref<200x8x32x8x128xf32, #tpu.memory_space<hbm>> -> memref<1x1x1x8x128xf32, #tpu.memory_space<hbm>>
      %dma_start3A_305 = tpu.memref_squeeze %dma_start3A_304 : memref<1x1x1x8x128xf32, #tpu.memory_space<hbm>> -> memref<8x128xf32, #tpu.memory_space<hbm>>
      %dma_start3A_306 = arith.constant 8 : i32
      %dma_start3A_307 = arith.constant 0 : i32
      %dma_start3A_308 = tpu.memref_slice %arg11[%dma_start3A_306, %dma_start3A_307] : memref<64x129xf32, #tpu.memory_space<vmem>> -> memref<8x128xf32, #tpu.memory_space<vmem>>
      tpu.enqueue_dma source(%dma_start3A_308 : memref<8x128xf32, #tpu.memory_space<vmem>>) target(%dma_start3A_305 : memref<8x128xf32, #tpu.memory_space<hbm>>) target_semaphore(%arg19 : memref<!tpu.dma_semaphore, #tpu.memory_space<semaphore_mem>>)
      %dma_start3A_309 = arith.constant 2 : i32
      %dma_start3A_310 = arith.constant 16 : i32
      %dma_start3A_311 = arith.constant 0 : i32
      %dma_start3A_312 = tpu.memref_slice %arg11[%dma_start3A_310, %dma_start3A_311] : memref<64x129xf32, #tpu.memory_space<vmem>> -> memref<8x128xf32, #tpu.memory_space<vmem>>
      %dma_start3A_313 = arith.constant 0 : i32
      %dma_start3A_314 = arith.constant 0 : i32
      %dma_start3A_315 = tpu.memref_slice %arg4[%add3A_259, %dma_start3A_309, %add3A, %dma_start3A_313, %dma_start3A_314] : memref<200x8x32x8x128xf32, #tpu.memory_space<hbm>> -> memref<1x1x1x8x128xf32, #tpu.memory_space<hbm>>
      %dma_start3A_316 = tpu.memref_squeeze %dma_start3A_315 : memref<1x1x1x8x128xf32, #tpu.memory_space<hbm>> -> memref<8x128xf32, #tpu.memory_space<hbm>>
      %dma_start3A_317 = arith.constant 0 : i32
      %dma_start3A_318 = arith.constant 0 : i32
      %dma_start3A_319 = tpu.memref_slice %arg4[%add3A_259, %dma_start3A_309, %add3A, %dma_start3A_317, %dma_start3A_318] : memref<200x8x32x8x128xf32, #tpu.memory_space<hbm>> -> memref<1x1x1x8x128xf32, #tpu.memory_space<hbm>>
      %dma_start3A_320 = tpu.memref_squeeze %dma_start3A_319 : memref<1x1x1x8x128xf32, #tpu.memory_space<hbm>> -> memref<8x128xf32, #tpu.memory_space<hbm>>
      %dma_start3A_321 = arith.constant 16 : i32
      %dma_start3A_322 = arith.constant 0 : i32
      %dma_start3A_323 = tpu.memref_slice %arg11[%dma_start3A_321, %dma_start3A_322] : memref<64x129xf32, #tpu.memory_space<vmem>> -> memref<8x128xf32, #tpu.memory_space<vmem>>
      tpu.enqueue_dma source(%dma_start3A_323 : memref<8x128xf32, #tpu.memory_space<vmem>>) target(%dma_start3A_320 : memref<8x128xf32, #tpu.memory_space<hbm>>) target_semaphore(%arg19 : memref<!tpu.dma_semaphore, #tpu.memory_space<semaphore_mem>>)
      %dma_start3A_324 = arith.constant 3 : i32
      %dma_start3A_325 = arith.constant 24 : i32
      %dma_start3A_326 = arith.constant 0 : i32
      %dma_start3A_327 = tpu.memref_slice %arg11[%dma_start3A_325, %dma_start3A_326] : memref<64x129xf32, #tpu.memory_space<vmem>> -> memref<8x128xf32, #tpu.memory_space<vmem>>
      %dma_start3A_328 = arith.constant 0 : i32
      %dma_start3A_329 = arith.constant 0 : i32
      %dma_start3A_330 = tpu.memref_slice %arg4[%add3A_259, %dma_start3A_324, %add3A, %dma_start3A_328, %dma_start3A_329] : memref<200x8x32x8x128xf32, #tpu.memory_space<hbm>> -> memref<1x1x1x8x128xf32, #tpu.memory_space<hbm>>
      %dma_start3A_331 = tpu.memref_squeeze %dma_start3A_330 : memref<1x1x1x8x128xf32, #tpu.memory_space<hbm>> -> memref<8x128xf32, #tpu.memory_space<hbm>>
      %dma_start3A_332 = arith.constant 0 : i32
      %dma_start3A_333 = arith.constant 0 : i32
      %dma_start3A_334 = tpu.memref_slice %arg4[%add3A_259, %dma_start3A_324, %add3A, %dma_start3A_332, %dma_start3A_333] : memref<200x8x32x8x128xf32, #tpu.memory_space<hbm>> -> memref<1x1x1x8x128xf32, #tpu.memory_space<hbm>>
      %dma_start3A_335 = tpu.memref_squeeze %dma_start3A_334 : memref<1x1x1x8x128xf32, #tpu.memory_space<hbm>> -> memref<8x128xf32, #tpu.memory_space<hbm>>
      %dma_start3A_336 = arith.constant 24 : i32
      %dma_start3A_337 = arith.constant 0 : i32
      %dma_start3A_338 = tpu.memref_slice %arg11[%dma_start3A_336, %dma_start3A_337] : memref<64x129xf32, #tpu.memory_space<vmem>> -> memref<8x128xf32, #tpu.memory_space<vmem>>
      tpu.enqueue_dma source(%dma_start3A_338 : memref<8x128xf32, #tpu.memory_space<vmem>>) target(%dma_start3A_335 : memref<8x128xf32, #tpu.memory_space<hbm>>) target_semaphore(%arg19 : memref<!tpu.dma_semaphore, #tpu.memory_space<semaphore_mem>>)
      %dma_start3A_339 = arith.constant 4 : i32
      %dma_start3A_340 = arith.constant 32 : i32
      %dma_start3A_341 = arith.constant 0 : i32
      %dma_start3A_342 = tpu.memref_slice %arg11[%dma_start3A_340, %dma_start3A_341] : memref<64x129xf32, #tpu.memory_space<vmem>> -> memref<8x128xf32, #tpu.memory_space<vmem>>
      %dma_start3A_343 = arith.constant 0 : i32
      %dma_start3A_344 = arith.constant 0 : i32
      %dma_start3A_345 = tpu.memref_slice %arg4[%add3A_259, %dma_start3A_339, %add3A, %dma_start3A_343, %dma_start3A_344] : memref<200x8x32x8x128xf32, #tpu.memory_space<hbm>> -> memref<1x1x1x8x128xf32, #tpu.memory_space<hbm>>
      %dma_start3A_346 = tpu.memref_squeeze %dma_start3A_345 : memref<1x1x1x8x128xf32, #tpu.memory_space<hbm>> -> memref<8x128xf32, #tpu.memory_space<hbm>>
      %dma_start3A_347 = arith.constant 0 : i32
      %dma_start3A_348 = arith.constant 0 : i32
      %dma_start3A_349 = tpu.memref_slice %arg4[%add3A_259, %dma_start3A_339, %add3A, %dma_start3A_347, %dma_start3A_348] : memref<200x8x32x8x128xf32, #tpu.memory_space<hbm>> -> memref<1x1x1x8x128xf32, #tpu.memory_space<hbm>>
      %dma_start3A_350 = tpu.memref_squeeze %dma_start3A_349 : memref<1x1x1x8x128xf32, #tpu.memory_space<hbm>> -> memref<8x128xf32, #tpu.memory_space<hbm>>
      %dma_start3A_351 = arith.constant 32 : i32
      %dma_start3A_352 = arith.constant 0 : i32
      %dma_start3A_353 = tpu.memref_slice %arg11[%dma_start3A_351, %dma_start3A_352] : memref<64x129xf32, #tpu.memory_space<vmem>> -> memref<8x128xf32, #tpu.memory_space<vmem>>
      tpu.enqueue_dma source(%dma_start3A_353 : memref<8x128xf32, #tpu.memory_space<vmem>>) target(%dma_start3A_350 : memref<8x128xf32, #tpu.memory_space<hbm>>) target_semaphore(%arg19 : memref<!tpu.dma_semaphore, #tpu.memory_space<semaphore_mem>>)
      %dma_start3A_354 = arith.constant 5 : i32
      %dma_start3A_355 = arith.constant 40 : i32
      %dma_start3A_356 = arith.constant 0 : i32
      %dma_start3A_357 = tpu.memref_slice %arg11[%dma_start3A_355, %dma_start3A_356] : memref<64x129xf32, #tpu.memory_space<vmem>> -> memref<8x128xf32, #tpu.memory_space<vmem>>
      %dma_start3A_358 = arith.constant 0 : i32
      %dma_start3A_359 = arith.constant 0 : i32
      %dma_start3A_360 = tpu.memref_slice %arg4[%add3A_259, %dma_start3A_354, %add3A, %dma_start3A_358, %dma_start3A_359] : memref<200x8x32x8x128xf32, #tpu.memory_space<hbm>> -> memref<1x1x1x8x128xf32, #tpu.memory_space<hbm>>
      %dma_start3A_361 = tpu.memref_squeeze %dma_start3A_360 : memref<1x1x1x8x128xf32, #tpu.memory_space<hbm>> -> memref<8x128xf32, #tpu.memory_space<hbm>>
      %dma_start3A_362 = arith.constant 0 : i32
      %dma_start3A_363 = arith.constant 0 : i32
      %dma_start3A_364 = tpu.memref_slice %arg4[%add3A_259, %dma_start3A_354, %add3A, %dma_start3A_362, %dma_start3A_363] : memref<200x8x32x8x128xf32, #tpu.memory_space<hbm>> -> memref<1x1x1x8x128xf32, #tpu.memory_space<hbm>>
      %dma_start3A_365 = tpu.memref_squeeze %dma_start3A_364 : memref<1x1x1x8x128xf32, #tpu.memory_space<hbm>> -> memref<8x128xf32, #tpu.memory_space<hbm>>
      %dma_start3A_366 = arith.constant 40 : i32
      %dma_start3A_367 = arith.constant 0 : i32
      %dma_start3A_368 = tpu.memref_slice %arg11[%dma_start3A_366, %dma_start3A_367] : memref<64x129xf32, #tpu.memory_space<vmem>> -> memref<8x128xf32, #tpu.memory_space<vmem>>
      tpu.enqueue_dma source(%dma_start3A_368 : memref<8x128xf32, #tpu.memory_space<vmem>>) target(%dma_start3A_365 : memref<8x128xf32, #tpu.memory_space<hbm>>) target_semaphore(%arg19 : memref<!tpu.dma_semaphore, #tpu.memory_space<semaphore_mem>>)
      %dma_start3A_369 = arith.constant 6 : i32
      %dma_start3A_370 = arith.constant 48 : i32
      %dma_start3A_371 = arith.constant 0 : i32
      %dma_start3A_372 = tpu.memref_slice %arg11[%dma_start3A_370, %dma_start3A_371] : memref<64x129xf32, #tpu.memory_space<vmem>> -> memref<8x128xf32, #tpu.memory_space<vmem>>
      %dma_start3A_373 = arith.constant 0 : i32
      %dma_start3A_374 = arith.constant 0 : i32
      %dma_start3A_375 = tpu.memref_slice %arg4[%add3A_259, %dma_start3A_369, %add3A, %dma_start3A_373, %dma_start3A_374] : memref<200x8x32x8x128xf32, #tpu.memory_space<hbm>> -> memref<1x1x1x8x128xf32, #tpu.memory_space<hbm>>
      %dma_start3A_376 = tpu.memref_squeeze %dma_start3A_375 : memref<1x1x1x8x128xf32, #tpu.memory_space<hbm>> -> memref<8x128xf32, #tpu.memory_space<hbm>>
      %dma_start3A_377 = arith.constant 0 : i32
      %dma_start3A_378 = arith.constant 0 : i32
      %dma_start3A_379 = tpu.memref_slice %arg4[%add3A_259, %dma_start3A_369, %add3A, %dma_start3A_377, %dma_start3A_378] : memref<200x8x32x8x128xf32, #tpu.memory_space<hbm>> -> memref<1x1x1x8x128xf32, #tpu.memory_space<hbm>>
      %dma_start3A_380 = tpu.memref_squeeze %dma_start3A_379 : memref<1x1x1x8x128xf32, #tpu.memory_space<hbm>> -> memref<8x128xf32, #tpu.memory_space<hbm>>
      %dma_start3A_381 = arith.constant 48 : i32
      %dma_start3A_382 = arith.constant 0 : i32
      %dma_start3A_383 = tpu.memref_slice %arg11[%dma_start3A_381, %dma_start3A_382] : memref<64x129xf32, #tpu.memory_space<vmem>> -> memref<8x128xf32, #tpu.memory_space<vmem>>
      tpu.enqueue_dma source(%dma_start3A_383 : memref<8x128xf32, #tpu.memory_space<vmem>>) target(%dma_start3A_380 : memref<8x128xf32, #tpu.memory_space<hbm>>) target_semaphore(%arg19 : memref<!tpu.dma_semaphore, #tpu.memory_space<semaphore_mem>>)
      %dma_start3A_384 = arith.constant 7 : i32
      %dma_start3A_385 = arith.constant 56 : i32
      %dma_start3A_386 = arith.constant 0 : i32
      %dma_start3A_387 = tpu.memref_slice %arg11[%dma_start3A_385, %dma_start3A_386] : memref<64x129xf32, #tpu.memory_space<vmem>> -> memref<8x128xf32, #tpu.memory_space<vmem>>
      %dma_start3A_388 = arith.constant 0 : i32
      %dma_start3A_389 = arith.constant 0 : i32
      %dma_start3A_390 = tpu.memref_slice %arg4[%add3A_259, %dma_start3A_384, %add3A, %dma_start3A_388, %dma_start3A_389] : memref<200x8x32x8x128xf32, #tpu.memory_space<hbm>> -> memref<1x1x1x8x128xf32, #tpu.memory_space<hbm>>
      %dma_start3A_391 = tpu.memref_squeeze %dma_start3A_390 : memref<1x1x1x8x128xf32, #tpu.memory_space<hbm>> -> memref<8x128xf32, #tpu.memory_space<hbm>>
      %dma_start3A_392 = arith.constant 0 : i32
      %dma_start3A_393 = arith.constant 0 : i32
      %dma_start3A_394 = tpu.memref_slice %arg4[%add3A_259, %dma_start3A_384, %add3A, %dma_start3A_392, %dma_start3A_393] : memref<200x8x32x8x128xf32, #tpu.memory_space<hbm>> -> memref<1x1x1x8x128xf32, #tpu.memory_space<hbm>>
      %dma_start3A_395 = tpu.memref_squeeze %dma_start3A_394 : memref<1x1x1x8x128xf32, #tpu.memory_space<hbm>> -> memref<8x128xf32, #tpu.memory_space<hbm>>
      %dma_start3A_396 = arith.constant 56 : i32
      %dma_start3A_397 = arith.constant 0 : i32
      %dma_start3A_398 = tpu.memref_slice %arg11[%dma_start3A_396, %dma_start3A_397] : memref<64x129xf32, #tpu.memory_space<vmem>> -> memref<8x128xf32, #tpu.memory_space<vmem>>
      tpu.enqueue_dma source(%dma_start3A_398 : memref<8x128xf32, #tpu.memory_space<vmem>>) target(%dma_start3A_395 : memref<8x128xf32, #tpu.memory_space<hbm>>) target_semaphore(%arg19 : memref<!tpu.dma_semaphore, #tpu.memory_space<semaphore_mem>>)
      %add3A_399 = arith.constant 1 : i32
      %add3A_400 = arith.addi %scan3A_110, %add3A_399 : i32
      %lt3A_401 = arith.constant 50 : i32
      %lt3A_402 = arith.cmpi slt, %add3A_400, %lt3A_401 : i32
      %convert_element_type3A_403 = arith.extui %lt3A_402 : i1 to i32
      %cond3A_404 = arith.constant 0 : i32
      %cond3A_405 = arith.cmpi ne, %convert_element_type3A_403, %cond3A_404 : i32
      scf.if %cond3A_405 {
        %add3A_706 = arith.constant 4 : i32
        %add3A_707 = arith.addi %add3A_259, %add3A_706 : i32
        %dma_start3A_708 = arith.constant 0 : i32
        %dma_start3A_709 = tpu.memref_slice %arg5[%add3A_707, %dma_start3A_708] : memref<200x128xi32, #tpu.memory_space<vmem>> -> memref<1x128xi32, #tpu.memory_space<vmem>>
        %dma_start3A_710 = tpu.memref_squeeze %dma_start3A_709 : memref<1x128xi32, #tpu.memory_space<vmem>> -> memref<128xi32, #tpu.memory_space<vmem>>
        %dma_start3A_711 = arith.constant 0 : i32
        %dma_start3A_712 = arith.constant 0 : i32
        %dma_start3A_713 = tpu.memref_slice %arg3[%dma_start3A_711, %dma_start3A_712] : memref<1000000x64xf32, #tpu.memory_space<hbm>> -> memref<1000000x64xf32, #tpu.memory_space<hbm>>
        tpu.enqueue_indirect_dma source(%dma_start3A_713 : memref<1000000x64xf32, #tpu.memory_space<hbm>>) target(%arg7 : memref<128x64xf32, #tpu.memory_space<vmem>>) offsets(%dma_start3A_710 : memref<128xi32, #tpu.memory_space<vmem>>) semaphore(%arg15 : memref<!tpu.dma_semaphore, #tpu.memory_space<semaphore_mem>>)
      } else {
      }
      %mul3A_406 = arith.constant 4 : i32
      %mul3A_407 = arith.muli %scan3A_110, %mul3A_406 : i32
      %add3A_408 = arith.constant 2 : i32
      %add3A_409 = arith.addi %mul3A_407, %add3A_408 : i32
      %gt3A_410 = arith.constant 0 : i32
      %gt3A_411 = arith.cmpi sgt, %scan3A_110, %gt3A_410 : i32
      %convert_element_type3A_412 = arith.extui %gt3A_411 : i1 to i32
      %cond3A_413 = arith.constant 0 : i32
      %cond3A_414 = arith.cmpi ne, %convert_element_type3A_412, %cond3A_413 : i32
      scf.if %cond3A_414 {
        %dma_wait3A_706 = arith.constant 0 : i32
        %dma_wait3A_707 = arith.constant 0 : i32
        %dma_wait3A_708 = arith.constant 0 : i32
        %dma_wait3A_709 = tpu.memref_slice %arg12[%dma_wait3A_707, %dma_wait3A_708] : memref<64x129xf32, #tpu.memory_space<vmem>> -> memref<64x128xf32, #tpu.memory_space<vmem>>
        %dma_wait3A_710 = arith.constant 0 : i32
        %dma_wait3A_711 = arith.constant 0 : i32
        %dma_wait3A_712 = arith.constant 0 : i32
        %dma_wait3A_713 = arith.constant 0 : i32
        %dma_wait3A_714 = tpu.memref_slice %arg4[%dma_wait3A_706, %dma_wait3A_710, %dma_wait3A_711, %dma_wait3A_712, %dma_wait3A_713] : memref<200x8x32x8x128xf32, #tpu.memory_space<hbm>> -> memref<1x8x32x8x128xf32, #tpu.memory_space<hbm>>
        %dma_wait3A_715 = tpu.memref_squeeze %dma_wait3A_714 : memref<1x8x32x8x128xf32, #tpu.memory_space<hbm>> -> memref<8x32x8x128xf32, #tpu.memory_space<hbm>>
        %dma_wait3A_716 = arith.constant 0 : i32
        %dma_wait3A_717 = arith.constant 0 : i32
        %dma_wait3A_718 = tpu.memref_slice %arg12[%dma_wait3A_716, %dma_wait3A_717] : memref<64x129xf32, #tpu.memory_space<vmem>> -> memref<64x128xf32, #tpu.memory_space<vmem>>
        %dma_wait3A_719 = arith.constant 0 : i32
        %dma_wait3A_720 = arith.constant 0 : i32
        %dma_wait3A_721 = arith.constant 0 : i32
        %dma_wait3A_722 = arith.constant 0 : i32
        %dma_wait3A_723 = tpu.memref_slice %arg4[%dma_wait3A_706, %dma_wait3A_719, %dma_wait3A_720, %dma_wait3A_721, %dma_wait3A_722] : memref<200x8x32x8x128xf32, #tpu.memory_space<hbm>> -> memref<1x8x32x8x128xf32, #tpu.memory_space<hbm>>
        %dma_wait3A_724 = tpu.memref_squeeze %dma_wait3A_723 : memref<1x8x32x8x128xf32, #tpu.memory_space<hbm>> -> memref<8x32x8x128xf32, #tpu.memory_space<hbm>>
        tpu.wait_dma2 semaphore(%arg20 : memref<!tpu.dma_semaphore, #tpu.memory_space<semaphore_mem>>) src(%dma_wait3A_724 : memref<8x32x8x128xf32, #tpu.memory_space<hbm>>) dst(%dma_wait3A_718 : memref<64x128xf32, #tpu.memory_space<vmem>>)
      } else {
      }
      %dma_wait3A_415 = arith.constant 0 : i32
      %dma_wait3A_416 = arith.constant 0 : i32
      %dma_wait3A_417 = arith.constant 0 : i32
      %dma_wait3A_418 = arith.constant 0 : i32
      %dma_wait3A_419 = arith.constant 0 : i32
      %dma_wait3A_420 = tpu.memref_slice %arg4[%dma_wait3A_415, %dma_wait3A_416, %dma_wait3A_417, %dma_wait3A_418, %dma_wait3A_419] : memref<200x8x32x8x128xf32, #tpu.memory_space<hbm>> -> memref<1x1x1x8x128xf32, #tpu.memory_space<hbm>>
      %dma_wait3A_421 = tpu.memref_squeeze %dma_wait3A_420 : memref<1x1x1x8x128xf32, #tpu.memory_space<hbm>> -> memref<8x128xf32, #tpu.memory_space<hbm>>
      %dma_wait3A_422 = arith.constant 0 : i32
      %dma_wait3A_423 = arith.constant 0 : i32
      %dma_wait3A_424 = tpu.memref_slice %arg4[%dma_wait3A_415, %dma_wait3A_416, %dma_wait3A_417, %dma_wait3A_422, %dma_wait3A_423] : memref<200x8x32x8x128xf32, #tpu.memory_space<hbm>> -> memref<1x1x1x8x128xf32, #tpu.memory_space<hbm>>
      %dma_wait3A_425 = tpu.memref_squeeze %dma_wait3A_424 : memref<1x1x1x8x128xf32, #tpu.memory_space<hbm>> -> memref<8x128xf32, #tpu.memory_space<hbm>>
      tpu.wait_dma2 semaphore(%arg16 : memref<!tpu.dma_semaphore, #tpu.memory_space<semaphore_mem>>) src(%dma_wait3A_425 : memref<8x128xf32, #tpu.memory_space<hbm>>) dst(%arg8 : memref<128x64xf32, #tpu.memory_space<vmem>>)
      %parallel_loop3A_426 = arith.constant 0 : i32
      %parallel_loop3A_427 = arith.constant 128 : i32
      %parallel_loop3A_428 = arith.constant 1 : i32
      scf.for %parallel_loop3A_706 = %parallel_loop3A_426 to %parallel_loop3A_427 step %parallel_loop3A_428  : i32 {
        %parallel_loop3A_707 = arith.index_cast %parallel_loop3A_706 : i32 to index
        %parallel_loop3A_708 = arith.constant 0 : index
        %parallel_loop3A_709 = tpu.vector_load %arg8[%parallel_loop3A_707, %parallel_loop3A_708] {strides = array<i32>} : memref<128x64xf32, #tpu.memory_space<vmem>>, vector<16xf32>,
        %parallel_loop3A_710 = arith.constant 8.000000e+00 : f32
        %parallel_loop3A_711 = vector.broadcast %parallel_loop3A_710 : f32 to vector<16xf32>
        %parallel_loop3A_712 = arith.mulf %parallel_loop3A_709, %parallel_loop3A_711 : vector<16xf32>
        %parallel_loop3A_713 = arith.constant 0 : i32
        %parallel_loop3A_714 = vector.broadcast %parallel_loop3A_713 : i32 to vector<16xi32>
        %parallel_loop3A_715 = arith.addi %parallel_loop3A_714, %iota3A : vector<16xi32>
        %parallel_loop3A_716 = vector.broadcast %parallel_loop3A_706 : i32 to vector<16xi32>
        tpu.vector_store_idx %arg12[%parallel_loop3A_715, %parallel_loop3A_716], %parallel_loop3A_712 : memref<64x129xf32, #tpu.memory_space<vmem>>[vector<16xi32>, vector<16xi32>], vector<16xf32>,
        %parallel_loop3A_717 = arith.index_cast %parallel_loop3A_706 : i32 to index
        %parallel_loop3A_718 = arith.constant 16 : index
        %parallel_loop3A_719 = tpu.vector_load %arg8[%parallel_loop3A_717, %parallel_loop3A_718] {strides = array<i32>} : memref<128x64xf32, #tpu.memory_space<vmem>>, vector<16xf32>,
        %parallel_loop3A_720 = arith.constant 8.000000e+00 : f32
        %parallel_loop3A_721 = vector.broadcast %parallel_loop3A_720 : f32 to vector<16xf32>
        %parallel_loop3A_722 = arith.mulf %parallel_loop3A_719, %parallel_loop3A_721 : vector<16xf32>
        %parallel_loop3A_723 = arith.constant 16 : i32
        %parallel_loop3A_724 = vector.broadcast %parallel_loop3A_723 : i32 to vector<16xi32>
        %parallel_loop3A_725 = arith.addi %parallel_loop3A_724, %iota3A : vector<16xi32>
        %parallel_loop3A_726 = vector.broadcast %parallel_loop3A_706 : i32 to vector<16xi32>
        tpu.vector_store_idx %arg12[%parallel_loop3A_725, %parallel_loop3A_726], %parallel_loop3A_722 : memref<64x129xf32, #tpu.memory_space<vmem>>[vector<16xi32>, vector<16xi32>], vector<16xf32>,
        %parallel_loop3A_727 = arith.index_cast %parallel_loop3A_706 : i32 to index
        %parallel_loop3A_728 = arith.constant 32 : index
        %parallel_loop3A_729 = tpu.vector_load %arg8[%parallel_loop3A_727, %parallel_loop3A_728] {strides = array<i32>} : memref<128x64xf32, #tpu.memory_space<vmem>>, vector<16xf32>,
        %parallel_loop3A_730 = arith.constant 8.000000e+00 : f32
        %parallel_loop3A_731 = vector.broadcast %parallel_loop3A_730 : f32 to vector<16xf32>
        %parallel_loop3A_732 = arith.mulf %parallel_loop3A_729, %parallel_loop3A_731 : vector<16xf32>
        %parallel_loop3A_733 = arith.constant 32 : i32
        %parallel_loop3A_734 = vector.broadcast %parallel_loop3A_733 : i32 to vector<16xi32>
        %parallel_loop3A_735 = arith.addi %parallel_loop3A_734, %iota3A : vector<16xi32>
        %parallel_loop3A_736 = vector.broadcast %parallel_loop3A_706 : i32 to vector<16xi32>
        tpu.vector_store_idx %arg12[%parallel_loop3A_735, %parallel_loop3A_736], %parallel_loop3A_732 : memref<64x129xf32, #tpu.memory_space<vmem>>[vector<16xi32>, vector<16xi32>], vector<16xf32>,
        %parallel_loop3A_737 = arith.index_cast %parallel_loop3A_706 : i32 to index
        %parallel_loop3A_738 = arith.constant 48 : index
        %parallel_loop3A_739 = tpu.vector_load %arg8[%parallel_loop3A_737, %parallel_loop3A_738] {strides = array<i32>} : memref<128x64xf32, #tpu.memory_space<vmem>>, vector<16xf32>,
        %parallel_loop3A_740 = arith.constant 8.000000e+00 : f32
        %parallel_loop3A_741 = vector.broadcast %parallel_loop3A_740 : f32 to vector<16xf32>
        %parallel_loop3A_742 = arith.mulf %parallel_loop3A_739, %parallel_loop3A_741 : vector<16xf32>
        %parallel_loop3A_743 = arith.constant 48 : i32
        %parallel_loop3A_744 = vector.broadcast %parallel_loop3A_743 : i32 to vector<16xi32>
        %parallel_loop3A_745 = arith.addi %parallel_loop3A_744, %iota3A : vector<16xi32>
        %parallel_loop3A_746 = vector.broadcast %parallel_loop3A_706 : i32 to vector<16xi32>
        tpu.vector_store_idx %arg12[%parallel_loop3A_745, %parallel_loop3A_746], %parallel_loop3A_742 : memref<64x129xf32, #tpu.memory_space<vmem>>[vector<16xi32>, vector<16xi32>], vector<16xf32>,
      } {sc.loop_unroll_factor = 4 : i64, sc.parallel_access}
      %dma_start3A_429 = arith.constant 0 : i32
      %dma_start3A_430 = arith.constant 0 : i32
      %dma_start3A_431 = arith.constant 0 : i32
      %dma_start3A_432 = tpu.memref_slice %arg12[%dma_start3A_430, %dma_start3A_431] : memref<64x129xf32, #tpu.memory_space<vmem>> -> memref<8x128xf32, #tpu.memory_space<vmem>>
      %dma_start3A_433 = arith.constant 0 : i32
      %dma_start3A_434 = arith.constant 0 : i32
      %dma_start3A_435 = tpu.memref_slice %arg4[%add3A_409, %dma_start3A_429, %add3A, %dma_start3A_433, %dma_start3A_434] : memref<200x8x32x8x128xf32, #tpu.memory_space<hbm>> -> memref<1x1x1x8x128xf32, #tpu.memory_space<hbm>>
      %dma_start3A_436 = tpu.memref_squeeze %dma_start3A_435 : memref<1x1x1x8x128xf32, #tpu.memory_space<hbm>> -> memref<8x128xf32, #tpu.memory_space<hbm>>
      %dma_start3A_437 = arith.constant 0 : i32
      %dma_start3A_438 = arith.constant 0 : i32
      %dma_start3A_439 = tpu.memref_slice %arg4[%add3A_409, %dma_start3A_429, %add3A, %dma_start3A_437, %dma_start3A_438] : memref<200x8x32x8x128xf32, #tpu.memory_space<hbm>> -> memref<1x1x1x8x128xf32, #tpu.memory_space<hbm>>
      %dma_start3A_440 = tpu.memref_squeeze %dma_start3A_439 : memref<1x1x1x8x128xf32, #tpu.memory_space<hbm>> -> memref<8x128xf32, #tpu.memory_space<hbm>>
      %dma_start3A_441 = arith.constant 0 : i32
      %dma_start3A_442 = arith.constant 0 : i32
      %dma_start3A_443 = tpu.memref_slice %arg12[%dma_start3A_441, %dma_start3A_442] : memref<64x129xf32, #tpu.memory_space<vmem>> -> memref<8x128xf32, #tpu.memory_space<vmem>>
      tpu.enqueue_dma source(%dma_start3A_443 : memref<8x128xf32, #tpu.memory_space<vmem>>) target(%dma_start3A_440 : memref<8x128xf32, #tpu.memory_space<hbm>>) target_semaphore(%arg20 : memref<!tpu.dma_semaphore, #tpu.memory_space<semaphore_mem>>)
      %dma_start3A_444 = arith.constant 1 : i32
      %dma_start3A_445 = arith.constant 8 : i32
      %dma_start3A_446 = arith.constant 0 : i32
      %dma_start3A_447 = tpu.memref_slice %arg12[%dma_start3A_445, %dma_start3A_446] : memref<64x129xf32, #tpu.memory_space<vmem>> -> memref<8x128xf32, #tpu.memory_space<vmem>>
      %dma_start3A_448 = arith.constant 0 : i32
      %dma_start3A_449 = arith.constant 0 : i32
      %dma_start3A_450 = tpu.memref_slice %arg4[%add3A_409, %dma_start3A_444, %add3A, %dma_start3A_448, %dma_start3A_449] : memref<200x8x32x8x128xf32, #tpu.memory_space<hbm>> -> memref<1x1x1x8x128xf32, #tpu.memory_space<hbm>>
      %dma_start3A_451 = tpu.memref_squeeze %dma_start3A_450 : memref<1x1x1x8x128xf32, #tpu.memory_space<hbm>> -> memref<8x128xf32, #tpu.memory_space<hbm>>
      %dma_start3A_452 = arith.constant 0 : i32
      %dma_start3A_453 = arith.constant 0 : i32
      %dma_start3A_454 = tpu.memref_slice %arg4[%add3A_409, %dma_start3A_444, %add3A, %dma_start3A_452, %dma_start3A_453] : memref<200x8x32x8x128xf32, #tpu.memory_space<hbm>> -> memref<1x1x1x8x128xf32, #tpu.memory_space<hbm>>
      %dma_start3A_455 = tpu.memref_squeeze %dma_start3A_454 : memref<1x1x1x8x128xf32, #tpu.memory_space<hbm>> -> memref<8x128xf32, #tpu.memory_space<hbm>>
      %dma_start3A_456 = arith.constant 8 : i32
      %dma_start3A_457 = arith.constant 0 : i32
      %dma_start3A_458 = tpu.memref_slice %arg12[%dma_start3A_456, %dma_start3A_457] : memref<64x129xf32, #tpu.memory_space<vmem>> -> memref<8x128xf32, #tpu.memory_space<vmem>>
      tpu.enqueue_dma source(%dma_start3A_458 : memref<8x128xf32, #tpu.memory_space<vmem>>) target(%dma_start3A_455 : memref<8x128xf32, #tpu.memory_space<hbm>>) target_semaphore(%arg20 : memref<!tpu.dma_semaphore, #tpu.memory_space<semaphore_mem>>)
      %dma_start3A_459 = arith.constant 2 : i32
      %dma_start3A_460 = arith.constant 16 : i32
      %dma_start3A_461 = arith.constant 0 : i32
      %dma_start3A_462 = tpu.memref_slice %arg12[%dma_start3A_460, %dma_start3A_461] : memref<64x129xf32, #tpu.memory_space<vmem>> -> memref<8x128xf32, #tpu.memory_space<vmem>>
      %dma_start3A_463 = arith.constant 0 : i32
      %dma_start3A_464 = arith.constant 0 : i32
      %dma_start3A_465 = tpu.memref_slice %arg4[%add3A_409, %dma_start3A_459, %add3A, %dma_start3A_463, %dma_start3A_464] : memref<200x8x32x8x128xf32, #tpu.memory_space<hbm>> -> memref<1x1x1x8x128xf32, #tpu.memory_space<hbm>>
      %dma_start3A_466 = tpu.memref_squeeze %dma_start3A_465 : memref<1x1x1x8x128xf32, #tpu.memory_space<hbm>> -> memref<8x128xf32, #tpu.memory_space<hbm>>
      %dma_start3A_467 = arith.constant 0 : i32
      %dma_start3A_468 = arith.constant 0 : i32
      %dma_start3A_469 = tpu.memref_slice %arg4[%add3A_409, %dma_start3A_459, %add3A, %dma_start3A_467, %dma_start3A_468] : memref<200x8x32x8x128xf32, #tpu.memory_space<hbm>> -> memref<1x1x1x8x128xf32, #tpu.memory_space<hbm>>
      %dma_start3A_470 = tpu.memref_squeeze %dma_start3A_469 : memref<1x1x1x8x128xf32, #tpu.memory_space<hbm>> -> memref<8x128xf32, #tpu.memory_space<hbm>>
      %dma_start3A_471 = arith.constant 16 : i32
      %dma_start3A_472 = arith.constant 0 : i32
      %dma_start3A_473 = tpu.memref_slice %arg12[%dma_start3A_471, %dma_start3A_472] : memref<64x129xf32, #tpu.memory_space<vmem>> -> memref<8x128xf32, #tpu.memory_space<vmem>>
      tpu.enqueue_dma source(%dma_start3A_473 : memref<8x128xf32, #tpu.memory_space<vmem>>) target(%dma_start3A_470 : memref<8x128xf32, #tpu.memory_space<hbm>>) target_semaphore(%arg20 : memref<!tpu.dma_semaphore, #tpu.memory_space<semaphore_mem>>)
      %dma_start3A_474 = arith.constant 3 : i32
      %dma_start3A_475 = arith.constant 24 : i32
      %dma_start3A_476 = arith.constant 0 : i32
      %dma_start3A_477 = tpu.memref_slice %arg12[%dma_start3A_475, %dma_start3A_476] : memref<64x129xf32, #tpu.memory_space<vmem>> -> memref<8x128xf32, #tpu.memory_space<vmem>>
      %dma_start3A_478 = arith.constant 0 : i32
      %dma_start3A_479 = arith.constant 0 : i32
      %dma_start3A_480 = tpu.memref_slice %arg4[%add3A_409, %dma_start3A_474, %add3A, %dma_start3A_478, %dma_start3A_479] : memref<200x8x32x8x128xf32, #tpu.memory_space<hbm>> -> memref<1x1x1x8x128xf32, #tpu.memory_space<hbm>>
      %dma_start3A_481 = tpu.memref_squeeze %dma_start3A_480 : memref<1x1x1x8x128xf32, #tpu.memory_space<hbm>> -> memref<8x128xf32, #tpu.memory_space<hbm>>
      %dma_start3A_482 = arith.constant 0 : i32
      %dma_start3A_483 = arith.constant 0 : i32
      %dma_start3A_484 = tpu.memref_slice %arg4[%add3A_409, %dma_start3A_474, %add3A, %dma_start3A_482, %dma_start3A_483] : memref<200x8x32x8x128xf32, #tpu.memory_space<hbm>> -> memref<1x1x1x8x128xf32, #tpu.memory_space<hbm>>
      %dma_start3A_485 = tpu.memref_squeeze %dma_start3A_484 : memref<1x1x1x8x128xf32, #tpu.memory_space<hbm>> -> memref<8x128xf32, #tpu.memory_space<hbm>>
      %dma_start3A_486 = arith.constant 24 : i32
      %dma_start3A_487 = arith.constant 0 : i32
      %dma_start3A_488 = tpu.memref_slice %arg12[%dma_start3A_486, %dma_start3A_487] : memref<64x129xf32, #tpu.memory_space<vmem>> -> memref<8x128xf32, #tpu.memory_space<vmem>>
      tpu.enqueue_dma source(%dma_start3A_488 : memref<8x128xf32, #tpu.memory_space<vmem>>) target(%dma_start3A_485 : memref<8x128xf32, #tpu.memory_space<hbm>>) target_semaphore(%arg20 : memref<!tpu.dma_semaphore, #tpu.memory_space<semaphore_mem>>)
      %dma_start3A_489 = arith.constant 4 : i32
      %dma_start3A_490 = arith.constant 32 : i32
      %dma_start3A_491 = arith.constant 0 : i32
      %dma_start3A_492 = tpu.memref_slice %arg12[%dma_start3A_490, %dma_start3A_491] : memref<64x129xf32, #tpu.memory_space<vmem>> -> memref<8x128xf32, #tpu.memory_space<vmem>>
      %dma_start3A_493 = arith.constant 0 : i32
      %dma_start3A_494 = arith.constant 0 : i32
      %dma_start3A_495 = tpu.memref_slice %arg4[%add3A_409, %dma_start3A_489, %add3A, %dma_start3A_493, %dma_start3A_494] : memref<200x8x32x8x128xf32, #tpu.memory_space<hbm>> -> memref<1x1x1x8x128xf32, #tpu.memory_space<hbm>>
      %dma_start3A_496 = tpu.memref_squeeze %dma_start3A_495 : memref<1x1x1x8x128xf32, #tpu.memory_space<hbm>> -> memref<8x128xf32, #tpu.memory_space<hbm>>
      %dma_start3A_497 = arith.constant 0 : i32
      %dma_start3A_498 = arith.constant 0 : i32
      %dma_start3A_499 = tpu.memref_slice %arg4[%add3A_409, %dma_start3A_489, %add3A, %dma_start3A_497, %dma_start3A_498] : memref<200x8x32x8x128xf32, #tpu.memory_space<hbm>> -> memref<1x1x1x8x128xf32, #tpu.memory_space<hbm>>
      %dma_start3A_500 = tpu.memref_squeeze %dma_start3A_499 : memref<1x1x1x8x128xf32, #tpu.memory_space<hbm>> -> memref<8x128xf32, #tpu.memory_space<hbm>>
      %dma_start3A_501 = arith.constant 32 : i32
      %dma_start3A_502 = arith.constant 0 : i32
      %dma_start3A_503 = tpu.memref_slice %arg12[%dma_start3A_501, %dma_start3A_502] : memref<64x129xf32, #tpu.memory_space<vmem>> -> memref<8x128xf32, #tpu.memory_space<vmem>>
      tpu.enqueue_dma source(%dma_start3A_503 : memref<8x128xf32, #tpu.memory_space<vmem>>) target(%dma_start3A_500 : memref<8x128xf32, #tpu.memory_space<hbm>>) target_semaphore(%arg20 : memref<!tpu.dma_semaphore, #tpu.memory_space<semaphore_mem>>)
      %dma_start3A_504 = arith.constant 5 : i32
      %dma_start3A_505 = arith.constant 40 : i32
      %dma_start3A_506 = arith.constant 0 : i32
      %dma_start3A_507 = tpu.memref_slice %arg12[%dma_start3A_505, %dma_start3A_506] : memref<64x129xf32, #tpu.memory_space<vmem>> -> memref<8x128xf32, #tpu.memory_space<vmem>>
      %dma_start3A_508 = arith.constant 0 : i32
      %dma_start3A_509 = arith.constant 0 : i32
      %dma_start3A_510 = tpu.memref_slice %arg4[%add3A_409, %dma_start3A_504, %add3A, %dma_start3A_508, %dma_start3A_509] : memref<200x8x32x8x128xf32, #tpu.memory_space<hbm>> -> memref<1x1x1x8x128xf32, #tpu.memory_space<hbm>>
      %dma_start3A_511 = tpu.memref_squeeze %dma_start3A_510 : memref<1x1x1x8x128xf32, #tpu.memory_space<hbm>> -> memref<8x128xf32, #tpu.memory_space<hbm>>
      %dma_start3A_512 = arith.constant 0 : i32
      %dma_start3A_513 = arith.constant 0 : i32
      %dma_start3A_514 = tpu.memref_slice %arg4[%add3A_409, %dma_start3A_504, %add3A, %dma_start3A_512, %dma_start3A_513] : memref<200x8x32x8x128xf32, #tpu.memory_space<hbm>> -> memref<1x1x1x8x128xf32, #tpu.memory_space<hbm>>
      %dma_start3A_515 = tpu.memref_squeeze %dma_start3A_514 : memref<1x1x1x8x128xf32, #tpu.memory_space<hbm>> -> memref<8x128xf32, #tpu.memory_space<hbm>>
      %dma_start3A_516 = arith.constant 40 : i32
      %dma_start3A_517 = arith.constant 0 : i32
      %dma_start3A_518 = tpu.memref_slice %arg12[%dma_start3A_516, %dma_start3A_517] : memref<64x129xf32, #tpu.memory_space<vmem>> -> memref<8x128xf32, #tpu.memory_space<vmem>>
      tpu.enqueue_dma source(%dma_start3A_518 : memref<8x128xf32, #tpu.memory_space<vmem>>) target(%dma_start3A_515 : memref<8x128xf32, #tpu.memory_space<hbm>>) target_semaphore(%arg20 : memref<!tpu.dma_semaphore, #tpu.memory_space<semaphore_mem>>)
      %dma_start3A_519 = arith.constant 6 : i32
      %dma_start3A_520 = arith.constant 48 : i32
      %dma_start3A_521 = arith.constant 0 : i32
      %dma_start3A_522 = tpu.memref_slice %arg12[%dma_start3A_520, %dma_start3A_521] : memref<64x129xf32, #tpu.memory_space<vmem>> -> memref<8x128xf32, #tpu.memory_space<vmem>>
      %dma_start3A_523 = arith.constant 0 : i32
      %dma_start3A_524 = arith.constant 0 : i32
      %dma_start3A_525 = tpu.memref_slice %arg4[%add3A_409, %dma_start3A_519, %add3A, %dma_start3A_523, %dma_start3A_524] : memref<200x8x32x8x128xf32, #tpu.memory_space<hbm>> -> memref<1x1x1x8x128xf32, #tpu.memory_space<hbm>>
      %dma_start3A_526 = tpu.memref_squeeze %dma_start3A_525 : memref<1x1x1x8x128xf32, #tpu.memory_space<hbm>> -> memref<8x128xf32, #tpu.memory_space<hbm>>
      %dma_start3A_527 = arith.constant 0 : i32
      %dma_start3A_528 = arith.constant 0 : i32
      %dma_start3A_529 = tpu.memref_slice %arg4[%add3A_409, %dma_start3A_519, %add3A, %dma_start3A_527, %dma_start3A_528] : memref<200x8x32x8x128xf32, #tpu.memory_space<hbm>> -> memref<1x1x1x8x128xf32, #tpu.memory_space<hbm>>
      %dma_start3A_530 = tpu.memref_squeeze %dma_start3A_529 : memref<1x1x1x8x128xf32, #tpu.memory_space<hbm>> -> memref<8x128xf32, #tpu.memory_space<hbm>>
      %dma_start3A_531 = arith.constant 48 : i32
      %dma_start3A_532 = arith.constant 0 : i32
      %dma_start3A_533 = tpu.memref_slice %arg12[%dma_start3A_531, %dma_start3A_532] : memref<64x129xf32, #tpu.memory_space<vmem>> -> memref<8x128xf32, #tpu.memory_space<vmem>>
      tpu.enqueue_dma source(%dma_start3A_533 : memref<8x128xf32, #tpu.memory_space<vmem>>) target(%dma_start3A_530 : memref<8x128xf32, #tpu.memory_space<hbm>>) target_semaphore(%arg20 : memref<!tpu.dma_semaphore, #tpu.memory_space<semaphore_mem>>)
      %dma_start3A_534 = arith.constant 7 : i32
      %dma_start3A_535 = arith.constant 56 : i32
      %dma_start3A_536 = arith.constant 0 : i32
      %dma_start3A_537 = tpu.memref_slice %arg12[%dma_start3A_535, %dma_start3A_536] : memref<64x129xf32, #tpu.memory_space<vmem>> -> memref<8x128xf32, #tpu.memory_space<vmem>>
      %dma_start3A_538 = arith.constant 0 : i32
      %dma_start3A_539 = arith.constant 0 : i32
      %dma_start3A_540 = tpu.memref_slice %arg4[%add3A_409, %dma_start3A_534, %add3A, %dma_start3A_538, %dma_start3A_539] : memref<200x8x32x8x128xf32, #tpu.memory_space<hbm>> -> memref<1x1x1x8x128xf32, #tpu.memory_space<hbm>>
      %dma_start3A_541 = tpu.memref_squeeze %dma_start3A_540 : memref<1x1x1x8x128xf32, #tpu.memory_space<hbm>> -> memref<8x128xf32, #tpu.memory_space<hbm>>
      %dma_start3A_542 = arith.constant 0 : i32
      %dma_start3A_543 = arith.constant 0 : i32
      %dma_start3A_544 = tpu.memref_slice %arg4[%add3A_409, %dma_start3A_534, %add3A, %dma_start3A_542, %dma_start3A_543] : memref<200x8x32x8x128xf32, #tpu.memory_space<hbm>> -> memref<1x1x1x8x128xf32, #tpu.memory_space<hbm>>
      %dma_start3A_545 = tpu.memref_squeeze %dma_start3A_544 : memref<1x1x1x8x128xf32, #tpu.memory_space<hbm>> -> memref<8x128xf32, #tpu.memory_space<hbm>>
      %dma_start3A_546 = arith.constant 56 : i32
      %dma_start3A_547 = arith.constant 0 : i32
      %dma_start3A_548 = tpu.memref_slice %arg12[%dma_start3A_546, %dma_start3A_547] : memref<64x129xf32, #tpu.memory_space<vmem>> -> memref<8x128xf32, #tpu.memory_space<vmem>>
      tpu.enqueue_dma source(%dma_start3A_548 : memref<8x128xf32, #tpu.memory_space<vmem>>) target(%dma_start3A_545 : memref<8x128xf32, #tpu.memory_space<hbm>>) target_semaphore(%arg20 : memref<!tpu.dma_semaphore, #tpu.memory_space<semaphore_mem>>)
      %add3A_549 = arith.constant 1 : i32
      %add3A_550 = arith.addi %scan3A_110, %add3A_549 : i32
      %lt3A_551 = arith.constant 50 : i32
      %lt3A_552 = arith.cmpi slt, %add3A_550, %lt3A_551 : i32
      %convert_element_type3A_553 = arith.extui %lt3A_552 : i1 to i32
      %cond3A_554 = arith.constant 0 : i32
      %cond3A_555 = arith.cmpi ne, %convert_element_type3A_553, %cond3A_554 : i32
      scf.if %cond3A_555 {
        %add3A_706 = arith.constant 4 : i32
        %add3A_707 = arith.addi %add3A_409, %add3A_706 : i32
        %dma_start3A_708 = arith.constant 0 : i32
        %dma_start3A_709 = tpu.memref_slice %arg5[%add3A_707, %dma_start3A_708] : memref<200x128xi32, #tpu.memory_space<vmem>> -> memref<1x128xi32, #tpu.memory_space<vmem>>
        %dma_start3A_710 = tpu.memref_squeeze %dma_start3A_709 : memref<1x128xi32, #tpu.memory_space<vmem>> -> memref<128xi32, #tpu.memory_space<vmem>>
        %dma_start3A_711 = arith.constant 0 : i32
        %dma_start3A_712 = arith.constant 0 : i32
        %dma_start3A_713 = tpu.memref_slice %arg3[%dma_start3A_711, %dma_start3A_712] : memref<1000000x64xf32, #tpu.memory_space<hbm>> -> memref<1000000x64xf32, #tpu.memory_space<hbm>>
        tpu.enqueue_indirect_dma source(%dma_start3A_713 : memref<1000000x64xf32, #tpu.memory_space<hbm>>) target(%arg8 : memref<128x64xf32, #tpu.memory_space<vmem>>) offsets(%dma_start3A_710 : memref<128xi32, #tpu.memory_space<vmem>>) semaphore(%arg16 : memref<!tpu.dma_semaphore, #tpu.memory_space<semaphore_mem>>)
      } else {
      }
      %mul3A_556 = arith.constant 4 : i32
      %mul3A_557 = arith.muli %scan3A_110, %mul3A_556 : i32
      %add3A_558 = arith.constant 3 : i32
      %add3A_559 = arith.addi %mul3A_557, %add3A_558 : i32
      %gt3A_560 = arith.constant 0 : i32
      %gt3A_561 = arith.cmpi sgt, %scan3A_110, %gt3A_560 : i32
      %convert_element_type3A_562 = arith.extui %gt3A_561 : i1 to i32
      %cond3A_563 = arith.constant 0 : i32
      %cond3A_564 = arith.cmpi ne, %convert_element_type3A_562, %cond3A_563 : i32
      scf.if %cond3A_564 {
        %dma_wait3A_706 = arith.constant 0 : i32
        %dma_wait3A_707 = arith.constant 0 : i32
        %dma_wait3A_708 = arith.constant 0 : i32
        %dma_wait3A_709 = tpu.memref_slice %arg13[%dma_wait3A_707, %dma_wait3A_708] : memref<64x129xf32, #tpu.memory_space<vmem>> -> memref<64x128xf32, #tpu.memory_space<vmem>>
        %dma_wait3A_710 = arith.constant 0 : i32
        %dma_wait3A_711 = arith.constant 0 : i32
        %dma_wait3A_712 = arith.constant 0 : i32
        %dma_wait3A_713 = arith.constant 0 : i32
        %dma_wait3A_714 = tpu.memref_slice %arg4[%dma_wait3A_706, %dma_wait3A_710, %dma_wait3A_711, %dma_wait3A_712, %dma_wait3A_713] : memref<200x8x32x8x128xf32, #tpu.memory_space<hbm>> -> memref<1x8x32x8x128xf32, #tpu.memory_space<hbm>>
        %dma_wait3A_715 = tpu.memref_squeeze %dma_wait3A_714 : memref<1x8x32x8x128xf32, #tpu.memory_space<hbm>> -> memref<8x32x8x128xf32, #tpu.memory_space<hbm>>
        %dma_wait3A_716 = arith.constant 0 : i32
        %dma_wait3A_717 = arith.constant 0 : i32
        %dma_wait3A_718 = tpu.memref_slice %arg13[%dma_wait3A_716, %dma_wait3A_717] : memref<64x129xf32, #tpu.memory_space<vmem>> -> memref<64x128xf32, #tpu.memory_space<vmem>>
        %dma_wait3A_719 = arith.constant 0 : i32
        %dma_wait3A_720 = arith.constant 0 : i32
        %dma_wait3A_721 = arith.constant 0 : i32
        %dma_wait3A_722 = arith.constant 0 : i32
        %dma_wait3A_723 = tpu.memref_slice %arg4[%dma_wait3A_706, %dma_wait3A_719, %dma_wait3A_720, %dma_wait3A_721, %dma_wait3A_722] : memref<200x8x32x8x128xf32, #tpu.memory_space<hbm>> -> memref<1x8x32x8x128xf32, #tpu.memory_space<hbm>>
        %dma_wait3A_724 = tpu.memref_squeeze %dma_wait3A_723 : memref<1x8x32x8x128xf32, #tpu.memory_space<hbm>> -> memref<8x32x8x128xf32, #tpu.memory_space<hbm>>
        tpu.wait_dma2 semaphore(%arg21 : memref<!tpu.dma_semaphore, #tpu.memory_space<semaphore_mem>>) src(%dma_wait3A_724 : memref<8x32x8x128xf32, #tpu.memory_space<hbm>>) dst(%dma_wait3A_718 : memref<64x128xf32, #tpu.memory_space<vmem>>)
      } else {
      }
      %dma_wait3A_565 = arith.constant 0 : i32
      %dma_wait3A_566 = arith.constant 0 : i32
      %dma_wait3A_567 = arith.constant 0 : i32
      %dma_wait3A_568 = arith.constant 0 : i32
      %dma_wait3A_569 = arith.constant 0 : i32
      %dma_wait3A_570 = tpu.memref_slice %arg4[%dma_wait3A_565, %dma_wait3A_566, %dma_wait3A_567, %dma_wait3A_568, %dma_wait3A_569] : memref<200x8x32x8x128xf32, #tpu.memory_space<hbm>> -> memref<1x1x1x8x128xf32, #tpu.memory_space<hbm>>
      %dma_wait3A_571 = tpu.memref_squeeze %dma_wait3A_570 : memref<1x1x1x8x128xf32, #tpu.memory_space<hbm>> -> memref<8x128xf32, #tpu.memory_space<hbm>>
      %dma_wait3A_572 = arith.constant 0 : i32
      %dma_wait3A_573 = arith.constant 0 : i32
      %dma_wait3A_574 = tpu.memref_slice %arg4[%dma_wait3A_565, %dma_wait3A_566, %dma_wait3A_567, %dma_wait3A_572, %dma_wait3A_573] : memref<200x8x32x8x128xf32, #tpu.memory_space<hbm>> -> memref<1x1x1x8x128xf32, #tpu.memory_space<hbm>>
      %dma_wait3A_575 = tpu.memref_squeeze %dma_wait3A_574 : memref<1x1x1x8x128xf32, #tpu.memory_space<hbm>> -> memref<8x128xf32, #tpu.memory_space<hbm>>
      tpu.wait_dma2 semaphore(%arg17 : memref<!tpu.dma_semaphore, #tpu.memory_space<semaphore_mem>>) src(%dma_wait3A_575 : memref<8x128xf32, #tpu.memory_space<hbm>>) dst(%arg9 : memref<128x64xf32, #tpu.memory_space<vmem>>)
      %parallel_loop3A_576 = arith.constant 0 : i32
      %parallel_loop3A_577 = arith.constant 128 : i32
      %parallel_loop3A_578 = arith.constant 1 : i32
      scf.for %parallel_loop3A_706 = %parallel_loop3A_576 to %parallel_loop3A_577 step %parallel_loop3A_578  : i32 {
        %parallel_loop3A_707 = arith.index_cast %parallel_loop3A_706 : i32 to index
        %parallel_loop3A_708 = arith.constant 0 : index
        %parallel_loop3A_709 = tpu.vector_load %arg9[%parallel_loop3A_707, %parallel_loop3A_708] {strides = array<i32>} : memref<128x64xf32, #tpu.memory_space<vmem>>, vector<16xf32>,
        %parallel_loop3A_710 = arith.constant 8.000000e+00 : f32
        %parallel_loop3A_711 = vector.broadcast %parallel_loop3A_710 : f32 to vector<16xf32>
        %parallel_loop3A_712 = arith.mulf %parallel_loop3A_709, %parallel_loop3A_711 : vector<16xf32>
        %parallel_loop3A_713 = arith.constant 0 : i32
        %parallel_loop3A_714 = vector.broadcast %parallel_loop3A_713 : i32 to vector<16xi32>
        %parallel_loop3A_715 = arith.addi %parallel_loop3A_714, %iota3A : vector<16xi32>
        %parallel_loop3A_716 = vector.broadcast %parallel_loop3A_706 : i32 to vector<16xi32>
        tpu.vector_store_idx %arg13[%parallel_loop3A_715, %parallel_loop3A_716], %parallel_loop3A_712 : memref<64x129xf32, #tpu.memory_space<vmem>>[vector<16xi32>, vector<16xi32>], vector<16xf32>,
        %parallel_loop3A_717 = arith.index_cast %parallel_loop3A_706 : i32 to index
        %parallel_loop3A_718 = arith.constant 16 : index
        %parallel_loop3A_719 = tpu.vector_load %arg9[%parallel_loop3A_717, %parallel_loop3A_718] {strides = array<i32>} : memref<128x64xf32, #tpu.memory_space<vmem>>, vector<16xf32>,
        %parallel_loop3A_720 = arith.constant 8.000000e+00 : f32
        %parallel_loop3A_721 = vector.broadcast %parallel_loop3A_720 : f32 to vector<16xf32>
        %parallel_loop3A_722 = arith.mulf %parallel_loop3A_719, %parallel_loop3A_721 : vector<16xf32>
        %parallel_loop3A_723 = arith.constant 16 : i32
        %parallel_loop3A_724 = vector.broadcast %parallel_loop3A_723 : i32 to vector<16xi32>
        %parallel_loop3A_725 = arith.addi %parallel_loop3A_724, %iota3A : vector<16xi32>
        %parallel_loop3A_726 = vector.broadcast %parallel_loop3A_706 : i32 to vector<16xi32>
        tpu.vector_store_idx %arg13[%parallel_loop3A_725, %parallel_loop3A_726], %parallel_loop3A_722 : memref<64x129xf32, #tpu.memory_space<vmem>>[vector<16xi32>, vector<16xi32>], vector<16xf32>,
        %parallel_loop3A_727 = arith.index_cast %parallel_loop3A_706 : i32 to index
        %parallel_loop3A_728 = arith.constant 32 : index
        %parallel_loop3A_729 = tpu.vector_load %arg9[%parallel_loop3A_727, %parallel_loop3A_728] {strides = array<i32>} : memref<128x64xf32, #tpu.memory_space<vmem>>, vector<16xf32>,
        %parallel_loop3A_730 = arith.constant 8.000000e+00 : f32
        %parallel_loop3A_731 = vector.broadcast %parallel_loop3A_730 : f32 to vector<16xf32>
        %parallel_loop3A_732 = arith.mulf %parallel_loop3A_729, %parallel_loop3A_731 : vector<16xf32>
        %parallel_loop3A_733 = arith.constant 32 : i32
        %parallel_loop3A_734 = vector.broadcast %parallel_loop3A_733 : i32 to vector<16xi32>
        %parallel_loop3A_735 = arith.addi %parallel_loop3A_734, %iota3A : vector<16xi32>
        %parallel_loop3A_736 = vector.broadcast %parallel_loop3A_706 : i32 to vector<16xi32>
        tpu.vector_store_idx %arg13[%parallel_loop3A_735, %parallel_loop3A_736], %parallel_loop3A_732 : memref<64x129xf32, #tpu.memory_space<vmem>>[vector<16xi32>, vector<16xi32>], vector<16xf32>,
        %parallel_loop3A_737 = arith.index_cast %parallel_loop3A_706 : i32 to index
        %parallel_loop3A_738 = arith.constant 48 : index
        %parallel_loop3A_739 = tpu.vector_load %arg9[%parallel_loop3A_737, %parallel_loop3A_738] {strides = array<i32>} : memref<128x64xf32, #tpu.memory_space<vmem>>, vector<16xf32>,
        %parallel_loop3A_740 = arith.constant 8.000000e+00 : f32
        %parallel_loop3A_741 = vector.broadcast %parallel_loop3A_740 : f32 to vector<16xf32>
        %parallel_loop3A_742 = arith.mulf %parallel_loop3A_739, %parallel_loop3A_741 : vector<16xf32>
        %parallel_loop3A_743 = arith.constant 48 : i32
        %parallel_loop3A_744 = vector.broadcast %parallel_loop3A_743 : i32 to vector<16xi32>
        %parallel_loop3A_745 = arith.addi %parallel_loop3A_744, %iota3A : vector<16xi32>
        %parallel_loop3A_746 = vector.broadcast %parallel_loop3A_706 : i32 to vector<16xi32>
        tpu.vector_store_idx %arg13[%parallel_loop3A_745, %parallel_loop3A_746], %parallel_loop3A_742 : memref<64x129xf32, #tpu.memory_space<vmem>>[vector<16xi32>, vector<16xi32>], vector<16xf32>,
      } {sc.loop_unroll_factor = 4 : i64, sc.parallel_access}
      %dma_start3A_579 = arith.constant 0 : i32
      %dma_start3A_580 = arith.constant 0 : i32
      %dma_start3A_581 = arith.constant 0 : i32
      %dma_start3A_582 = tpu.memref_slice %arg13[%dma_start3A_580, %dma_start3A_581] : memref<64x129xf32, #tpu.memory_space<vmem>> -> memref<8x128xf32, #tpu.memory_space<vmem>>
      %dma_start3A_583 = arith.constant 0 : i32
      %dma_start3A_584 = arith.constant 0 : i32
      %dma_start3A_585 = tpu.memref_slice %arg4[%add3A_559, %dma_start3A_579, %add3A, %dma_start3A_583, %dma_start3A_584] : memref<200x8x32x8x128xf32, #tpu.memory_space<hbm>> -> memref<1x1x1x8x128xf32, #tpu.memory_space<hbm>>
      %dma_start3A_586 = tpu.memref_squeeze %dma_start3A_585 : memref<1x1x1x8x128xf32, #tpu.memory_space<hbm>> -> memref<8x128xf32, #tpu.memory_space<hbm>>
      %dma_start3A_587 = arith.constant 0 : i32
      %dma_start3A_588 = arith.constant 0 : i32
      %dma_start3A_589 = tpu.memref_slice %arg4[%add3A_559, %dma_start3A_579, %add3A, %dma_start3A_587, %dma_start3A_588] : memref<200x8x32x8x128xf32, #tpu.memory_space<hbm>> -> memref<1x1x1x8x128xf32, #tpu.memory_space<hbm>>
      %dma_start3A_590 = tpu.memref_squeeze %dma_start3A_589 : memref<1x1x1x8x128xf32, #tpu.memory_space<hbm>> -> memref<8x128xf32, #tpu.memory_space<hbm>>
      %dma_start3A_591 = arith.constant 0 : i32
      %dma_start3A_592 = arith.constant 0 : i32
      %dma_start3A_593 = tpu.memref_slice %arg13[%dma_start3A_591, %dma_start3A_592] : memref<64x129xf32, #tpu.memory_space<vmem>> -> memref<8x128xf32, #tpu.memory_space<vmem>>
      tpu.enqueue_dma source(%dma_start3A_593 : memref<8x128xf32, #tpu.memory_space<vmem>>) target(%dma_start3A_590 : memref<8x128xf32, #tpu.memory_space<hbm>>) target_semaphore(%arg21 : memref<!tpu.dma_semaphore, #tpu.memory_space<semaphore_mem>>)
      %dma_start3A_594 = arith.constant 1 : i32
      %dma_start3A_595 = arith.constant 8 : i32
      %dma_start3A_596 = arith.constant 0 : i32
      %dma_start3A_597 = tpu.memref_slice %arg13[%dma_start3A_595, %dma_start3A_596] : memref<64x129xf32, #tpu.memory_space<vmem>> -> memref<8x128xf32, #tpu.memory_space<vmem>>
      %dma_start3A_598 = arith.constant 0 : i32
      %dma_start3A_599 = arith.constant 0 : i32
      %dma_start3A_600 = tpu.memref_slice %arg4[%add3A_559, %dma_start3A_594, %add3A, %dma_start3A_598, %dma_start3A_599] : memref<200x8x32x8x128xf32, #tpu.memory_space<hbm>> -> memref<1x1x1x8x128xf32, #tpu.memory_space<hbm>>
      %dma_start3A_601 = tpu.memref_squeeze %dma_start3A_600 : memref<1x1x1x8x128xf32, #tpu.memory_space<hbm>> -> memref<8x128xf32, #tpu.memory_space<hbm>>
      %dma_start3A_602 = arith.constant 0 : i32
      %dma_start3A_603 = arith.constant 0 : i32
      %dma_start3A_604 = tpu.memref_slice %arg4[%add3A_559, %dma_start3A_594, %add3A, %dma_start3A_602, %dma_start3A_603] : memref<200x8x32x8x128xf32, #tpu.memory_space<hbm>> -> memref<1x1x1x8x128xf32, #tpu.memory_space<hbm>>
      %dma_start3A_605 = tpu.memref_squeeze %dma_start3A_604 : memref<1x1x1x8x128xf32, #tpu.memory_space<hbm>> -> memref<8x128xf32, #tpu.memory_space<hbm>>
      %dma_start3A_606 = arith.constant 8 : i32
      %dma_start3A_607 = arith.constant 0 : i32
      %dma_start3A_608 = tpu.memref_slice %arg13[%dma_start3A_606, %dma_start3A_607] : memref<64x129xf32, #tpu.memory_space<vmem>> -> memref<8x128xf32, #tpu.memory_space<vmem>>
      tpu.enqueue_dma source(%dma_start3A_608 : memref<8x128xf32, #tpu.memory_space<vmem>>) target(%dma_start3A_605 : memref<8x128xf32, #tpu.memory_space<hbm>>) target_semaphore(%arg21 : memref<!tpu.dma_semaphore, #tpu.memory_space<semaphore_mem>>)
      %dma_start3A_609 = arith.constant 2 : i32
      %dma_start3A_610 = arith.constant 16 : i32
      %dma_start3A_611 = arith.constant 0 : i32
      %dma_start3A_612 = tpu.memref_slice %arg13[%dma_start3A_610, %dma_start3A_611] : memref<64x129xf32, #tpu.memory_space<vmem>> -> memref<8x128xf32, #tpu.memory_space<vmem>>
      %dma_start3A_613 = arith.constant 0 : i32
      %dma_start3A_614 = arith.constant 0 : i32
      %dma_start3A_615 = tpu.memref_slice %arg4[%add3A_559, %dma_start3A_609, %add3A, %dma_start3A_613, %dma_start3A_614] : memref<200x8x32x8x128xf32, #tpu.memory_space<hbm>> -> memref<1x1x1x8x128xf32, #tpu.memory_space<hbm>>
      %dma_start3A_616 = tpu.memref_squeeze %dma_start3A_615 : memref<1x1x1x8x128xf32, #tpu.memory_space<hbm>> -> memref<8x128xf32, #tpu.memory_space<hbm>>
      %dma_start3A_617 = arith.constant 0 : i32
      %dma_start3A_618 = arith.constant 0 : i32
      %dma_start3A_619 = tpu.memref_slice %arg4[%add3A_559, %dma_start3A_609, %add3A, %dma_start3A_617, %dma_start3A_618] : memref<200x8x32x8x128xf32, #tpu.memory_space<hbm>> -> memref<1x1x1x8x128xf32, #tpu.memory_space<hbm>>
      %dma_start3A_620 = tpu.memref_squeeze %dma_start3A_619 : memref<1x1x1x8x128xf32, #tpu.memory_space<hbm>> -> memref<8x128xf32, #tpu.memory_space<hbm>>
      %dma_start3A_621 = arith.constant 16 : i32
      %dma_start3A_622 = arith.constant 0 : i32
      %dma_start3A_623 = tpu.memref_slice %arg13[%dma_start3A_621, %dma_start3A_622] : memref<64x129xf32, #tpu.memory_space<vmem>> -> memref<8x128xf32, #tpu.memory_space<vmem>>
      tpu.enqueue_dma source(%dma_start3A_623 : memref<8x128xf32, #tpu.memory_space<vmem>>) target(%dma_start3A_620 : memref<8x128xf32, #tpu.memory_space<hbm>>) target_semaphore(%arg21 : memref<!tpu.dma_semaphore, #tpu.memory_space<semaphore_mem>>)
      %dma_start3A_624 = arith.constant 3 : i32
      %dma_start3A_625 = arith.constant 24 : i32
      %dma_start3A_626 = arith.constant 0 : i32
      %dma_start3A_627 = tpu.memref_slice %arg13[%dma_start3A_625, %dma_start3A_626] : memref<64x129xf32, #tpu.memory_space<vmem>> -> memref<8x128xf32, #tpu.memory_space<vmem>>
      %dma_start3A_628 = arith.constant 0 : i32
      %dma_start3A_629 = arith.constant 0 : i32
      %dma_start3A_630 = tpu.memref_slice %arg4[%add3A_559, %dma_start3A_624, %add3A, %dma_start3A_628, %dma_start3A_629] : memref<200x8x32x8x128xf32, #tpu.memory_space<hbm>> -> memref<1x1x1x8x128xf32, #tpu.memory_space<hbm>>
      %dma_start3A_631 = tpu.memref_squeeze %dma_start3A_630 : memref<1x1x1x8x128xf32, #tpu.memory_space<hbm>> -> memref<8x128xf32, #tpu.memory_space<hbm>>
      %dma_start3A_632 = arith.constant 0 : i32
      %dma_start3A_633 = arith.constant 0 : i32
      %dma_start3A_634 = tpu.memref_slice %arg4[%add3A_559, %dma_start3A_624, %add3A, %dma_start3A_632, %dma_start3A_633] : memref<200x8x32x8x128xf32, #tpu.memory_space<hbm>> -> memref<1x1x1x8x128xf32, #tpu.memory_space<hbm>>
      %dma_start3A_635 = tpu.memref_squeeze %dma_start3A_634 : memref<1x1x1x8x128xf32, #tpu.memory_space<hbm>> -> memref<8x128xf32, #tpu.memory_space<hbm>>
      %dma_start3A_636 = arith.constant 24 : i32
      %dma_start3A_637 = arith.constant 0 : i32
      %dma_start3A_638 = tpu.memref_slice %arg13[%dma_start3A_636, %dma_start3A_637] : memref<64x129xf32, #tpu.memory_space<vmem>> -> memref<8x128xf32, #tpu.memory_space<vmem>>
      tpu.enqueue_dma source(%dma_start3A_638 : memref<8x128xf32, #tpu.memory_space<vmem>>) target(%dma_start3A_635 : memref<8x128xf32, #tpu.memory_space<hbm>>) target_semaphore(%arg21 : memref<!tpu.dma_semaphore, #tpu.memory_space<semaphore_mem>>)
      %dma_start3A_639 = arith.constant 4 : i32
      %dma_start3A_640 = arith.constant 32 : i32
      %dma_start3A_641 = arith.constant 0 : i32
      %dma_start3A_642 = tpu.memref_slice %arg13[%dma_start3A_640, %dma_start3A_641] : memref<64x129xf32, #tpu.memory_space<vmem>> -> memref<8x128xf32, #tpu.memory_space<vmem>>
      %dma_start3A_643 = arith.constant 0 : i32
      %dma_start3A_644 = arith.constant 0 : i32
      %dma_start3A_645 = tpu.memref_slice %arg4[%add3A_559, %dma_start3A_639, %add3A, %dma_start3A_643, %dma_start3A_644] : memref<200x8x32x8x128xf32, #tpu.memory_space<hbm>> -> memref<1x1x1x8x128xf32, #tpu.memory_space<hbm>>
      %dma_start3A_646 = tpu.memref_squeeze %dma_start3A_645 : memref<1x1x1x8x128xf32, #tpu.memory_space<hbm>> -> memref<8x128xf32, #tpu.memory_space<hbm>>
      %dma_start3A_647 = arith.constant 0 : i32
      %dma_start3A_648 = arith.constant 0 : i32
      %dma_start3A_649 = tpu.memref_slice %arg4[%add3A_559, %dma_start3A_639, %add3A, %dma_start3A_647, %dma_start3A_648] : memref<200x8x32x8x128xf32, #tpu.memory_space<hbm>> -> memref<1x1x1x8x128xf32, #tpu.memory_space<hbm>>
      %dma_start3A_650 = tpu.memref_squeeze %dma_start3A_649 : memref<1x1x1x8x128xf32, #tpu.memory_space<hbm>> -> memref<8x128xf32, #tpu.memory_space<hbm>>
      %dma_start3A_651 = arith.constant 32 : i32
      %dma_start3A_652 = arith.constant 0 : i32
      %dma_start3A_653 = tpu.memref_slice %arg13[%dma_start3A_651, %dma_start3A_652] : memref<64x129xf32, #tpu.memory_space<vmem>> -> memref<8x128xf32, #tpu.memory_space<vmem>>
      tpu.enqueue_dma source(%dma_start3A_653 : memref<8x128xf32, #tpu.memory_space<vmem>>) target(%dma_start3A_650 : memref<8x128xf32, #tpu.memory_space<hbm>>) target_semaphore(%arg21 : memref<!tpu.dma_semaphore, #tpu.memory_space<semaphore_mem>>)
      %dma_start3A_654 = arith.constant 5 : i32
      %dma_start3A_655 = arith.constant 40 : i32
      %dma_start3A_656 = arith.constant 0 : i32
      %dma_start3A_657 = tpu.memref_slice %arg13[%dma_start3A_655, %dma_start3A_656] : memref<64x129xf32, #tpu.memory_space<vmem>> -> memref<8x128xf32, #tpu.memory_space<vmem>>
      %dma_start3A_658 = arith.constant 0 : i32
      %dma_start3A_659 = arith.constant 0 : i32
      %dma_start3A_660 = tpu.memref_slice %arg4[%add3A_559, %dma_start3A_654, %add3A, %dma_start3A_658, %dma_start3A_659] : memref<200x8x32x8x128xf32, #tpu.memory_space<hbm>> -> memref<1x1x1x8x128xf32, #tpu.memory_space<hbm>>
      %dma_start3A_661 = tpu.memref_squeeze %dma_start3A_660 : memref<1x1x1x8x128xf32, #tpu.memory_space<hbm>> -> memref<8x128xf32, #tpu.memory_space<hbm>>
      %dma_start3A_662 = arith.constant 0 : i32
      %dma_start3A_663 = arith.constant 0 : i32
      %dma_start3A_664 = tpu.memref_slice %arg4[%add3A_559, %dma_start3A_654, %add3A, %dma_start3A_662, %dma_start3A_663] : memref<200x8x32x8x128xf32, #tpu.memory_space<hbm>> -> memref<1x1x1x8x128xf32, #tpu.memory_space<hbm>>
      %dma_start3A_665 = tpu.memref_squeeze %dma_start3A_664 : memref<1x1x1x8x128xf32, #tpu.memory_space<hbm>> -> memref<8x128xf32, #tpu.memory_space<hbm>>
      %dma_start3A_666 = arith.constant 40 : i32
      %dma_start3A_667 = arith.constant 0 : i32
      %dma_start3A_668 = tpu.memref_slice %arg13[%dma_start3A_666, %dma_start3A_667] : memref<64x129xf32, #tpu.memory_space<vmem>> -> memref<8x128xf32, #tpu.memory_space<vmem>>
      tpu.enqueue_dma source(%dma_start3A_668 : memref<8x128xf32, #tpu.memory_space<vmem>>) target(%dma_start3A_665 : memref<8x128xf32, #tpu.memory_space<hbm>>) target_semaphore(%arg21 : memref<!tpu.dma_semaphore, #tpu.memory_space<semaphore_mem>>)
      %dma_start3A_669 = arith.constant 6 : i32
      %dma_start3A_670 = arith.constant 48 : i32
      %dma_start3A_671 = arith.constant 0 : i32
      %dma_start3A_672 = tpu.memref_slice %arg13[%dma_start3A_670, %dma_start3A_671] : memref<64x129xf32, #tpu.memory_space<vmem>> -> memref<8x128xf32, #tpu.memory_space<vmem>>
      %dma_start3A_673 = arith.constant 0 : i32
      %dma_start3A_674 = arith.constant 0 : i32
      %dma_start3A_675 = tpu.memref_slice %arg4[%add3A_559, %dma_start3A_669, %add3A, %dma_start3A_673, %dma_start3A_674] : memref<200x8x32x8x128xf32, #tpu.memory_space<hbm>> -> memref<1x1x1x8x128xf32, #tpu.memory_space<hbm>>
      %dma_start3A_676 = tpu.memref_squeeze %dma_start3A_675 : memref<1x1x1x8x128xf32, #tpu.memory_space<hbm>> -> memref<8x128xf32, #tpu.memory_space<hbm>>
      %dma_start3A_677 = arith.constant 0 : i32
      %dma_start3A_678 = arith.constant 0 : i32
      %dma_start3A_679 = tpu.memref_slice %arg4[%add3A_559, %dma_start3A_669, %add3A, %dma_start3A_677, %dma_start3A_678] : memref<200x8x32x8x128xf32, #tpu.memory_space<hbm>> -> memref<1x1x1x8x128xf32, #tpu.memory_space<hbm>>
      %dma_start3A_680 = tpu.memref_squeeze %dma_start3A_679 : memref<1x1x1x8x128xf32, #tpu.memory_space<hbm>> -> memref<8x128xf32, #tpu.memory_space<hbm>>
      %dma_start3A_681 = arith.constant 48 : i32
      %dma_start3A_682 = arith.constant 0 : i32
      %dma_start3A_683 = tpu.memref_slice %arg13[%dma_start3A_681, %dma_start3A_682] : memref<64x129xf32, #tpu.memory_space<vmem>> -> memref<8x128xf32, #tpu.memory_space<vmem>>
      tpu.enqueue_dma source(%dma_start3A_683 : memref<8x128xf32, #tpu.memory_space<vmem>>) target(%dma_start3A_680 : memref<8x128xf32, #tpu.memory_space<hbm>>) target_semaphore(%arg21 : memref<!tpu.dma_semaphore, #tpu.memory_space<semaphore_mem>>)
      %dma_start3A_684 = arith.constant 7 : i32
      %dma_start3A_685 = arith.constant 56 : i32
      %dma_start3A_686 = arith.constant 0 : i32
      %dma_start3A_687 = tpu.memref_slice %arg13[%dma_start3A_685, %dma_start3A_686] : memref<64x129xf32, #tpu.memory_space<vmem>> -> memref<8x128xf32, #tpu.memory_space<vmem>>
      %dma_start3A_688 = arith.constant 0 : i32
      %dma_start3A_689 = arith.constant 0 : i32
      %dma_start3A_690 = tpu.memref_slice %arg4[%add3A_559, %dma_start3A_684, %add3A, %dma_start3A_688, %dma_start3A_689] : memref<200x8x32x8x128xf32, #tpu.memory_space<hbm>> -> memref<1x1x1x8x128xf32, #tpu.memory_space<hbm>>
      %dma_start3A_691 = tpu.memref_squeeze %dma_start3A_690 : memref<1x1x1x8x128xf32, #tpu.memory_space<hbm>> -> memref<8x128xf32, #tpu.memory_space<hbm>>
      %dma_start3A_692 = arith.constant 0 : i32
      %dma_start3A_693 = arith.constant 0 : i32
      %dma_start3A_694 = tpu.memref_slice %arg4[%add3A_559, %dma_start3A_684, %add3A, %dma_start3A_692, %dma_start3A_693] : memref<200x8x32x8x128xf32, #tpu.memory_space<hbm>> -> memref<1x1x1x8x128xf32, #tpu.memory_space<hbm>>
      %dma_start3A_695 = tpu.memref_squeeze %dma_start3A_694 : memref<1x1x1x8x128xf32, #tpu.memory_space<hbm>> -> memref<8x128xf32, #tpu.memory_space<hbm>>
      %dma_start3A_696 = arith.constant 56 : i32
      %dma_start3A_697 = arith.constant 0 : i32
      %dma_start3A_698 = tpu.memref_slice %arg13[%dma_start3A_696, %dma_start3A_697] : memref<64x129xf32, #tpu.memory_space<vmem>> -> memref<8x128xf32, #tpu.memory_space<vmem>>
      tpu.enqueue_dma source(%dma_start3A_698 : memref<8x128xf32, #tpu.memory_space<vmem>>) target(%dma_start3A_695 : memref<8x128xf32, #tpu.memory_space<hbm>>) target_semaphore(%arg21 : memref<!tpu.dma_semaphore, #tpu.memory_space<semaphore_mem>>)
      %add3A_699 = arith.constant 1 : i32
      %add3A_700 = arith.addi %scan3A_110, %add3A_699 : i32
      %lt3A_701 = arith.constant 50 : i32
      %lt3A_702 = arith.cmpi slt, %add3A_700, %lt3A_701 : i32
      %convert_element_type3A_703 = arith.extui %lt3A_702 : i1 to i32
      %cond3A_704 = arith.constant 0 : i32
      %cond3A_705 = arith.cmpi ne, %convert_element_type3A_703, %cond3A_704 : i32
      scf.if %cond3A_705 {
        %add3A_706 = arith.constant 4 : i32
        %add3A_707 = arith.addi %add3A_559, %add3A_706 : i32
        %dma_start3A_708 = arith.constant 0 : i32
        %dma_start3A_709 = tpu.memref_slice %arg5[%add3A_707, %dma_start3A_708] : memref<200x128xi32, #tpu.memory_space<vmem>> -> memref<1x128xi32, #tpu.memory_space<vmem>>
        %dma_start3A_710 = tpu.memref_squeeze %dma_start3A_709 : memref<1x128xi32, #tpu.memory_space<vmem>> -> memref<128xi32, #tpu.memory_space<vmem>>
        %dma_start3A_711 = arith.constant 0 : i32
        %dma_start3A_712 = arith.constant 0 : i32
        %dma_start3A_713 = tpu.memref_slice %arg3[%dma_start3A_711, %dma_start3A_712] : memref<1000000x64xf32, #tpu.memory_space<hbm>> -> memref<1000000x64xf32, #tpu.memory_space<hbm>>
        tpu.enqueue_indirect_dma source(%dma_start3A_713 : memref<1000000x64xf32, #tpu.memory_space<hbm>>) target(%arg9 : memref<128x64xf32, #tpu.memory_space<vmem>>) offsets(%dma_start3A_710 : memref<128xi32, #tpu.memory_space<vmem>>) semaphore(%arg17 : memref<!tpu.dma_semaphore, #tpu.memory_space<semaphore_mem>>)
      } else {
      }
    }
    %scan3A_34 = arith.constant 50 : i32
    %dma_wait3A = arith.constant 0 : i32
    %dma_wait3A_35 = arith.constant 0 : i32
    %dma_wait3A_36 = arith.constant 0 : i32
    %dma_wait3A_37 = tpu.memref_slice %arg10[%dma_wait3A_35, %dma_wait3A_36] : memref<64x129xf32, #tpu.memory_space<vmem>> -> memref<64x128xf32, #tpu.memory_space<vmem>>
    %dma_wait3A_38 = arith.constant 0 : i32
    %dma_wait3A_39 = arith.constant 0 : i32
    %dma_wait3A_40 = arith.constant 0 : i32
    %dma_wait3A_41 = arith.constant 0 : i32
    %dma_wait3A_42 = tpu.memref_slice %arg4[%dma_wait3A, %dma_wait3A_38, %dma_wait3A_39, %dma_wait3A_40, %dma_wait3A_41] : memref<200x8x32x8x128xf32, #tpu.memory_space<hbm>> -> memref<1x8x32x8x128xf32, #tpu.memory_space<hbm>>
    %dma_wait3A_43 = tpu.memref_squeeze %dma_wait3A_42 : memref<1x8x32x8x128xf32, #tpu.memory_space<hbm>> -> memref<8x32x8x128xf32, #tpu.memory_space<hbm>>
    %dma_wait3A_44 = arith.constant 0 : i32
    %dma_wait3A_45 = arith.constant 0 : i32
    %dma_wait3A_46 = tpu.memref_slice %arg10[%dma_wait3A_44, %dma_wait3A_45] : memref<64x129xf32, #tpu.memory_space<vmem>> -> memref<64x128xf32, #tpu.memory_space<vmem>>
    %dma_wait3A_47 = arith.constant 0 : i32
    %dma_wait3A_48 = arith.constant 0 : i32
    %dma_wait3A_49 = arith.constant 0 : i32
    %dma_wait3A_50 = arith.constant 0 : i32
    %dma_wait3A_51 = tpu.memref_slice %arg4[%dma_wait3A, %dma_wait3A_47, %dma_wait3A_48, %dma_wait3A_49, %dma_wait3A_50] : memref<200x8x32x8x128xf32, #tpu.memory_space<hbm>> -> memref<1x8x32x8x128xf32, #tpu.memory_space<hbm>>
    %dma_wait3A_52 = tpu.memref_squeeze %dma_wait3A_51 : memref<1x8x32x8x128xf32, #tpu.memory_space<hbm>> -> memref<8x32x8x128xf32, #tpu.memory_space<hbm>>
    tpu.wait_dma2 semaphore(%arg18 : memref<!tpu.dma_semaphore, #tpu.memory_space<semaphore_mem>>) src(%dma_wait3A_52 : memref<8x32x8x128xf32, #tpu.memory_space<hbm>>) dst(%dma_wait3A_46 : memref<64x128xf32, #tpu.memory_space<vmem>>)
    %dma_wait3A_53 = arith.constant 0 : i32
    %dma_wait3A_54 = arith.constant 0 : i32
    %dma_wait3A_55 = arith.constant 0 : i32
    %dma_wait3A_56 = tpu.memref_slice %arg11[%dma_wait3A_54, %dma_wait3A_55] : memref<64x129xf32, #tpu.memory_space<vmem>> -> memref<64x128xf32, #tpu.memory_space<vmem>>
    %dma_wait3A_57 = arith.constant 0 : i32
    %dma_wait3A_58 = arith.constant 0 : i32
    %dma_wait3A_59 = arith.constant 0 : i32
    %dma_wait3A_60 = arith.constant 0 : i32
    %dma_wait3A_61 = tpu.memref_slice %arg4[%dma_wait3A_53, %dma_wait3A_57, %dma_wait3A_58, %dma_wait3A_59, %dma_wait3A_60] : memref<200x8x32x8x128xf32, #tpu.memory_space<hbm>> -> memref<1x8x32x8x128xf32, #tpu.memory_space<hbm>>
    %dma_wait3A_62 = tpu.memref_squeeze %dma_wait3A_61 : memref<1x8x32x8x128xf32, #tpu.memory_space<hbm>> -> memref<8x32x8x128xf32, #tpu.memory_space<hbm>>
    %dma_wait3A_63 = arith.constant 0 : i32
    %dma_wait3A_64 = arith.constant 0 : i32
    %dma_wait3A_65 = tpu.memref_slice %arg11[%dma_wait3A_63, %dma_wait3A_64] : memref<64x129xf32, #tpu.memory_space<vmem>> -> memref<64x128xf32, #tpu.memory_space<vmem>>
    %dma_wait3A_66 = arith.constant 0 : i32
    %dma_wait3A_67 = arith.constant 0 : i32
    %dma_wait3A_68 = arith.constant 0 : i32
    %dma_wait3A_69 = arith.constant 0 : i32
    %dma_wait3A_70 = tpu.memref_slice %arg4[%dma_wait3A_53, %dma_wait3A_66, %dma_wait3A_67, %dma_wait3A_68, %dma_wait3A_69] : memref<200x8x32x8x128xf32, #tpu.memory_space<hbm>> -> memref<1x8x32x8x128xf32, #tpu.memory_space<hbm>>
    %dma_wait3A_71 = tpu.memref_squeeze %dma_wait3A_70 : memref<1x8x32x8x128xf32, #tpu.memory_space<hbm>> -> memref<8x32x8x128xf32, #tpu.memory_space<hbm>>
    tpu.wait_dma2 semaphore(%arg19 : memref<!tpu.dma_semaphore, #tpu.memory_space<semaphore_mem>>) src(%dma_wait3A_71 : memref<8x32x8x128xf32, #tpu.memory_space<hbm>>) dst(%dma_wait3A_65 : memref<64x128xf32, #tpu.memory_space<vmem>>)
    %dma_wait3A_72 = arith.constant 0 : i32
    %dma_wait3A_73 = arith.constant 0 : i32
    %dma_wait3A_74 = arith.constant 0 : i32
    %dma_wait3A_75 = tpu.memref_slice %arg12[%dma_wait3A_73, %dma_wait3A_74] : memref<64x129xf32, #tpu.memory_space<vmem>> -> memref<64x128xf32, #tpu.memory_space<vmem>>
    %dma_wait3A_76 = arith.constant 0 : i32
    %dma_wait3A_77 = arith.constant 0 : i32
    %dma_wait3A_78 = arith.constant 0 : i32
    %dma_wait3A_79 = arith.constant 0 : i32
    %dma_wait3A_80 = tpu.memref_slice %arg4[%dma_wait3A_72, %dma_wait3A_76, %dma_wait3A_77, %dma_wait3A_78, %dma_wait3A_79] : memref<200x8x32x8x128xf32, #tpu.memory_space<hbm>> -> memref<1x8x32x8x128xf32, #tpu.memory_space<hbm>>
    %dma_wait3A_81 = tpu.memref_squeeze %dma_wait3A_80 : memref<1x8x32x8x128xf32, #tpu.memory_space<hbm>> -> memref<8x32x8x128xf32, #tpu.memory_space<hbm>>
    %dma_wait3A_82 = arith.constant 0 : i32
    %dma_wait3A_83 = arith.constant 0 : i32
    %dma_wait3A_84 = tpu.memref_slice %arg12[%dma_wait3A_82, %dma_wait3A_83] : memref<64x129xf32, #tpu.memory_space<vmem>> -> memref<64x128xf32, #tpu.memory_space<vmem>>
    %dma_wait3A_85 = arith.constant 0 : i32
    %dma_wait3A_86 = arith.constant 0 : i32
    %dma_wait3A_87 = arith.constant 0 : i32
    %dma_wait3A_88 = arith.constant 0 : i32
    %dma_wait3A_89 = tpu.memref_slice %arg4[%dma_wait3A_72, %dma_wait3A_85, %dma_wait3A_86, %dma_wait3A_87, %dma_wait3A_88] : memref<200x8x32x8x128xf32, #tpu.memory_space<hbm>> -> memref<1x8x32x8x128xf32, #tpu.memory_space<hbm>>
    %dma_wait3A_90 = tpu.memref_squeeze %dma_wait3A_89 : memref<1x8x32x8x128xf32, #tpu.memory_space<hbm>> -> memref<8x32x8x128xf32, #tpu.memory_space<hbm>>
    tpu.wait_dma2 semaphore(%arg20 : memref<!tpu.dma_semaphore, #tpu.memory_space<semaphore_mem>>) src(%dma_wait3A_90 : memref<8x32x8x128xf32, #tpu.memory_space<hbm>>) dst(%dma_wait3A_84 : memref<64x128xf32, #tpu.memory_space<vmem>>)
    %dma_wait3A_91 = arith.constant 0 : i32
    %dma_wait3A_92 = arith.constant 0 : i32
    %dma_wait3A_93 = arith.constant 0 : i32
    %dma_wait3A_94 = tpu.memref_slice %arg13[%dma_wait3A_92, %dma_wait3A_93] : memref<64x129xf32, #tpu.memory_space<vmem>> -> memref<64x128xf32, #tpu.memory_space<vmem>>
    %dma_wait3A_95 = arith.constant 0 : i32
    %dma_wait3A_96 = arith.constant 0 : i32
    %dma_wait3A_97 = arith.constant 0 : i32
    %dma_wait3A_98 = arith.constant 0 : i32
    %dma_wait3A_99 = tpu.memref_slice %arg4[%dma_wait3A_91, %dma_wait3A_95, %dma_wait3A_96, %dma_wait3A_97, %dma_wait3A_98] : memref<200x8x32x8x128xf32, #tpu.memory_space<hbm>> -> memref<1x8x32x8x128xf32, #tpu.memory_space<hbm>>
    %dma_wait3A_100 = tpu.memref_squeeze %dma_wait3A_99 : memref<1x8x32x8x128xf32, #tpu.memory_space<hbm>> -> memref<8x32x8x128xf32, #tpu.memory_space<hbm>>
    %dma_wait3A_101 = arith.constant 0 : i32
    %dma_wait3A_102 = arith.constant 0 : i32
    %dma_wait3A_103 = tpu.memref_slice %arg13[%dma_wait3A_101, %dma_wait3A_102] : memref<64x129xf32, #tpu.memory_space<vmem>> -> memref<64x128xf32, #tpu.memory_space<vmem>>
    %dma_wait3A_104 = arith.constant 0 : i32
    %dma_wait3A_105 = arith.constant 0 : i32
    %dma_wait3A_106 = arith.constant 0 : i32
    %dma_wait3A_107 = arith.constant 0 : i32
    %dma_wait3A_108 = tpu.memref_slice %arg4[%dma_wait3A_91, %dma_wait3A_104, %dma_wait3A_105, %dma_wait3A_106, %dma_wait3A_107] : memref<200x8x32x8x128xf32, #tpu.memory_space<hbm>> -> memref<1x8x32x8x128xf32, #tpu.memory_space<hbm>>
    %dma_wait3A_109 = tpu.memref_squeeze %dma_wait3A_108 : memref<1x8x32x8x128xf32, #tpu.memory_space<hbm>> -> memref<8x32x8x128xf32, #tpu.memory_space<hbm>>
    tpu.wait_dma2 semaphore(%arg21 : memref<!tpu.dma_semaphore, #tpu.memory_space<semaphore_mem>>) src(%dma_wait3A_109 : memref<8x32x8x128xf32, #tpu.memory_space<hbm>>) dst(%dma_wait3A_103 : memref<64x128xf32, #tpu.memory_space<vmem>>)
    return
  }
}

</mosaic_0001>

<sc_bundles>
// kernel: kernel.4.cloned.1.call-start
scs
__scs_entry_jumppad:
0x0: {  	(pc) =	sbr.rel $0x88, $3  }
0x1: {  	(tag) =	ssettag $0x0;
	lr =	simm.s32 $0x1  }
0x2: {  	[smem:$0x3F9F] =	sst lr;
	_ =	strace $0xD0000000  }
0x3: {  	_ = 	snop  }
0x4: {  	_ = 	snop  }
0x5: {  	_ = 	snop  }
0x6: {  	_ = 	snop  }
0x7: {  	_ = 	snop  }
__scs_overlays_trampoline_lowered:
0x8: {  	[smem:$0x3FAE] =	sst s0  }
0x9: {  	[smem:$0x3FAF] =	sst s1  }
0xa: {  	[smem:$0x3FB0] =	sst s2  }
0xb: {  	[smem:$0x3FB1] =	sst s3  }
0xc: {  	[smem:$0x3FB2] =	sst s4  }
0xd: {  	[smem:$0x3FB3] =	sst s5  }
0xe: {  	[smem:$0x3FB4] =	sst s6  }
0xf: {  	[smem:$0x3FB5] =	sst s7  }
0x10: {  	[smem:$0x3FB6] =	sst s8  }
0x11: {  	[smem:$0x3FB7] =	sst s9;
	s0 =	simm.s32 @!p0 $0x0  }
0x12: {  	s1 =	sld [smem:$0x3F9D];
	s0 =	simm.s32 @p0 $0x1  }
0x13: {  	[smem:$0x3FB8] =	sst s0;
	s0 =	simm.s32 @!p1 $0x0  }
0x14: {  	s2 =	sld [smem:$0x3F9C];
	s0 =	simm.s32 @p1 $0x1  }
0x15: {  	[smem:$0x3FB9] =	sst s0;
	s0 =	simm.s32 @!p2 $0x0  }
0x16: {  	s3 =	sld [smem:$0x3FDB];
	s0 =	simm.s32 @p2 $0x1  }
0x17: {  	s4 =	simm.s32 $0x1BF5;
	[smem:$0x3FBB] =	sst s0  }
0x18: {  	s0 =	sld [smem:$0x3F9E];
	_ =	swait.ge [sflag:s4], $0x0  }
0x19: {  	s7 =	sld [smem:$0x3F9F]  }
0x1a: {  	s8 =	sadd.s32 $0xFFFFE003, lr  }
0x1b: {  	s9 =	sadd.s32 $0xFFFFFEF7, lr;
	s5 =	simm.s32 $0xFFFFFFFF;
	p2 =	slt.u32 s8, $0xFFFFF086  }
0x1c: {  	p1 =	slt.u32 s9, $0xF7A;
	s5 =	simm.s32 @!p2 $0x0  }
0x1d: {  	s5 =	simm.s32 @p1 $0x1;
	p0 =	seq.s32 s7, s2  }
0x1e: {  	s7 =	smul.u32 @!p0 $0xF7A, s2;
	p2 =	seq.s32 @!p0 s5, $0x0  }
0x1f: {  	s9 =	smul.u32 $0xF7A, s1;
	s8 =	simm.s32 @!p0 $0x1BF5;
	p2 =	por !p2, p0  }
0x20: {  	[sflag:s8] =	ssyncset.s32 @!p0 $0xFFFFF086;
	s6 =	sadd.s32 @!p0 s3, s7;
	s7 =	simm.s32 @!p0 $0x108  }
0x21: {  	s3 =	sadd.s32 s3, s9;
	s6 =	sadd.s32 @!p0 $0x88, s6;
	s7 =	simm.s32 @p2 $0x1082  }
0x22: {  	[simem:s7], [sflag:s8] =	dma.local @!p0 [hbm:s6], $0xF7A  }
0x23: {  	s9 =	sor.u32 $0xD0000000, s2;
	s6 =	simm.s32 $0x108;
	_ =	swait.ge @!p0 [sflag:s8], $0x0  }
0x24: {  	s3 =	sadd.s32 $0x88, s3;
	s6 =	simm.s32 @!p1 $0x1082;
	[sflag:s4] =	ssyncset.s32 $0xFFFFF086  }
0x25: {  	[simem:s6], [sflag:s4] =	dma.local [hbm:s3], $0xF7A  }
0x26: {  	[smem:$0x3F9F] =	sst s1;
	(tag) =	ssettag s2;
	_ =	strace s9  }
0x27: {  	s1 =	sld [smem:$0x3FAF]  }
0x28: {  	s2 =	sld [smem:$0x3FB0]  }
0x29: {  	s4 =	sld [smem:$0x3FB2]  }
0x2a: {  	p0 =	seq.s32 s5, $0x0;
	s5 =	sld [smem:$0x3FB3]  }
0x2b: {  	s6 =	sld [smem:$0x3FB4]  }
0x2c: {  	s7 =	sld [smem:$0x3FB5]  }
0x2d: {  	s3 =	simm.s32 $0x108;
	s8 =	sld [smem:$0x3FB6]  }
0x2e: {  	s3 =	simm.s32 @!p0 $0x1082;
	s9 =	sld [smem:$0x3FB7]  }
0x2f: {  	lr =	sadd.s32 s0, s3;
	s0 =	sld [smem:$0x3FAE]  }
0x30: {  	s3 =	sld [smem:$0x3FB1]  }
0x31: {  	[smem:$0x3FBA] =	sst s10  }
0x32: {  	s10 =	sld [smem:$0x3FB8];
	_ =	sdelay $0x3  }
0x33: {  	p0 =	seq.s32 s10, $0x1;
	s10 =	sld [smem:$0x3FBA];
	_ =	sdelay $0x3  }
0x34: {  	[smem:$0x3FBA] =	sst s10  }
0x35: {  	s10 =	sld [smem:$0x3FB9];
	_ =	sdelay $0x3  }
0x36: {  	p1 =	seq.s32 s10, $0x1;
	s10 =	sld [smem:$0x3FBA];
	_ =	sdelay $0x3  }
0x37: {  	[smem:$0x3FBA] =	sst s10  }
0x38: {  	s10 =	sld [smem:$0x3FBB]  }
0x39: {  	_ = 	snop;
	(pc) =	sbr.ind lr, $3  }
0x3a: {  	_ = 	snop  }
0x3b: {  	_ = 	snop  }
0x3c: {  	p2 =	seq.s32 s10, $0x1;
	s10 =	sld [smem:$0x3FBA]  }
0x3d: {  	_ =	shalt  }
0x3e: {  	_ =	shalt  }
0x3f: {  	_ =	shalt  }
0x40: {  	_ =	shalt  }
0x41: {  	_ =	shalt  }
0x42: {  	_ =	shalt  }
0x43: {  	_ =	shalt  }
0x44: {  	_ =	shalt  }
0x45: {  	_ =	shalt  }
0x46: {  	_ =	shalt  }
0x47: {  	_ =	shalt  }
0x48: {  	_ =	shalt  }
0x49: {  	_ =	shalt  }
0x4a: {  	_ =	shalt  }
0x4b: {  	_ =	shalt  }
0x4c: {  	_ =	shalt  }
0x4d: {  	_ =	shalt  }
0x4e: {  	_ =	shalt  }
0x4f: {  	_ =	shalt  }
0x50: {  	_ =	shalt  }
0x51: {  	_ =	shalt  }
0x52: {  	_ =	shalt  }
0x53: {  	_ =	shalt  }
0x54: {  	_ =	shalt  }
0x55: {  	_ =	shalt  }
0x56: {  	_ =	shalt  }
0x57: {  	_ =	shalt  }
0x58: {  	_ =	shalt  }
0x59: {  	_ =	shalt  }
0x5a: {  	_ =	shalt  }
0x5b: {  	_ =	shalt  }
0x5c: {  	_ =	shalt  }
0x5d: {  	_ =	shalt  }
0x5e: {  	_ =	shalt  }
0x5f: {  	_ =	shalt  }
0x60: {  	_ =	shalt  }
0x61: {  	_ =	shalt  }
0x62: {  	_ =	shalt  }
0x63: {  	_ =	shalt  }
0x64: {  	_ =	shalt  }
0x65: {  	_ =	shalt  }
0x66: {  	_ =	shalt  }
0x67: {  	_ =	shalt  }
0x68: {  	_ =	shalt  }
0x69: {  	_ =	shalt  }
0x6a: {  	_ =	shalt  }
0x6b: {  	_ =	shalt  }
0x6c: {  	_ =	shalt  }
0x6d: {  	_ =	shalt  }
0x6e: {  	_ =	shalt  }
0x6f: {  	_ =	shalt  }
0x70: {  	_ =	shalt  }
0x71: {  	_ =	shalt  }
0x72: {  	_ =	shalt  }
0x73: {  	_ =	shalt  }
0x74: {  	_ =	shalt  }
0x75: {  	_ =	shalt  }
0x76: {  	_ =	shalt  }
0x77: {  	_ =	shalt  }
0x78: {  	_ =	shalt  }
0x79: {  	_ =	shalt  }
0x7a: {  	_ =	shalt  }
0x7b: {  	_ =	shalt  }
0x7c: {  	_ =	shalt  }
0x7d: {  	_ =	shalt  }
0x7e: {  	_ =	shalt  }
0x7f: {  	_ =	shalt  }
0x80: {  	_ =	shalt  }
0x81: {  	_ =	shalt  }
0x82: {  	_ =	shalt  }
0x83: {  	_ =	shalt  }
0x84: {  	_ =	shalt  }
0x85: {  	_ =	shalt  }
0x86: {  	_ =	shalt  }
0x87: {  	_ =	shalt  }
.Lfunc_end0:
.L_simem_size_0:
called_computation_lowered:
.L_overlay_start_0:
0x88: {  	s2 =	sld [smem:$0x3FD9]  }
0x89: {  	s3 =	sld [smem:$0x3FFE];
	_ =	sdelay $0x1  }
0x8a: {  	s1 =	srdreg.scid  }
0x8b: {  	s0 =	sand.u32 $0x1, s1  }
0x8c: {  	s17 =	sshll.u32 s0, $0xA;
	s2 =	sadd.s32 s3, s2  }
0x8d: {  	s2 =	sadd.s32 s2, s17  }
0x8e: {  	[smem:$0x3FC6] =	sst s2  }
0x8f: {  	_ = 	snop  }
0x90: {  	s2 =	sld [smem:$0x3FC8];
	(tm) =	ssettm $0x1  }
0x91: {  	s18 =	sld [smem:$0x3FFB];
	_ =	sdelay $0x3  }
0x92: {  	_ =	strace s18  }
0x93: {  	s3 =	sld [smem:$0x3FFC];
	_ =	sdelay $0x3  }
0x94: {  	_ =	strace s3  }
0x95: {  	s3 =	sld [smem:$0x3FFD];
	_ =	sdelay $0x3  }
0x96: {  	_ =	strace s3  }
0x97: {  	_ =	strace $0x8FFFFFFF  }
0x98: {  	s19 =	sld [smem:$0x3FDB];
	_ =	sdelay $0x1  }
0x99: {  	s4 =	simm.s32 $_scs_section_size  }
0x9a: {  	s5 =	simm.s32 $_size__tile_overlayer_lowered;
	s6 =	simm.s32 $_tile_overlayer_lowered  }
0x9b: {  	s22 =	simm.s32 $0x1BFF;
	s21 =	sshll.u32 s6, $0x1;
	s3 =	sadd.s32 s4, s19  }
0x9c: {  	s7 =	simm.s32 $0x0;
	s20 =	sshll.u32 s5, $0x1;
	s5 =	sadd.s32 s21, s3  }
0x9d: {  	[timem:s7], [sflag:s22] =	dma.local [hbm:s5], s20  }
0x9e: {  	_ =	swait.ge [sflag:s22], s20  }
0x9f: {  	s4 =	ssub.s32 $0x0, s20;
	[sflag:s22] =	ssyncset.done $0x0  }
0xa0: {  	[sflag:s22] =	ssyncadd.s32 s4;
	_ =	sdelay $0x1  }
0xa1: {  	s23 =	simm.s32 $0x1B8B  }
0xa2: {  	_ =	swait.ge [sflag:s23], $0x1  }
0xa3: {  	[sflag:s23] =	ssyncset.done $0x0  }
0xa4: {  	s25 =	simm.s32 $0x1B8E;
	s24 =	sld [smem:$0x3FFE];
	[sflag:s23] =	ssyncadd.s32 $0xFFFFFFFF  }
0xa5: {  	s26 =	simm.s32 $execute0_lowered;
	[smem:$0x3FD2] =	sst s25  }
0xa6: {  	s5 =	sshll.u32 s26, $0x1;
	_ =	strace $0x80000046;
	[dreg:$0x1] =	wrdreg $0xFFFFFFFF  }
0xa7: {  	s28 =	simm.s32 $_size_execute0_lowered;
	s3 =	sadd.s32 s3, s5;
	[dreg:$0x0] =	wrdreg $0x0  }
0xa8: {  	s5 =	sshll.u32 s28, $0x1;
	[dreg:$0x2] =	wrdreg s3  }
0xa9: {  	[dreg:$0x3] =	wrdreg s5  }
0xaa: {  	[dreg:$0x4] =	wrdreg $0xC0  }
0xab: {  	_ =	task [dreg:s7], $0x5FFFF  }
0xac: {  	[dreg:$0x1] =	wrdreg $0xFFFFFFFF  }
0xad: {  	[dreg:$0x0] =	wrdreg $0x60  }
0xae: {  	[dreg:$0x2] =	wrdreg s2  }
0xaf: {  	[dreg:$0x3] =	wrdreg s24  }
0xb0: {  	[dreg:$0x4] =	wrdreg $0x9  }
0xb1: {  	_ =	task.clear_ibuf [dreg:s7], $0x5FFFF;
	_ =	strace $0x90000046  }
0xb2: {  	s29 =	simm.s32 $0x9;
	_ =	strace $0x80000048  }
0xb3: {  	_ =	swait.ge [sflag:s29], $0x1  }
0xb4: {  	[sflag:s29] =	ssyncadd.s32 $0xFFFFFFFF  }
0xb5: {  	_ =	strace $0x90000048  }
0xb6: {  	_ =	sfence  }
0xb7: {  	s30 =	sld [smem:$0x0];
	_ =	sdelay $0x2  }
0xb8: {  	s31 =	sshll.u32 s1, $0xD;
	s1 =	sshrl.u32 s1, $0x2  }
0xb9: {  	s3 =	sand.u32 $0x4000, s31;
	s1 =	sadd.s32 s1, s30  }
0xba: {  	s0 =	sor.u32 s3, s0;
	s1 =	sshll.u32 s1, $0x11  }
0xbb: {  	s0 =	sor.u32 s1, s0  }
0xbc: {  	s0 =	sadd.s32 $0x8F2B, s0  }
0xbd: {  	[sflag:s0] =	ssyncadd.remote.s32 $0x1  }
0xbe: {  	_ =	sfence.sel $0xFFFF  }
0xbf: {  	[dreg:$0x0] =	wrdreg $0xFFFFFFFF;
	(pc) =	sbr.abs _section_cstart, $3  }
0xc0: {  	[dreg:$0x1] =	wrdreg $0xFFFFFFFF  }
0xc1: {  	_ =	task.clear_ibuf [dreg:s7], $0x2FFFF;
	_ =	strace $0x9FFFFFFF  }
0xc2: {  	(tm) =	ssettm $0x7FFFFFFF  }
0xc3: {  	_ =	shalt  }
tec
execute0_lowered:
.L_overlay_start_1:
0x0: {  	(tag) =	ssettag $0x1  }
0x1: {  	s0 =	srdreg.scid;
	s2 =	rddreg [dreg:$0x0]  }
0x2: {  	s1 =	stileid.u32;
	s7 =	rddreg [dreg:$0x1]  }
0x3: {  	s4 =	simm.s32 $0x0;
	s28 =	simm.s32 $0x6000;
	s29 =	simm.s32 $0x6800  }
0x4: {  	s30 =	simm.s32 $0x7000;
	[smem:$0x7FF] =	sst s4;
	s17 =	sadd.s32 $0xF4200, s2  }
0x5: {  	s18 =	sadd.s32 $0x1E8480, s2;
	_ =	strace $0x80000047;
	[dreg:$0xa] =	wrdreg s17  }
0x6: {  	s31 =	simm.s32 $0x7800;
	s19 =	sadd.s32 $0x2DC700, s2;
	[dreg:$0xb] =	wrdreg s18  }
0x7: {  	s0 =	sand.u32 $0x1, s0;
	s21 =	sadd.s32 $0x3D0980, s2;
	[dreg:$0xc] =	wrdreg s19  }
0x8: {  	s1 =	sshll.u32 s1, $0x1;
	s22 =	sadd.s32 $0x4C4C00, s2;
	[dreg:$0xd] =	wrdreg s21  }
0x9: {  	s6 =	sadd.s32 $0xA00, s7;
	s23 =	sadd.s32 $0x5B8E80, s2;
	[dreg:$0xe] =	wrdreg s22  }
0xa: {  	s24 =	sadd.s32 $0x7A1A00, s7;
	s25 =	sadd.s32 $0x6AD100, s2;
	[dreg:$0x10] =	wrdreg s23  }
0xb: {  	s26 =	sadd.s32 $0x7A1380, s2;
	s7 =	simm.s32 $0x14000;
	[dreg:$0x11] =	wrdreg s24  }
0xc: {  	s3 =	sor.u32 s0, s1;
	s0 =	ssub.s32 $0x2, s0;
	[dreg:$0x13] =	wrdreg s25  }
0xd: {  	[dreg:$0x14] =	wrdreg s26;
	s19 =	simm.s32 $0x1;
	s21 =	simm.s32 $0x4000  }
0xe: {  	s23 =	simm.s32 $0x4800;
	s5 =	sshll.u32 s3, $0xB;
	s14 =	sshrl.u32 s0, $0x1  }
0xf: {  	s24 =	simm.s32 $0x5000;
	s11 =	sshrl.u32 s5, $0x3;
	s0 =	ssub.s32 s0, s14  }
0x10: {  	s26 =	simm.s32 $0x5800;
	s1 =	sadd.s32 s2, s11;
	s0 =	smax.u32 s0, $0x1  }
0x11: {  	s17 =	simm.s32 $0x3;
	s9 =	sadd.s32 $0xF4280, s1;
	[dreg:$0x12] =	wrdreg s0  }
0x12: {  	s18 =	simm.s32 $0x8000;
	s12 =	sadd.s32 $0x1E8500, s1;
	[dreg:$0x3] =	wrdreg s9  }
0x13: {  	s8 =	ssub.s32 $0xF61, s3;
	s13 =	sadd.s32 $0x2DC780, s1;
	[dreg:$0x4] =	wrdreg s12  }
0x14: {  	s20 =	sshll.u32 s3, $0x8;
	s10 =	sadd.s32 $0x3D0A00, s1;
	[dreg:$0x5] =	wrdreg s13  }
0x15: {  	p0 =	sne.s32 s3, $0x0;
	s15 =	sadd.s32 $0x4C4C80, s1;
	[dreg:$0x6] =	wrdreg s10  }
.Ltmp0:
0x16: {  	v0 =	vlaneseq.u32;
	s16 =	sadd.s32 $0x5B8F00, s1;
	[dreg:$0x7] =	wrdreg s15;
	(pc) =	sbr.rel .LBB2_1-.Ltmp0, $4  }
0x17: {  	v1 =	vand.u32 $0x1, v0;
	s1 =	sadd.s32 $0x6AD180, s1;
	s0 =	simm.s32 $0x10000;
	[dreg:$0x8] =	wrdreg s16  }
0x18: {  	v1 =	vmul.u32 $0x40, v1;
	s12 =	sshrl.u32 s8, $0x5;
	[dreg:$0x9] =	wrdreg s1;
	s1 =	sadd.s32 s2, s20  }
0x19: {  	s20 =	simm.s32 $0xC000;
	s9 =	simm.s32 $0x0;
	s15 =	sadd.s32 $0xFFFFFFFE, s12  }
0x1a: {  	v2 =	vor.u32 $0x10, v1;
	v3 =	vor.u32 $0x20, v1;
	v4 =	vor.u32 $0x30, v1;
	s16 =	sadd.s32 $0xFFFFFFFD, s12;
	[dreg:$0xf] =	wrdreg s1;
	s1 =	simm.s32 $0x2  }
.LBB2_11:
0x1b: {  	s8 =	simm.s32 $0x4  }
0x1c: {  	_ =	swait.ge [sflag:s8], $0x4000  }
0x1d: {  	[sflag:s8] =	ssyncset.done $0x0  }
0x1e: {  	s22 =	simm.s32 $0x5;
	[sflag:s8] =	ssyncadd.s32 $0xFFFFC000  }
0x1f: {  	_ =	swait.ge [sflag:s22], $0x4000  }
.Ltmp1:
0x20: {  	[sflag:s22] =	ssyncset.done $0x0;
	(pc) =	sbr.rel @!p0 .LBB2_12-.Ltmp1, $4  }
0x21: {  	s25 =	simm.s32 $0x6;
	[sflag:s22] =	ssyncadd.s32 $0xFFFFC000  }
0x22: {  	_ =	swait.ge [sflag:s25], $0x4000  }
0x23: {  	[sflag:s25] =	ssyncset.done $0x0  }
0x24: {  	s9 =	rddreg [dreg:$0x15];
	[sflag:s25] =	ssyncadd.s32 $0xFFFFC000  }
.LBB2_15:
0x25: {  	s9 =	sadd.s32 $0x1, s9;
	s8 =	rddreg [dreg:$0x12]  }
0x26: {  	p1 =	sne.s32 s9, s8  }
.Ltmp2:
0x27: {  	_ = 	snop;
	(pc) =	sbr.rel @!p1 .LBB2_16-.Ltmp2, $1  }
0x28: {  	_ =	sdelay $0x3  }
.LBB2_1:
0x29: {  	s8 =	rddreg [dreg:$0xf]  }
0x2a: {  	[tilespmem:s4], [sflag:$0x1] =	stream.linear.gather [hbm4b:s8+s4], $0x800, $0x38;
	[tilespmem:$0x18000] =	vst v63  }
0x2b: {  	s22 =	rddreg [dreg:$0x3];
	s25 =	simm.s32 $0x800  }
0x2c: {  	[tilespmem:s25], [sflag:$0x1] =	stream.linear.gather [hbm4b:s22+s4], $0x800, $0x38;
	[tilespmem:$0x18000] =	vst v63  }
0x2d: {  	s10 =	rddreg [dreg:$0x4];
	s11 =	simm.s32 $0x1000  }
0x2e: {  	[tilespmem:s11], [sflag:$0x1] =	stream.linear.gather [hbm4b:s10+s4], $0x800, $0x38;
	[tilespmem:$0x18000] =	vst v63  }
0x2f: {  	s13 =	rddreg [dreg:$0x5];
	s14 =	simm.s32 $0x1800  }
0x30: {  	[tilespmem:s14], [sflag:$0x1] =	stream.linear.gather [hbm4b:s13+s4], $0x800, $0x38;
	[tilespmem:$0x18000] =	vst v63  }
0x31: {  	s22 =	rddreg [dreg:$0x6];
	s25 =	simm.s32 $0x2000  }
0x32: {  	[tilespmem:s25], [sflag:$0x1] =	stream.linear.gather [hbm4b:s22+s4], $0x800, $0x38;
	[tilespmem:$0x18000] =	vst v63  }
0x33: {  	s10 =	rddreg [dreg:$0x7];
	s11 =	simm.s32 $0x2800  }
0x34: {  	[tilespmem:s11], [sflag:$0x1] =	stream.linear.gather [hbm4b:s10+s4], $0x800, $0x38;
	[tilespmem:$0x18000] =	vst v63  }
.Ltmp3:
0x35: {  	[dreg:$0x15] =	wrdreg s9;
	(pc) =	sbr.rel .LBB2_2-.Ltmp3, $4  }
0x36: {  	s13 =	rddreg [dreg:$0x8];
	s14 =	simm.s32 $0x3000  }
0x37: {  	[tilespmem:s14], [sflag:$0x1] =	stream.linear.gather [hbm4b:s13+s4], $0x800, $0x38;
	[tilespmem:$0x18000] =	vst v63  }
0x38: {  	s22 =	rddreg [dreg:$0x9];
	s25 =	simm.s32 $0x3800;
	s13 =	simm.s32 $0x0  }
0x39: {  	[tilespmem:s25], [sflag:$0x1] =	stream.linear.gather [hbm4b:s22+s4], $0x800, $0x38;
	[tilespmem:$0x18000] =	vst v63  }
.LBB2_10:
0x3a: {  	s13 =	sadd.s32 $0x1, s13  }
0x3b: {  	p1 =	sne.s32 s13, $0x29  }
.Ltmp4:
0x3c: {  	_ = 	snop;
	(pc) =	sbr.rel @!p1 .LBB2_11-.Ltmp4, $1  }
0x3d: {  	_ =	sdelay $0x3  }
.LBB2_2:
0x3e: {  	s9 =	simm.s32 $0x0  }
0x3f: {  	s14 =	sand.u32 $0xF0, s9;
	s9 =	sand.u32 $0xC, s9  }
0x40: {  	v5 =	vmov s14;
	s22 =	sor.u32 $0x1, s9  }
0x41: {  	v14 =	vadd.s32 s9, v0;
	s25 =	sor.u32 $0x3, s9;
	s9 =	sor.u32 $0x2, s9;
	v5 =	vshll.u32 v5, $0x3;
	v10 =	vadd.s32 s22, v0  }
0x42: {  	v22 =	vadd.s32 s25, v0;
	v16 =	vadd.s32 s9, v0;
	v7 =	vshll.u32 v14, $0x7  }
0x43: {  	v9 =	vand.u32 $0xF, v14;
	v5 =	vand.u32 $0x400, v5;
	v6 =	vshll.u32 v22, $0x7  }
0x44: {  	v8 =	vshll.u32 v10, $0x7;
	v13 =	vand.u32 $0x380, v7;
	v7 =	vshll.u32 v14, $0x8  }
0x45: {  	v11 =	vshll.u32 v16, $0x8;
	v15 =	vand.u32 $0xF, v16;
	v18 =	vshll.u32 v22, $0x8  }
0x46: {  	p1 =	seq.s32 s13, $0x0;
	v23 =	vand.u32 $0xF, v22;
	v30 =	vand.u32 $0xF, v10;
	v6 =	vand.u32 $0x380, v6  }
0x47: {  	s9 =	simm.s32 @!p1 $0x4;
	v21 =	vand.u32 $0x380, v8;
	v8 =	vshll.u32 v10, $0x8;
	v12 =	vand.u32 $0x800, v7  }
0x48: {  	_ =	swait.ge @!p1 [sflag:s9], $0x4000;
	v7 =	vor.u32 s14, v0;
	v25 =	vand.u32 $0x800, v8;
	v8 =	vshll.u32 v16, $0x7  }
0x49: {  	s22 =	simm.s32 $0x4;
	v11 =	vand.u32 $0x800, v11;
	[sflag:s9] =	ssyncset.done @!p1 $0x0;
	v17 =	vand.u32 $0x380, v8;
	v8 =	vand.u32 $0x7F, v7  }
0x4a: {  	v28 =	vand.u32 $0x800, v18;
	[sflag:s9] =	ssyncadd.s32 @!p1 $0xFFFFC000;
	s9 =	sand.u32 $0xF0, s22;
	v7 =	vshll.u32 v7, $0x6;
	v5 =	vor.u32 v5, v8  }
0x4b: {  	v60 =	vor.u32 s9, v0;
	v7 =	vand.u32 $0x3F80, v7;
	v8 =	vor.u32 v13, v5  }
0x4c: {  	v19 =	vor.u32 v6, v5;
	v20 =	vor.u32 v2, v7;
	v24 =	vor.u32 v21, v5  }
0x4d: {  	v26 =	vor.u32 v17, v5;
	v27 =	vor.u32 $0x1000, v5;
	v18 =	vor.u32 v1, v7  }
0x4e: {  	v34 =	vor.u32 v4, v7;
	v37 =	vor.u32 v3, v7;
	v40 =	vor.u32 $0x3000, v5  }
0x4f: {  	v5 =	vor.u32 $0x2000, v5;
	v24 =	vor.u32 v25, v24;
	v29 =	vor.u32 v12, v8  }
0x50: {  	v19 =	vor.u32 v28, v19;
	v8 =	vor.u32 v28, v27;
	v32 =	vor.u32 v9, v18  }
0x51: {  	v33 =	vor.u32 v30, v18;
	v26 =	vor.u32 v11, v26;
	v35 =	vor.u32 v23, v18  }
0x52: {  	v36 =	vor.u32 v14, v20;
	v38 =	vor.u32 v25, v27;
	v7 =	vor.u32 v11, v27  }
0x53: {  	v42 =	vor.u32 v17, v5;
	v43 =	vor.u32 v16, v20;
	v44 =	vor.u32 v22, v20  }
0x54: {  	v49 =	vor.u32 v15, v37;
	v58 =	vor.u32 v12, v40;
	v14 =	vor.u32 v14, v34  }
0x55: {  	v31 =	vor.u32 v6, v8;
	v8 =	vor.u32 v12, v27;
	v27 =	vor.u32 v15, v18  }
0x56: {  	v41 =	vor.u32 v17, v7;
	v7 =	vor.u32 v12, v5;
	v18 =	vor.u32 v30, v37  }
0x57: {  	v30 =	vor.u32 v10, v20;
	v10 =	vor.u32 v10, v34;
	v39 =	vor.u32 v13, v8  }
0x58: {  	_ =	swait.ge [sflag:s19], $0x4000;
	v8 =	vor.u32 v21, v5;
	v5 =	vor.u32 v6, v5;
	v45 =	vor.u32 v13, v7  }
0x59: {  	s8 =	sand.u32 $0xC, s22;
	[sflag:s19] =	ssyncset.done $0x0;
	v7 =	vor.u32 v9, v37;
	v9 =	vor.u32 v11, v40;
	v13 =	vor.u32 v13, v58  }
0x5a: {  	s11 =	sor.u32 $0x3, s8;
	[sflag:s19] =	ssyncadd.s32 $0xFFFFC000;
	v8 =	vor.u32 v25, v8;
	v46 =	vor.u32 v28, v5;
	v5 =	vadd.s32 s8, v0  }
0x5b: {  	v56 =	vor.u32 v17, v9;
	v9 =	vadd.s32 s11, v0;
	v25 =	vor.u32 v25, v40;
	v20 =	vld.idx.msk [tilespmem:v26+s4+$0x0], $0xffff  }
0x5c: {  	v15 =	vshll.u32 v9, $0x7;
	v17 =	vshll.u32 v5, $0x7;
	v62 =	vshll.u32 v9, $0x8;
	v19 =	vld.idx.msk [tilespmem:v19+s4+$0x0], $0xffff  }
0x5d: {  	v26 =	vor.u32 v11, v42;
	v11 =	vor.u32 v28, v40;
	v28 =	vmov s9;
	v29 =	vld.idx.msk [tilespmem:v29+s4+$0x0], $0xffff  }
0x5e: {  	s10 =	sor.u32 $0x1, s8;
	v24 =	vld.idx.msk [tilespmem:v24+s4+$0x0], $0xffff;
	v12 =	vand.u32 $0x380, v17;
	v17 =	vand.u32 $0x380, v15;
	v47 =	vor.u32 v6, v11  }
0x5f: {  	s14 =	sor.u32 $0x2, s8;
	v11 =	vshll.u32 v28, $0x3;
	v6 =	vadd.s32 s10, v0;
	v28 =	vor.u32 v21, v38  }
0x60: {  	v38 =	vor.u32 v16, v34;
	v48 =	vand.u32 $0x400, v11;
	v11 =	vadd.s32 s14, v0;
	[tilespmem:v27+s20+$0x0] =	vst.idx.msk $0xffff, v20  }
0x61: {  	v21 =	vor.u32 v21, v25;
	v54 =	vand.u32 $0xF, v6;
	v61 =	vshll.u32 v11, $0x8;
	[tilespmem:v35+s20+$0x0] =	vst.idx.msk $0xffff, v19;
	v41 =	vld.idx.msk [tilespmem:v41+s4+$0x0], $0xffff  }
0x62: {  	v27 =	vshll.u32 v6, $0x7;
	v20 =	vand.u32 $0xF, v5;
	[tilespmem:v32+s20+$0x0] =	vst.idx.msk $0xffff, v29;
	v19 =	vshll.u32 v5, $0x8;
	v29 =	vld.idx.msk [tilespmem:v31+s4+$0x0], $0xffff  }
0x63: {  	[tilespmem:v33+s20+$0x0] =	vst.idx.msk $0xffff, v24;
	v24 =	vshll.u32 v11, $0x7;
	v31 =	vld.idx.msk [tilespmem:v39+s4+$0x0], $0xffff;
	v15 =	vand.u32 $0x380, v27;
	v27 =	vshll.u32 v6, $0x8  }
0x64: {  	v16 =	vand.u32 $0x800, v19;
	v59 =	vld.idx.msk [tilespmem:v28+s4+$0x0], $0xffff;
	v28 =	vor.u32 v22, v34;
	v22 =	vand.u32 $0x7F, v60  }
0x65: {  	v24 =	vand.u32 $0x380, v24;
	v19 =	vand.u32 $0x800, v27;
	v40 =	vor.u32 v48, v22  }
0x66: {  	v27 =	vor.u32 v23, v37;
	v25 =	vor.u32 v12, v40;
	v53 =	vor.u32 $0x2000, v40;
	[tilespmem:v43+s20+$0x0] =	vst.idx.msk $0xffff, v41  }
0x67: {  	v34 =	vand.u32 $0x800, v62;
	v58 =	vor.u32 v24, v40;
	v55 =	vor.u32 v15, v53;
	[tilespmem:v44+s20+$0x0] =	vst.idx.msk $0xffff, v29  }
0x68: {  	v23 =	vand.u32 $0xF, v11;
	v52 =	vor.u32 v24, v53;
	v29 =	vand.u32 $0x800, v61;
	[tilespmem:v36+s20+$0x0] =	vst.idx.msk $0xffff, v31;
	v26 =	vld.idx.msk [tilespmem:v26+s4+$0x0], $0xffff  }
0x69: {  	v31 =	vshll.u32 v60, $0x6;
	[tilespmem:v30+s20+$0x0] =	vst.idx.msk $0xffff, v59;
	v30 =	vor.u32 v15, v40;
	v59 =	vor.u32 $0x1000, v40  }
0x6a: {  	v63 =	vld.idx.msk [tilespmem:v46+s4+$0x0], $0xffff;
	v57 =	vand.u32 $0x3F80, v31;
	v31 =	vor.u32 v17, v40;
	v30 =	vor.u32 v19, v30  }
0x6b: {  	v51 =	vor.u32 v29, v58;
	v62 =	vor.u32 v16, v59;
	v35 =	vor.u32 v2, v57  }
0x6c: {  	v60 =	vor.u32 v34, v31;
	v61 =	vor.u32 v1, v57;
	v32 =	vor.u32 v3, v57  }
0x6d: {  	v22 =	vand.u32 $0xF, v9;
	v43 =	vor.u32 v12, v62;
	[tilespmem:v49+s20+$0x0] =	vst.idx.msk $0xffff, v26;
	v26 =	vor.u32 v16, v25  }
0x6e: {  	v39 =	vor.u32 v20, v61;
	v33 =	vor.u32 v54, v61;
	v42 =	vor.u32 v22, v61;
	v50 =	vld.idx.msk [tilespmem:v56+s4+$0x0], $0xffff  }
0x6f: {  	v31 =	vor.u32 v5, v35;
	v48 =	vor.u32 v23, v61;
	[tilespmem:v27+s20+$0x0] =	vst.idx.msk $0xffff, v63;
	v27 =	vld.idx.msk [tilespmem:v45+s4+$0x0], $0xffff  }
0x70: {  	v41 =	vor.u32 v11, v35;
	v25 =	vor.u32 v34, v59;
	v45 =	vor.u32 v19, v59;
	v37 =	vld.idx.msk [tilespmem:v30+s4+$0x0], $0xffff  }
0x71: {  	v30 =	vor.u32 $0x3000, v40;
	v63 =	vor.u32 v29, v59;
	v40 =	vor.u32 v9, v35;
	v44 =	vld.idx.msk [tilespmem:v47+s4+$0x0], $0xffff  }
0x72: {  	s25 =	smul.u32 $0x60, s13;
	v49 =	vor.u32 v19, v55;
	v36 =	vor.u32 v17, v25;
	v25 =	vor.u32 v4, v57;
	v46 =	vld.idx.msk [tilespmem:v26+s4+$0x0], $0xffff  }
0x73: {  	v47 =	vor.u32 v24, v63;
	v26 =	vor.u32 v16, v53;
	[tilespmem:v38+s20+$0x0] =	vst.idx.msk $0xffff, v50;
	v50 =	vld.idx.msk [tilespmem:v51+s4+$0x0], $0xffff  }
0x74: {  	s25 =	sor.u32 s3, s25;
	s14 =	smul.u32 $0x3, s13;
	v53 =	vor.u32 v17, v53;
	v51 =	vld.idx.msk [tilespmem:v60+s4+$0x0], $0xffff;
	v38 =	vor.u32 v12, v26;
	v26 =	vor.u32 v54, v32  }
.LBB2_3:
0x75: {  	s22 =	sadd.s32 $0x4, s22;
	v54 =	vor.u32 v20, v32;
	v35 =	vor.u32 v6, v35;
	v53 =	vor.u32 v34, v53  }
0x76: {  	v52 =	vor.u32 v29, v52;
	v20 =	vor.u32 v29, v30;
	v29 =	vor.u32 v34, v30;
	s9 =	sand.u32 $0xF0, s22;
	s10 =	sand.u32 $0xC, s22;
	p2 =	slt.u32 s22, $0xFC  }
0x77: {  	v56 =	vor.u32 v17, v29;
	v34 =	vmov s9;
	v55 =	vadd.s32 s10, v0;
	s8 =	sor.u32 $0x1, s10;
	s11 =	sor.u32 $0x2, s10;
	v29 =	vld.idx.msk [tilespmem:v8+s4+$0x0], $0xffff;
	[tilespmem:v28+s20+$0x0] =	vst.idx.msk $0xffff, v44;
	v8 =	vmovc v49  }
0x78: {  	v44 =	vor.u32 v24, v20;
	v17 =	vshll.u32 v34, $0x3;
	v28 =	vadd.s32 s8, v0;
	s8 =	sor.u32 $0x3, s10;
	[tilespmem:v48+s20+$0x0] =	vst.idx.msk $0xffff, v50  }
0x79: {  	v34 =	vand.u32 $0x400, v17;
	v48 =	vadd.s32 s8, v0;
	v24 =	vld.idx.msk [tilespmem:v47+s4+$0x0], $0xffff;
	v47 =	vor.u32 v23, v32;
	[tilespmem:v42+s20+$0x0] =	vst.idx.msk $0xffff, v51  }
0x7a: {  	v23 =	vadd.s32 s11, v0;
	v17 =	vshll.u32 v48, $0x7;
	[tilespmem:v39+s20+$0x0] =	vst.idx.msk $0xffff, v46;
	v39 =	vor.u32 v15, v45;
	v36 =	vld.idx.msk [tilespmem:v36+s4+$0x0], $0xffff  }
0x7b: {  	v16 =	vor.u32 v16, v30;
	v42 =	vshll.u32 v55, $0x7;
	v45 =	vshll.u32 v28, $0x7;
	v43 =	vld.idx.msk [tilespmem:v43+s4+$0x0], $0xffff;
	[tilespmem:v7+s20+$0x0] =	vst.idx.msk $0xffff, v27  }
0x7c: {  	v20 =	vand.u32 $0xF, v55;
	v27 =	vand.u32 $0x380, v42;
	v42 =	vor.u32 v6, v25;
	v7 =	vmovc v54;
	v6 =	vmovc v28;
	v46 =	vld.idx.msk [tilespmem:v13+s4+$0x0], $0xffff  }
0x7d: {  	v28 =	vshll.u32 v55, $0x8;
	v17 =	vand.u32 $0x380, v17;
	v13 =	vor.u32 v12, v16;
	v12 =	vmovc v27;
	[tilespmem:v18+s20+$0x0] =	vst.idx.msk $0xffff, v29  }
0x7e: {  	v49 =	vor.u32 v11, v25;
	v27 =	vshll.u32 v6, $0x8;
	v18 =	vand.u32 $0x380, v45;
	[tilespmem:v33+s20+$0x0] =	vst.idx.msk $0xffff, v37;
	v33 =	vld.idx.msk [tilespmem:v21+s4+$0x0], $0xffff  }
0x7f: {  	v32 =	vor.u32 v22, v32;
	v16 =	vand.u32 $0x800, v28;
	v37 =	vand.u32 $0x800, v27;
	v39 =	vld.idx.msk [tilespmem:v39+s4+$0x0], $0xffff;
	[tilespmem:v41+s20+$0x0] =	vst.idx.msk $0xffff, v24  }
0x80: {  	v22 =	vshll.u32 v23, $0x7;
	v11 =	vmovc v23;
	v21 =	vor.u32 s9, v0;
	v27 =	vshll.u32 v23, $0x8;
	v41 =	vld.idx.msk [tilespmem:v52+s4+$0x0], $0xffff;
	[tilespmem:v40+s20+$0x0] =	vst.idx.msk $0xffff, v36  }
0x81: {  	v28 =	vor.u32 v9, v25;
	v23 =	vand.u32 $0xF, v11;
	v24 =	vand.u32 $0x380, v22;
	[tilespmem:v31+s20+$0x0] =	vst.idx.msk $0xffff, v43;
	v31 =	vld.idx.msk [tilespmem:v53+s4+$0x0], $0xffff  }
0x82: {  	v19 =	vor.u32 v19, v30;
	v22 =	vand.u32 $0x7F, v21;
	v29 =	vand.u32 $0x800, v27;
	v27 =	vld.idx.msk [tilespmem:v38+s4+$0x0], $0xffff;
	[tilespmem:v14+s20+$0x0] =	vst.idx.msk $0xffff, v46  }
0x83: {  	v9 =	vmovc v48;
	v30 =	vshll.u32 v21, $0x6;
	v36 =	vshll.u32 v48, $0x8;
	v14 =	vor.u32 v5, v25;
	v5 =	vmovc v55  }
0x84: {  	v21 =	vor.u32 v15, v19;
	v38 =	vor.u32 v34, v22;
	v22 =	vand.u32 $0xF, v9;
	[tilespmem:v10+s20+$0x0] =	vst.idx.msk $0xffff, v33  }
0x85: {  	v30 =	vand.u32 $0x3F80, v30;
	v19 =	vor.u32 v12, v38;
	v25 =	vor.u32 v17, v38;
	[tilespmem:v35+s20+$0x0] =	vst.idx.msk $0xffff, v39  }
0x86: {  	v40 =	vor.u32 v24, v38;
	v33 =	vor.u32 v18, v38;
	v10 =	vmovc v42;
	v35 =	vor.u32 v2, v30  }
0x87: {  	v15 =	vmovc v18;
	v34 =	vand.u32 $0x800, v36;
	v48 =	vor.u32 $0x1000, v38;
	v43 =	vor.u32 v37, v33;
	[tilespmem:v47+s20+$0x0] =	vst.idx.msk $0xffff, v41  }
0x88: {  	v18 =	vor.u32 v16, v19;
	v51 =	vor.u32 v34, v25;
	v19 =	vor.u32 v34, v48;
	v41 =	vld.idx.msk [tilespmem:v44+s4+$0x0], $0xffff  }
0x89: {  	v54 =	vand.u32 $0xF, v6;
	v36 =	vor.u32 v17, v19;
	v47 =	vor.u32 v1, v30;
	[tilespmem:v32+s20+$0x0] =	vst.idx.msk $0xffff, v31  }
0x8a: {  	v40 =	vor.u32 v29, v40;
	v39 =	vor.u32 v20, v47;
	v33 =	vor.u32 v54, v47;
	v44 =	vld.idx.msk [tilespmem:v56+s4+$0x0], $0xffff  }
0x8b: {  	v50 =	vor.u32 v16, v48;
	v25 =	vor.u32 v4, v30;
	v19 =	vmovc v37;
	v42 =	vor.u32 v22, v47  }
0x8c: {  	v45 =	vor.u32 v19, v48;
	v31 =	vor.u32 v5, v35;
	v32 =	vor.u32 v3, v30;
	v37 =	vld.idx.msk [tilespmem:v43+s4+$0x0], $0xffff  }
.Ltmp5:
0x8d: {  	v30 =	vor.u32 $0x3000, v38;
	v43 =	vor.u32 v12, v50;
	v50 =	vor.u32 v29, v48;
	v46 =	vld.idx.msk [tilespmem:v18+s4+$0x0], $0xffff;
	v18 =	vmovc v26;
	(pc) =	sbr.rel @p2 .LBB2_3-.Ltmp5, $4  }
0x8e: {  	v48 =	vor.u32 v23, v47;
	v26 =	vor.u32 $0x2000, v38;
	v47 =	vor.u32 v24, v50;
	[tilespmem:v49+s20+$0x0] =	vst.idx.msk $0xffff, v41  }
0x8f: {  	v38 =	vor.u32 v16, v26;
	v49 =	vor.u32 v15, v26;
	v52 =	vor.u32 v24, v26;
	v50 =	vld.idx.msk [tilespmem:v40+s4+$0x0], $0xffff  }
0x90: {  	v41 =	vor.u32 v11, v35;
	v53 =	vor.u32 v17, v26;
	v40 =	vor.u32 v9, v35;
	v51 =	vld.idx.msk [tilespmem:v51+s4+$0x0], $0xffff  }
0x91: {  	v26 =	vor.u32 v54, v32;
	v38 =	vor.u32 v12, v38;
	v49 =	vor.u32 v19, v49  }
0x92: {  	_ =	sdelay $0x2  }
0x93: {  	v45 =	vor.u32 v15, v45  }
0x94: {  	[tilespmem:v39+s20+$0x0] =	vst.idx.msk $0xffff, v46  }
0x95: {  	v43 =	vld.idx.msk [tilespmem:v43+s4+$0x0], $0xffff;
	[tilespmem:v48+s20+$0x0] =	vst.idx.msk $0xffff, v50  }
0x96: {  	v47 =	vld.idx.msk [tilespmem:v47+s4+$0x0], $0xffff;
	[tilespmem:v42+s20+$0x0] =	vst.idx.msk $0xffff, v51  }
0x97: {  	v52 =	vor.u32 v29, v52;
	[tilespmem:v33+s20+$0x0] =	vst.idx.msk $0xffff, v37;
	v36 =	vld.idx.msk [tilespmem:v36+s4+$0x0], $0xffff  }
0x98: {  	v53 =	vor.u32 v34, v53;
	v54 =	vor.u32 v6, v35;
	[tilespmem:v28+s20+$0x0] =	vst.idx.msk $0xffff, v44;
	v55 =	vld.idx.msk [tilespmem:v45+s4+$0x0], $0xffff  }
0x99: {  	v20 =	vor.u32 v20, v32;
	[tilespmem:v7+s20+$0x0] =	vst.idx.msk $0xffff, v27  }
0x9a: {  	v28 =	vor.u32 v29, v30;
	v8 =	vld.idx.msk [tilespmem:v8+s4+$0x0], $0xffff;
	v29 =	vor.u32 v34, v30;
	[tilespmem:v31+s20+$0x0] =	vst.idx.msk $0xffff, v43  }
0x9b: {  	v16 =	vor.u32 v16, v30;
	v17 =	vor.u32 v17, v29;
	v29 =	vld.idx.msk [tilespmem:v38+s4+$0x0], $0xffff;
	[tilespmem:v41+s20+$0x0] =	vst.idx.msk $0xffff, v47  }
0x9c: {  	v23 =	vor.u32 v23, v32;
	v7 =	vor.u32 v12, v16;
	v56 =	vld.idx.msk [tilespmem:v52+s4+$0x0], $0xffff;
	[tilespmem:v40+s20+$0x0] =	vst.idx.msk $0xffff, v36  }
0x9d: {  	v22 =	vor.u32 v22, v32;
	v24 =	vor.u32 v24, v28;
	v28 =	vld.idx.msk [tilespmem:v53+s4+$0x0], $0xffff;
	[tilespmem:v54+s20+$0x0] =	vst.idx.msk $0xffff, v55  }
0x9e: {  	v12 =	vor.u32 v19, v30;
	v16 =	vld.idx.msk [tilespmem:v49+s4+$0x0], $0xffff  }
0x9f: {  	v13 =	vld.idx.msk [tilespmem:v13+s4+$0x0], $0xffff;
	[tilespmem:v18+s20+$0x0] =	vst.idx.msk $0xffff, v8;
	v8 =	vor.u32 v15, v12  }
0xa0: {  	v12 =	vld.idx.msk [tilespmem:v21+s4+$0x0], $0xffff;
	[tilespmem:v20+s20+$0x0] =	vst.idx.msk $0xffff, v29  }
0xa1: {  	v5 =	vor.u32 v5, v25;
	v7 =	vld.idx.msk [tilespmem:v7+s4+$0x0], $0xffff;
	[tilespmem:v23+s20+$0x0] =	vst.idx.msk $0xffff, v56  }
0xa2: {  	v11 =	vor.u32 v11, v25;
	v15 =	vld.idx.msk [tilespmem:v24+s4+$0x0], $0xffff;
	[tilespmem:v22+s20+$0x0] =	vst.idx.msk $0xffff, v28  }
0xa3: {  	v9 =	vor.u32 v9, v25;
	v17 =	vld.idx.msk [tilespmem:v17+s4+$0x0], $0xffff;
	[tilespmem:v26+s20+$0x0] =	vst.idx.msk $0xffff, v16  }
0xa4: {  	v6 =	vor.u32 v6, v25;
	[tilespmem:v14+s20+$0x0] =	vst.idx.msk $0xffff, v13;
	v8 =	vld.idx.msk [tilespmem:v8+s4+$0x0], $0xffff  }
0xa5: {  	[tilespmem:v10+s20+$0x0] =	vst.idx.msk $0xffff, v12  }
0xa6: {  	s22 =	simm.s32 $0x0;
	[tilespmem:v5+s20+$0x0] =	vst.idx.msk $0xffff, v7  }
0xa7: {  	s8 =	sshll.u32 s25, $0xB;
	s10 =	sand.u32 $0xC, s22;
	[tilespmem:v11+s20+$0x0] =	vst.idx.msk $0xffff, v15  }
0xa8: {  	s9 =	sadd.s32 s6, s8;
	s8 =	sshrl.u32 s8, $0x3;
	s25 =	sor.u32 $0x3, s10;
	[tilespmem:v9+s20+$0x0] =	vst.idx.msk $0xffff, v17  }
0xa9: {  	s11 =	sor.u32 $0x1, s10;
	s8 =	sadd.s32 s2, s8;
	v21 =	vadd.s32 s25, v0;
	[tilespmem:v6+s20+$0x0] =	vst.idx.msk $0xffff, v8  }
0xaa: {  	v14 =	vadd.s32 s10, v0;
	v18 =	vshll.u32 v21, $0x8;
	v10 =	vadd.s32 s11, v0;
	[hbm4b:s9+s4] =	stream.linear.scatter [tilespmem:s20], [sflag:$0x4], $0x4000, $0x38;
	[tilespmem:$0x18000] =	vst v63  }
0xab: {  	s10 =	sor.u32 $0x2, s10;
	v30 =	vand.u32 $0xF, v10;
	v23 =	vand.u32 $0xF, v21;
	v7 =	vshll.u32 v14, $0x7;
	s9 =	sand.u32 $0xF0, s22;
	s22 =	sadd.s32 $0x2000, s8  }
0xac: {  	v16 =	vadd.s32 s10, v0;
	v13 =	vand.u32 $0x380, v7;
	v7 =	vshll.u32 v14, $0x8;
	[tilespmem:s21], [sflag:$0x2] =	stream.linear.gather [hbm4b:s22+s4], $0x800, $0x38;
	[tilespmem:$0x18000] =	vst v63  }
0xad: {  	v28 =	vand.u32 $0x800, v18;
	v12 =	vand.u32 $0x800, v7;
	v11 =	vshll.u32 v16, $0x8;
	s22 =	sadd.s32 $0xF6280, s8  }
0xae: {  	v15 =	vand.u32 $0xF, v16;
	v9 =	vand.u32 $0xF, v14;
	v8 =	vshll.u32 v10, $0x7;
	[tilespmem:s23], [sflag:$0x2] =	stream.linear.gather [hbm4b:s22+s4], $0x800, $0x38;
	[tilespmem:$0x18000] =	vst v63  }
0xaf: {  	s25 =	sadd.s32 $0x1EA500, s8;
	v11 =	vand.u32 $0x800, v11;
	v25 =	vand.u32 $0x380, v8;
	v8 =	vshll.u32 v10, $0x8  }
0xb0: {  	v6 =	vshll.u32 v21, $0x7;
	v5 =	vmov s9;
	v22 =	vand.u32 $0x800, v8;
	[tilespmem:s24], [sflag:$0x2] =	stream.linear.gather [hbm4b:s25+s4], $0x800, $0x38;
	[tilespmem:$0x18000] =	vst v63  }
0xb1: {  	s11 =	sadd.s32 $0x2DE780, s8;
	v7 =	vor.u32 s9, v0;
	v8 =	vshll.u32 v16, $0x7;
	v5 =	vshll.u32 v5, $0x3  }
0xb2: {  	v17 =	vand.u32 $0x380, v8;
	v8 =	vand.u32 $0x7F, v7;
	v7 =	vshll.u32 v7, $0x6;
	[tilespmem:s26], [sflag:$0x2] =	stream.linear.gather [hbm4b:s11+s4], $0x800, $0x38;
	[tilespmem:$0x18000] =	vst v63  }
0xb3: {  	v6 =	vand.u32 $0x380, v6;
	v5 =	vand.u32 $0x400, v5;
	v7 =	vand.u32 $0x3F80, v7;
	s22 =	sadd.s32 $0x3D2A00, s8  }
0xb4: {  	v5 =	vor.u32 v5, v8;
	v20 =	vor.u32 v2, v7;
	v18 =	vor.u32 v1, v7;
	[tilespmem:s28], [sflag:$0x2] =	stream.linear.gather [hbm4b:s22+s4], $0x800, $0x38;
	[tilespmem:$0x18000] =	vst v63  }
0xb5: {  	v34 =	vor.u32 v4, v7;
	v57 =	vor.u32 v3, v7;
	v8 =	vor.u32 v13, v5;
	s25 =	sadd.s32 $0x4C6C80, s8  }
0xb6: {  	v19 =	vor.u32 v6, v5;
	v24 =	vor.u32 v25, v5;
	v26 =	vor.u32 v17, v5;
	[tilespmem:s29], [sflag:$0x2] =	stream.linear.gather [hbm4b:s25+s4], $0x800, $0x38;
	[tilespmem:$0x18000] =	vst v63  }
0xb7: {  	s10 =	sadd.s32 $0x5BAF00, s8;
	v27 =	vor.u32 $0x1000, v5;
	v32 =	vor.u32 v9, v18;
	v33 =	vor.u32 v30, v18  }
0xb8: {  	v35 =	vor.u32 v23, v18;
	v36 =	vor.u32 v14, v20;
	v40 =	vor.u32 $0x3000, v5;
	[tilespmem:s30], [sflag:$0x2] =	stream.linear.gather [hbm4b:s10+s4], $0x800, $0x38;
	[tilespmem:$0x18000] =	vst v63  }
0xb9: {  	v5 =	vor.u32 $0x2000, v5;
	v62 =	vor.u32 v16, v20;
	v63 =	vor.u32 v21, v20;
	s8 =	sadd.s32 $0x6AF180, s8  }
0xba: {  	v55 =	vor.u32 v15, v57;
	v50 =	vor.u32 v16, v34;
	v14 =	vor.u32 v14, v34;
	[tilespmem:s31], [sflag:$0x2] =	stream.linear.gather [hbm4b:s8+s4], $0x800, $0x38;
	[tilespmem:$0x18000] =	vst v63  }
0xbb: {  	v24 =	vor.u32 v22, v24;
	v29 =	vor.u32 v12, v8;
	v19 =	vor.u32 v28, v19;
	s8 =	simm.s32 @!p1 $0x5  }
0xbc: {  	v8 =	vor.u32 v28, v27;
	v26 =	vor.u32 v11, v26;
	v58 =	vor.u32 v22, v27;
	_ =	swait.ge @!p1 [sflag:s8], $0x4000  }
0xbd: {  	v7 =	vor.u32 v11, v27;
	v61 =	vor.u32 v17, v5;
	v56 =	vor.u32 v12, v40;
	[sflag:s8] =	ssyncset.done @!p1 $0x0  }
0xbe: {  	v31 =	vor.u32 v6, v8;
	v8 =	vor.u32 v12, v27;
	v27 =	vor.u32 v15, v18;
	[sflag:s8] =	ssyncadd.s32 @!p1 $0xFFFFC000  }
0xbf: {  	v60 =	vor.u32 v17, v7;
	v7 =	vor.u32 v12, v5;
	v18 =	vor.u32 v30, v57;
	_ =	swait.ge [sflag:s1], $0x4000  }
0xc0: {  	v30 =	vor.u32 v10, v20;
	v10 =	vor.u32 v10, v34;
	v59 =	vor.u32 v13, v8;
	s22 =	simm.s32 $0x4;
	[sflag:s1] =	ssyncset.done $0x0  }
0xc1: {  	v8 =	vor.u32 v25, v5;
	v5 =	vor.u32 v6, v5;
	v45 =	vor.u32 v13, v7;
	s9 =	sand.u32 $0xC, s22;
	[sflag:s1] =	ssyncadd.s32 $0xFFFFC000  }
0xc2: {  	v7 =	vor.u32 v9, v57;
	v9 =	vor.u32 v11, v40;
	v52 =	vor.u32 v28, v5;
	s25 =	sor.u32 $0x3, s9;
	v20 =	vld.idx.msk [tilespmem:v26+s21+$0x0], $0xffff  }
0xc3: {  	v53 =	vor.u32 v17, v9;
	v5 =	vadd.s32 s9, v0;
	v9 =	vadd.s32 s25, v0;
	v19 =	vld.idx.msk [tilespmem:v19+s21+$0x0], $0xffff  }
0xc4: {  	v13 =	vor.u32 v13, v56;
	v17 =	vshll.u32 v5, $0x7;
	v15 =	vshll.u32 v9, $0x7;
	v29 =	vld.idx.msk [tilespmem:v29+s21+$0x0], $0xffff  }
0xc5: {  	v8 =	vor.u32 v22, v8;
	v12 =	vand.u32 $0x380, v17;
	v17 =	vand.u32 $0x380, v15;
	s8 =	sand.u32 $0xF0, s22;
	v24 =	vld.idx.msk [tilespmem:v24+s21+$0x0], $0xffff  }
0xc6: {  	v26 =	vor.u32 v11, v61;
	v11 =	vor.u32 v28, v40;
	v28 =	vmov s8  }
0xc7: {  	s11 =	sor.u32 $0x1, s9;
	v61 =	vshll.u32 v9, $0x8;
	v47 =	vor.u32 v6, v11;
	v11 =	vshll.u32 v28, $0x3;
	[tilespmem:v27+s0+$0x0] =	vst.idx.msk $0xffff, v20  }
0xc8: {  	s9 =	sor.u32 $0x2, s9;
	v6 =	vadd.s32 s11, v0;
	v28 =	vor.u32 v25, v58;
	v58 =	vor.u32 s8, v0;
	[tilespmem:v35+s0+$0x0] =	vst.idx.msk $0xffff, v19  }
0xc9: {  	v54 =	vand.u32 $0x400, v11;
	v11 =	vadd.s32 s9, v0;
	v27 =	vshll.u32 v6, $0x7;
	[tilespmem:v32+s0+$0x0] =	vst.idx.msk $0xffff, v29;
	v41 =	vld.idx.msk [tilespmem:v60+s21+$0x0], $0xffff  }
0xca: {  	v20 =	vand.u32 $0xF, v5;
	v19 =	vshll.u32 v5, $0x8;
	[tilespmem:v33+s0+$0x0] =	vst.idx.msk $0xffff, v24;
	v24 =	vshll.u32 v11, $0x7;
	v29 =	vld.idx.msk [tilespmem:v31+s21+$0x0], $0xffff  }
0xcb: {  	v31 =	vld.idx.msk [tilespmem:v59+s21+$0x0], $0xffff;
	v15 =	vand.u32 $0x380, v27;
	v27 =	vshll.u32 v6, $0x8;
	v16 =	vand.u32 $0x800, v19  }
0xcc: {  	v59 =	vshll.u32 v11, $0x8;
	v24 =	vand.u32 $0x380, v24;
	v60 =	vor.u32 v22, v40  }
0xcd: {  	v22 =	vand.u32 $0xF, v9;
	v19 =	vand.u32 $0x800, v27;
	v27 =	vor.u32 v23, v57;
	v57 =	vld.idx.msk [tilespmem:v28+s21+$0x0], $0xffff  }
0xce: {  	v28 =	vor.u32 v21, v34;
	v21 =	vand.u32 $0x7F, v58;
	v34 =	vand.u32 $0x800, v61;
	[tilespmem:v62+s0+$0x0] =	vst.idx.msk $0xffff, v41  }
0xcf: {  	v40 =	vor.u32 v54, v21;
	v21 =	vor.u32 v25, v60;
	v54 =	vand.u32 $0xF, v6;
	[tilespmem:v63+s0+$0x0] =	vst.idx.msk $0xffff, v29  }
0xd0: {  	v25 =	vor.u32 v12, v40;
	v29 =	vand.u32 $0x800, v59;
	[tilespmem:v36+s0+$0x0] =	vst.idx.msk $0xffff, v31;
	v31 =	vshll.u32 v58, $0x6;
	v26 =	vld.idx.msk [tilespmem:v26+s21+$0x0], $0xffff  }
0xd1: {  	v63 =	vor.u32 v24, v40;
	v62 =	vld.idx.msk [tilespmem:v52+s21+$0x0], $0xffff;
	v38 =	vand.u32 $0x3F80, v31;
	v31 =	vor.u32 v17, v40  }
0xd2: {  	[tilespmem:v30+s0+$0x0] =	vst.idx.msk $0xffff, v57;
	v30 =	vor.u32 v15, v40;
	v57 =	vor.u32 $0x1000, v40;
	v61 =	vor.u32 v29, v63  }
0xd3: {  	v63 =	vor.u32 $0x2000, v40;
	v35 =	vor.u32 v2, v38;
	v30 =	vor.u32 v19, v30  }
0xd4: {  	v58 =	vor.u32 v34, v31;
	v60 =	vor.u32 v1, v38;
	v32 =	vor.u32 v3, v38  }
0xd5: {  	v41 =	vor.u32 v29, v57;
	v52 =	vor.u32 v24, v63;
	v39 =	vor.u32 v20, v60  }
0xd6: {  	v23 =	vand.u32 $0xF, v11;
	v33 =	vor.u32 v54, v60;
	v42 =	vor.u32 v22, v60;
	[tilespmem:v55+s0+$0x0] =	vst.idx.msk $0xffff, v26  }
0xd7: {  	v31 =	vor.u32 v5, v35;
	v26 =	vor.u32 v16, v25;
	[tilespmem:v27+s0+$0x0] =	vst.idx.msk $0xffff, v62;
	v27 =	vld.idx.msk [tilespmem:v45+s21+$0x0], $0xffff  }
0xd8: {  	v48 =	vor.u32 v23, v60;
	v25 =	vor.u32 v34, v57;
	v62 =	vor.u32 v16, v57;
	v59 =	vld.idx.msk [tilespmem:v53+s21+$0x0], $0xffff  }
0xd9: {  	v45 =	vor.u32 v19, v57;
	v55 =	vor.u32 v15, v63;
	v51 =	vld.idx.msk [tilespmem:v61+s21+$0x0], $0xffff;
	v36 =	vor.u32 v17, v25  }
0xda: {  	v25 =	vor.u32 v4, v38;
	v38 =	vld.idx.msk [tilespmem:v30+s21+$0x0], $0xffff;
	v43 =	vor.u32 v12, v62;
	v30 =	vor.u32 $0x3000, v40  }
0xdb: {  	v44 =	vld.idx.msk [tilespmem:v47+s21+$0x0], $0xffff;
	v47 =	vor.u32 v24, v41;
	v41 =	vor.u32 v11, v35;
	v40 =	vor.u32 v9, v35  }
0xdc: {  	v53 =	vor.u32 v17, v63;
	v49 =	vor.u32 v19, v55;
	v46 =	vld.idx.msk [tilespmem:v26+s21+$0x0], $0xffff;
	v26 =	vor.u32 v16, v63  }
0xdd: {  	[tilespmem:v50+s0+$0x0] =	vst.idx.msk $0xffff, v59;
	v50 =	vld.idx.msk [tilespmem:v58+s21+$0x0], $0xffff;
	v37 =	vor.u32 v12, v26;
	v26 =	vor.u32 v54, v32  }
.LBB2_5:
0xde: {  	s22 =	sadd.s32 $0x4, s22;
	v54 =	vor.u32 v20, v32;
	v35 =	vor.u32 v6, v35;
	v53 =	vor.u32 v34, v53  }
0xdf: {  	v52 =	vor.u32 v29, v52;
	v20 =	vor.u32 v29, v30;
	v29 =	vor.u32 v34, v30;
	s9 =	sand.u32 $0xF0, s22;
	s8 =	sand.u32 $0xC, s22;
	p2 =	slt.u32 s22, $0xFC  }
0xe0: {  	v56 =	vor.u32 v17, v29;
	v34 =	vmov s9;
	v55 =	vadd.s32 s8, v0;
	s10 =	sor.u32 $0x1, s8;
	s11 =	sor.u32 $0x2, s8;
	v29 =	vld.idx.msk [tilespmem:v8+s21+$0x0], $0xffff;
	[tilespmem:v28+s0+$0x0] =	vst.idx.msk $0xffff, v44;
	v8 =	vmovc v49  }
0xe1: {  	s8 =	sor.u32 $0x3, s8;
	v44 =	vor.u32 v24, v20;
	v17 =	vshll.u32 v34, $0x3;
	v28 =	vadd.s32 s10, v0;
	[tilespmem:v48+s0+$0x0] =	vst.idx.msk $0xffff, v51  }
0xe2: {  	v48 =	vadd.s32 s8, v0;
	v34 =	vand.u32 $0x400, v17;
	v24 =	vld.idx.msk [tilespmem:v47+s21+$0x0], $0xffff;
	v47 =	vor.u32 v23, v32;
	[tilespmem:v42+s0+$0x0] =	vst.idx.msk $0xffff, v50  }
0xe3: {  	v23 =	vadd.s32 s11, v0;
	v17 =	vshll.u32 v48, $0x7;
	[tilespmem:v39+s0+$0x0] =	vst.idx.msk $0xffff, v46;
	v39 =	vor.u32 v15, v45;
	v36 =	vld.idx.msk [tilespmem:v36+s21+$0x0], $0xffff  }
0xe4: {  	v16 =	vor.u32 v16, v30;
	v42 =	vshll.u32 v55, $0x7;
	v45 =	vshll.u32 v28, $0x7;
	v43 =	vld.idx.msk [tilespmem:v43+s21+$0x0], $0xffff;
	[tilespmem:v7+s0+$0x0] =	vst.idx.msk $0xffff, v27  }
0xe5: {  	v20 =	vand.u32 $0xF, v55;
	v27 =	vand.u32 $0x380, v42;
	v42 =	vor.u32 v6, v25;
	v7 =	vmovc v54;
	v6 =	vmovc v28;
	v46 =	vld.idx.msk [tilespmem:v13+s21+$0x0], $0xffff  }
0xe6: {  	v17 =	vand.u32 $0x380, v17;
	v28 =	vshll.u32 v55, $0x8;
	v13 =	vor.u32 v12, v16;
	v12 =	vmovc v27;
	[tilespmem:v18+s0+$0x0] =	vst.idx.msk $0xffff, v29  }
0xe7: {  	v49 =	vor.u32 v11, v25;
	v27 =	vshll.u32 v6, $0x8;
	v18 =	vand.u32 $0x380, v45;
	[tilespmem:v33+s0+$0x0] =	vst.idx.msk $0xffff, v38;
	v33 =	vld.idx.msk [tilespmem:v21+s21+$0x0], $0xffff  }
0xe8: {  	v32 =	vor.u32 v22, v32;
	v16 =	vand.u32 $0x800, v28;
	v38 =	vand.u32 $0x800, v27;
	v39 =	vld.idx.msk [tilespmem:v39+s21+$0x0], $0xffff;
	[tilespmem:v41+s0+$0x0] =	vst.idx.msk $0xffff, v24  }
0xe9: {  	v22 =	vshll.u32 v23, $0x7;
	v11 =	vmovc v23;
	v21 =	vor.u32 s9, v0;
	v27 =	vshll.u32 v23, $0x8;
	v41 =	vld.idx.msk [tilespmem:v52+s21+$0x0], $0xffff;
	[tilespmem:v40+s0+$0x0] =	vst.idx.msk $0xffff, v36  }
0xea: {  	v28 =	vor.u32 v9, v25;
	v23 =	vand.u32 $0xF, v11;
	v24 =	vand.u32 $0x380, v22;
	[tilespmem:v31+s0+$0x0] =	vst.idx.msk $0xffff, v43;
	v31 =	vld.idx.msk [tilespmem:v53+s21+$0x0], $0xffff  }
0xeb: {  	v19 =	vor.u32 v19, v30;
	v22 =	vand.u32 $0x7F, v21;
	v29 =	vand.u32 $0x800, v27;
	v27 =	vld.idx.msk [tilespmem:v37+s21+$0x0], $0xffff;
	[tilespmem:v14+s0+$0x0] =	vst.idx.msk $0xffff, v46  }
0xec: {  	v9 =	vmovc v48;
	v30 =	vshll.u32 v21, $0x6;
	v36 =	vshll.u32 v48, $0x8;
	v14 =	vor.u32 v5, v25;
	v5 =	vmovc v55  }
0xed: {  	v21 =	vor.u32 v15, v19;
	v37 =	vor.u32 v34, v22;
	v22 =	vand.u32 $0xF, v9;
	[tilespmem:v10+s0+$0x0] =	vst.idx.msk $0xffff, v33  }
0xee: {  	v30 =	vand.u32 $0x3F80, v30;
	v19 =	vor.u32 v12, v37;
	v25 =	vor.u32 v17, v37;
	[tilespmem:v35+s0+$0x0] =	vst.idx.msk $0xffff, v39  }
0xef: {  	v40 =	vor.u32 v24, v37;
	v33 =	vor.u32 v18, v37;
	v10 =	vmovc v42;
	v35 =	vor.u32 v2, v30  }
0xf0: {  	v15 =	vmovc v18;
	v34 =	vand.u32 $0x800, v36;
	v48 =	vor.u32 $0x1000, v37;
	v43 =	vor.u32 v38, v33;
	[tilespmem:v47+s0+$0x0] =	vst.idx.msk $0xffff, v41  }
0xf1: {  	v18 =	vor.u32 v16, v19;
	v50 =	vor.u32 v34, v25;
	v19 =	vor.u32 v34, v48;
	v41 =	vld.idx.msk [tilespmem:v44+s21+$0x0], $0xffff  }
0xf2: {  	v54 =	vand.u32 $0xF, v6;
	v36 =	vor.u32 v17, v19;
	v47 =	vor.u32 v1, v30;
	[tilespmem:v32+s0+$0x0] =	vst.idx.msk $0xffff, v31  }
0xf3: {  	v40 =	vor.u32 v29, v40;
	v39 =	vor.u32 v20, v47;
	v33 =	vor.u32 v54, v47;
	v44 =	vld.idx.msk [tilespmem:v56+s21+$0x0], $0xffff  }
0xf4: {  	v51 =	vor.u32 v16, v48;
	v25 =	vor.u32 v4, v30;
	v19 =	vmovc v38;
	v42 =	vor.u32 v22, v47  }
0xf5: {  	v45 =	vor.u32 v19, v48;
	v31 =	vor.u32 v5, v35;
	v32 =	vor.u32 v3, v30;
	v38 =	vld.idx.msk [tilespmem:v43+s21+$0x0], $0xffff  }
.Ltmp6:
0xf6: {  	v30 =	vor.u32 $0x3000, v37;
	v43 =	vor.u32 v12, v51;
	v51 =	vor.u32 v29, v48;
	v46 =	vld.idx.msk [tilespmem:v18+s21+$0x0], $0xffff;
	v18 =	vmovc v26;
	(pc) =	sbr.rel @p2 .LBB2_5-.Ltmp6, $4  }
0xf7: {  	v48 =	vor.u32 v23, v47;
	v26 =	vor.u32 $0x2000, v37;
	v47 =	vor.u32 v24, v51;
	[tilespmem:v49+s0+$0x0] =	vst.idx.msk $0xffff, v41  }
0xf8: {  	v37 =	vor.u32 v16, v26;
	v49 =	vor.u32 v15, v26;
	v52 =	vor.u32 v24, v26;
	v51 =	vld.idx.msk [tilespmem:v40+s21+$0x0], $0xffff  }
0xf9: {  	v41 =	vor.u32 v11, v35;
	v53 =	vor.u32 v17, v26;
	v40 =	vor.u32 v9, v35;
	v50 =	vld.idx.msk [tilespmem:v50+s21+$0x0], $0xffff  }
0xfa: {  	v26 =	vor.u32 v54, v32;
	v37 =	vor.u32 v12, v37;
	v49 =	vor.u32 v19, v49  }
0xfb: {  	_ =	sdelay $0x2  }
0xfc: {  	v45 =	vor.u32 v15, v45  }
0xfd: {  	[tilespmem:v39+s0+$0x0] =	vst.idx.msk $0xffff, v46  }
0xfe: {  	v43 =	vld.idx.msk [tilespmem:v43+s21+$0x0], $0xffff;
	[tilespmem:v48+s0+$0x0] =	vst.idx.msk $0xffff, v51  }
0xff: {  	v47 =	vld.idx.msk [tilespmem:v47+s21+$0x0], $0xffff;
	[tilespmem:v42+s0+$0x0] =	vst.idx.msk $0xffff, v50  }
0x100: {  	[tilespmem:v33+s0+$0x0] =	vst.idx.msk $0xffff, v38;
	v50 =	vor.u32 v29, v52;
	v36 =	vld.idx.msk [tilespmem:v36+s21+$0x0], $0xffff  }
0x101: {  	v51 =	vor.u32 v34, v53;
	v52 =	vor.u32 v6, v35;
	v53 =	vld.idx.msk [tilespmem:v45+s21+$0x0], $0xffff  }
0x102: {  	[tilespmem:v7+s0+$0x0] =	vst.idx.msk $0xffff, v27  }
0x103: {  	v20 =	vor.u32 v20, v32;
	v54 =	vor.u32 v29, v30;
	v8 =	vld.idx.msk [tilespmem:v8+s21+$0x0], $0xffff;
	[tilespmem:v31+s0+$0x0] =	vst.idx.msk $0xffff, v43  }
0x104: {  	v55 =	vor.u32 v34, v30;
	v16 =	vor.u32 v16, v30;
	v58 =	vld.idx.msk [tilespmem:v37+s21+$0x0], $0xffff;
	[tilespmem:v41+s0+$0x0] =	vst.idx.msk $0xffff, v47  }
0x105: {  	v23 =	vor.u32 v23, v32;
	v7 =	vor.u32 v12, v16;
	v56 =	vld.idx.msk [tilespmem:v50+s21+$0x0], $0xffff;
	[tilespmem:v40+s0+$0x0] =	vst.idx.msk $0xffff, v36  }
0x106: {  	v22 =	vor.u32 v22, v32;
	v24 =	vor.u32 v24, v54;
	v57 =	vld.idx.msk [tilespmem:v51+s21+$0x0], $0xffff;
	[tilespmem:v52+s0+$0x0] =	vst.idx.msk $0xffff, v53  }
0x107: {  	[tilespmem:v28+s0+$0x0] =	vst.idx.msk $0xffff, v44;
	v59 =	vor.u32 v19, v30;
	v17 =	vor.u32 v17, v55;
	v60 =	vld.idx.msk [tilespmem:v49+s21+$0x0], $0xffff  }
0x108: {  	v13 =	vld.idx.msk [tilespmem:v13+s21+$0x0], $0xffff;
	v61 =	vor.u32 v15, v59;
	[tilespmem:v18+s0+$0x0] =	vst.idx.msk $0xffff, v8  }
0x109: {  	v62 =	vld.idx.msk [tilespmem:v21+s21+$0x0], $0xffff;
	[tilespmem:v20+s0+$0x0] =	vst.idx.msk $0xffff, v58  }
0x10a: {  	v5 =	vor.u32 v5, v25;
	v7 =	vld.idx.msk [tilespmem:v7+s21+$0x0], $0xffff;
	[tilespmem:v23+s0+$0x0] =	vst.idx.msk $0xffff, v56  }
0x10b: {  	v11 =	vor.u32 v11, v25;
	v63 =	vld.idx.msk [tilespmem:v24+s21+$0x0], $0xffff;
	[tilespmem:v22+s0+$0x0] =	vst.idx.msk $0xffff, v57  }
0x10c: {  	v9 =	vor.u32 v9, v25;
	v17 =	vld.idx.msk [tilespmem:v17+s21+$0x0], $0xffff;
	[tilespmem:v26+s0+$0x0] =	vst.idx.msk $0xffff, v60  }
0x10d: {  	s8 =	smul.u32 $0x30000, s13;
	v6 =	vor.u32 v6, v25;
	[tilespmem:v14+s0+$0x0] =	vst.idx.msk $0xffff, v13;
	v8 =	vld.idx.msk [tilespmem:v61+s21+$0x0], $0xffff  }
0x10e: {  	[tilespmem:v10+s0+$0x0] =	vst.idx.msk $0xffff, v62  }
0x10f: {  	s8 =	sor.u32 s5, s8;
	[tilespmem:v5+s0+$0x0] =	vst.idx.msk $0xffff, v7  }
0x110: {  	p2 =	sge.u32 s14, s15;
	s8 =	sadd.s32 $0x10000, s8;
	[tilespmem:v11+s0+$0x0] =	vst.idx.msk $0xffff, v63  }
0x111: {  	s9 =	sadd.s32 s6, s8;
	s8 =	sshrl.u32 @!p2 s8, $0x3;
	[tilespmem:v9+s0+$0x0] =	vst.idx.msk $0xffff, v17  }
0x112: {  	s8 =	sadd.s32 @!p2 s2, s8;
	[tilespmem:v6+s0+$0x0] =	vst.idx.msk $0xffff, v8  }
0x113: {  	[hbm4b:s9+s4] =	stream.linear.scatter [tilespmem:s0], [sflag:$0x5], $0x4000, $0x38;
	[tilespmem:$0x18000] =	vst v63  }
0x114: {  	s10 =	simm.s32 @!p2 $0x0;
	s11 =	simm.s32 @!p2 $0x8000;
	s9 =	sadd.s32 @!p2 $0x2000, s8  }
0x115: {  	[tilespmem:s11], [sflag:$0x3] =	stream.linear.gather @!p2 [hbm4b:s9+s10], $0x800, $0x38;
	[tilespmem:$0x18000] =	vst v63  }
0x116: {  	s9 =	sadd.s32 @!p2 $0xF6280, s8;
	s11 =	simm.s32 @!p2 $0x8800  }
0x117: {  	[tilespmem:s11], [sflag:$0x3] =	stream.linear.gather @!p2 [hbm4b:s9+s10], $0x800, $0x38;
	[tilespmem:$0x18000] =	vst v63  }
0x118: {  	s9 =	sadd.s32 @!p2 $0x1EA500, s8;
	s11 =	simm.s32 @!p2 $0x9000  }
0x119: {  	[tilespmem:s11], [sflag:$0x3] =	stream.linear.gather @!p2 [hbm4b:s9+s10], $0x800, $0x38;
	[tilespmem:$0x18000] =	vst v63  }
0x11a: {  	s9 =	sadd.s32 @!p2 $0x2DE780, s8;
	s11 =	simm.s32 @!p2 $0x9800  }
0x11b: {  	[tilespmem:s11], [sflag:$0x3] =	stream.linear.gather @!p2 [hbm4b:s9+s10], $0x800, $0x38;
	[tilespmem:$0x18000] =	vst v63  }
0x11c: {  	s9 =	sadd.s32 @!p2 $0x3D2A00, s8;
	s11 =	simm.s32 @!p2 $0xA000  }
0x11d: {  	[tilespmem:s11], [sflag:$0x3] =	stream.linear.gather @!p2 [hbm4b:s9+s10], $0x800, $0x38;
	[tilespmem:$0x18000] =	vst v63  }
0x11e: {  	s9 =	sadd.s32 @!p2 $0x4C6C80, s8;
	s11 =	simm.s32 @!p2 $0xA800  }
0x11f: {  	[tilespmem:s11], [sflag:$0x3] =	stream.linear.gather @!p2 [hbm4b:s9+s10], $0x800, $0x38;
	[tilespmem:$0x18000] =	vst v63  }
0x120: {  	s9 =	sadd.s32 @!p2 $0x5BAF00, s8;
	s11 =	simm.s32 @!p2 $0xB000  }
0x121: {  	[tilespmem:s11], [sflag:$0x3] =	stream.linear.gather @!p2 [hbm4b:s9+s10], $0x800, $0x38;
	[tilespmem:$0x18000] =	vst v63  }
0x122: {  	s22 =	sadd.s32 $0x2, s14;
	s8 =	sadd.s32 @!p2 $0x6AF180, s8;
	s9 =	simm.s32 @!p2 $0xB800  }
0x123: {  	[tilespmem:s9], [sflag:$0x3] =	stream.linear.gather @!p2 [hbm4b:s8+s10], $0x800, $0x38;
	[tilespmem:$0x18000] =	vst v63  }
0x124: {  	p2 =	sge.u32 s22, s12  }
.Ltmp7:
0x125: {  	_ = 	snop;
	(pc) =	sbr.rel @p2 .LBB2_10-.Ltmp7, $1  }
0x126: {  	_ =	sdelay $0x3  }
0x127: {  	s8 =	simm.s32 $0x0  }
0x128: {  	s9 =	sand.u32 $0xF0, s8;
	s8 =	sand.u32 $0xC, s8  }
0x129: {  	v5 =	vmov s9;
	v14 =	vadd.s32 s8, v0;
	s10 =	sor.u32 $0x1, s8;
	s11 =	sor.u32 $0x3, s8  }
0x12a: {  	s8 =	sor.u32 $0x2, s8;
	v5 =	vshll.u32 v5, $0x3;
	v10 =	vadd.s32 s10, v0;
	v22 =	vadd.s32 s11, v0  }
0x12b: {  	v16 =	vadd.s32 s8, v0;
	v7 =	vshll.u32 v14, $0x7;
	v9 =	vand.u32 $0xF, v14  }
0x12c: {  	v5 =	vand.u32 $0x400, v5;
	v6 =	vshll.u32 v22, $0x7;
	v8 =	vshll.u32 v10, $0x7  }
0x12d: {  	v13 =	vand.u32 $0x380, v7;
	v7 =	vshll.u32 v14, $0x8;
	v11 =	vshll.u32 v16, $0x8  }
0x12e: {  	v15 =	vand.u32 $0xF, v16;
	v18 =	vshll.u32 v22, $0x8;
	v23 =	vand.u32 $0xF, v22  }
0x12f: {  	s8 =	simm.s32 @!p1 $0x6;
	v30 =	vand.u32 $0xF, v10;
	v6 =	vand.u32 $0x380, v6;
	v21 =	vand.u32 $0x380, v8  }
0x130: {  	_ =	swait.ge @!p1 [sflag:s8], $0x4000;
	v8 =	vshll.u32 v10, $0x8;
	v12 =	vand.u32 $0x800, v7;
	v7 =	vor.u32 s9, v0  }
0x131: {  	s25 =	simm.s32 $0x4;
	v11 =	vand.u32 $0x800, v11;
	[sflag:s8] =	ssyncset.done @!p1 $0x0;
	v25 =	vand.u32 $0x800, v8;
	v8 =	vshll.u32 v16, $0x7  }
0x132: {  	v28 =	vand.u32 $0x800, v18;
	[sflag:s8] =	ssyncadd.s32 @!p1 $0xFFFFC000;
	s8 =	sand.u32 $0xF0, s25;
	v17 =	vand.u32 $0x380, v8;
	v8 =	vand.u32 $0x7F, v7  }
0x133: {  	v7 =	vshll.u32 v7, $0x6;
	v60 =	vor.u32 s8, v0;
	v5 =	vor.u32 v5, v8  }
0x134: {  	v7 =	vand.u32 $0x3F80, v7;
	v8 =	vor.u32 v13, v5;
	v19 =	vor.u32 v6, v5  }
0x135: {  	v20 =	vor.u32 v2, v7;
	v24 =	vor.u32 v21, v5;
	v26 =	vor.u32 v17, v5  }
0x136: {  	v27 =	vor.u32 $0x1000, v5;
	v18 =	vor.u32 v1, v7;
	v34 =	vor.u32 v4, v7  }
0x137: {  	v37 =	vor.u32 v3, v7;
	v40 =	vor.u32 $0x3000, v5;
	v5 =	vor.u32 $0x2000, v5  }
0x138: {  	v24 =	vor.u32 v25, v24;
	v29 =	vor.u32 v12, v8;
	v19 =	vor.u32 v28, v19  }
0x139: {  	v8 =	vor.u32 v28, v27;
	v32 =	vor.u32 v9, v18;
	v33 =	vor.u32 v30, v18  }
0x13a: {  	v26 =	vor.u32 v11, v26;
	v35 =	vor.u32 v23, v18;
	v36 =	vor.u32 v14, v20  }
0x13b: {  	v38 =	vor.u32 v25, v27;
	v7 =	vor.u32 v11, v27;
	v42 =	vor.u32 v17, v5  }
0x13c: {  	v43 =	vor.u32 v16, v20;
	v44 =	vor.u32 v22, v20;
	v49 =	vor.u32 v15, v37  }
0x13d: {  	v58 =	vor.u32 v12, v40;
	v50 =	vor.u32 v16, v34;
	v14 =	vor.u32 v14, v34  }
0x13e: {  	v31 =	vor.u32 v6, v8;
	v8 =	vor.u32 v12, v27;
	v27 =	vor.u32 v15, v18  }
0x13f: {  	v41 =	vor.u32 v17, v7;
	v7 =	vor.u32 v12, v5;
	v18 =	vor.u32 v30, v37  }
0x140: {  	_ =	swait.ge [sflag:s17], $0x4000;
	v30 =	vor.u32 v10, v20;
	v10 =	vor.u32 v10, v34;
	v39 =	vor.u32 v13, v8  }
0x141: {  	[sflag:s17] =	ssyncset.done $0x0;
	v8 =	vor.u32 v21, v5;
	v5 =	vor.u32 v6, v5;
	v45 =	vor.u32 v13, v7  }
0x142: {  	s9 =	sand.u32 $0xC, s25;
	[sflag:s17] =	ssyncadd.s32 $0xFFFFC000;
	v7 =	vor.u32 v9, v37;
	v9 =	vor.u32 v11, v40;
	v13 =	vor.u32 v13, v58  }
0x143: {  	v8 =	vor.u32 v25, v8;
	v46 =	vor.u32 v28, v5;
	v5 =	vadd.s32 s9, v0;
	v20 =	vld.idx.msk [tilespmem:v26+s18+$0x0], $0xffff  }
0x144: {  	v56 =	vor.u32 v17, v9;
	v25 =	vor.u32 v25, v40;
	v17 =	vshll.u32 v5, $0x7;
	v19 =	vld.idx.msk [tilespmem:v19+s18+$0x0], $0xffff  }
0x145: {  	v26 =	vor.u32 v11, v42;
	v11 =	vor.u32 v28, v40;
	v28 =	vmov s8;
	v29 =	vld.idx.msk [tilespmem:v29+s18+$0x0], $0xffff  }
0x146: {  	s11 =	sor.u32 $0x1, s9;
	v24 =	vld.idx.msk [tilespmem:v24+s18+$0x0], $0xffff;
	v12 =	vand.u32 $0x380, v17;
	v47 =	vor.u32 v6, v11;
	v11 =	vshll.u32 v28, $0x3  }
0x147: {  	v6 =	vadd.s32 s11, v0;
	s11 =	sor.u32 $0x3, s9;
	s9 =	sor.u32 $0x2, s9;
	v28 =	vor.u32 v21, v38;
	v21 =	vor.u32 v21, v25  }
0x148: {  	v48 =	vand.u32 $0x400, v11;
	v9 =	vadd.s32 s11, v0;
	v11 =	vadd.s32 s9, v0;
	[tilespmem:v27+s7+$0x0] =	vst.idx.msk $0xffff, v20  }
0x149: {  	v54 =	vand.u32 $0xF, v6;
	v15 =	vshll.u32 v9, $0x7;
	v61 =	vshll.u32 v11, $0x8;
	[tilespmem:v35+s7+$0x0] =	vst.idx.msk $0xffff, v19  }
0x14a: {  	v62 =	vshll.u32 v9, $0x8;
	v17 =	vand.u32 $0x380, v15;
	v27 =	vshll.u32 v6, $0x7;
	[tilespmem:v32+s7+$0x0] =	vst.idx.msk $0xffff, v29;
	v41 =	vld.idx.msk [tilespmem:v41+s18+$0x0], $0xffff  }
0x14b: {  	v20 =	vand.u32 $0xF, v5;
	v19 =	vshll.u32 v5, $0x8;
	[tilespmem:v33+s7+$0x0] =	vst.idx.msk $0xffff, v24;
	v24 =	vshll.u32 v11, $0x7;
	v29 =	vld.idx.msk [tilespmem:v31+s18+$0x0], $0xffff  }
0x14c: {  	v31 =	vld.idx.msk [tilespmem:v39+s18+$0x0], $0xffff;
	v15 =	vand.u32 $0x380, v27;
	v27 =	vshll.u32 v6, $0x8;
	v16 =	vand.u32 $0x800, v19  }
0x14d: {  	v59 =	vld.idx.msk [tilespmem:v28+s18+$0x0], $0xffff;
	v24 =	vand.u32 $0x380, v24;
	v28 =	vor.u32 v22, v34;
	v22 =	vand.u32 $0x7F, v60  }
0x14e: {  	v34 =	vand.u32 $0x800, v62;
	v19 =	vand.u32 $0x800, v27;
	v40 =	vor.u32 v48, v22  }
0x14f: {  	v27 =	vor.u32 v23, v37;
	v23 =	vand.u32 $0xF, v11;
	v25 =	vor.u32 v12, v40;
	[tilespmem:v43+s7+$0x0] =	vst.idx.msk $0xffff, v41  }
0x150: {  	v57 =	vor.u32 v24, v40;
	v58 =	vor.u32 $0x1000, v40;
	v53 =	vor.u32 $0x2000, v40;
	[tilespmem:v44+s7+$0x0] =	vst.idx.msk $0xffff, v29  }
0x151: {  	v55 =	vor.u32 v15, v53;
	v52 =	vor.u32 v24, v53;
	[tilespmem:v36+s7+$0x0] =	vst.idx.msk $0xffff, v31;
	v26 =	vld.idx.msk [tilespmem:v26+s18+$0x0], $0xffff  }
0x152: {  	v29 =	vand.u32 $0x800, v61;
	v31 =	vshll.u32 v60, $0x6;
	[tilespmem:v30+s7+$0x0] =	vst.idx.msk $0xffff, v59;
	v30 =	vor.u32 v15, v40;
	v63 =	vld.idx.msk [tilespmem:v46+s18+$0x0], $0xffff  }
0x153: {  	v38 =	vand.u32 $0x3F80, v31;
	v31 =	vor.u32 v17, v40;
	v30 =	vor.u32 v19, v30  }
0x154: {  	v62 =	vor.u32 v29, v57;
	v41 =	vor.u32 v29, v58;
	v35 =	vor.u32 v2, v38  }
0x155: {  	v59 =	vor.u32 v34, v31;
	v61 =	vor.u32 v1, v38;
	v32 =	vor.u32 v3, v38  }
0x156: {  	v22 =	vand.u32 $0xF, v9;
	v39 =	vor.u32 v20, v61;
	v33 =	vor.u32 v54, v61;
	[tilespmem:v49+s7+$0x0] =	vst.idx.msk $0xffff, v26  }
0x157: {  	v42 =	vor.u32 v22, v61;
	v26 =	vor.u32 v16, v25;
	[tilespmem:v27+s7+$0x0] =	vst.idx.msk $0xffff, v63;
	v27 =	vld.idx.msk [tilespmem:v45+s18+$0x0], $0xffff  }
0x158: {  	v31 =	vor.u32 v5, v35;
	v48 =	vor.u32 v23, v61;
	v25 =	vor.u32 v34, v58;
	v60 =	vld.idx.msk [tilespmem:v56+s18+$0x0], $0xffff  }
0x159: {  	v63 =	vor.u32 v16, v58;
	v45 =	vor.u32 v19, v58;
	v51 =	vld.idx.msk [tilespmem:v62+s18+$0x0], $0xffff;
	v49 =	vor.u32 v19, v55  }
0x15a: {  	v36 =	vor.u32 v17, v25;
	v25 =	vor.u32 v4, v38;
	v44 =	vld.idx.msk [tilespmem:v47+s18+$0x0], $0xffff;
	v43 =	vor.u32 v12, v63  }
0x15b: {  	v38 =	vld.idx.msk [tilespmem:v30+s18+$0x0], $0xffff;
	v30 =	vor.u32 $0x3000, v40;
	v47 =	vor.u32 v24, v41;
	v41 =	vor.u32 v11, v35  }
0x15c: {  	v40 =	vor.u32 v9, v35;
	v46 =	vld.idx.msk [tilespmem:v26+s18+$0x0], $0xffff;
	v26 =	vor.u32 v16, v53;
	v53 =	vor.u32 v17, v53  }
0x15d: {  	[tilespmem:v50+s7+$0x0] =	vst.idx.msk $0xffff, v60;
	v50 =	vld.idx.msk [tilespmem:v59+s18+$0x0], $0xffff;
	v37 =	vor.u32 v12, v26;
	v26 =	vor.u32 v54, v32  }
.LBB2_8:
0x15e: {  	s25 =	sadd.s32 $0x4, s25;
	v54 =	vor.u32 v20, v32;
	v35 =	vor.u32 v6, v35;
	v53 =	vor.u32 v34, v53  }
0x15f: {  	v52 =	vor.u32 v29, v52;
	v20 =	vor.u32 v29, v30;
	v29 =	vor.u32 v34, v30;
	s9 =	sand.u32 $0xF0, s25;
	s8 =	sand.u32 $0xC, s25;
	p1 =	slt.u32 s25, $0xFC  }
0x160: {  	v56 =	vor.u32 v17, v29;
	v34 =	vmov s9;
	v55 =	vadd.s32 s8, v0;
	s10 =	sor.u32 $0x1, s8;
	s11 =	sor.u32 $0x2, s8;
	v29 =	vld.idx.msk [tilespmem:v8+s18+$0x0], $0xffff;
	[tilespmem:v28+s7+$0x0] =	vst.idx.msk $0xffff, v44;
	v8 =	vmovc v49  }
0x161: {  	s8 =	sor.u32 $0x3, s8;
	v44 =	vor.u32 v24, v20;
	v17 =	vshll.u32 v34, $0x3;
	v28 =	vadd.s32 s10, v0;
	[tilespmem:v48+s7+$0x0] =	vst.idx.msk $0xffff, v51  }
0x162: {  	v48 =	vadd.s32 s8, v0;
	v34 =	vand.u32 $0x400, v17;
	v24 =	vld.idx.msk [tilespmem:v47+s18+$0x0], $0xffff;
	v47 =	vor.u32 v23, v32;
	[tilespmem:v42+s7+$0x0] =	vst.idx.msk $0xffff, v50  }
0x163: {  	v23 =	vadd.s32 s11, v0;
	v17 =	vshll.u32 v48, $0x7;
	[tilespmem:v39+s7+$0x0] =	vst.idx.msk $0xffff, v46;
	v39 =	vor.u32 v15, v45;
	v36 =	vld.idx.msk [tilespmem:v36+s18+$0x0], $0xffff  }
0x164: {  	v16 =	vor.u32 v16, v30;
	v42 =	vshll.u32 v55, $0x7;
	v45 =	vshll.u32 v28, $0x7;
	v43 =	vld.idx.msk [tilespmem:v43+s18+$0x0], $0xffff;
	[tilespmem:v7+s7+$0x0] =	vst.idx.msk $0xffff, v27  }
0x165: {  	v20 =	vand.u32 $0xF, v55;
	v27 =	vand.u32 $0x380, v42;
	v42 =	vor.u32 v6, v25;
	v7 =	vmovc v54;
	v6 =	vmovc v28;
	v46 =	vld.idx.msk [tilespmem:v13+s18+$0x0], $0xffff  }
0x166: {  	v17 =	vand.u32 $0x380, v17;
	v28 =	vshll.u32 v55, $0x8;
	v13 =	vor.u32 v12, v16;
	v12 =	vmovc v27;
	[tilespmem:v18+s7+$0x0] =	vst.idx.msk $0xffff, v29  }
0x167: {  	v49 =	vor.u32 v11, v25;
	v27 =	vshll.u32 v6, $0x8;
	v18 =	vand.u32 $0x380, v45;
	[tilespmem:v33+s7+$0x0] =	vst.idx.msk $0xffff, v38;
	v33 =	vld.idx.msk [tilespmem:v21+s18+$0x0], $0xffff  }
0x168: {  	v32 =	vor.u32 v22, v32;
	v16 =	vand.u32 $0x800, v28;
	v38 =	vand.u32 $0x800, v27;
	v39 =	vld.idx.msk [tilespmem:v39+s18+$0x0], $0xffff;
	[tilespmem:v41+s7+$0x0] =	vst.idx.msk $0xffff, v24  }
0x169: {  	v22 =	vshll.u32 v23, $0x7;
	v11 =	vmovc v23;
	v21 =	vor.u32 s9, v0;
	v27 =	vshll.u32 v23, $0x8;
	v41 =	vld.idx.msk [tilespmem:v52+s18+$0x0], $0xffff;
	[tilespmem:v40+s7+$0x0] =	vst.idx.msk $0xffff, v36  }
0x16a: {  	v28 =	vor.u32 v9, v25;
	v23 =	vand.u32 $0xF, v11;
	v24 =	vand.u32 $0x380, v22;
	[tilespmem:v31+s7+$0x0] =	vst.idx.msk $0xffff, v43;
	v31 =	vld.idx.msk [tilespmem:v53+s18+$0x0], $0xffff  }
0x16b: {  	v19 =	vor.u32 v19, v30;
	v22 =	vand.u32 $0x7F, v21;
	v29 =	vand.u32 $0x800, v27;
	v27 =	vld.idx.msk [tilespmem:v37+s18+$0x0], $0xffff;
	[tilespmem:v14+s7+$0x0] =	vst.idx.msk $0xffff, v46  }
0x16c: {  	v9 =	vmovc v48;
	v30 =	vshll.u32 v21, $0x6;
	v36 =	vshll.u32 v48, $0x8;
	v14 =	vor.u32 v5, v25;
	v5 =	vmovc v55  }
0x16d: {  	v21 =	vor.u32 v15, v19;
	v37 =	vor.u32 v34, v22;
	v22 =	vand.u32 $0xF, v9;
	[tilespmem:v10+s7+$0x0] =	vst.idx.msk $0xffff, v33  }
0x16e: {  	v30 =	vand.u32 $0x3F80, v30;
	v19 =	vor.u32 v12, v37;
	v25 =	vor.u32 v17, v37;
	[tilespmem:v35+s7+$0x0] =	vst.idx.msk $0xffff, v39  }
0x16f: {  	v40 =	vor.u32 v24, v37;
	v33 =	vor.u32 v18, v37;
	v10 =	vmovc v42;
	v35 =	vor.u32 v2, v30  }
0x170: {  	v15 =	vmovc v18;
	v34 =	vand.u32 $0x800, v36;
	v48 =	vor.u32 $0x1000, v37;
	v43 =	vor.u32 v38, v33;
	[tilespmem:v47+s7+$0x0] =	vst.idx.msk $0xffff, v41  }
0x171: {  	v18 =	vor.u32 v16, v19;
	v50 =	vor.u32 v34, v25;
	v19 =	vor.u32 v34, v48;
	v41 =	vld.idx.msk [tilespmem:v44+s18+$0x0], $0xffff  }
0x172: {  	v54 =	vand.u32 $0xF, v6;
	v36 =	vor.u32 v17, v19;
	v47 =	vor.u32 v1, v30;
	[tilespmem:v32+s7+$0x0] =	vst.idx.msk $0xffff, v31  }
0x173: {  	v40 =	vor.u32 v29, v40;
	v39 =	vor.u32 v20, v47;
	v33 =	vor.u32 v54, v47;
	v44 =	vld.idx.msk [tilespmem:v56+s18+$0x0], $0xffff  }
0x174: {  	v51 =	vor.u32 v16, v48;
	v25 =	vor.u32 v4, v30;
	v19 =	vmovc v38;
	v42 =	vor.u32 v22, v47  }
0x175: {  	v45 =	vor.u32 v19, v48;
	v31 =	vor.u32 v5, v35;
	v32 =	vor.u32 v3, v30;
	v38 =	vld.idx.msk [tilespmem:v43+s18+$0x0], $0xffff  }
.Ltmp8:
0x176: {  	v30 =	vor.u32 $0x3000, v37;
	v43 =	vor.u32 v12, v51;
	v51 =	vor.u32 v29, v48;
	v46 =	vld.idx.msk [tilespmem:v18+s18+$0x0], $0xffff;
	v18 =	vmovc v26;
	(pc) =	sbr.rel @p1 .LBB2_8-.Ltmp8, $4  }
0x177: {  	v48 =	vor.u32 v23, v47;
	v26 =	vor.u32 $0x2000, v37;
	v47 =	vor.u32 v24, v51;
	[tilespmem:v49+s7+$0x0] =	vst.idx.msk $0xffff, v41  }
0x178: {  	v37 =	vor.u32 v16, v26;
	v49 =	vor.u32 v15, v26;
	v52 =	vor.u32 v24, v26;
	v51 =	vld.idx.msk [tilespmem:v40+s18+$0x0], $0xffff  }
0x179: {  	v41 =	vor.u32 v11, v35;
	v53 =	vor.u32 v17, v26;
	v40 =	vor.u32 v9, v35;
	v50 =	vld.idx.msk [tilespmem:v50+s18+$0x0], $0xffff  }
0x17a: {  	v26 =	vor.u32 v54, v32;
	v37 =	vor.u32 v12, v37;
	v49 =	vor.u32 v19, v49  }
0x17b: {  	_ =	sdelay $0x2  }
0x17c: {  	v45 =	vor.u32 v15, v45  }
0x17d: {  	[tilespmem:v39+s7+$0x0] =	vst.idx.msk $0xffff, v46  }
0x17e: {  	v43 =	vld.idx.msk [tilespmem:v43+s18+$0x0], $0xffff;
	[tilespmem:v48+s7+$0x0] =	vst.idx.msk $0xffff, v51  }
0x17f: {  	v47 =	vld.idx.msk [tilespmem:v47+s18+$0x0], $0xffff;
	[tilespmem:v42+s7+$0x0] =	vst.idx.msk $0xffff, v50  }
0x180: {  	[tilespmem:v33+s7+$0x0] =	vst.idx.msk $0xffff, v38;
	v50 =	vor.u32 v29, v52;
	v36 =	vld.idx.msk [tilespmem:v36+s18+$0x0], $0xffff  }
0x181: {  	v51 =	vor.u32 v34, v53;
	v52 =	vor.u32 v6, v35;
	v53 =	vld.idx.msk [tilespmem:v45+s18+$0x0], $0xffff  }
0x182: {  	[tilespmem:v7+s7+$0x0] =	vst.idx.msk $0xffff, v27  }
0x183: {  	v20 =	vor.u32 v20, v32;
	v54 =	vor.u32 v29, v30;
	v8 =	vld.idx.msk [tilespmem:v8+s18+$0x0], $0xffff;
	[tilespmem:v31+s7+$0x0] =	vst.idx.msk $0xffff, v43  }
0x184: {  	v55 =	vor.u32 v34, v30;
	v16 =	vor.u32 v16, v30;
	v58 =	vld.idx.msk [tilespmem:v37+s18+$0x0], $0xffff;
	[tilespmem:v41+s7+$0x0] =	vst.idx.msk $0xffff, v47  }
0x185: {  	v23 =	vor.u32 v23, v32;
	v7 =	vor.u32 v12, v16;
	v56 =	vld.idx.msk [tilespmem:v50+s18+$0x0], $0xffff;
	[tilespmem:v40+s7+$0x0] =	vst.idx.msk $0xffff, v36  }
0x186: {  	v22 =	vor.u32 v22, v32;
	v24 =	vor.u32 v24, v54;
	v57 =	vld.idx.msk [tilespmem:v51+s18+$0x0], $0xffff;
	[tilespmem:v52+s7+$0x0] =	vst.idx.msk $0xffff, v53  }
0x187: {  	[tilespmem:v28+s7+$0x0] =	vst.idx.msk $0xffff, v44;
	v59 =	vor.u32 v19, v30;
	v17 =	vor.u32 v17, v55;
	v60 =	vld.idx.msk [tilespmem:v49+s18+$0x0], $0xffff  }
0x188: {  	v13 =	vld.idx.msk [tilespmem:v13+s18+$0x0], $0xffff;
	v61 =	vor.u32 v15, v59;
	[tilespmem:v18+s7+$0x0] =	vst.idx.msk $0xffff, v8  }
0x189: {  	v62 =	vld.idx.msk [tilespmem:v21+s18+$0x0], $0xffff;
	[tilespmem:v20+s7+$0x0] =	vst.idx.msk $0xffff, v58  }
0x18a: {  	v5 =	vor.u32 v5, v25;
	v7 =	vld.idx.msk [tilespmem:v7+s18+$0x0], $0xffff;
	[tilespmem:v23+s7+$0x0] =	vst.idx.msk $0xffff, v56  }
0x18b: {  	v11 =	vor.u32 v11, v25;
	v63 =	vld.idx.msk [tilespmem:v24+s18+$0x0], $0xffff;
	[tilespmem:v22+s7+$0x0] =	vst.idx.msk $0xffff, v57  }
0x18c: {  	v9 =	vor.u32 v9, v25;
	v17 =	vld.idx.msk [tilespmem:v17+s18+$0x0], $0xffff;
	[tilespmem:v26+s7+$0x0] =	vst.idx.msk $0xffff, v60  }
0x18d: {  	v6 =	vor.u32 v6, v25;
	[tilespmem:v14+s7+$0x0] =	vst.idx.msk $0xffff, v13;
	v8 =	vld.idx.msk [tilespmem:v61+s18+$0x0], $0xffff  }
0x18e: {  	[tilespmem:v10+s7+$0x0] =	vst.idx.msk $0xffff, v62  }
0x18f: {  	s8 =	sshll.u32 s22, $0x10;
	[tilespmem:v5+s7+$0x0] =	vst.idx.msk $0xffff, v7  }
0x190: {  	p1 =	sge.u32 s14, s16;
	s8 =	sor.u32 s5, s8;
	[tilespmem:v11+s7+$0x0] =	vst.idx.msk $0xffff, v63  }
0x191: {  	s9 =	sadd.s32 s6, s8;
	s8 =	sshrl.u32 @!p1 s8, $0x3;
	[tilespmem:v9+s7+$0x0] =	vst.idx.msk $0xffff, v17  }
0x192: {  	s8 =	sadd.s32 @!p1 s2, s8;
	[tilespmem:v6+s7+$0x0] =	vst.idx.msk $0xffff, v8  }
0x193: {  	[hbm4b:s9+s4] =	stream.linear.scatter [tilespmem:s7], [sflag:$0x6], $0x4000, $0x38;
	[tilespmem:$0x18000] =	vst v63  }
0x194: {  	s10 =	simm.s32 @!p1 $0x0;
	s9 =	sadd.s32 @!p1 $0x2000, s8  }
0x195: {  	[tilespmem:s10], [sflag:$0x1] =	stream.linear.gather @!p1 [hbm4b:s9+s10], $0x800, $0x38;
	[tilespmem:$0x18000] =	vst v63  }
0x196: {  	s11 =	simm.s32 @!p1 $0x800;
	s9 =	sadd.s32 @!p1 $0xF6280, s8  }
0x197: {  	[tilespmem:s11], [sflag:$0x1] =	stream.linear.gather @!p1 [hbm4b:s9+s10], $0x800, $0x38;
	[tilespmem:$0x18000] =	vst v63  }
0x198: {  	s9 =	sadd.s32 @!p1 $0x1EA500, s8;
	s11 =	simm.s32 @!p1 $0x1000  }
0x199: {  	[tilespmem:s11], [sflag:$0x1] =	stream.linear.gather @!p1 [hbm4b:s9+s10], $0x800, $0x38;
	[tilespmem:$0x18000] =	vst v63  }
0x19a: {  	s9 =	sadd.s32 @!p1 $0x2DE780, s8;
	s11 =	simm.s32 @!p1 $0x1800  }
0x19b: {  	[tilespmem:s11], [sflag:$0x1] =	stream.linear.gather @!p1 [hbm4b:s9+s10], $0x800, $0x38;
	[tilespmem:$0x18000] =	vst v63  }
0x19c: {  	s9 =	sadd.s32 @!p1 $0x3D2A00, s8;
	s11 =	simm.s32 @!p1 $0x2000  }
0x19d: {  	[tilespmem:s11], [sflag:$0x1] =	stream.linear.gather @!p1 [hbm4b:s9+s10], $0x800, $0x38;
	[tilespmem:$0x18000] =	vst v63  }
0x19e: {  	s9 =	sadd.s32 @!p1 $0x4C6C80, s8;
	s11 =	simm.s32 @!p1 $0x2800  }
0x19f: {  	[tilespmem:s11], [sflag:$0x1] =	stream.linear.gather @!p1 [hbm4b:s9+s10], $0x800, $0x38;
	[tilespmem:$0x18000] =	vst v63  }
.Ltmp9:
0x1a0: {  	_ = 	snop;
	(pc) =	sbr.rel .LBB2_10-.Ltmp9, $4  }
0x1a1: {  	s9 =	sadd.s32 @!p1 $0x5BAF00, s8;
	s11 =	simm.s32 @!p1 $0x3000  }
0x1a2: {  	[tilespmem:s11], [sflag:$0x1] =	stream.linear.gather @!p1 [hbm4b:s9+s10], $0x800, $0x38;
	[tilespmem:$0x18000] =	vst v63  }
0x1a3: {  	s8 =	sadd.s32 @!p1 $0x6AF180, s8;
	s9 =	simm.s32 @!p1 $0x3800  }
0x1a4: {  	[tilespmem:s9], [sflag:$0x1] =	stream.linear.gather @!p1 [hbm4b:s8+s10], $0x800, $0x38;
	[tilespmem:$0x18000] =	vst v63  }
.LBB2_12:
0x1a5: {  	s8 =	simm.s32 $0x0  }
0x1a6: {  	v5 =	vor.u32 $0x3000, v0;
	v6 =	vor.u32 $0x1000, v0;
	s9 =	sand.u32 $0xC, s8;
	s8 =	sand.u32 $0x70, s8  }
0x1a7: {  	v7 =	vor.u32 $0x2000, v0;
	s10 =	sor.u32 $0x1, s9;
	s11 =	sor.u32 $0x2, s9;
	v10 =	vor.u32 s8, v0;
	v19 =	vor.u32 s8, v6  }
0x1a8: {  	s25 =	rddreg [dreg:$0xa];
	v24 =	vor.u32 s8, v7;
	v11 =	vadd.s32 s10, v0;
	v12 =	vadd.s32 s11, v0  }
0x1a9: {  	[tilespmem:s4], [sflag:$0x1] =	stream.linear.gather [hbm4b:s25+s4], $0x400, $0x38;
	v37 =	vor.u32 s8, v5;
	v8 =	vshll.u32 v11, $0x7;
	v9 =	vshll.u32 v12, $0x7;
	[tilespmem:$0x18000] =	vst v63  }
0x1aa: {  	s10 =	rddreg [dreg:$0xb];
	s11 =	simm.s32 $0x800;
	v15 =	vshll.u32 v12, $0x8;
	v26 =	vand.u32 $0xF, v12;
	v14 =	vand.u32 $0x380, v8  }
0x1ab: {  	[tilespmem:s11], [sflag:$0x1] =	stream.linear.gather [hbm4b:s10+s4], $0x400, $0x38;
	v18 =	vand.u32 $0x380, v9;
	v8 =	vadd.s32 s9, v0;
	v20 =	vand.u32 $0x800, v15;
	[tilespmem:$0x18000] =	vst v63  }
0x1ac: {  	s13 =	rddreg [dreg:$0xc];
	s14 =	simm.s32 $0x1000;
	s9 =	sor.u32 $0x3, s9;
	v15 =	vand.u32 $0xF, v11;
	v9 =	vor.u32 v10, v14;
	v13 =	vor.u32 v10, v18  }
0x1ad: {  	v17 =	vadd.s32 s9, v0;
	v16 =	vshll.u32 v8, $0x7;
	v21 =	vshll.u32 v8, $0x8;
	[tilespmem:s14], [sflag:$0x1] =	stream.linear.gather [hbm4b:s13+s4], $0x400, $0x38;
	[tilespmem:$0x18000] =	vst v63  }
0x1ae: {  	s22 =	rddreg [dreg:$0xd];
	s25 =	simm.s32 $0x1800;
	v29 =	vor.u32 v14, v24;
	v34 =	vand.u32 $0xF, v8;
	v22 =	vand.u32 $0x380, v16  }
0x1af: {  	v16 =	vshll.u32 v11, $0x8;
	v30 =	vor.u32 v20, v13;
	v13 =	vor.u32 v20, v19;
	[tilespmem:s25], [sflag:$0x1] =	stream.linear.gather [hbm4b:s22+s4], $0x400, $0x38;
	[tilespmem:$0x18000] =	vst v63  }
0x1b0: {  	s10 =	rddreg [dreg:$0xe];
	s11 =	simm.s32 $0x2000;
	v31 =	vand.u32 $0xF, v17;
	v25 =	vand.u32 $0x800, v16;
	v16 =	vshll.u32 v17, $0x7  }
0x1b1: {  	v27 =	vor.u32 v25, v9;
	v9 =	vor.u32 v25, v19;
	v33 =	vand.u32 $0x380, v16;
	[tilespmem:s11], [sflag:$0x1] =	stream.linear.gather [hbm4b:s10+s4], $0x400, $0x38;
	[tilespmem:$0x18000] =	vst v63  }
0x1b2: {  	s13 =	rddreg [dreg:$0x10];
	s14 =	simm.s32 $0x2800;
	v16 =	vor.u32 v20, v37;
	v28 =	vor.u32 v14, v9;
	v9 =	vshll.u32 v10, $0x6  }
0x1b3: {  	v44 =	vand.u32 $0x800, v21;
	v16 =	vor.u32 v18, v16;
	v9 =	vand.u32 $0x1F80, v9;
	[tilespmem:s14], [sflag:$0x1] =	stream.linear.gather [hbm4b:s13+s4], $0x400, $0x38;
	[tilespmem:$0x18000] =	vst v63  }
0x1b4: {  	v32 =	vor.u32 v18, v13;
	s22 =	rddreg [dreg:$0x13];
	s25 =	simm.s32 $0x3000;
	[tilespmem:$0x1FFF0] =	vst v16;
	v13 =	vor.u32 v1, v9;
	v43 =	vor.u32 v2, v9  }
0x1b5: {  	v40 =	vor.u32 v3, v9;
	v21 =	vor.u32 v4, v9;
	v9 =	vor.u32 v17, v43;
	[tilespmem:s25], [sflag:$0x1] =	stream.linear.gather [hbm4b:s22+s4], $0x400, $0x38;
	[tilespmem:$0x18000] =	vst v63  }
0x1b6: {  	v39 =	vshll.u32 v17, $0x8;
	v16 =	vor.u32 v8, v43;
	v8 =	vor.u32 v8, v21;
	[tilespmem:$0x1FF90] =	vst v9  }
0x1b7: {  	s9 =	rddreg [dreg:$0x14];
	v23 =	vor.u32 v10, v22;
	v48 =	vor.u32 v44, v19;
	v39 =	vand.u32 $0x800, v39;
	s10 =	simm.s32 $0x3800;
	[tilespmem:$0x1FFA0] =	vst v8  }
0x1b8: {  	v54 =	vor.u32 v22, v48;
	v23 =	vor.u32 v44, v23;
	v10 =	vor.u32 v10, v33;
	[tilespmem:s10], [sflag:$0x1] =	stream.linear.gather [hbm4b:s9+s4], $0x400, $0x38;
	[tilespmem:$0x18000] =	vst v63  }
0x1b9: {  	v35 =	vor.u32 v33, v24;
	v18 =	vor.u32 v18, v24;
	v49 =	vor.u32 v39, v10;
	_ =	swait.ge [sflag:s19], $0x2000  }
0x1ba: {  	v53 =	vor.u32 v20, v18;
	v38 =	vor.u32 v34, v13;
	v8 =	vor.u32 v34, v40;
	[sflag:s19] =	ssyncset.done $0x0  }
0x1bb: {  	v36 =	vor.u32 v15, v13;
	v41 =	vor.u32 v31, v13;
	v45 =	vor.u32 v12, v43;
	[tilespmem:$0x1FFB0] =	vst v8;
	[sflag:s19] =	ssyncadd.s32 $0xFFFFE000  }
0x1bc: {  	v47 =	vor.u32 v26, v13;
	v52 =	vor.u32 v26, v40;
	v26 =	vor.u32 v39, v19;
	v19 =	vld.idx.msk [tilespmem:v27+s4+$0x0], $0xffff  }
0x1bd: {  	v46 =	vor.u32 v11, v43;
	v13 =	vor.u32 v17, v21;
	v17 =	vor.u32 v25, v37  }
0x1be: {  	v50 =	vor.u32 v15, v40;
	v15 =	vor.u32 v39, v35;
	v25 =	vor.u32 v25, v29  }
0x1bf: {  	s13 =	simm.s32 $0x4;
	v9 =	vor.u32 v14, v17;
	v14 =	vor.u32 v39, v37;
	v17 =	vor.u32 v11, v21  }
0x1c0: {  	s14 =	sand.u32 $0x70, s13;
	s11 =	sand.u32 $0xC, s13;
	v21 =	vor.u32 v12, v21;
	v12 =	vor.u32 v44, v37;
	v11 =	vor.u32 v31, v40;
	v30 =	vld.idx.msk [tilespmem:v30+s4+$0x0], $0xffff  }
0x1c1: {  	v34 =	vor.u32 s14, v0;
	s22 =	sor.u32 $0x1, s11;
	v57 =	vor.u32 v33, v26;
	v60 =	vor.u32 s14, v6;
	[tilespmem:v36+s20+$0x0] =	vst.idx.msk $0xffff, v19  }
0x1c2: {  	s25 =	sor.u32 $0x2, s11;
	s8 =	sor.u32 $0x3, s11;
	v43 =	vor.u32 s14, v5;
	v12 =	vor.u32 v22, v12;
	v51 =	vadd.s32 s22, v0;
	v28 =	vld.idx.msk [tilespmem:v28+s4+$0x0], $0xffff  }
0x1c3: {  	v55 =	vadd.s32 s25, v0;
	v14 =	vor.u32 v33, v14;
	v59 =	vadd.s32 s8, v0  }
0x1c4: {  	v29 =	vshll.u32 v51, $0x7;
	v31 =	vshll.u32 v55, $0x7;
	v26 =	vshll.u32 v55, $0x8;
	[tilespmem:$0x1FFC0] =	vst v6  }
0x1c5: {  	v63 =	vand.u32 $0xF, v55;
	v20 =	vand.u32 $0x800, v26;
	v26 =	vshll.u32 v51, $0x8;
	[tilespmem:v47+s20+$0x0] =	vst.idx.msk $0xffff, v30  }
0x1c6: {  	v62 =	vand.u32 $0xF, v59;
	v39 =	vand.u32 $0x380, v29;
	v29 =	vand.u32 $0x800, v26;
	v30 =	vld.idx.msk [tilespmem:v32+s4+$0x0], $0xffff  }
0x1c7: {  	v26 =	vor.u32 s14, v7;
	v27 =	vor.u32 v44, v24;
	v44 =	vadd.s32 s11, v0;
	[tilespmem:v46+s20+$0x0] =	vst.idx.msk $0xffff, v28  }
0x1c8: {  	v35 =	vor.u32 v39, v26;
	v24 =	vor.u32 v34, v39;
	v18 =	vshll.u32 v44, $0x7;
	v23 =	vld.idx.msk [tilespmem:v23+s4+$0x0], $0xffff;
	[tilespmem:$0x1FFD0] =	vst v7  }
0x1c9: {  	v56 =	vshll.u32 v44, $0x8;
	v24 =	vor.u32 v29, v24;
	v18 =	vand.u32 $0x380, v18;
	v25 =	vld.idx.msk [tilespmem:v25+s4+$0x0], $0xffff  }
0x1ca: {  	v58 =	vand.u32 $0x800, v56;
	v37 =	vor.u32 v34, v18;
	v19 =	vand.u32 $0x380, v31  }
0x1cb: {  	v31 =	vor.u32 v22, v27;
	v22 =	vor.u32 v29, v60;
	v49 =	vld.idx.msk [tilespmem:v49+s4+$0x0], $0xffff;
	[tilespmem:v45+s20+$0x0] =	vst.idx.msk $0xffff, v30  }
0x1cc: {  	v42 =	vor.u32 v58, v60;
	v36 =	vor.u32 v39, v22;
	v22 =	vshll.u32 v34, $0x6;
	v30 =	vld.idx.msk [tilespmem:v53+s4+$0x0], $0xffff  }
0x1cd: {  	v27 =	vshll.u32 v59, $0x7;
	v48 =	vor.u32 v34, v19;
	v22 =	vand.u32 $0x1F80, v22;
	[tilespmem:v38+s20+$0x0] =	vst.idx.msk $0xffff, v23  }
0x1ce: {  	v61 =	vor.u32 v20, v48;
	v32 =	vand.u32 $0x380, v27;
	v48 =	vor.u32 v3, v22;
	[tilespmem:v50+s20+$0x0] =	vst.idx.msk $0xffff, v25  }
0x1cf: {  	v40 =	vor.u32 v32, v26;
	v47 =	vor.u32 v34, v32;
	v28 =	vor.u32 v20, v60;
	[tilespmem:$0x1FFE0] =	vst v5  }
0x1d0: {  	v33 =	vor.u32 v19, v28;
	v45 =	vand.u32 $0xF, v44;
	v38 =	vor.u32 v1, v22;
	[tilespmem:v41+s20+$0x0] =	vst.idx.msk $0xffff, v49  }
0x1d1: {  	v6 =	vand.u32 $0xF, v51;
	v23 =	vor.u32 v20, v43;
	v27 =	vor.u32 v45, v38;
	[tilespmem:v52+s20+$0x0] =	vst.idx.msk $0xffff, v30  }
0x1d2: {  	v46 =	vor.u32 v6, v38;
	v28 =	vor.u32 v62, v38;
	v53 =	vshll.u32 v59, $0x8;
	v5 =	vld [tilespmem:$0x1FFF0]  }
0x1d3: {  	v23 =	vor.u32 v19, v23;
	v25 =	vor.u32 v4, v22;
	v50 =	vor.u32 v63, v38  }
0x1d4: {  	v38 =	vor.u32 v6, v48;
	v41 =	vor.u32 v2, v22;
	v30 =	vor.u32 v29, v43;
	v56 =	vld.idx.msk [tilespmem:v54+s4+$0x0], $0xffff  }
0x1d5: {  	v54 =	vld.idx.msk [tilespmem:v24+s4+$0x0], $0xffff;
	v24 =	vor.u32 v44, v25;
	v22 =	vor.u32 v59, v25;
	v49 =	vor.u32 v44, v41  }
0x1d6: {  	v34 =	vor.u32 v55, v41;
	v30 =	vor.u32 v39, v30;
	v39 =	vor.u32 v51, v41  }
0x1d7: {  	v52 =	vor.u32 v59, v41;
	v51 =	vor.u32 v51, v25;
	v44 =	vld.idx.msk [tilespmem:v61+s4+$0x0], $0xffff;
	v41 =	vor.u32 v55, v25  }
0x1d8: {  	v61 =	vand.u32 $0x800, v53;
	v55 =	vld.idx.msk [tilespmem:v9+s4+$0x0], $0xffff;
	v25 =	vor.u32 v63, v48;
	v53 =	vor.u32 v45, v48  }
0x1d9: {  	v57 =	vld.idx.msk [tilespmem:v57+s4+$0x0], $0xffff;
	v45 =	vor.u32 v62, v48;
	v48 =	vor.u32 v18, v42;
	v42 =	vor.u32 v58, v43  }
0x1da: {  	v47 =	vor.u32 v61, v47;
	v60 =	vor.u32 v61, v60;
	v59 =	vor.u32 v61, v43;
	v62 =	vld.idx.msk [tilespmem:v5+s4+$0x0], $0xffff  }
.LBB2_13:
0x1db: {  	v5 =	vld [tilespmem:$0x1FF90]  }
0x1dc: {  	[tilespmem:v46+s20+$0x0] =	vst.idx.msk $0xffff, v54  }
0x1dd: {  	v36 =	vld.idx.msk [tilespmem:v36+s4+$0x0], $0xffff  }
0x1de: {  	[tilespmem:v16+s20+$0x0] =	vst.idx.msk $0xffff, v56  }
0x1df: {  	[tilespmem:v17+s20+$0x0] =	vst.idx.msk $0xffff, v55  }
0x1e0: {  	v37 =	vor.u32 v58, v37;
	[tilespmem:v21+s20+$0x0] =	vst.idx.msk $0xffff, v62  }
0x1e1: {  	s13 =	sadd.s32 $0x4, s13;
	v58 =	vor.u32 v58, v26;
	v40 =	vor.u32 v61, v40;
	[tilespmem:v50+s20+$0x0] =	vst.idx.msk $0xffff, v44  }
0x1e2: {  	v35 =	vor.u32 v29, v35;
	v46 =	vor.u32 v32, v59;
	s14 =	sand.u32 $0x70, s13;
	s8 =	sand.u32 $0xC, s13;
	[tilespmem:v39+s20+$0x0] =	vst.idx.msk $0xffff, v36  }
0x1e3: {  	v26 =	vor.u32 v19, v26;
	v61 =	vor.u32 s14, v0;
	s10 =	sor.u32 $0x2, s8;
	v39 =	vld.idx.msk [tilespmem:v33+s4+$0x0], $0xffff;
	[tilespmem:v5+s20+$0x0] =	vst.idx.msk $0xffff, v57;
	v5 =	vmov v52  }
0x1e4: {  	v54 =	vor.u32 v20, v26;
	s9 =	sor.u32 $0x1, s8;
	v43 =	vadd.s32 s10, v0;
	v55 =	vshll.u32 v61, $0x6;
	[tilespmem:$0x1FF90] =	vst v5;
	v5 =	vld [tilespmem:$0x1FFB0]  }
0x1e5: {  	v16 =	vmovc v49;
	v21 =	vor.u32 v18, v42;
	v42 =	vadd.s32 s9, v0;
	v29 =	vshll.u32 v43, $0x7;
	v49 =	vld.idx.msk [tilespmem:v15+s4+$0x0], $0xffff  }
0x1e6: {  	v9 =	vld [tilespmem:$0x1FFE0];
	v62 =	vadd.s32 s8, v0;
	v6 =	vshll.u32 v42, $0x7;
	v19 =	vand.u32 $0x380, v29  }
0x1e7: {  	v31 =	vld.idx.msk [tilespmem:v31+s4+$0x0], $0xffff;
	v29 =	vshll.u32 v43, $0x8;
	v26 =	vshll.u32 v62, $0x7;
	v59 =	vand.u32 $0x380, v6  }
0x1e8: {  	v17 =	vmovc v51;
	v51 =	vor.u32 v61, v19;
	v20 =	vand.u32 $0x800, v29;
	v29 =	vshll.u32 v42, $0x8;
	v44 =	vld.idx.msk [tilespmem:v35+s4+$0x0], $0xffff  }
0x1e9: {  	v29 =	vand.u32 $0x800, v29;
	v52 =	vld.idx.msk [tilespmem:v37+s4+$0x0], $0xffff;
	v15 =	vmov v40;
	v40 =	vor.u32 v61, v59;
	[tilespmem:v34+s20+$0x0] =	vst.idx.msk $0xffff, v39  }
0x1ea: {  	v63 =	vand.u32 $0xF, v42;
	v8 =	vld.idx.msk [tilespmem:v54+s4+$0x0], $0xffff;
	[tilespmem:v11+s20+$0x0] =	vst.idx.msk $0xffff, v49;
	v11 =	vmov v45;
	v45 =	vor.u32 v29, v40  }
0x1eb: {  	s8 =	sor.u32 $0x3, s8;
	v26 =	vand.u32 $0x380, v26;
	v51 =	vor.u32 v20, v51;
	v57 =	vor.u32 v32, v60;
	v49 =	vld.idx.msk [tilespmem:v14+s4+$0x0], $0xffff  }
0x1ec: {  	v60 =	vadd.s32 s8, v0;
	v37 =	vor.u32 v61, v26;
	v47 =	vld.idx.msk [tilespmem:v47+s4+$0x0], $0xffff;
	[tilespmem:v5+s20+$0x0] =	vst.idx.msk $0xffff, v31;
	v5 =	vmov v53  }
0x1ed: {  	v6 =	vand.u32 $0xF, v60;
	v14 =	vmovc v46;
	v31 =	vor.u32 v18, v58;
	v58 =	vshll.u32 v60, $0x7;
	[tilespmem:$0x1FFB0] =	vst v5;
	v5 =	vld [tilespmem:$0x1FFC0]  }
0x1ee: {  	v50 =	vld.idx.msk [tilespmem:v12+s4+$0x0], $0xffff;
	v12 =	vmovc v21;
	v21 =	vmov v41;
	v41 =	vshll.u32 v62, $0x8;
	[tilespmem:v27+s20+$0x0] =	vst.idx.msk $0xffff, v52;
	v52 =	vand.u32 $0x1F80, v55  }
0x1ef: {  	v32 =	vand.u32 $0x380, v58;
	v7 =	vor.u32 v1, v52;
	v54 =	vld.idx.msk [tilespmem:v45+s4+$0x0], $0xffff;
	[tilespmem:v38+s20+$0x0] =	vst.idx.msk $0xffff, v44;
	v45 =	vor.u32 s14, v9  }
0x1f0: {  	v44 =	vld.idx.msk [tilespmem:v51+s4+$0x0], $0xffff;
	[tilespmem:v25+s20+$0x0] =	vst.idx.msk $0xffff, v8;
	v46 =	vor.u32 v63, v7;
	v51 =	vor.u32 v6, v7  }
0x1f1: {  	v38 =	vshll.u32 v60, $0x8;
	v9 =	vld [tilespmem:$0x1FFA0];
	v58 =	vor.u32 v20, v45;
	[tilespmem:v13+s20+$0x0] =	vst.idx.msk $0xffff, v49;
	v13 =	vor.u32 v2, v52  }
0x1f2: {  	v55 =	vld.idx.msk [tilespmem:v30+s4+$0x0], $0xffff;
	v30 =	vor.u32 v61, v32;
	v8 =	vor.u32 v29, v45;
	v10 =	vor.u32 v19, v58  }
0x1f3: {  	v61 =	vmovc v24;
	v58 =	vand.u32 $0x800, v41;
	v49 =	vor.u32 v62, v13;
	v34 =	vor.u32 v43, v13  }
0x1f4: {  	[tilespmem:$0x1FFA0] =	vst v61;
	v41 =	vor.u32 v4, v52;
	v39 =	vor.u32 v42, v13;
	v53 =	vor.u32 s14, v5  }
0x1f5: {  	[tilespmem:v28+s20+$0x0] =	vst.idx.msk $0xffff, v47;
	v61 =	vand.u32 $0x800, v38;
	v24 =	vor.u32 v62, v41;
	v5 =	vld [tilespmem:$0x1FFD0];
	v56 =	vor.u32 v29, v53  }
0x1f6: {  	v47 =	vor.u32 v61, v30;
	v36 =	vor.u32 v59, v56;
	v56 =	vor.u32 v20, v53  }
0x1f7: {  	v30 =	vor.u32 v59, v8;
	v33 =	vor.u32 v19, v56;
	v56 =	vld.idx.msk [tilespmem:v48+s4+$0x0], $0xffff;
	v48 =	vand.u32 $0xF, v62  }
0x1f8: {  	v28 =	vmovc v51;
	v51 =	vor.u32 v42, v41;
	v42 =	vor.u32 v58, v45;
	v27 =	vor.u32 v48, v7  }
0x1f9: {  	p1 =	slt.u32 s13, $0x7C;
	[tilespmem:v9+s20+$0x0] =	vst.idx.msk $0xffff, v50;
	v9 =	vor.u32 v3, v52;
	v52 =	vor.u32 v60, v13  }
.Ltmp10:
0x1fa: {  	v18 =	vmovc v26;
	v57 =	vld.idx.msk [tilespmem:v57+s4+$0x0], $0xffff;
	v26 =	vor.u32 s14, v5;
	v5 =	vand.u32 $0xF, v43;
	v38 =	vor.u32 v63, v9;
	(pc) =	sbr.rel @p1 .LBB2_13-.Ltmp10, $4  }
0x1fb: {  	v62 =	vld.idx.msk [tilespmem:v23+s4+$0x0], $0xffff;
	v35 =	vor.u32 v59, v26;
	v40 =	vor.u32 v32, v26;
	v50 =	vor.u32 v5, v7  }
0x1fc: {  	v23 =	vmovc v10;
	v7 =	vor.u32 v58, v53;
	v25 =	vor.u32 v5, v9;
	v5 =	vor.u32 v60, v41  }
0x1fd: {  	v13 =	vmovc v22;
	v60 =	vor.u32 v61, v53;
	v59 =	vor.u32 v61, v45;
	v53 =	vor.u32 v48, v9  }
0x1fe: {  	v41 =	vor.u32 v43, v41;
	v45 =	vor.u32 v6, v9;
	v48 =	vor.u32 v18, v7;
	v22 =	vmovc v5  }
0x1ff: {  	v5 =	vor.u32 v58, v37;
	_ =	sdelay $0x3  }
0x200: {  	[tilespmem:v16+s20+$0x0] =	vst.idx.msk $0xffff, v56;
	v6 =	vld.idx.msk [tilespmem:v47+s4+$0x0], $0xffff  }
0x201: {  	v7 =	vor.u32 v32, v60;
	[tilespmem:v50+s20+$0x0] =	vst.idx.msk $0xffff, v44;
	v5 =	vld.idx.msk [tilespmem:v5+s4+$0x0], $0xffff  }
0x202: {  	[tilespmem:v46+s20+$0x0] =	vst.idx.msk $0xffff, v54  }
0x203: {  	[tilespmem:v17+s20+$0x0] =	vst.idx.msk $0xffff, v55  }
0x204: {  	[tilespmem:v21+s20+$0x0] =	vst.idx.msk $0xffff, v62;
	v9 =	vld.idx.msk [tilespmem:v33+s4+$0x0], $0xffff  }
0x205: {  	v10 =	vld.idx.msk [tilespmem:v36+s4+$0x0], $0xffff;
	[tilespmem:v28+s20+$0x0] =	vst.idx.msk $0xffff, v6  }
0x206: {  	v6 =	vld.idx.msk [tilespmem:v7+s4+$0x0], $0xffff;
	[tilespmem:v27+s20+$0x0] =	vst.idx.msk $0xffff, v5  }
0x207: {  	v8 =	vor.u32 v19, v26;
	v7 =	vor.u32 v61, v40;
	v61 =	vld [tilespmem:$0x1FF90]  }
0x208: {  	v8 =	vor.u32 v20, v8  }
0x209: {  	v56 =	vor.u32 v29, v35;
	v5 =	vor.u32 v58, v26;
	v58 =	vld.idx.msk [tilespmem:v48+s4+$0x0], $0xffff;
	_ =	sdelay $0x1  }
0x20a: {  	[tilespmem:v34+s20+$0x0] =	vst.idx.msk $0xffff, v9  }
0x20b: {  	v5 =	vor.u32 v18, v5;
	[tilespmem:v39+s20+$0x0] =	vst.idx.msk $0xffff, v10  }
0x20c: {  	[tilespmem:v52+s20+$0x0] =	vst.idx.msk $0xffff, v6;
	v8 =	vld.idx.msk [tilespmem:v8+s4+$0x0], $0xffff  }
0x20d: {  	v62 =	vld.idx.msk [tilespmem:v56+s4+$0x0], $0xffff;
	[tilespmem:v49+s20+$0x0] =	vst.idx.msk $0xffff, v58  }
0x20e: {  	v7 =	vld.idx.msk [tilespmem:v7+s4+$0x0], $0xffff;
	[tilespmem:v61+s20+$0x0] =	vst.idx.msk $0xffff, v57  }
0x20f: {  	v10 =	vld [tilespmem:$0x1FFB0]  }
0x210: {  	v5 =	vld.idx.msk [tilespmem:v5+s4+$0x0], $0xffff  }
0x211: {  	v15 =	vld.idx.msk [tilespmem:v15+s4+$0x0], $0xffff  }
0x212: {  	v60 =	vld.idx.msk [tilespmem:v31+s4+$0x0], $0xffff;
	v6 =	vor.u32 v18, v42;
	[tilespmem:v25+s20+$0x0] =	vst.idx.msk $0xffff, v8  }
0x213: {  	[tilespmem:v38+s20+$0x0] =	vst.idx.msk $0xffff, v62  }
0x214: {  	[tilespmem:v45+s20+$0x0] =	vst.idx.msk $0xffff, v7  }
0x215: {  	[tilespmem:v53+s20+$0x0] =	vst.idx.msk $0xffff, v5  }
0x216: {  	[tilespmem:v11+s20+$0x0] =	vst.idx.msk $0xffff, v15  }
0x217: {  	v5 =	vld.idx.msk [tilespmem:v6+s4+$0x0], $0xffff;
	[tilespmem:v10+s20+$0x0] =	vst.idx.msk $0xffff, v60  }
0x218: {  	v6 =	vld [tilespmem:$0x1FFA0];
	_ =	sdelay $0x2  }
0x219: {  	v63 =	vor.u32 v32, v59;
	v12 =	vld.idx.msk [tilespmem:v12+s4+$0x0], $0xffff  }
0x21a: {  	v8 =	vld.idx.msk [tilespmem:v23+s4+$0x0], $0xffff  }
0x21b: {  	v9 =	vld.idx.msk [tilespmem:v30+s4+$0x0], $0xffff;
	_ =	sdelay $0x1  }
0x21c: {  	v11 =	vld.idx.msk [tilespmem:v14+s4+$0x0], $0xffff  }
0x21d: {  	[tilespmem:v6+s20+$0x0] =	vst.idx.msk $0xffff, v12;
	v6 =	vld.idx.msk [tilespmem:v63+s4+$0x0], $0xffff  }
0x21e: {  	[tilespmem:v41+s20+$0x0] =	vst.idx.msk $0xffff, v8  }
0x21f: {  	[tilespmem:v51+s20+$0x0] =	vst.idx.msk $0xffff, v9  }
0x220: {  	[tilespmem:v24+s20+$0x0] =	vst.idx.msk $0xffff, v5  }
0x221: {  	[tilespmem:v13+s20+$0x0] =	vst.idx.msk $0xffff, v11  }
0x222: {  	[tilespmem:v22+s20+$0x0] =	vst.idx.msk $0xffff, v6  }
.Ltmp11:
0x223: {  	s25 =	simm.s32 $0x4;
	s8 =	rddreg [dreg:$0x11];
	(pc) =	sbr.rel .LBB2_15-.Ltmp11, $4  }
0x224: {  	[hbm4b:s8+s4] =	stream.linear.scatter [tilespmem:s20], [sflag:$0x4], $0x1000, $0x38;
	[tilespmem:$0x18000] =	vst v63  }
0x225: {  	_ =	swait.ge [sflag:s25], $0x1000  }
0x226: {  	[sflag:s25] =	ssyncset.done $0x0  }
0x227: {  	s9 =	rddreg [dreg:$0x15];
	[sflag:s25] =	ssyncadd.s32 $0xFFFFF000  }
.LBB2_16:
0x228: {  	_ =	sfence.sel $0x180000  }
0x229: {  	[bflag:$0x0] =	sbarrier.arrive $0xFFFF  }
0x22a: {  	_ =	strace $0x90000047  }
0x22b: {  	s0 =	stileid.u32;
	[bflag:$0x2] =	sbarrier.arrive $0xFFFF  }
0x22c: {  	p0 =	sne.s32 s0, $0x0;
	s0 =	rddreg [dreg:$0x2]  }
0x22d: {  	s0 =	sadd.s32 @!p0 $0x100000, s0  }
0x22e: {  	[sflag:s0] =	ssyncadd.tile.s32 @!p0 $0x1;
	_ =	shalt  }
.Lfunc_end2:
_tile_overlayer_lowered:
.L_overlay_start_2:
0x22f: {  	(tag) =	ssettag $0x2  }
0x230: {  	s0 =	rddreg [dreg:$0x0];
	s2 =	stileid.u32  }
0x231: {  	s1 =	rddreg [dreg:$0x1];
	p0 =	sne.s32 s2, $0x0  }
0x232: {  	s3 =	rddreg [dreg:$0x2];
	[bflag:$0x3] =	sbarrier.arrive $0xFFFF;
	s2 =	simm.s32 @!p0 $0x1C07  }
0x233: {  	[timem:s3], [sflag:s2] =	dma.local @!p0 [hbm:s0], s1  }
0x234: {  	s0 =	simm.s32 @!p0 $0x7  }
0x235: {  	_ =	swait.ge @!p0 [sflag:s0], s1  }
0x236: {  	s1 =	ssub.s32 @!p0 $0x0, s1;
	[sflag:s0] =	ssyncset.done @!p0 $0x0  }
0x237: {  	[sflag:s0] =	ssyncadd.s32 @!p0 s1  }
0x238: {  	[bflag:$0x3] =	sbarrier.arrive $0xFFFF  }
0x239: {  	_ =	shalt  }

// kernel: kernel.7.cloned.1.call-start
scs
__scs_entry_jumppad:
0x0: {  	(pc) =	sbr.rel $0x88, $3  }
0x1: {  	(tag) =	ssettag $0x0;
	lr =	simm.s32 $0x1  }
0x2: {  	[smem:$0x3F9F] =	sst lr;
	_ =	strace $0xD0000000  }
0x3: {  	_ = 	snop  }
0x4: {  	_ = 	snop  }
0x5: {  	_ = 	snop  }
0x6: {  	_ = 	snop  }
0x7: {  	_ = 	snop  }
__scs_overlays_trampoline_lowered:
0x8: {  	[smem:$0x3FAE] =	sst s0  }
0x9: {  	[smem:$0x3FAF] =	sst s1  }
0xa: {  	[smem:$0x3FB0] =	sst s2  }
0xb: {  	[smem:$0x3FB1] =	sst s3  }
0xc: {  	[smem:$0x3FB2] =	sst s4  }
0xd: {  	[smem:$0x3FB3] =	sst s5  }
0xe: {  	[smem:$0x3FB4] =	sst s6  }
0xf: {  	[smem:$0x3FB5] =	sst s7  }
0x10: {  	[smem:$0x3FB6] =	sst s8  }
0x11: {  	[smem:$0x3FB7] =	sst s9;
	s0 =	simm.s32 @!p0 $0x0  }
0x12: {  	s1 =	sld [smem:$0x3F9D];
	s0 =	simm.s32 @p0 $0x1  }
0x13: {  	[smem:$0x3FB8] =	sst s0;
	s0 =	simm.s32 @!p1 $0x0  }
0x14: {  	s2 =	sld [smem:$0x3F9C];
	s0 =	simm.s32 @p1 $0x1  }
0x15: {  	[smem:$0x3FB9] =	sst s0;
	s0 =	simm.s32 @!p2 $0x0  }
0x16: {  	s3 =	sld [smem:$0x3FDB];
	s0 =	simm.s32 @p2 $0x1  }
0x17: {  	s4 =	simm.s32 $0x1BF5;
	[smem:$0x3FBB] =	sst s0  }
0x18: {  	s0 =	sld [smem:$0x3F9E];
	_ =	swait.ge [sflag:s4], $0x0  }
0x19: {  	s7 =	sld [smem:$0x3F9F]  }
0x1a: {  	s8 =	sadd.s32 $0xFFFFE003, lr  }
0x1b: {  	s9 =	sadd.s32 $0xFFFFFEF7, lr;
	s5 =	simm.s32 $0xFFFFFFFF;
	p2 =	slt.u32 s8, $0xFFFFF086  }
0x1c: {  	p1 =	slt.u32 s9, $0xF7A;
	s5 =	simm.s32 @!p2 $0x0  }
0x1d: {  	s5 =	simm.s32 @p1 $0x1;
	p0 =	seq.s32 s7, s2  }
0x1e: {  	s7 =	smul.u32 @!p0 $0xF7A, s2;
	p2 =	seq.s32 @!p0 s5, $0x0  }
0x1f: {  	s9 =	smul.u32 $0xF7A, s1;
	s8 =	simm.s32 @!p0 $0x1BF5;
	p2 =	por !p2, p0  }
0x20: {  	[sflag:s8] =	ssyncset.s32 @!p0 $0xFFFFF086;
	s6 =	sadd.s32 @!p0 s3, s7;
	s7 =	simm.s32 @!p0 $0x108  }
0x21: {  	s3 =	sadd.s32 s3, s9;
	s6 =	sadd.s32 @!p0 $0x88, s6;
	s7 =	simm.s32 @p2 $0x1082  }
0x22: {  	[simem:s7], [sflag:s8] =	dma.local @!p0 [hbm:s6], $0xF7A  }
0x23: {  	s9 =	sor.u32 $0xD0000000, s2;
	s6 =	simm.s32 $0x108;
	_ =	swait.ge @!p0 [sflag:s8], $0x0  }
0x24: {  	s3 =	sadd.s32 $0x88, s3;
	s6 =	simm.s32 @!p1 $0x1082;
	[sflag:s4] =	ssyncset.s32 $0xFFFFF086  }
0x25: {  	[simem:s6], [sflag:s4] =	dma.local [hbm:s3], $0xF7A  }
0x26: {  	[smem:$0x3F9F] =	sst s1;
	(tag) =	ssettag s2;
	_ =	strace s9  }
0x27: {  	s1 =	sld [smem:$0x3FAF]  }
0x28: {  	s2 =	sld [smem:$0x3FB0]  }
0x29: {  	s4 =	sld [smem:$0x3FB2]  }
0x2a: {  	p0 =	seq.s32 s5, $0x0;
	s5 =	sld [smem:$0x3FB3]  }
0x2b: {  	s6 =	sld [smem:$0x3FB4]  }
0x2c: {  	s7 =	sld [smem:$0x3FB5]  }
0x2d: {  	s3 =	simm.s32 $0x108;
	s8 =	sld [smem:$0x3FB6]  }
0x2e: {  	s3 =	simm.s32 @!p0 $0x1082;
	s9 =	sld [smem:$0x3FB7]  }
0x2f: {  	lr =	sadd.s32 s0, s3;
	s0 =	sld [smem:$0x3FAE]  }
0x30: {  	s3 =	sld [smem:$0x3FB1]  }
0x31: {  	[smem:$0x3FBA] =	sst s10  }
0x32: {  	s10 =	sld [smem:$0x3FB8];
	_ =	sdelay $0x3  }
0x33: {  	p0 =	seq.s32 s10, $0x1;
	s10 =	sld [smem:$0x3FBA];
	_ =	sdelay $0x3  }
0x34: {  	[smem:$0x3FBA] =	sst s10  }
0x35: {  	s10 =	sld [smem:$0x3FB9];
	_ =	sdelay $0x3  }
0x36: {  	p1 =	seq.s32 s10, $0x1;
	s10 =	sld [smem:$0x3FBA];
	_ =	sdelay $0x3  }
0x37: {  	[smem:$0x3FBA] =	sst s10  }
0x38: {  	s10 =	sld [smem:$0x3FBB]  }
0x39: {  	_ = 	snop;
	(pc) =	sbr.ind lr, $3  }
0x3a: {  	_ = 	snop  }
0x3b: {  	_ = 	snop  }
0x3c: {  	p2 =	seq.s32 s10, $0x1;
	s10 =	sld [smem:$0x3FBA]  }
0x3d: {  	_ =	shalt  }
0x3e: {  	_ =	shalt  }
0x3f: {  	_ =	shalt  }
0x40: {  	_ =	shalt  }
0x41: {  	_ =	shalt  }
0x42: {  	_ =	shalt  }
0x43: {  	_ =	shalt  }
0x44: {  	_ =	shalt  }
0x45: {  	_ =	shalt  }
0x46: {  	_ =	shalt  }
0x47: {  	_ =	shalt  }
0x48: {  	_ =	shalt  }
0x49: {  	_ =	shalt  }
0x4a: {  	_ =	shalt  }
0x4b: {  	_ =	shalt  }
0x4c: {  	_ =	shalt  }
0x4d: {  	_ =	shalt  }
0x4e: {  	_ =	shalt  }
0x4f: {  	_ =	shalt  }
0x50: {  	_ =	shalt  }
0x51: {  	_ =	shalt  }
0x52: {  	_ =	shalt  }
0x53: {  	_ =	shalt  }
0x54: {  	_ =	shalt  }
0x55: {  	_ =	shalt  }
0x56: {  	_ =	shalt  }
0x57: {  	_ =	shalt  }
0x58: {  	_ =	shalt  }
0x59: {  	_ =	shalt  }
0x5a: {  	_ =	shalt  }
0x5b: {  	_ =	shalt  }
0x5c: {  	_ =	shalt  }
0x5d: {  	_ =	shalt  }
0x5e: {  	_ =	shalt  }
0x5f: {  	_ =	shalt  }
0x60: {  	_ =	shalt  }
0x61: {  	_ =	shalt  }
0x62: {  	_ =	shalt  }
0x63: {  	_ =	shalt  }
0x64: {  	_ =	shalt  }
0x65: {  	_ =	shalt  }
0x66: {  	_ =	shalt  }
0x67: {  	_ =	shalt  }
0x68: {  	_ =	shalt  }
0x69: {  	_ =	shalt  }
0x6a: {  	_ =	shalt  }
0x6b: {  	_ =	shalt  }
0x6c: {  	_ =	shalt  }
0x6d: {  	_ =	shalt  }
0x6e: {  	_ =	shalt  }
0x6f: {  	_ =	shalt  }
0x70: {  	_ =	shalt  }
0x71: {  	_ =	shalt  }
0x72: {  	_ =	shalt  }
0x73: {  	_ =	shalt  }
0x74: {  	_ =	shalt  }
0x75: {  	_ =	shalt  }
0x76: {  	_ =	shalt  }
0x77: {  	_ =	shalt  }
0x78: {  	_ =	shalt  }
0x79: {  	_ =	shalt  }
0x7a: {  	_ =	shalt  }
0x7b: {  	_ =	shalt  }
0x7c: {  	_ =	shalt  }
0x7d: {  	_ =	shalt  }
0x7e: {  	_ =	shalt  }
0x7f: {  	_ =	shalt  }
0x80: {  	_ =	shalt  }
0x81: {  	_ =	shalt  }
0x82: {  	_ =	shalt  }
0x83: {  	_ =	shalt  }
0x84: {  	_ =	shalt  }
0x85: {  	_ =	shalt  }
0x86: {  	_ =	shalt  }
0x87: {  	_ =	shalt  }
.Lfunc_end0:
.L_simem_size_0:
called_computation.1_lowered:
.L_overlay_start_0:
0x88: {  	s2 =	sld [smem:$0x3FD9]  }
0x89: {  	s3 =	sld [smem:$0x3FFE];
	_ =	sdelay $0x1  }
0x8a: {  	s1 =	srdreg.scid  }
0x8b: {  	s0 =	sand.u32 $0x1, s1  }
0x8c: {  	s17 =	sshll.u32 s0, $0xA;
	s2 =	sadd.s32 s3, s2  }
0x8d: {  	s2 =	sadd.s32 s2, s17  }
0x8e: {  	[smem:$0x3FC6] =	sst s2  }
0x8f: {  	_ = 	snop  }
0x90: {  	s2 =	sld [smem:$0x3FD0];
	(tm) =	ssettm $0x1  }
0x91: {  	s18 =	sld [smem:$0x3FFB];
	_ =	sdelay $0x3  }
0x92: {  	_ =	strace s18  }
0x93: {  	s3 =	sld [smem:$0x3FFC];
	_ =	sdelay $0x3  }
0x94: {  	_ =	strace s3  }
0x95: {  	s3 =	sld [smem:$0x3FFD];
	_ =	sdelay $0x3  }
0x96: {  	_ =	strace s3  }
0x97: {  	_ =	strace $0x8FFFFFFF  }
0x98: {  	s19 =	sld [smem:$0x3FDB];
	_ =	sdelay $0x1  }
0x99: {  	s4 =	simm.s32 $_scs_section_size  }
0x9a: {  	s5 =	simm.s32 $_size__tile_overlayer_lowered;
	s6 =	simm.s32 $_tile_overlayer_lowered  }
0x9b: {  	s22 =	simm.s32 $0x1BFF;
	s21 =	sshll.u32 s6, $0x1;
	s3 =	sadd.s32 s4, s19  }
0x9c: {  	s7 =	simm.s32 $0x0;
	s20 =	sshll.u32 s5, $0x1;
	s5 =	sadd.s32 s21, s3  }
0x9d: {  	[timem:s7], [sflag:s22] =	dma.local [hbm:s5], s20  }
0x9e: {  	_ =	swait.ge [sflag:s22], s20  }
0x9f: {  	s4 =	ssub.s32 $0x0, s20;
	[sflag:s22] =	ssyncset.done $0x0  }
0xa0: {  	[sflag:s22] =	ssyncadd.s32 s4;
	_ =	sdelay $0x1  }
0xa1: {  	s23 =	simm.s32 $0x1B8B  }
0xa2: {  	_ =	swait.ge [sflag:s23], $0x1  }
0xa3: {  	[sflag:s23] =	ssyncset.done $0x0  }
0xa4: {  	s25 =	simm.s32 $0x1B8E;
	s24 =	sld [smem:$0x3FFE];
	[sflag:s23] =	ssyncadd.s32 $0xFFFFFFFF  }
0xa5: {  	s26 =	simm.s32 $execute0_lowered;
	[smem:$0x3FD2] =	sst s25  }
0xa6: {  	s5 =	sshll.u32 s26, $0x1;
	_ =	strace $0x80000049;
	[dreg:$0x1] =	wrdreg $0xFFFFFFFF  }
0xa7: {  	s28 =	simm.s32 $_size_execute0_lowered;
	s3 =	sadd.s32 s3, s5;
	[dreg:$0x0] =	wrdreg $0x0  }
0xa8: {  	s5 =	sshll.u32 s28, $0x1;
	[dreg:$0x2] =	wrdreg s3  }
0xa9: {  	[dreg:$0x3] =	wrdreg s5  }
0xaa: {  	[dreg:$0x4] =	wrdreg $0xC0  }
0xab: {  	_ =	task [dreg:s7], $0x5FFFF  }
0xac: {  	[dreg:$0x1] =	wrdreg $0xFFFFFFFF  }
0xad: {  	[dreg:$0x0] =	wrdreg $0x60  }
0xae: {  	[dreg:$0x2] =	wrdreg s24  }
0xaf: {  	[dreg:$0x3] =	wrdreg s2  }
0xb0: {  	[dreg:$0x4] =	wrdreg $0x9  }
0xb1: {  	_ =	task.clear_ibuf [dreg:s7], $0x5FFFF;
	_ =	strace $0x90000049  }
0xb2: {  	s29 =	simm.s32 $0x9;
	_ =	strace $0x8000004B  }
0xb3: {  	_ =	swait.ge [sflag:s29], $0x1  }
0xb4: {  	[sflag:s29] =	ssyncadd.s32 $0xFFFFFFFF  }
0xb5: {  	_ =	strace $0x9000004B  }
0xb6: {  	_ =	sfence  }
0xb7: {  	s30 =	sld [smem:$0x0];
	_ =	sdelay $0x2  }
0xb8: {  	s31 =	sshll.u32 s1, $0xD;
	s1 =	sshrl.u32 s1, $0x2  }
0xb9: {  	s3 =	sand.u32 $0x4000, s31;
	s1 =	sadd.s32 s1, s30  }
0xba: {  	s0 =	sor.u32 s3, s0;
	s1 =	sshll.u32 s1, $0x11  }
0xbb: {  	s0 =	sor.u32 s1, s0  }
0xbc: {  	s0 =	sadd.s32 $0x8F2B, s0  }
0xbd: {  	[sflag:s0] =	ssyncadd.remote.s32 $0x1  }
0xbe: {  	_ =	sfence.sel $0xFFFF  }
0xbf: {  	[dreg:$0x0] =	wrdreg $0xFFFFFFFF;
	(pc) =	sbr.abs _section_cstart, $3  }
0xc0: {  	[dreg:$0x1] =	wrdreg $0xFFFFFFFF  }
0xc1: {  	_ =	task.clear_ibuf [dreg:s7], $0x2FFFF;
	_ =	strace $0x9FFFFFFF  }
0xc2: {  	(tm) =	ssettm $0x7FFFFFFF  }
0xc3: {  	_ =	shalt  }
tec
execute0_lowered:
.L_overlay_start_1:
0x0: {  	(tag) =	ssettag $0x1  }
0x1: {  	s0 =	rddreg [dreg:$0x0]  }
0x2: {  	s8 =	rddreg [dreg:$0x1];
	s3 =	simm.s32 $0x0  }
0x3: {  	[smem:$0x7FF] =	sst s3;
	s7 =	sadd.s32 $0x1000, s8  }
0x4: {  	s9 =	sadd.s32 $0x2000, s8;
	_ =	strace $0x8000004A;
	[dreg:$0x5] =	wrdreg s7  }
0x5: {  	s10 =	sadd.s32 $0x3000, s8;
	[dreg:$0x6] =	wrdreg s9  }
0x6: {  	s11 =	sadd.s32 $0x4000, s8;
	[dreg:$0x7] =	wrdreg s10  }
0x7: {  	s12 =	sadd.s32 $0x5000, s8;
	[dreg:$0x8] =	wrdreg s11  }
0x8: {  	s13 =	sadd.s32 $0x6000, s8;
	[dreg:$0x9] =	wrdreg s12  }
0x9: {  	s14 =	sadd.s32 $0x7000, s8;
	[dreg:$0xa] =	wrdreg s13  }
0xa: {  	s15 =	sadd.s32 $0x8000, s8;
	[dreg:$0xb] =	wrdreg s14  }
0xb: {  	s16 =	sadd.s32 $0x9000, s8;
	[dreg:$0xc] =	wrdreg s15  }
0xc: {  	s17 =	sadd.s32 $0xA000, s8;
	[dreg:$0xd] =	wrdreg s16  }
0xd: {  	s18 =	sadd.s32 $0xB000, s8;
	[dreg:$0xe] =	wrdreg s17  }
0xe: {  	s19 =	sadd.s32 $0xC000, s8;
	[dreg:$0xf] =	wrdreg s18  }
0xf: {  	s20 =	sadd.s32 $0xD000, s8;
	[dreg:$0x10] =	wrdreg s19  }
0x10: {  	s21 =	sadd.s32 $0xE000, s8;
	[dreg:$0x11] =	wrdreg s20  }
0x11: {  	s1 =	srdreg.scid;
	s22 =	sadd.s32 $0xF000, s8;
	[dreg:$0x12] =	wrdreg s21  }
0x12: {  	s2 =	stileid.u32;
	s23 =	sadd.s32 $0x10000, s8;
	[dreg:$0x13] =	wrdreg s22  }
0x13: {  	s1 =	sand.u32 $0x1, s1;
	s24 =	sadd.s32 $0x11000, s8;
	[dreg:$0x14] =	wrdreg s23  }
0x14: {  	s2 =	sshll.u32 s2, $0x1;
	s25 =	sadd.s32 $0x12000, s8;
	[dreg:$0x15] =	wrdreg s24  }
0x15: {  	s26 =	sadd.s32 $0x13000, s8;
	s28 =	sadd.s32 $0x14000, s8;
	[dreg:$0x16] =	wrdreg s25  }
0x16: {  	s30 =	sadd.s32 $0x16000, s8;
	s31 =	sadd.s32 $0x17000, s8;
	[dreg:$0x18] =	wrdreg s26  }
0x17: {  	s2 =	sor.u32 s1, s2;
	s1 =	ssub.s32 $0x2, s1;
	[dreg:$0x19] =	wrdreg s28  }
0x18: {  	s25 =	sadd.s32 $0x1B000, s8;
	s7 =	sadd.s32 $0x1E000, s8;
	s9 =	simm.s32 $0x1  }
0x19: {  	s10 =	simm.s32 $0xE400;
	s11 =	simm.s32 $0x2;
	s12 =	simm.s32 $0x10600  }
0x1a: {  	s13 =	simm.s32 $0x3;
	s14 =	simm.s32 $0x12800;
	s15 =	simm.s32 $0x4  }
0x1b: {  	s16 =	simm.s32 $0x14A00;
	s17 =	simm.s32 $0x6;
	s18 =	simm.s32 $0x7  }
0x1c: {  	s19 =	simm.s32 $0x8;
	s4 =	sshll.u32 s2, $0x4;
	s29 =	sshrl.u32 s1, $0x1  }
0x1d: {  	s6 =	sshll.u32 s2, $0x7;
	s5 =	sadd.s32 s4, s0;
	s4 =	sadd.s32 $0xA00, s0  }
0x1e: {  	s0 =	ssub.s32 s1, s29;
	[dreg:$0x4] =	wrdreg s6;
	s29 =	sadd.s32 $0x15000, s8  }
0x1f: {  	v0 =	vlaneseq.u32;
	s21 =	simm.s32 $0x0;
	s5 =	sadd.s32 $0x7A1C00, s5;
	[dreg:$0x1a] =	wrdreg s29  }
0x20: {  	v0 =	vmul.u32 $0x88, v0;
	s2 =	sadd.s32 $0x1C000, s8;
	s0 =	smax.u32 s0, $0x1;
	[dreg:$0x3] =	wrdreg s5  }
0x21: {  	s1 =	sadd.s32 $0x19000, s8;
	s6 =	sadd.s32 $0x1D000, s8;
	[dreg:$0x17] =	wrdreg s0  }
0x22: {  	v1 =	vadd.s32 $0x880, v0;
	v2 =	vadd.s32 $0x1100, v0;
	v3 =	vadd.s32 $0x1980, v0;
	s0 =	sadd.s32 $0x18000, s8;
	s5 =	sadd.s32 $0x1A000, s8;
	s8 =	sadd.s32 $0x1F000, s8  }
.LBB2_1:
0x23: {  	[dreg:$0x1b] =	wrdreg s21  }
0x24: {  	s20 =	rddreg [dreg:$0x3]  }
0x25: {  	s21 =	simm.s32 $0x80;
	s22 =	simm.s32 $0x1000;
	s29 =	simm.s32 $0x9  }
0x26: {  	[tilespmem:s3], [sflag:$0x9] =	stream.strided.gather [hbm4b:s20+s21], $0x6400, s22, s21, $0x38;
	[tilespmem:$0x16C00] =	vst v63  }
0x27: {  	_ =	swait.ge [sflag:s29], $0x6400  }
0x28: {  	[sflag:s29] =	ssyncset.done $0x0  }
0x29: {  	s22 =	simm.s32 $0x6400;
	[sflag:s29] =	ssyncadd.s32 $0xFFFF9C00  }
0x2a: {  	[tilespmem:s22], [sflag:$0x1] =	stream.indirect.gather [hbm4b:s4+s21], $0x40, s3, s21, $0xb8;
	[tilespmem:$0x16C00] =	vst v63  }
0x2b: {  	s23 =	simm.s32 $0x8400  }
0x2c: {  	[tilespmem:s23], [sflag:$0x2] =	stream.indirect.gather [hbm4b:s4+s21], $0x40, s21, s21, $0xb8;
	[tilespmem:$0x16C00] =	vst v63  }
0x2d: {  	s24 =	simm.s32 $0x100;
	s26 =	simm.s32 $0xA400  }
0x2e: {  	[tilespmem:s26], [sflag:$0x3] =	stream.indirect.gather [hbm4b:s4+s21], $0x40, s24, s21, $0xb8;
	[tilespmem:$0x16C00] =	vst v63  }
0x2f: {  	s28 =	simm.s32 $0x180;
	s20 =	simm.s32 $0x0;
	s29 =	simm.s32 $0xC400  }
0x30: {  	[tilespmem:s29], [sflag:$0x4] =	stream.indirect.gather [hbm4b:s4+s21], $0x40, s28, s21, $0xb8;
	[tilespmem:$0x16C00] =	vst v63  }
.LBB2_2:
0x31: {  	p0 =	seq.s32 s20, $0x0  }
0x32: {  	s21 =	simm.s32 @!p0 $0x5  }
0x33: {  	_ =	swait.ge @!p0 [sflag:s21], $0x2000  }
0x34: {  	[sflag:s21] =	ssyncset.done @!p0 $0x0  }
0x35: {  	[sflag:s21] =	ssyncadd.s32 @!p0 $0xFFFFE000  }
0x36: {  	_ =	swait.ge [sflag:s9], $0x2000  }
0x37: {  	[sflag:s9] =	ssyncset.done $0x0  }
0x38: {  	s24 =	simm.s32 $0x6480;
	s28 =	simm.s32 $0x3;
	[sflag:s9] =	ssyncadd.s32 $0xFFFFE000  }
0x39: {  	v5 =	vmov s28;
	v4 =	vld [tilespmem:s24+$0x40]  }
0x3a: {  	v9 =	vand.u32 $0x7F, v5  }
0x3b: {  	s29 =	simm.s32 $0x1;
	v5 =	vadd.s32 v0, v9  }
0x3c: {  	v6 =	vmov s29;
	v8 =	vld [tilespmem:s24+$0xFFFFFFC0]  }
0x3d: {  	s22 =	simm.s32 $0x2;
	v14 =	vand.u32 $0x7D, v6  }
0x3e: {  	s23 =	simm.s32 $0x0;
	v7 =	vmov s22;
	v10 =	vadd.s32 v0, v14;
	v6 =	vld [tilespmem:s24+$0x0];
	v4 =	vmul.f32 $8.000000000e+00, v4  }
0x3f: {  	v17 =	vand.u32 $0x7E, v7;
	v7 =	vmov s23;
	v11 =	vld [tilespmem:s24+$0xFFFFFF80]  }
0x40: {  	v12 =	vadd.s32 v0, v17;
	v7 =	vand.u32 $0x7C, v7;
	[tilespmem:v5+s10+$0x0] =	vst.idx.msk $0xffff, v4  }
0x41: {  	v4 =	vadd.s32 v0, v7;
	v5 =	vmul.f32 $8.000000000e+00, v8;
	v8 =	vld [tilespmem:s24+$0x50];
	_ =	sdelay $0x1  }
0x42: {  	v6 =	vmul.f32 $8.000000000e+00, v6;
	[tilespmem:v10+s10+$0x0] =	vst.idx.msk $0xffff, v5;
	v5 =	vadd.s32 v1, v9  }
0x43: {  	v10 =	vmul.f32 $8.000000000e+00, v11  }
0x44: {  	[tilespmem:v12+s10+$0x0] =	vst.idx.msk $0xffff, v6;
	v11 =	vld [tilespmem:s24+$0xFFFFFFD0]  }
0x45: {  	v6 =	vld [tilespmem:s24+$0x10];
	[tilespmem:v4+s10+$0x0] =	vst.idx.msk $0xffff, v10;
	v4 =	vmul.f32 $8.000000000e+00, v8  }
0x46: {  	s22 =	simm.s32 $0x4;
	s23 =	simm.s32 $0x7;
	s21 =	simm.s32 $0x6580;
	v10 =	vadd.s32 v1, v14;
	v8 =	vld [tilespmem:s24+$0xFFFFFF90]  }
0x47: {  	v13 =	vmov s22;
	v15 =	vld [tilespmem:s21+$0x40];
	v12 =	vadd.s32 v1, v17;
	[tilespmem:v5+s10+$0x0] =	vst.idx.msk $0xffff, v4;
	v4 =	vmov s23  }
0x48: {  	s26 =	simm.s32 $0x5;
	v23 =	vadd.s32 v2, v9;
	v16 =	vadd.s32 v1, v7;
	v4 =	vand.u32 $0x7F, v4;
	v18 =	vld [tilespmem:s24+$0x60]  }
0x49: {  	s28 =	simm.s32 $0x6;
	v20 =	vld [tilespmem:s21+$0xFFFFFFC0];
	v5 =	vmov s26;
	v11 =	vmul.f32 $8.000000000e+00, v11;
	v21 =	vadd.s32 v0, v4  }
0x4a: {  	v22 =	vld [tilespmem:s21+$0x0];
	v19 =	vmul.f32 $8.000000000e+00, v6;
	v6 =	vmov s28;
	v5 =	vand.u32 $0x7D, v5  }
0x4b: {  	v6 =	vand.u32 $0x7E, v6;
	[tilespmem:v10+s10+$0x0] =	vst.idx.msk $0xffff, v11;
	v10 =	vld [tilespmem:s21+$0xFFFFFF80];
	v11 =	vadd.s32 v0, v5;
	v24 =	vmul.f32 $8.000000000e+00, v8  }
0x4c: {  	[tilespmem:v12+s10+$0x0] =	vst.idx.msk $0xffff, v19;
	v12 =	vadd.s32 v0, v6;
	v8 =	vand.u32 $0x7C, v13;
	v13 =	vmul.f32 $8.000000000e+00, v15;
	v15 =	vld [tilespmem:s24+$0xFFFFFFE0]  }
0x4d: {  	v19 =	vld [tilespmem:s24+$0x20];
	[tilespmem:v16+s10+$0x0] =	vst.idx.msk $0xffff, v24;
	v16 =	vadd.s32 v0, v8;
	v18 =	vmul.f32 $8.000000000e+00, v18  }
0x4e: {  	v20 =	vmul.f32 $8.000000000e+00, v20;
	[tilespmem:v21+s10+$0x0] =	vst.idx.msk $0xffff, v13;
	v13 =	vld [tilespmem:s24+$0xFFFFFFA0];
	v21 =	vadd.s32 v2, v14  }
0x4f: {  	v25 =	vadd.s32 v2, v17;
	v22 =	vmul.f32 $8.000000000e+00, v22;
	v62 =	vld [tilespmem:s21+$0x50];
	[tilespmem:v23+s10+$0x0] =	vst.idx.msk $0xffff, v18  }
0x50: {  	v10 =	vmul.f32 $8.000000000e+00, v10;
	[tilespmem:v11+s10+$0x0] =	vst.idx.msk $0xffff, v20;
	v20 =	vadd.s32 v2, v7;
	v23 =	vld [tilespmem:s24+$0x70]  }
0x51: {  	[tilespmem:v12+s10+$0x0] =	vst.idx.msk $0xffff, v22;
	v22 =	vadd.s32 v1, v4;
	v26 =	vld [tilespmem:s21+$0xFFFFFFD0];
	v11 =	vmul.f32 $8.000000000e+00, v15  }
0x52: {  	v28 =	vadd.s32 v3, v9;
	v27 =	vld [tilespmem:s21+$0x10];
	v12 =	vmul.f32 $8.000000000e+00, v19;
	[tilespmem:v16+s10+$0x0] =	vst.idx.msk $0xffff, v10  }
0x53: {  	v18 =	vadd.s32 v1, v5;
	v10 =	vld [tilespmem:s21+$0xFFFFFF90];
	v13 =	vmul.f32 $8.000000000e+00, v13;
	[tilespmem:v21+s10+$0x0] =	vst.idx.msk $0xffff, v11  }
0x54: {  	[tilespmem:v25+s10+$0x0] =	vst.idx.msk $0xffff, v12;
	v16 =	vadd.s32 v1, v6;
	v19 =	vmul.f32 $8.000000000e+00, v62;
	v9 =	vld [tilespmem:s24+$0xFFFFFFF0]  }
0x55: {  	v17 =	vadd.s32 v3, v17;
	s23 =	simm.s32 $0x8;
	v12 =	vld [tilespmem:s24+$0x30];
	v11 =	vadd.s32 v1, v8;
	[tilespmem:v20+s10+$0x0] =	vst.idx.msk $0xffff, v13;
	v63 =	vmul.f32 $8.000000000e+00, v23  }
0x56: {  	s29 =	simm.s32 $0x9;
	s22 =	simm.s32 $0x6680;
	s26 =	simm.s32 $0xB;
	v14 =	vadd.s32 v3, v14;
	v15 =	vmov s23;
	v21 =	vmul.f32 $8.000000000e+00, v26;
	[tilespmem:v22+s10+$0x0] =	vst.idx.msk $0xffff, v19;
	v13 =	vld [tilespmem:s24+$0xFFFFFFB0]  }
0x57: {  	v20 =	vmov s29;
	v23 =	vmov s26;
	v19 =	vld [tilespmem:s22+$0x40];
	s24 =	simm.s32 $0xC;
	v22 =	vmul.f32 $8.000000000e+00, v27;
	[tilespmem:v28+s10+$0x0] =	vst.idx.msk $0xffff, v63  }
.LBB2_3:
0x58: {  	p0 =	slt.u32 s24, $0x7C;
	s26 =	sadd.s32 $0x2, s23;
	v23 =	vand.u32 $0x7F, v23;
	v10 =	vmul.f32 $8.000000000e+00, v10;
	[tilespmem:v18+s10+$0x0] =	vst.idx.msk $0xffff, v21;
	v18 =	vld [tilespmem:s21+$0x60];
	v21 =	vadd.s32 v3, v7;
	v7 =	vmovc v8;
	s23 =	smov.u32 s24  }
0x59: {  	v24 =	vld [tilespmem:s22+$0xFFFFFFC0];
	v8 =	vmov s26;
	v25 =	vadd.s32 v0, v23;
	[tilespmem:v16+s10+$0x0] =	vst.idx.msk $0xffff, v22;
	v9 =	vmul.f32 $8.000000000e+00, v9  }
0x5a: {  	v22 =	vand.u32 $0x7D, v20;
	v16 =	vld [tilespmem:s22+$0x0];
	[tilespmem:v11+s10+$0x0] =	vst.idx.msk $0xffff, v10;
	v10 =	vadd.s32 v2, v4;
	v11 =	vmul.f32 $8.000000000e+00, v12  }
0x5b: {  	v20 =	vadd.s32 v0, v22;
	v26 =	vand.u32 $0x7E, v8;
	v12 =	vld [tilespmem:s22+$0xFFFFFF80];
	v13 =	vmul.f32 $8.000000000e+00, v13;
	[tilespmem:v14+s10+$0x0] =	vst.idx.msk $0xffff, v9  }
0x5c: {  	v8 =	vand.u32 $0x7C, v15;
	v9 =	vadd.s32 v0, v26;
	v14 =	vmul.f32 $8.000000000e+00, v19;
	v15 =	vld [tilespmem:s21+$0xFFFFFFE0];
	[tilespmem:v17+s10+$0x0] =	vst.idx.msk $0xffff, v11  }
0x5d: {  	v11 =	vadd.s32 v0, v8;
	v17 =	vld [tilespmem:s21+$0x20];
	v18 =	vmul.f32 $8.000000000e+00, v18;
	[tilespmem:v21+s10+$0x0] =	vst.idx.msk $0xffff, v13  }
0x5e: {  	v19 =	vadd.s32 v2, v5;
	v13 =	vmul.f32 $8.000000000e+00, v24;
	[tilespmem:v25+s10+$0x0] =	vst.idx.msk $0xffff, v14;
	v14 =	vld [tilespmem:s21+$0xFFFFFFA0]  }
0x5f: {  	v24 =	vadd.s32 v2, v6;
	v16 =	vmul.f32 $8.000000000e+00, v16;
	v21 =	vld [tilespmem:s22+$0x50];
	[tilespmem:v10+s10+$0x0] =	vst.idx.msk $0xffff, v18  }
0x60: {  	v10 =	vmul.f32 $8.000000000e+00, v12;
	[tilespmem:v20+s10+$0x0] =	vst.idx.msk $0xffff, v13;
	v12 =	vadd.s32 v2, v7;
	v13 =	vld [tilespmem:s21+$0x70]  }
0x61: {  	v27 =	vadd.s32 v1, v23;
	v25 =	vld [tilespmem:s22+$0xFFFFFFD0];
	[tilespmem:v9+s10+$0x0] =	vst.idx.msk $0xffff, v16;
	v9 =	vmul.f32 $8.000000000e+00, v15  }
0x62: {  	v29 =	vadd.s32 v3, v4;
	v4 =	vmov v23;
	[tilespmem:v11+s10+$0x0] =	vst.idx.msk $0xffff, v10;
	v28 =	vld [tilespmem:s22+$0x10];
	v11 =	vmul.f32 $8.000000000e+00, v17  }
.Ltmp0:
0x63: {  	v18 =	vadd.s32 v1, v22;
	v10 =	vld [tilespmem:s22+$0xFFFFFF90];
	v14 =	vmul.f32 $8.000000000e+00, v14;
	[tilespmem:v19+s10+$0x0] =	vst.idx.msk $0xffff, v9;
	(pc) =	sbr.rel @p0 .LBB2_3-.Ltmp0, $4  }
0x64: {  	v16 =	vadd.s32 v1, v26;
	v17 =	vmul.f32 $8.000000000e+00, v21;
	v9 =	vld [tilespmem:s21+$0xFFFFFFF0];
	[tilespmem:v24+s10+$0x0] =	vst.idx.msk $0xffff, v11  }
0x65: {  	s26 =	sadd.s32 $0x1, s24;
	v15 =	vmov s24;
	v11 =	vadd.s32 v1, v8;
	[tilespmem:v12+s10+$0x0] =	vst.idx.msk $0xffff, v14;
	v12 =	vld [tilespmem:s21+$0x30];
	v24 =	vmul.f32 $8.000000000e+00, v13  }
0x66: {  	v20 =	vmov s26;
	s26 =	sadd.s32 $0x3, s24;
	v14 =	vadd.s32 v3, v5;
	v5 =	vmovc v22;
	v21 =	vmul.f32 $8.000000000e+00, v25;
	[tilespmem:v27+s10+$0x0] =	vst.idx.msk $0xffff, v17;
	v13 =	vld [tilespmem:s21+$0xFFFFFFB0];
	s21 =	smov.u32 s22;
	s22 =	sadd.s32 $0x100, s22  }
0x67: {  	v23 =	vmov s26;
	s24 =	sadd.s32 $0x4, s24;
	v17 =	vadd.s32 v3, v6;
	v6 =	vmovc v26;
	v19 =	vld [tilespmem:s22+$0x40];
	v22 =	vmul.f32 $8.000000000e+00, v28;
	[tilespmem:v29+s10+$0x0] =	vst.idx.msk $0xffff, v24  }
0x68: {  	s23 =	sadd.s32 $0x2, s23;
	v23 =	vand.u32 $0x7F, v23;
	v24 =	vld [tilespmem:s22+$0xFFFFFFC0]  }
0x69: {  	v20 =	vand.u32 $0x7D, v20;
	v27 =	vld [tilespmem:s22+$0x0];
	v25 =	vmov s23;
	v26 =	vadd.s32 v0, v23  }
0x6a: {  	v28 =	vld [tilespmem:s22+$0xFFFFFF80];
	v29 =	vadd.s32 v0, v20;
	v25 =	vand.u32 $0x7E, v25  }
0x6b: {  	v15 =	vand.u32 $0x7C, v15;
	v30 =	vadd.s32 v0, v25  }
0x6c: {  	[tilespmem:v18+s10+$0x0] =	vst.idx.msk $0xffff, v21;
	v18 =	vmul.f32 $8.000000000e+00, v19;
	v19 =	vadd.s32 v0, v15  }
0x6d: {  	[tilespmem:v16+s10+$0x0] =	vst.idx.msk $0xffff, v22;
	v16 =	vmul.f32 $8.000000000e+00, v24  }
0x6e: {  	[tilespmem:v26+s10+$0x0] =	vst.idx.msk $0xffff, v18;
	v18 =	vmul.f32 $8.000000000e+00, v27  }
0x6f: {  	v21 =	vmul.f32 $8.000000000e+00, v28;
	[tilespmem:v29+s10+$0x0] =	vst.idx.msk $0xffff, v16;
	v16 =	vld [tilespmem:s22+$0x50]  }
0x70: {  	v10 =	vmul.f32 $8.000000000e+00, v10;
	v7 =	vadd.s32 v3, v7;
	v22 =	vld [tilespmem:s22+$0xFFFFFFD0];
	[tilespmem:v30+s10+$0x0] =	vst.idx.msk $0xffff, v18  }
0x71: {  	v9 =	vmul.f32 $8.000000000e+00, v9;
	v18 =	vadd.s32 v1, v23;
	[tilespmem:v19+s10+$0x0] =	vst.idx.msk $0xffff, v21;
	v19 =	vld [tilespmem:s22+$0x10]  }
0x72: {  	[tilespmem:v11+s10+$0x0] =	vst.idx.msk $0xffff, v10;
	v10 =	vmul.f32 $8.000000000e+00, v12;
	v12 =	vadd.s32 v1, v20;
	v11 =	vld [tilespmem:s22+$0xFFFFFF90]  }
0x73: {  	v13 =	vmul.f32 $8.000000000e+00, v13;
	[tilespmem:v14+s10+$0x0] =	vst.idx.msk $0xffff, v9;
	v9 =	vadd.s32 v1, v25;
	v21 =	vld [tilespmem:s21+$0x60]  }
0x74: {  	v14 =	vld [tilespmem:s21+$0xFFFFFFE0];
	[tilespmem:v17+s10+$0x0] =	vst.idx.msk $0xffff, v10;
	v10 =	vmul.f32 $8.000000000e+00, v16;
	v16 =	vadd.s32 v1, v15  }
0x75: {  	v56 =	vld [tilespmem:s21+$0x20];
	v17 =	vadd.s32 v2, v4;
	[tilespmem:v7+s10+$0x0] =	vst.idx.msk $0xffff, v13;
	v7 =	vmul.f32 $8.000000000e+00, v22  }
0x76: {  	v13 =	vld [tilespmem:s21+$0xFFFFFFA0];
	v22 =	vadd.s32 v2, v5;
	[tilespmem:v18+s10+$0x0] =	vst.idx.msk $0xffff, v10;
	v10 =	vmul.f32 $8.000000000e+00, v19  }
0x77: {  	v18 =	vadd.s32 v2, v6;
	v11 =	vmul.f32 $8.000000000e+00, v11;
	[tilespmem:v12+s10+$0x0] =	vst.idx.msk $0xffff, v7;
	v7 =	vld [tilespmem:s22+$0x60]  }
0x78: {  	v19 =	vadd.s32 v2, v8;
	v12 =	vmul.f32 $8.000000000e+00, v21;
	[tilespmem:v9+s10+$0x0] =	vst.idx.msk $0xffff, v10;
	v9 =	vld [tilespmem:s22+$0xFFFFFFE0]  }
0x79: {  	v10 =	vmul.f32 $8.000000000e+00, v14;
	[tilespmem:v16+s10+$0x0] =	vst.idx.msk $0xffff, v11;
	v11 =	vadd.s32 v2, v23;
	v14 =	vld [tilespmem:s22+$0x20]  }
0x7a: {  	[tilespmem:v17+s10+$0x0] =	vst.idx.msk $0xffff, v12;
	v12 =	vmul.f32 $8.000000000e+00, v56;
	v17 =	vadd.s32 v2, v20;
	v16 =	vld [tilespmem:s22+$0xFFFFFFA0]  }
0x7b: {  	v13 =	vmul.f32 $8.000000000e+00, v13;
	v21 =	vld [tilespmem:s21+$0x70];
	[tilespmem:v22+s10+$0x0] =	vst.idx.msk $0xffff, v10;
	v10 =	vadd.s32 v2, v25  }
0x7c: {  	v22 =	vld [tilespmem:s21+$0xFFFFFFF0];
	[tilespmem:v18+s10+$0x0] =	vst.idx.msk $0xffff, v12;
	v12 =	vadd.s32 v2, v15;
	v7 =	vmul.f32 $8.000000000e+00, v7  }
0x7d: {  	v4 =	vadd.s32 v3, v4;
	[tilespmem:v19+s10+$0x0] =	vst.idx.msk $0xffff, v13;
	v13 =	vld [tilespmem:s21+$0x30];
	v9 =	vmul.f32 $8.000000000e+00, v9  }
0x7e: {  	v5 =	vadd.s32 v3, v5;
	v18 =	vld [tilespmem:s21+$0xFFFFFFB0];
	[tilespmem:v11+s10+$0x0] =	vst.idx.msk $0xffff, v7;
	v7 =	vmul.f32 $8.000000000e+00, v14  }
0x7f: {  	v6 =	vadd.s32 v3, v6;
	v11 =	vld [tilespmem:s22+$0x70];
	v14 =	vmul.f32 $8.000000000e+00, v16;
	[tilespmem:v17+s10+$0x0] =	vst.idx.msk $0xffff, v9  }
0x80: {  	v8 =	vadd.s32 v3, v8;
	v9 =	vmul.f32 $8.000000000e+00, v21;
	v16 =	vld [tilespmem:s22+$0xFFFFFFF0];
	[tilespmem:v10+s10+$0x0] =	vst.idx.msk $0xffff, v7  }
0x81: {  	v7 =	vmul.f32 $8.000000000e+00, v22;
	v10 =	vadd.s32 v3, v23;
	[tilespmem:v12+s10+$0x0] =	vst.idx.msk $0xffff, v14;
	v12 =	vld [tilespmem:s22+$0x30]  }
0x82: {  	[tilespmem:v4+s10+$0x0] =	vst.idx.msk $0xffff, v9;
	v4 =	vmul.f32 $8.000000000e+00, v13;
	v13 =	vadd.s32 v3, v20  }
0x83: {  	v14 =	vmul.f32 $8.000000000e+00, v18;
	[tilespmem:v5+s10+$0x0] =	vst.idx.msk $0xffff, v7;
	v5 =	vadd.s32 v3, v25  }
0x84: {  	v9 =	vld [tilespmem:s22+$0xFFFFFFB0];
	[tilespmem:v6+s10+$0x0] =	vst.idx.msk $0xffff, v4;
	v4 =	vmul.f32 $8.000000000e+00, v11  }
0x85: {  	[tilespmem:v8+s10+$0x0] =	vst.idx.msk $0xffff, v14;
	v7 =	vmul.f32 $8.000000000e+00, v16  }
0x86: {  	v6 =	vadd.s32 v3, v15;
	[tilespmem:v10+s10+$0x0] =	vst.idx.msk $0xffff, v4;
	v4 =	vmul.f32 $8.000000000e+00, v12  }
0x87: {  	[tilespmem:v13+s10+$0x0] =	vst.idx.msk $0xffff, v7  }
0x88: {  	[tilespmem:v5+s10+$0x0] =	vst.idx.msk $0xffff, v4  }
0x89: {  	s23 =	sshll.u32 s20, $0x11;
	v8 =	vmul.f32 $8.000000000e+00, v9;
	s24 =	rddreg [dreg:$0x4]  }
0x8a: {  	s26 =	rddreg [dreg:$0x1];
	s21 =	sor.u32 s24, s23  }
0x8b: {  	[tilespmem:v6+s10+$0x0] =	vst.idx.msk $0xffff, v8;
	s22 =	sadd.s32 s26, s21  }
0x8c: {  	[hbm4b:s22+s3] =	stream.linear.scatter [tilespmem:s10], [sflag:$0x5], $0x80, $0x38;
	[tilespmem:$0x16C00] =	vst v63  }
0x8d: {  	s24 =	simm.s32 $0xE488;
	s29 =	sadd.s32 $0x10, s22  }
0x8e: {  	[hbm4b:s29+s3] =	stream.linear.scatter [tilespmem:s24], [sflag:$0x5], $0x80, $0x38;
	[tilespmem:$0x16C00] =	vst v63  }
0x8f: {  	s26 =	sadd.s32 $0x20, s22;
	s29 =	simm.s32 $0xE510  }
0x90: {  	[hbm4b:s26+s3] =	stream.linear.scatter [tilespmem:s29], [sflag:$0x5], $0x80, $0x38;
	[tilespmem:$0x16C00] =	vst v63  }
0x91: {  	s26 =	sadd.s32 $0x30, s22;
	s29 =	simm.s32 $0xE598  }
0x92: {  	[hbm4b:s26+s3] =	stream.linear.scatter [tilespmem:s29], [sflag:$0x5], $0x80, $0x38;
	[tilespmem:$0x16C00] =	vst v63  }
0x93: {  	s26 =	sadd.s32 $0x40, s22;
	s29 =	simm.s32 $0xE620  }
0x94: {  	[hbm4b:s26+s3] =	stream.linear.scatter [tilespmem:s29], [sflag:$0x5], $0x80, $0x38;
	[tilespmem:$0x16C00] =	vst v63  }
0x95: {  	s26 =	sadd.s32 $0x50, s22;
	s29 =	simm.s32 $0xE6A8  }
0x96: {  	[hbm4b:s26+s3] =	stream.linear.scatter [tilespmem:s29], [sflag:$0x5], $0x80, $0x38;
	[tilespmem:$0x16C00] =	vst v63  }
0x97: {  	s24 =	sadd.s32 $0x60, s22;
	s26 =	simm.s32 $0xE730  }
0x98: {  	[hbm4b:s24+s3] =	stream.linear.scatter [tilespmem:s26], [sflag:$0x5], $0x80, $0x38;
	[tilespmem:$0x16C00] =	vst v63  }
0x99: {  	s23 =	rddreg [dreg:$0x5];
	s22 =	sadd.s32 $0x70, s22;
	s29 =	simm.s32 $0xE7B8  }
0x9a: {  	[hbm4b:s22+s3] =	stream.linear.scatter [tilespmem:s29], [sflag:$0x5], $0x80, $0x38;
	[tilespmem:$0x16C00] =	vst v63  }
0x9b: {  	s24 =	simm.s32 $0xE840;
	s22 =	sadd.s32 s21, s23  }
0x9c: {  	[hbm4b:s22+s3] =	stream.linear.scatter [tilespmem:s24], [sflag:$0x5], $0x80, $0x38;
	[tilespmem:$0x16C00] =	vst v63  }
0x9d: {  	s29 =	simm.s32 $0xE8C8;
	s26 =	sadd.s32 $0x10, s22  }
0x9e: {  	[hbm4b:s26+s3] =	stream.linear.scatter [tilespmem:s29], [sflag:$0x5], $0x80, $0x38;
	[tilespmem:$0x16C00] =	vst v63  }
0x9f: {  	s26 =	sadd.s32 $0x20, s22;
	s29 =	simm.s32 $0xE950  }
0xa0: {  	[hbm4b:s26+s3] =	stream.linear.scatter [tilespmem:s29], [sflag:$0x5], $0x80, $0x38;
	[tilespmem:$0x16C00] =	vst v63  }
0xa1: {  	s26 =	sadd.s32 $0x30, s22;
	s29 =	simm.s32 $0xE9D8  }
0xa2: {  	[hbm4b:s26+s3] =	stream.linear.scatter [tilespmem:s29], [sflag:$0x5], $0x80, $0x38;
	[tilespmem:$0x16C00] =	vst v63  }
0xa3: {  	s26 =	sadd.s32 $0x40, s22;
	s29 =	simm.s32 $0xEA60  }
0xa4: {  	[hbm4b:s26+s3] =	stream.linear.scatter [tilespmem:s29], [sflag:$0x5], $0x80, $0x38;
	[tilespmem:$0x16C00] =	vst v63  }
0xa5: {  	s26 =	sadd.s32 $0x50, s22;
	s29 =	simm.s32 $0xEAE8  }
0xa6: {  	[hbm4b:s26+s3] =	stream.linear.scatter [tilespmem:s29], [sflag:$0x5], $0x80, $0x38;
	[tilespmem:$0x16C00] =	vst v63  }
0xa7: {  	s24 =	sadd.s32 $0x60, s22;
	s26 =	simm.s32 $0xEB70  }
0xa8: {  	[hbm4b:s24+s3] =	stream.linear.scatter [tilespmem:s26], [sflag:$0x5], $0x80, $0x38;
	[tilespmem:$0x16C00] =	vst v63  }
0xa9: {  	s23 =	rddreg [dreg:$0x6];
	s22 =	sadd.s32 $0x70, s22;
	s29 =	simm.s32 $0xEBF8  }
0xaa: {  	[hbm4b:s22+s3] =	stream.linear.scatter [tilespmem:s29], [sflag:$0x5], $0x80, $0x38;
	[tilespmem:$0x16C00] =	vst v63  }
0xab: {  	s24 =	simm.s32 $0xEC80;
	s22 =	sadd.s32 s21, s23  }
0xac: {  	[hbm4b:s22+s3] =	stream.linear.scatter [tilespmem:s24], [sflag:$0x5], $0x80, $0x38;
	[tilespmem:$0x16C00] =	vst v63  }
0xad: {  	s29 =	simm.s32 $0xED08;
	s26 =	sadd.s32 $0x10, s22  }
0xae: {  	[hbm4b:s26+s3] =	stream.linear.scatter [tilespmem:s29], [sflag:$0x5], $0x80, $0x38;
	[tilespmem:$0x16C00] =	vst v63  }
0xaf: {  	s26 =	sadd.s32 $0x20, s22;
	s29 =	simm.s32 $0xED90  }
0xb0: {  	[hbm4b:s26+s3] =	stream.linear.scatter [tilespmem:s29], [sflag:$0x5], $0x80, $0x38;
	[tilespmem:$0x16C00] =	vst v63  }
0xb1: {  	s26 =	sadd.s32 $0x30, s22;
	s29 =	simm.s32 $0xEE18  }
0xb2: {  	[hbm4b:s26+s3] =	stream.linear.scatter [tilespmem:s29], [sflag:$0x5], $0x80, $0x38;
	[tilespmem:$0x16C00] =	vst v63  }
0xb3: {  	s26 =	sadd.s32 $0x40, s22;
	s29 =	simm.s32 $0xEEA0  }
0xb4: {  	[hbm4b:s26+s3] =	stream.linear.scatter [tilespmem:s29], [sflag:$0x5], $0x80, $0x38;
	[tilespmem:$0x16C00] =	vst v63  }
0xb5: {  	s26 =	sadd.s32 $0x50, s22;
	s29 =	simm.s32 $0xEF28  }
0xb6: {  	[hbm4b:s26+s3] =	stream.linear.scatter [tilespmem:s29], [sflag:$0x5], $0x80, $0x38;
	[tilespmem:$0x16C00] =	vst v63  }
0xb7: {  	s24 =	sadd.s32 $0x60, s22;
	s26 =	simm.s32 $0xEFB0  }
0xb8: {  	[hbm4b:s24+s3] =	stream.linear.scatter [tilespmem:s26], [sflag:$0x5], $0x80, $0x38;
	[tilespmem:$0x16C00] =	vst v63  }
0xb9: {  	s23 =	rddreg [dreg:$0x7];
	s22 =	sadd.s32 $0x70, s22;
	s29 =	simm.s32 $0xF038  }
0xba: {  	[hbm4b:s22+s3] =	stream.linear.scatter [tilespmem:s29], [sflag:$0x5], $0x80, $0x38;
	[tilespmem:$0x16C00] =	vst v63  }
0xbb: {  	s24 =	simm.s32 $0xF0C0;
	s22 =	sadd.s32 s21, s23  }
0xbc: {  	[hbm4b:s22+s3] =	stream.linear.scatter [tilespmem:s24], [sflag:$0x5], $0x80, $0x38;
	[tilespmem:$0x16C00] =	vst v63  }
0xbd: {  	s29 =	simm.s32 $0xF148;
	s26 =	sadd.s32 $0x10, s22  }
0xbe: {  	[hbm4b:s26+s3] =	stream.linear.scatter [tilespmem:s29], [sflag:$0x5], $0x80, $0x38;
	[tilespmem:$0x16C00] =	vst v63  }
0xbf: {  	s26 =	sadd.s32 $0x20, s22;
	s29 =	simm.s32 $0xF1D0  }
0xc0: {  	[hbm4b:s26+s3] =	stream.linear.scatter [tilespmem:s29], [sflag:$0x5], $0x80, $0x38;
	[tilespmem:$0x16C00] =	vst v63  }
0xc1: {  	s26 =	sadd.s32 $0x30, s22;
	s29 =	simm.s32 $0xF258  }
0xc2: {  	[hbm4b:s26+s3] =	stream.linear.scatter [tilespmem:s29], [sflag:$0x5], $0x80, $0x38;
	[tilespmem:$0x16C00] =	vst v63  }
0xc3: {  	s26 =	sadd.s32 $0x40, s22;
	s29 =	simm.s32 $0xF2E0  }
0xc4: {  	[hbm4b:s26+s3] =	stream.linear.scatter [tilespmem:s29], [sflag:$0x5], $0x80, $0x38;
	[tilespmem:$0x16C00] =	vst v63  }
0xc5: {  	s26 =	sadd.s32 $0x50, s22;
	s29 =	simm.s32 $0xF368  }
0xc6: {  	[hbm4b:s26+s3] =	stream.linear.scatter [tilespmem:s29], [sflag:$0x5], $0x80, $0x38;
	[tilespmem:$0x16C00] =	vst v63  }
0xc7: {  	s24 =	sadd.s32 $0x60, s22;
	s26 =	simm.s32 $0xF3F0  }
0xc8: {  	[hbm4b:s24+s3] =	stream.linear.scatter [tilespmem:s26], [sflag:$0x5], $0x80, $0x38;
	[tilespmem:$0x16C00] =	vst v63  }
0xc9: {  	s23 =	rddreg [dreg:$0x8];
	s22 =	sadd.s32 $0x70, s22;
	s29 =	simm.s32 $0xF478  }
0xca: {  	[hbm4b:s22+s3] =	stream.linear.scatter [tilespmem:s29], [sflag:$0x5], $0x80, $0x38;
	[tilespmem:$0x16C00] =	vst v63  }
0xcb: {  	s24 =	simm.s32 $0xF500;
	s22 =	sadd.s32 s21, s23  }
0xcc: {  	[hbm4b:s22+s3] =	stream.linear.scatter [tilespmem:s24], [sflag:$0x5], $0x80, $0x38;
	[tilespmem:$0x16C00] =	vst v63  }
0xcd: {  	s29 =	simm.s32 $0xF588;
	s26 =	sadd.s32 $0x10, s22  }
0xce: {  	[hbm4b:s26+s3] =	stream.linear.scatter [tilespmem:s29], [sflag:$0x5], $0x80, $0x38;
	[tilespmem:$0x16C00] =	vst v63  }
0xcf: {  	s26 =	sadd.s32 $0x20, s22;
	s29 =	simm.s32 $0xF610  }
0xd0: {  	[hbm4b:s26+s3] =	stream.linear.scatter [tilespmem:s29], [sflag:$0x5], $0x80, $0x38;
	[tilespmem:$0x16C00] =	vst v63  }
0xd1: {  	s26 =	sadd.s32 $0x30, s22;
	s29 =	simm.s32 $0xF698  }
0xd2: {  	[hbm4b:s26+s3] =	stream.linear.scatter [tilespmem:s29], [sflag:$0x5], $0x80, $0x38;
	[tilespmem:$0x16C00] =	vst v63  }
0xd3: {  	s26 =	sadd.s32 $0x40, s22;
	s29 =	simm.s32 $0xF720  }
0xd4: {  	[hbm4b:s26+s3] =	stream.linear.scatter [tilespmem:s29], [sflag:$0x5], $0x80, $0x38;
	[tilespmem:$0x16C00] =	vst v63  }
0xd5: {  	s26 =	sadd.s32 $0x50, s22;
	s29 =	simm.s32 $0xF7A8  }
0xd6: {  	[hbm4b:s26+s3] =	stream.linear.scatter [tilespmem:s29], [sflag:$0x5], $0x80, $0x38;
	[tilespmem:$0x16C00] =	vst v63  }
0xd7: {  	s24 =	sadd.s32 $0x60, s22;
	s26 =	simm.s32 $0xF830  }
0xd8: {  	[hbm4b:s24+s3] =	stream.linear.scatter [tilespmem:s26], [sflag:$0x5], $0x80, $0x38;
	[tilespmem:$0x16C00] =	vst v63  }
0xd9: {  	s23 =	rddreg [dreg:$0x9];
	s22 =	sadd.s32 $0x70, s22;
	s29 =	simm.s32 $0xF8B8  }
0xda: {  	[hbm4b:s22+s3] =	stream.linear.scatter [tilespmem:s29], [sflag:$0x5], $0x80, $0x38;
	[tilespmem:$0x16C00] =	vst v63  }
0xdb: {  	s24 =	simm.s32 $0xF940;
	s22 =	sadd.s32 s21, s23  }
0xdc: {  	[hbm4b:s22+s3] =	stream.linear.scatter [tilespmem:s24], [sflag:$0x5], $0x80, $0x38;
	[tilespmem:$0x16C00] =	vst v63  }
0xdd: {  	s29 =	simm.s32 $0xF9C8;
	s26 =	sadd.s32 $0x10, s22  }
0xde: {  	[hbm4b:s26+s3] =	stream.linear.scatter [tilespmem:s29], [sflag:$0x5], $0x80, $0x38;
	[tilespmem:$0x16C00] =	vst v63  }
0xdf: {  	s26 =	sadd.s32 $0x20, s22;
	s29 =	simm.s32 $0xFA50  }
0xe0: {  	[hbm4b:s26+s3] =	stream.linear.scatter [tilespmem:s29], [sflag:$0x5], $0x80, $0x38;
	[tilespmem:$0x16C00] =	vst v63  }
0xe1: {  	s26 =	sadd.s32 $0x30, s22;
	s29 =	simm.s32 $0xFAD8  }
0xe2: {  	[hbm4b:s26+s3] =	stream.linear.scatter [tilespmem:s29], [sflag:$0x5], $0x80, $0x38;
	[tilespmem:$0x16C00] =	vst v63  }
0xe3: {  	s26 =	sadd.s32 $0x40, s22;
	s29 =	simm.s32 $0xFB60  }
0xe4: {  	[hbm4b:s26+s3] =	stream.linear.scatter [tilespmem:s29], [sflag:$0x5], $0x80, $0x38;
	[tilespmem:$0x16C00] =	vst v63  }
0xe5: {  	s26 =	sadd.s32 $0x50, s22;
	s29 =	simm.s32 $0xFBE8  }
0xe6: {  	[hbm4b:s26+s3] =	stream.linear.scatter [tilespmem:s29], [sflag:$0x5], $0x80, $0x38;
	[tilespmem:$0x16C00] =	vst v63  }
0xe7: {  	s24 =	sadd.s32 $0x60, s22;
	s26 =	simm.s32 $0xFC70  }
0xe8: {  	[hbm4b:s24+s3] =	stream.linear.scatter [tilespmem:s26], [sflag:$0x5], $0x80, $0x38;
	[tilespmem:$0x16C00] =	vst v63  }
0xe9: {  	s23 =	rddreg [dreg:$0xa];
	s22 =	sadd.s32 $0x70, s22;
	s29 =	simm.s32 $0xFCF8  }
0xea: {  	[hbm4b:s22+s3] =	stream.linear.scatter [tilespmem:s29], [sflag:$0x5], $0x80, $0x38;
	[tilespmem:$0x16C00] =	vst v63  }
0xeb: {  	s24 =	simm.s32 $0xFD80;
	s22 =	sadd.s32 s21, s23  }
0xec: {  	[hbm4b:s22+s3] =	stream.linear.scatter [tilespmem:s24], [sflag:$0x5], $0x80, $0x38;
	[tilespmem:$0x16C00] =	vst v63  }
0xed: {  	s29 =	simm.s32 $0xFE08;
	s26 =	sadd.s32 $0x10, s22  }
0xee: {  	[hbm4b:s26+s3] =	stream.linear.scatter [tilespmem:s29], [sflag:$0x5], $0x80, $0x38;
	[tilespmem:$0x16C00] =	vst v63  }
0xef: {  	s26 =	sadd.s32 $0x20, s22;
	s29 =	simm.s32 $0xFE90  }
0xf0: {  	[hbm4b:s26+s3] =	stream.linear.scatter [tilespmem:s29], [sflag:$0x5], $0x80, $0x38;
	[tilespmem:$0x16C00] =	vst v63  }
0xf1: {  	s26 =	sadd.s32 $0x30, s22;
	s29 =	simm.s32 $0xFF18  }
0xf2: {  	[hbm4b:s26+s3] =	stream.linear.scatter [tilespmem:s29], [sflag:$0x5], $0x80, $0x38;
	[tilespmem:$0x16C00] =	vst v63  }
0xf3: {  	s26 =	sadd.s32 $0x40, s22;
	s29 =	simm.s32 $0xFFA0  }
0xf4: {  	[hbm4b:s26+s3] =	stream.linear.scatter [tilespmem:s29], [sflag:$0x5], $0x80, $0x38;
	[tilespmem:$0x16C00] =	vst v63  }
0xf5: {  	s26 =	sadd.s32 $0x50, s22;
	s29 =	simm.s32 $0x10028  }
0xf6: {  	[hbm4b:s26+s3] =	stream.linear.scatter [tilespmem:s29], [sflag:$0x5], $0x80, $0x38;
	[tilespmem:$0x16C00] =	vst v63  }
0xf7: {  	s24 =	sadd.s32 $0x60, s22;
	s26 =	simm.s32 $0x100B0  }
0xf8: {  	[hbm4b:s24+s3] =	stream.linear.scatter [tilespmem:s26], [sflag:$0x5], $0x80, $0x38;
	[tilespmem:$0x16C00] =	vst v63  }
0xf9: {  	s23 =	rddreg [dreg:$0xb];
	s22 =	sadd.s32 $0x70, s22;
	s29 =	simm.s32 $0x10138  }
0xfa: {  	[hbm4b:s22+s3] =	stream.linear.scatter [tilespmem:s29], [sflag:$0x5], $0x80, $0x38;
	[tilespmem:$0x16C00] =	vst v63  }
0xfb: {  	s24 =	simm.s32 $0x101C0;
	s22 =	sadd.s32 s21, s23  }
0xfc: {  	[hbm4b:s22+s3] =	stream.linear.scatter [tilespmem:s24], [sflag:$0x5], $0x80, $0x38;
	[tilespmem:$0x16C00] =	vst v63  }
0xfd: {  	s29 =	simm.s32 $0x10248;
	s26 =	sadd.s32 $0x10, s22  }
0xfe: {  	[hbm4b:s26+s3] =	stream.linear.scatter [tilespmem:s29], [sflag:$0x5], $0x80, $0x38;
	[tilespmem:$0x16C00] =	vst v63  }
0xff: {  	s26 =	sadd.s32 $0x20, s22;
	s29 =	simm.s32 $0x102D0  }
0x100: {  	[hbm4b:s26+s3] =	stream.linear.scatter [tilespmem:s29], [sflag:$0x5], $0x80, $0x38;
	[tilespmem:$0x16C00] =	vst v63  }
0x101: {  	s26 =	sadd.s32 $0x30, s22;
	s29 =	simm.s32 $0x10358  }
0x102: {  	[hbm4b:s26+s3] =	stream.linear.scatter [tilespmem:s29], [sflag:$0x5], $0x80, $0x38;
	[tilespmem:$0x16C00] =	vst v63  }
0x103: {  	s26 =	sadd.s32 $0x40, s22;
	s29 =	simm.s32 $0x103E0  }
0x104: {  	[hbm4b:s26+s3] =	stream.linear.scatter [tilespmem:s29], [sflag:$0x5], $0x80, $0x38;
	[tilespmem:$0x16C00] =	vst v63  }
0x105: {  	s26 =	sadd.s32 $0x50, s22;
	s29 =	simm.s32 $0x10468  }
0x106: {  	[hbm4b:s26+s3] =	stream.linear.scatter [tilespmem:s29], [sflag:$0x5], $0x80, $0x38;
	[tilespmem:$0x16C00] =	vst v63  }
0x107: {  	s26 =	sadd.s32 $0x60, s22;
	s29 =	simm.s32 $0x104F0  }
0x108: {  	[hbm4b:s26+s3] =	stream.linear.scatter [tilespmem:s29], [sflag:$0x5], $0x80, $0x38;
	[tilespmem:$0x16C00] =	vst v63  }
0x109: {  	p0 =	seq.s32 s20, $0x31;
	s24 =	simm.s32 $0x10578;
	s22 =	sadd.s32 $0x70, s22  }
0x10a: {  	[hbm4b:s22+s3] =	stream.linear.scatter [tilespmem:s24], [sflag:$0x5], $0x80, $0x38;
	[tilespmem:$0x16C00] =	vst v63  }
0x10b: {  	p1 =	seq.s32 @!p0 s20, $0x0;
	s22 =	sshll.u32 @!p0 s20, $0x9  }
0x10c: {  	p1 =	por p0, !p1;
	s22 =	sand.u32 @!p0 $0x3FFFFE00, s22  }
0x10d: {  	s26 =	simm.s32 @!p0 $0x6400;
	s24 =	simm.s32 @!p0 $0x80;
	s23 =	sadd.s32 @!p0 $0x200, s22  }
0x10e: {  	[tilespmem:s26], [sflag:$0x1] =	stream.indirect.gather @!p0 [hbm4b:s4+s24], $0x40, s23, s24, $0xb8;
	[tilespmem:$0x16C00] =	vst v63  }
0x10f: {  	_ =	swait.ge @p1 [sflag:s17], $0x2000  }
0x110: {  	[sflag:s17] =	ssyncset.done @p1 $0x0  }
0x111: {  	[sflag:s17] =	ssyncadd.s32 @p1 $0xFFFFE000  }
0x112: {  	_ =	swait.ge [sflag:s11], $0x2000  }
0x113: {  	[sflag:s11] =	ssyncset.done $0x0  }
0x114: {  	s28 =	simm.s32 $0x8480;
	s26 =	simm.s32 $0x3;
	[sflag:s11] =	ssyncadd.s32 $0xFFFFE000  }
0x115: {  	v5 =	vmov s26;
	v4 =	vld [tilespmem:s28+$0x40]  }
0x116: {  	v9 =	vand.u32 $0x7F, v5  }
0x117: {  	s29 =	simm.s32 $0x1;
	v5 =	vadd.s32 v0, v9  }
0x118: {  	v6 =	vmov s29;
	v8 =	vld [tilespmem:s28+$0xFFFFFFC0]  }
0x119: {  	v14 =	vand.u32 $0x7D, v6;
	s24 =	simm.s32 $0x2  }
0x11a: {  	v10 =	vadd.s32 v0, v14;
	v7 =	vmov s24;
	s26 =	simm.s32 $0x0;
	v6 =	vld [tilespmem:s28+$0x0];
	v4 =	vmul.f32 $8.000000000e+00, v4  }
0x11b: {  	v17 =	vand.u32 $0x7E, v7;
	v7 =	vmov s26;
	v11 =	vld [tilespmem:s28+$0xFFFFFF80]  }
0x11c: {  	v12 =	vadd.s32 v0, v17;
	v7 =	vand.u32 $0x7C, v7;
	[tilespmem:v5+s12+$0x0] =	vst.idx.msk $0xffff, v4  }
0x11d: {  	v4 =	vadd.s32 v0, v7;
	v5 =	vmul.f32 $8.000000000e+00, v8;
	v8 =	vld [tilespmem:s28+$0x50];
	_ =	sdelay $0x1  }
0x11e: {  	v6 =	vmul.f32 $8.000000000e+00, v6;
	[tilespmem:v10+s12+$0x0] =	vst.idx.msk $0xffff, v5;
	v5 =	vadd.s32 v1, v9  }
0x11f: {  	v10 =	vmul.f32 $8.000000000e+00, v11  }
0x120: {  	[tilespmem:v12+s12+$0x0] =	vst.idx.msk $0xffff, v6;
	v11 =	vld [tilespmem:s28+$0xFFFFFFD0]  }
0x121: {  	v6 =	vld [tilespmem:s28+$0x10];
	[tilespmem:v4+s12+$0x0] =	vst.idx.msk $0xffff, v10;
	v4 =	vmul.f32 $8.000000000e+00, v8  }
0x122: {  	s29 =	simm.s32 $0x4;
	s23 =	simm.s32 $0x8580;
	s26 =	simm.s32 $0x7;
	v10 =	vadd.s32 v1, v14;
	v8 =	vld [tilespmem:s28+$0xFFFFFF90]  }
0x123: {  	v13 =	vmov s29;
	v15 =	vld [tilespmem:s23+$0x40];
	v12 =	vadd.s32 v1, v17;
	[tilespmem:v5+s12+$0x0] =	vst.idx.msk $0xffff, v4;
	v4 =	vmov s26  }
0x124: {  	s29 =	simm.s32 $0x5;
	v23 =	vadd.s32 v2, v9;
	v16 =	vadd.s32 v1, v7;
	v4 =	vand.u32 $0x7F, v4;
	v18 =	vld [tilespmem:s28+$0x60]  }
0x125: {  	v20 =	vld [tilespmem:s23+$0xFFFFFFC0];
	v5 =	vmov s29;
	v11 =	vmul.f32 $8.000000000e+00, v11;
	s26 =	simm.s32 $0x6;
	v21 =	vadd.s32 v0, v4  }
0x126: {  	v22 =	vld [tilespmem:s23+$0x0];
	v19 =	vmul.f32 $8.000000000e+00, v6;
	v6 =	vmov s26;
	v5 =	vand.u32 $0x7D, v5  }
0x127: {  	[tilespmem:v10+s12+$0x0] =	vst.idx.msk $0xffff, v11;
	v10 =	vld [tilespmem:s23+$0xFFFFFF80];
	v11 =	vadd.s32 v0, v5;
	v6 =	vand.u32 $0x7E, v6;
	v57 =	vmul.f32 $8.000000000e+00, v8  }
0x128: {  	[tilespmem:v12+s12+$0x0] =	vst.idx.msk $0xffff, v19;
	v8 =	vand.u32 $0x7C, v13;
	v12 =	vadd.s32 v0, v6;
	v13 =	vmul.f32 $8.000000000e+00, v15;
	v15 =	vld [tilespmem:s28+$0xFFFFFFE0]  }
0x129: {  	v19 =	vld [tilespmem:s28+$0x20];
	[tilespmem:v16+s12+$0x0] =	vst.idx.msk $0xffff, v57;
	v16 =	vadd.s32 v0, v8;
	v18 =	vmul.f32 $8.000000000e+00, v18  }
0x12a: {  	v20 =	vmul.f32 $8.000000000e+00, v20;
	[tilespmem:v21+s12+$0x0] =	vst.idx.msk $0xffff, v13;
	v13 =	vld [tilespmem:s28+$0xFFFFFFA0];
	v21 =	vadd.s32 v2, v14  }
0x12b: {  	v59 =	vadd.s32 v2, v17;
	v22 =	vmul.f32 $8.000000000e+00, v22;
	v58 =	vld [tilespmem:s23+$0x50];
	[tilespmem:v23+s12+$0x0] =	vst.idx.msk $0xffff, v18  }
0x12c: {  	v10 =	vmul.f32 $8.000000000e+00, v10;
	[tilespmem:v11+s12+$0x0] =	vst.idx.msk $0xffff, v20;
	v20 =	vadd.s32 v2, v7;
	v23 =	vld [tilespmem:s28+$0x70]  }
0x12d: {  	v60 =	vld [tilespmem:s23+$0xFFFFFFD0];
	[tilespmem:v12+s12+$0x0] =	vst.idx.msk $0xffff, v22;
	v22 =	vadd.s32 v1, v4;
	v11 =	vmul.f32 $8.000000000e+00, v15  }
0x12e: {  	v62 =	vadd.s32 v3, v9;
	v12 =	vmul.f32 $8.000000000e+00, v19;
	v61 =	vld [tilespmem:s23+$0x10];
	[tilespmem:v16+s12+$0x0] =	vst.idx.msk $0xffff, v10  }
0x12f: {  	v18 =	vadd.s32 v1, v5;
	v10 =	vld [tilespmem:s23+$0xFFFFFF90];
	v13 =	vmul.f32 $8.000000000e+00, v13;
	[tilespmem:v21+s12+$0x0] =	vst.idx.msk $0xffff, v11  }
0x130: {  	v16 =	vadd.s32 v1, v6;
	[tilespmem:v59+s12+$0x0] =	vst.idx.msk $0xffff, v12;
	v19 =	vmul.f32 $8.000000000e+00, v58;
	v9 =	vld [tilespmem:s28+$0xFFFFFFF0]  }
0x131: {  	v17 =	vadd.s32 v3, v17;
	s29 =	simm.s32 $0x9;
	v12 =	vld [tilespmem:s28+$0x30];
	v11 =	vadd.s32 v1, v8;
	[tilespmem:v20+s12+$0x0] =	vst.idx.msk $0xffff, v13;
	v63 =	vmul.f32 $8.000000000e+00, v23  }
0x132: {  	s24 =	simm.s32 $0x8680;
	s26 =	simm.s32 $0x8;
	v14 =	vadd.s32 v3, v14;
	v21 =	vmul.f32 $8.000000000e+00, v60;
	v20 =	vmov s29;
	s29 =	simm.s32 $0xB;
	[tilespmem:v22+s12+$0x0] =	vst.idx.msk $0xffff, v19;
	v13 =	vld [tilespmem:s28+$0xFFFFFFB0]  }
0x133: {  	s20 =	sadd.s32 $0x1, s20;
	v15 =	vmov s26;
	v19 =	vld [tilespmem:s24+$0x40];
	v23 =	vmov s29;
	s28 =	simm.s32 $0xC;
	v22 =	vmul.f32 $8.000000000e+00, v61;
	[tilespmem:v62+s12+$0x0] =	vst.idx.msk $0xffff, v63  }
.LBB2_5:
0x134: {  	p2 =	slt.u32 s28, $0x7C;
	s29 =	sadd.s32 $0x2, s26;
	v23 =	vand.u32 $0x7F, v23;
	v10 =	vmul.f32 $8.000000000e+00, v10;
	[tilespmem:v18+s12+$0x0] =	vst.idx.msk $0xffff, v21;
	v18 =	vld [tilespmem:s23+$0x60];
	v21 =	vadd.s32 v3, v7;
	v7 =	vmovc v8;
	s26 =	smov.u32 s28  }
0x135: {  	v24 =	vld [tilespmem:s24+$0xFFFFFFC0];
	v8 =	vmov s29;
	v25 =	vadd.s32 v0, v23;
	[tilespmem:v16+s12+$0x0] =	vst.idx.msk $0xffff, v22;
	v9 =	vmul.f32 $8.000000000e+00, v9  }
0x136: {  	v22 =	vand.u32 $0x7D, v20;
	v16 =	vld [tilespmem:s24+$0x0];
	[tilespmem:v11+s12+$0x0] =	vst.idx.msk $0xffff, v10;
	v10 =	vadd.s32 v2, v4;
	v11 =	vmul.f32 $8.000000000e+00, v12  }
0x137: {  	v20 =	vadd.s32 v0, v22;
	v26 =	vand.u32 $0x7E, v8;
	v12 =	vld [tilespmem:s24+$0xFFFFFF80];
	v13 =	vmul.f32 $8.000000000e+00, v13;
	[tilespmem:v14+s12+$0x0] =	vst.idx.msk $0xffff, v9  }
0x138: {  	v8 =	vand.u32 $0x7C, v15;
	v9 =	vadd.s32 v0, v26;
	v14 =	vmul.f32 $8.000000000e+00, v19;
	v15 =	vld [tilespmem:s23+$0xFFFFFFE0];
	[tilespmem:v17+s12+$0x0] =	vst.idx.msk $0xffff, v11  }
0x139: {  	v11 =	vadd.s32 v0, v8;
	v17 =	vld [tilespmem:s23+$0x20];
	v18 =	vmul.f32 $8.000000000e+00, v18;
	[tilespmem:v21+s12+$0x0] =	vst.idx.msk $0xffff, v13  }
0x13a: {  	v19 =	vadd.s32 v2, v5;
	v13 =	vmul.f32 $8.000000000e+00, v24;
	[tilespmem:v25+s12+$0x0] =	vst.idx.msk $0xffff, v14;
	v14 =	vld [tilespmem:s23+$0xFFFFFFA0]  }
0x13b: {  	v24 =	vadd.s32 v2, v6;
	v16 =	vmul.f32 $8.000000000e+00, v16;
	v21 =	vld [tilespmem:s24+$0x50];
	[tilespmem:v10+s12+$0x0] =	vst.idx.msk $0xffff, v18  }
0x13c: {  	v10 =	vmul.f32 $8.000000000e+00, v12;
	[tilespmem:v20+s12+$0x0] =	vst.idx.msk $0xffff, v13;
	v12 =	vadd.s32 v2, v7;
	v13 =	vld [tilespmem:s23+$0x70]  }
0x13d: {  	v27 =	vadd.s32 v1, v23;
	v25 =	vld [tilespmem:s24+$0xFFFFFFD0];
	[tilespmem:v9+s12+$0x0] =	vst.idx.msk $0xffff, v16;
	v9 =	vmul.f32 $8.000000000e+00, v15  }
0x13e: {  	v29 =	vadd.s32 v3, v4;
	v4 =	vmov v23;
	[tilespmem:v11+s12+$0x0] =	vst.idx.msk $0xffff, v10;
	v28 =	vld [tilespmem:s24+$0x10];
	v11 =	vmul.f32 $8.000000000e+00, v17  }
.Ltmp1:
0x13f: {  	v18 =	vadd.s32 v1, v22;
	v10 =	vld [tilespmem:s24+$0xFFFFFF90];
	v14 =	vmul.f32 $8.000000000e+00, v14;
	[tilespmem:v19+s12+$0x0] =	vst.idx.msk $0xffff, v9;
	(pc) =	sbr.rel @p2 .LBB2_5-.Ltmp1, $4  }
0x140: {  	v16 =	vadd.s32 v1, v26;
	v17 =	vmul.f32 $8.000000000e+00, v21;
	v9 =	vld [tilespmem:s23+$0xFFFFFFF0];
	[tilespmem:v24+s12+$0x0] =	vst.idx.msk $0xffff, v11  }
0x141: {  	s29 =	sadd.s32 $0x1, s28;
	v15 =	vmov s28;
	v11 =	vadd.s32 v1, v8;
	[tilespmem:v12+s12+$0x0] =	vst.idx.msk $0xffff, v14;
	v12 =	vld [tilespmem:s23+$0x30];
	v24 =	vmul.f32 $8.000000000e+00, v13  }
0x142: {  	v20 =	vmov s29;
	s29 =	sadd.s32 $0x3, s28;
	v14 =	vadd.s32 v3, v5;
	v5 =	vmovc v22;
	v21 =	vmul.f32 $8.000000000e+00, v25;
	[tilespmem:v27+s12+$0x0] =	vst.idx.msk $0xffff, v17;
	v13 =	vld [tilespmem:s23+$0xFFFFFFB0];
	s23 =	smov.u32 s24;
	s24 =	sadd.s32 $0x100, s24  }
0x143: {  	v23 =	vmov s29;
	s28 =	sadd.s32 $0x4, s28;
	v17 =	vadd.s32 v3, v6;
	v6 =	vmovc v26;
	v19 =	vld [tilespmem:s24+$0x40];
	v22 =	vmul.f32 $8.000000000e+00, v28;
	[tilespmem:v29+s12+$0x0] =	vst.idx.msk $0xffff, v24  }
0x144: {  	s26 =	sadd.s32 $0x2, s26;
	v23 =	vand.u32 $0x7F, v23;
	v24 =	vld [tilespmem:s24+$0xFFFFFFC0]  }
0x145: {  	v20 =	vand.u32 $0x7D, v20;
	v27 =	vld [tilespmem:s24+$0x0];
	v25 =	vmov s26;
	v26 =	vadd.s32 v0, v23  }
0x146: {  	v28 =	vld [tilespmem:s24+$0xFFFFFF80];
	v29 =	vadd.s32 v0, v20;
	v25 =	vand.u32 $0x7E, v25  }
0x147: {  	v15 =	vand.u32 $0x7C, v15;
	v30 =	vadd.s32 v0, v25  }
0x148: {  	[tilespmem:v18+s12+$0x0] =	vst.idx.msk $0xffff, v21;
	v18 =	vmul.f32 $8.000000000e+00, v19;
	v19 =	vadd.s32 v0, v15  }
0x149: {  	[tilespmem:v16+s12+$0x0] =	vst.idx.msk $0xffff, v22;
	v16 =	vmul.f32 $8.000000000e+00, v24  }
0x14a: {  	[tilespmem:v26+s12+$0x0] =	vst.idx.msk $0xffff, v18;
	v18 =	vmul.f32 $8.000000000e+00, v27  }
0x14b: {  	v21 =	vmul.f32 $8.000000000e+00, v28;
	[tilespmem:v29+s12+$0x0] =	vst.idx.msk $0xffff, v16;
	v16 =	vld [tilespmem:s24+$0x50]  }
0x14c: {  	v10 =	vmul.f32 $8.000000000e+00, v10;
	v7 =	vadd.s32 v3, v7;
	v22 =	vld [tilespmem:s24+$0xFFFFFFD0];
	[tilespmem:v30+s12+$0x0] =	vst.idx.msk $0xffff, v18  }
0x14d: {  	v9 =	vmul.f32 $8.000000000e+00, v9;
	v18 =	vadd.s32 v1, v23;
	[tilespmem:v19+s12+$0x0] =	vst.idx.msk $0xffff, v21;
	v19 =	vld [tilespmem:s24+$0x10]  }
0x14e: {  	[tilespmem:v11+s12+$0x0] =	vst.idx.msk $0xffff, v10;
	v10 =	vmul.f32 $8.000000000e+00, v12;
	v12 =	vadd.s32 v1, v20;
	v11 =	vld [tilespmem:s24+$0xFFFFFF90]  }
0x14f: {  	v13 =	vmul.f32 $8.000000000e+00, v13;
	[tilespmem:v14+s12+$0x0] =	vst.idx.msk $0xffff, v9;
	v9 =	vadd.s32 v1, v25;
	v21 =	vld [tilespmem:s23+$0x60]  }
0x150: {  	v14 =	vld [tilespmem:s23+$0xFFFFFFE0];
	[tilespmem:v17+s12+$0x0] =	vst.idx.msk $0xffff, v10;
	v10 =	vmul.f32 $8.000000000e+00, v16;
	v16 =	vadd.s32 v1, v15  }
0x151: {  	v56 =	vld [tilespmem:s23+$0x20];
	v17 =	vadd.s32 v2, v4;
	[tilespmem:v7+s12+$0x0] =	vst.idx.msk $0xffff, v13;
	v7 =	vmul.f32 $8.000000000e+00, v22  }
0x152: {  	v13 =	vld [tilespmem:s23+$0xFFFFFFA0];
	v22 =	vadd.s32 v2, v5;
	[tilespmem:v18+s12+$0x0] =	vst.idx.msk $0xffff, v10;
	v10 =	vmul.f32 $8.000000000e+00, v19  }
0x153: {  	v18 =	vadd.s32 v2, v6;
	v11 =	vmul.f32 $8.000000000e+00, v11;
	[tilespmem:v12+s12+$0x0] =	vst.idx.msk $0xffff, v7;
	v7 =	vld [tilespmem:s24+$0x60]  }
0x154: {  	v19 =	vadd.s32 v2, v8;
	v12 =	vmul.f32 $8.000000000e+00, v21;
	[tilespmem:v9+s12+$0x0] =	vst.idx.msk $0xffff, v10;
	v9 =	vld [tilespmem:s24+$0xFFFFFFE0]  }
0x155: {  	v10 =	vmul.f32 $8.000000000e+00, v14;
	[tilespmem:v16+s12+$0x0] =	vst.idx.msk $0xffff, v11;
	v11 =	vadd.s32 v2, v23;
	v14 =	vld [tilespmem:s24+$0x20]  }
0x156: {  	[tilespmem:v17+s12+$0x0] =	vst.idx.msk $0xffff, v12;
	v12 =	vmul.f32 $8.000000000e+00, v56;
	v17 =	vadd.s32 v2, v20;
	v16 =	vld [tilespmem:s24+$0xFFFFFFA0]  }
0x157: {  	v13 =	vmul.f32 $8.000000000e+00, v13;
	v21 =	vld [tilespmem:s23+$0x70];
	[tilespmem:v22+s12+$0x0] =	vst.idx.msk $0xffff, v10;
	v10 =	vadd.s32 v2, v25  }
0x158: {  	v22 =	vld [tilespmem:s23+$0xFFFFFFF0];
	[tilespmem:v18+s12+$0x0] =	vst.idx.msk $0xffff, v12;
	v12 =	vadd.s32 v2, v15;
	v7 =	vmul.f32 $8.000000000e+00, v7  }
0x159: {  	v4 =	vadd.s32 v3, v4;
	[tilespmem:v19+s12+$0x0] =	vst.idx.msk $0xffff, v13;
	v13 =	vld [tilespmem:s23+$0x30];
	v9 =	vmul.f32 $8.000000000e+00, v9  }
0x15a: {  	v5 =	vadd.s32 v3, v5;
	v18 =	vld [tilespmem:s23+$0xFFFFFFB0];
	[tilespmem:v11+s12+$0x0] =	vst.idx.msk $0xffff, v7;
	v7 =	vmul.f32 $8.000000000e+00, v14  }
0x15b: {  	v6 =	vadd.s32 v3, v6;
	v11 =	vld [tilespmem:s24+$0x70];
	v14 =	vmul.f32 $8.000000000e+00, v16;
	[tilespmem:v17+s12+$0x0] =	vst.idx.msk $0xffff, v9  }
0x15c: {  	v8 =	vadd.s32 v3, v8;
	v9 =	vmul.f32 $8.000000000e+00, v21;
	v16 =	vld [tilespmem:s24+$0xFFFFFFF0];
	[tilespmem:v10+s12+$0x0] =	vst.idx.msk $0xffff, v7  }
0x15d: {  	v7 =	vmul.f32 $8.000000000e+00, v22;
	v10 =	vadd.s32 v3, v23;
	[tilespmem:v12+s12+$0x0] =	vst.idx.msk $0xffff, v14;
	v12 =	vld [tilespmem:s24+$0x30]  }
0x15e: {  	[tilespmem:v4+s12+$0x0] =	vst.idx.msk $0xffff, v9;
	v4 =	vmul.f32 $8.000000000e+00, v13;
	v13 =	vadd.s32 v3, v20;
	v9 =	vld [tilespmem:s24+$0xFFFFFFB0]  }
0x15f: {  	v14 =	vmul.f32 $8.000000000e+00, v18;
	[tilespmem:v5+s12+$0x0] =	vst.idx.msk $0xffff, v7;
	v5 =	vadd.s32 v3, v25  }
0x160: {  	[tilespmem:v6+s12+$0x0] =	vst.idx.msk $0xffff, v4;
	v6 =	vadd.s32 v3, v15;
	v4 =	vmul.f32 $8.000000000e+00, v11  }
0x161: {  	[tilespmem:v8+s12+$0x0] =	vst.idx.msk $0xffff, v14;
	v7 =	vmul.f32 $8.000000000e+00, v16  }
0x162: {  	[tilespmem:v10+s12+$0x0] =	vst.idx.msk $0xffff, v4;
	v4 =	vmul.f32 $8.000000000e+00, v12  }
0x163: {  	v8 =	vmul.f32 $8.000000000e+00, v9;
	[tilespmem:v13+s12+$0x0] =	vst.idx.msk $0xffff, v7  }
0x164: {  	[tilespmem:v5+s12+$0x0] =	vst.idx.msk $0xffff, v4  }
0x165: {  	[tilespmem:v6+s12+$0x0] =	vst.idx.msk $0xffff, v8  }
0x166: {  	s24 =	rddreg [dreg:$0xc]  }
0x167: {  	s23 =	sadd.s32 s21, s24  }
0x168: {  	[hbm4b:s23+s3] =	stream.linear.scatter [tilespmem:s12], [sflag:$0x6], $0x80, $0x38;
	[tilespmem:$0x16C00] =	vst v63  }
0x169: {  	s29 =	simm.s32 $0x10688;
	s26 =	sadd.s32 $0x10, s23  }
0x16a: {  	[hbm4b:s26+s3] =	stream.linear.scatter [tilespmem:s29], [sflag:$0x6], $0x80, $0x38;
	[tilespmem:$0x16C00] =	vst v63  }
0x16b: {  	s26 =	sadd.s32 $0x20, s23;
	s29 =	simm.s32 $0x10710  }
0x16c: {  	[hbm4b:s26+s3] =	stream.linear.scatter [tilespmem:s29], [sflag:$0x6], $0x80, $0x38;
	[tilespmem:$0x16C00] =	vst v63  }
0x16d: {  	s26 =	sadd.s32 $0x30, s23;
	s29 =	simm.s32 $0x10798  }
0x16e: {  	[hbm4b:s26+s3] =	stream.linear.scatter [tilespmem:s29], [sflag:$0x6], $0x80, $0x38;
	[tilespmem:$0x16C00] =	vst v63  }
0x16f: {  	s26 =	sadd.s32 $0x40, s23;
	s29 =	simm.s32 $0x10820  }
0x170: {  	[hbm4b:s26+s3] =	stream.linear.scatter [tilespmem:s29], [sflag:$0x6], $0x80, $0x38;
	[tilespmem:$0x16C00] =	vst v63  }
0x171: {  	s26 =	sadd.s32 $0x50, s23;
	s29 =	simm.s32 $0x108A8  }
0x172: {  	[hbm4b:s26+s3] =	stream.linear.scatter [tilespmem:s29], [sflag:$0x6], $0x80, $0x38;
	[tilespmem:$0x16C00] =	vst v63  }
0x173: {  	s26 =	sadd.s32 $0x60, s23;
	s29 =	simm.s32 $0x10930  }
0x174: {  	[hbm4b:s26+s3] =	stream.linear.scatter [tilespmem:s29], [sflag:$0x6], $0x80, $0x38;
	[tilespmem:$0x16C00] =	vst v63  }
0x175: {  	s23 =	sadd.s32 $0x70, s23;
	s29 =	simm.s32 $0x109B8;
	s26 =	rddreg [dreg:$0xd]  }
0x176: {  	[hbm4b:s23+s3] =	stream.linear.scatter [tilespmem:s29], [sflag:$0x6], $0x80, $0x38;
	[tilespmem:$0x16C00] =	vst v63  }
0x177: {  	s23 =	sadd.s32 s21, s26;
	s29 =	simm.s32 $0x10A40  }
0x178: {  	[hbm4b:s23+s3] =	stream.linear.scatter [tilespmem:s29], [sflag:$0x6], $0x80, $0x38;
	[tilespmem:$0x16C00] =	vst v63  }
0x179: {  	s26 =	sadd.s32 $0x10, s23;
	s29 =	simm.s32 $0x10AC8  }
0x17a: {  	[hbm4b:s26+s3] =	stream.linear.scatter [tilespmem:s29], [sflag:$0x6], $0x80, $0x38;
	[tilespmem:$0x16C00] =	vst v63  }
0x17b: {  	s26 =	sadd.s32 $0x20, s23;
	s29 =	simm.s32 $0x10B50  }
0x17c: {  	[hbm4b:s26+s3] =	stream.linear.scatter [tilespmem:s29], [sflag:$0x6], $0x80, $0x38;
	[tilespmem:$0x16C00] =	vst v63  }
0x17d: {  	s26 =	sadd.s32 $0x30, s23;
	s29 =	simm.s32 $0x10BD8  }
0x17e: {  	[hbm4b:s26+s3] =	stream.linear.scatter [tilespmem:s29], [sflag:$0x6], $0x80, $0x38;
	[tilespmem:$0x16C00] =	vst v63  }
0x17f: {  	s26 =	sadd.s32 $0x40, s23;
	s29 =	simm.s32 $0x10C60  }
0x180: {  	[hbm4b:s26+s3] =	stream.linear.scatter [tilespmem:s29], [sflag:$0x6], $0x80, $0x38;
	[tilespmem:$0x16C00] =	vst v63  }
0x181: {  	s26 =	sadd.s32 $0x50, s23;
	s29 =	simm.s32 $0x10CE8  }
0x182: {  	[hbm4b:s26+s3] =	stream.linear.scatter [tilespmem:s29], [sflag:$0x6], $0x80, $0x38;
	[tilespmem:$0x16C00] =	vst v63  }
0x183: {  	s26 =	sadd.s32 $0x60, s23;
	s29 =	simm.s32 $0x10D70  }
0x184: {  	[hbm4b:s26+s3] =	stream.linear.scatter [tilespmem:s29], [sflag:$0x6], $0x80, $0x38;
	[tilespmem:$0x16C00] =	vst v63  }
0x185: {  	s23 =	sadd.s32 $0x70, s23;
	s29 =	simm.s32 $0x10DF8;
	s26 =	rddreg [dreg:$0xe]  }
0x186: {  	[hbm4b:s23+s3] =	stream.linear.scatter [tilespmem:s29], [sflag:$0x6], $0x80, $0x38;
	[tilespmem:$0x16C00] =	vst v63  }
0x187: {  	s23 =	sadd.s32 s21, s26;
	s29 =	simm.s32 $0x10E80  }
0x188: {  	[hbm4b:s23+s3] =	stream.linear.scatter [tilespmem:s29], [sflag:$0x6], $0x80, $0x38;
	[tilespmem:$0x16C00] =	vst v63  }
0x189: {  	s26 =	sadd.s32 $0x10, s23;
	s29 =	simm.s32 $0x10F08  }
0x18a: {  	[hbm4b:s26+s3] =	stream.linear.scatter [tilespmem:s29], [sflag:$0x6], $0x80, $0x38;
	[tilespmem:$0x16C00] =	vst v63  }
0x18b: {  	s26 =	sadd.s32 $0x20, s23;
	s29 =	simm.s32 $0x10F90  }
0x18c: {  	[hbm4b:s26+s3] =	stream.linear.scatter [tilespmem:s29], [sflag:$0x6], $0x80, $0x38;
	[tilespmem:$0x16C00] =	vst v63  }
0x18d: {  	s26 =	sadd.s32 $0x30, s23;
	s29 =	simm.s32 $0x11018  }
0x18e: {  	[hbm4b:s26+s3] =	stream.linear.scatter [tilespmem:s29], [sflag:$0x6], $0x80, $0x38;
	[tilespmem:$0x16C00] =	vst v63  }
0x18f: {  	s26 =	sadd.s32 $0x40, s23;
	s29 =	simm.s32 $0x110A0  }
0x190: {  	[hbm4b:s26+s3] =	stream.linear.scatter [tilespmem:s29], [sflag:$0x6], $0x80, $0x38;
	[tilespmem:$0x16C00] =	vst v63  }
0x191: {  	s26 =	sadd.s32 $0x50, s23;
	s29 =	simm.s32 $0x11128  }
0x192: {  	[hbm4b:s26+s3] =	stream.linear.scatter [tilespmem:s29], [sflag:$0x6], $0x80, $0x38;
	[tilespmem:$0x16C00] =	vst v63  }
0x193: {  	s26 =	sadd.s32 $0x60, s23;
	s29 =	simm.s32 $0x111B0  }
0x194: {  	[hbm4b:s26+s3] =	stream.linear.scatter [tilespmem:s29], [sflag:$0x6], $0x80, $0x38;
	[tilespmem:$0x16C00] =	vst v63  }
0x195: {  	s23 =	sadd.s32 $0x70, s23;
	s29 =	simm.s32 $0x11238;
	s26 =	rddreg [dreg:$0xf]  }
0x196: {  	[hbm4b:s23+s3] =	stream.linear.scatter [tilespmem:s29], [sflag:$0x6], $0x80, $0x38;
	[tilespmem:$0x16C00] =	vst v63  }
0x197: {  	s23 =	sadd.s32 s21, s26;
	s29 =	simm.s32 $0x112C0  }
0x198: {  	[hbm4b:s23+s3] =	stream.linear.scatter [tilespmem:s29], [sflag:$0x6], $0x80, $0x38;
	[tilespmem:$0x16C00] =	vst v63  }
0x199: {  	s26 =	sadd.s32 $0x10, s23;
	s29 =	simm.s32 $0x11348  }
0x19a: {  	[hbm4b:s26+s3] =	stream.linear.scatter [tilespmem:s29], [sflag:$0x6], $0x80, $0x38;
	[tilespmem:$0x16C00] =	vst v63  }
0x19b: {  	s26 =	sadd.s32 $0x20, s23;
	s29 =	simm.s32 $0x113D0  }
0x19c: {  	[hbm4b:s26+s3] =	stream.linear.scatter [tilespmem:s29], [sflag:$0x6], $0x80, $0x38;
	[tilespmem:$0x16C00] =	vst v63  }
0x19d: {  	s26 =	sadd.s32 $0x30, s23;
	s29 =	simm.s32 $0x11458  }
0x19e: {  	[hbm4b:s26+s3] =	stream.linear.scatter [tilespmem:s29], [sflag:$0x6], $0x80, $0x38;
	[tilespmem:$0x16C00] =	vst v63  }
0x19f: {  	s26 =	sadd.s32 $0x40, s23;
	s29 =	simm.s32 $0x114E0  }
0x1a0: {  	[hbm4b:s26+s3] =	stream.linear.scatter [tilespmem:s29], [sflag:$0x6], $0x80, $0x38;
	[tilespmem:$0x16C00] =	vst v63  }
0x1a1: {  	s26 =	sadd.s32 $0x50, s23;
	s29 =	simm.s32 $0x11568  }
0x1a2: {  	[hbm4b:s26+s3] =	stream.linear.scatter [tilespmem:s29], [sflag:$0x6], $0x80, $0x38;
	[tilespmem:$0x16C00] =	vst v63  }
0x1a3: {  	s26 =	sadd.s32 $0x60, s23;
	s29 =	simm.s32 $0x115F0  }
0x1a4: {  	[hbm4b:s26+s3] =	stream.linear.scatter [tilespmem:s29], [sflag:$0x6], $0x80, $0x38;
	[tilespmem:$0x16C00] =	vst v63  }
0x1a5: {  	s23 =	sadd.s32 $0x70, s23;
	s29 =	simm.s32 $0x11678;
	s26 =	rddreg [dreg:$0x10]  }
0x1a6: {  	[hbm4b:s23+s3] =	stream.linear.scatter [tilespmem:s29], [sflag:$0x6], $0x80, $0x38;
	[tilespmem:$0x16C00] =	vst v63  }
0x1a7: {  	s23 =	sadd.s32 s21, s26;
	s29 =	simm.s32 $0x11700  }
0x1a8: {  	[hbm4b:s23+s3] =	stream.linear.scatter [tilespmem:s29], [sflag:$0x6], $0x80, $0x38;
	[tilespmem:$0x16C00] =	vst v63  }
0x1a9: {  	s26 =	sadd.s32 $0x10, s23;
	s29 =	simm.s32 $0x11788  }
0x1aa: {  	[hbm4b:s26+s3] =	stream.linear.scatter [tilespmem:s29], [sflag:$0x6], $0x80, $0x38;
	[tilespmem:$0x16C00] =	vst v63  }
0x1ab: {  	s26 =	sadd.s32 $0x20, s23;
	s29 =	simm.s32 $0x11810  }
0x1ac: {  	[hbm4b:s26+s3] =	stream.linear.scatter [tilespmem:s29], [sflag:$0x6], $0x80, $0x38;
	[tilespmem:$0x16C00] =	vst v63  }
0x1ad: {  	s26 =	sadd.s32 $0x30, s23;
	s29 =	simm.s32 $0x11898  }
0x1ae: {  	[hbm4b:s26+s3] =	stream.linear.scatter [tilespmem:s29], [sflag:$0x6], $0x80, $0x38;
	[tilespmem:$0x16C00] =	vst v63  }
0x1af: {  	s26 =	sadd.s32 $0x40, s23;
	s29 =	simm.s32 $0x11920  }
0x1b0: {  	[hbm4b:s26+s3] =	stream.linear.scatter [tilespmem:s29], [sflag:$0x6], $0x80, $0x38;
	[tilespmem:$0x16C00] =	vst v63  }
0x1b1: {  	s26 =	sadd.s32 $0x50, s23;
	s29 =	simm.s32 $0x119A8  }
0x1b2: {  	[hbm4b:s26+s3] =	stream.linear.scatter [tilespmem:s29], [sflag:$0x6], $0x80, $0x38;
	[tilespmem:$0x16C00] =	vst v63  }
0x1b3: {  	s26 =	sadd.s32 $0x60, s23;
	s29 =	simm.s32 $0x11A30  }
0x1b4: {  	[hbm4b:s26+s3] =	stream.linear.scatter [tilespmem:s29], [sflag:$0x6], $0x80, $0x38;
	[tilespmem:$0x16C00] =	vst v63  }
0x1b5: {  	s23 =	sadd.s32 $0x70, s23;
	s29 =	simm.s32 $0x11AB8;
	s26 =	rddreg [dreg:$0x11]  }
0x1b6: {  	[hbm4b:s23+s3] =	stream.linear.scatter [tilespmem:s29], [sflag:$0x6], $0x80, $0x38;
	[tilespmem:$0x16C00] =	vst v63  }
0x1b7: {  	s23 =	sadd.s32 s21, s26;
	s29 =	simm.s32 $0x11B40  }
0x1b8: {  	[hbm4b:s23+s3] =	stream.linear.scatter [tilespmem:s29], [sflag:$0x6], $0x80, $0x38;
	[tilespmem:$0x16C00] =	vst v63  }
0x1b9: {  	s26 =	sadd.s32 $0x10, s23;
	s29 =	simm.s32 $0x11BC8  }
0x1ba: {  	[hbm4b:s26+s3] =	stream.linear.scatter [tilespmem:s29], [sflag:$0x6], $0x80, $0x38;
	[tilespmem:$0x16C00] =	vst v63  }
0x1bb: {  	s26 =	sadd.s32 $0x20, s23;
	s29 =	simm.s32 $0x11C50  }
0x1bc: {  	[hbm4b:s26+s3] =	stream.linear.scatter [tilespmem:s29], [sflag:$0x6], $0x80, $0x38;
	[tilespmem:$0x16C00] =	vst v63  }
0x1bd: {  	s26 =	sadd.s32 $0x30, s23;
	s29 =	simm.s32 $0x11CD8  }
0x1be: {  	[hbm4b:s26+s3] =	stream.linear.scatter [tilespmem:s29], [sflag:$0x6], $0x80, $0x38;
	[tilespmem:$0x16C00] =	vst v63  }
0x1bf: {  	s26 =	sadd.s32 $0x40, s23;
	s29 =	simm.s32 $0x11D60  }
0x1c0: {  	[hbm4b:s26+s3] =	stream.linear.scatter [tilespmem:s29], [sflag:$0x6], $0x80, $0x38;
	[tilespmem:$0x16C00] =	vst v63  }
0x1c1: {  	s26 =	sadd.s32 $0x50, s23;
	s29 =	simm.s32 $0x11DE8  }
0x1c2: {  	[hbm4b:s26+s3] =	stream.linear.scatter [tilespmem:s29], [sflag:$0x6], $0x80, $0x38;
	[tilespmem:$0x16C00] =	vst v63  }
0x1c3: {  	s26 =	sadd.s32 $0x60, s23;
	s29 =	simm.s32 $0x11E70  }
0x1c4: {  	[hbm4b:s26+s3] =	stream.linear.scatter [tilespmem:s29], [sflag:$0x6], $0x80, $0x38;
	[tilespmem:$0x16C00] =	vst v63  }
0x1c5: {  	s23 =	sadd.s32 $0x70, s23;
	s29 =	simm.s32 $0x11EF8;
	s26 =	rddreg [dreg:$0x12]  }
0x1c6: {  	[hbm4b:s23+s3] =	stream.linear.scatter [tilespmem:s29], [sflag:$0x6], $0x80, $0x38;
	[tilespmem:$0x16C00] =	vst v63  }
0x1c7: {  	s23 =	sadd.s32 s21, s26;
	s29 =	simm.s32 $0x11F80  }
0x1c8: {  	[hbm4b:s23+s3] =	stream.linear.scatter [tilespmem:s29], [sflag:$0x6], $0x80, $0x38;
	[tilespmem:$0x16C00] =	vst v63  }
0x1c9: {  	s26 =	sadd.s32 $0x10, s23;
	s29 =	simm.s32 $0x12008  }
0x1ca: {  	[hbm4b:s26+s3] =	stream.linear.scatter [tilespmem:s29], [sflag:$0x6], $0x80, $0x38;
	[tilespmem:$0x16C00] =	vst v63  }
0x1cb: {  	s26 =	sadd.s32 $0x20, s23;
	s29 =	simm.s32 $0x12090  }
0x1cc: {  	[hbm4b:s26+s3] =	stream.linear.scatter [tilespmem:s29], [sflag:$0x6], $0x80, $0x38;
	[tilespmem:$0x16C00] =	vst v63  }
0x1cd: {  	s26 =	sadd.s32 $0x30, s23;
	s29 =	simm.s32 $0x12118  }
0x1ce: {  	[hbm4b:s26+s3] =	stream.linear.scatter [tilespmem:s29], [sflag:$0x6], $0x80, $0x38;
	[tilespmem:$0x16C00] =	vst v63  }
0x1cf: {  	s26 =	sadd.s32 $0x40, s23;
	s29 =	simm.s32 $0x121A0  }
0x1d0: {  	[hbm4b:s26+s3] =	stream.linear.scatter [tilespmem:s29], [sflag:$0x6], $0x80, $0x38;
	[tilespmem:$0x16C00] =	vst v63  }
0x1d1: {  	s26 =	sadd.s32 $0x50, s23;
	s29 =	simm.s32 $0x12228  }
0x1d2: {  	[hbm4b:s26+s3] =	stream.linear.scatter [tilespmem:s29], [sflag:$0x6], $0x80, $0x38;
	[tilespmem:$0x16C00] =	vst v63  }
0x1d3: {  	s26 =	sadd.s32 $0x60, s23;
	s29 =	simm.s32 $0x122B0  }
0x1d4: {  	[hbm4b:s26+s3] =	stream.linear.scatter [tilespmem:s29], [sflag:$0x6], $0x80, $0x38;
	[tilespmem:$0x16C00] =	vst v63  }
0x1d5: {  	s23 =	sadd.s32 $0x70, s23;
	s29 =	simm.s32 $0x12338;
	s26 =	rddreg [dreg:$0x13]  }
0x1d6: {  	[hbm4b:s23+s3] =	stream.linear.scatter [tilespmem:s29], [sflag:$0x6], $0x80, $0x38;
	[tilespmem:$0x16C00] =	vst v63  }
0x1d7: {  	s23 =	sadd.s32 s21, s26;
	s29 =	simm.s32 $0x123C0  }
0x1d8: {  	[hbm4b:s23+s3] =	stream.linear.scatter [tilespmem:s29], [sflag:$0x6], $0x80, $0x38;
	[tilespmem:$0x16C00] =	vst v63  }
0x1d9: {  	s26 =	sadd.s32 $0x10, s23;
	s29 =	simm.s32 $0x12448  }
0x1da: {  	[hbm4b:s26+s3] =	stream.linear.scatter [tilespmem:s29], [sflag:$0x6], $0x80, $0x38;
	[tilespmem:$0x16C00] =	vst v63  }
0x1db: {  	s26 =	sadd.s32 $0x20, s23;
	s29 =	simm.s32 $0x124D0  }
0x1dc: {  	[hbm4b:s26+s3] =	stream.linear.scatter [tilespmem:s29], [sflag:$0x6], $0x80, $0x38;
	[tilespmem:$0x16C00] =	vst v63  }
0x1dd: {  	s26 =	sadd.s32 $0x30, s23;
	s29 =	simm.s32 $0x12558  }
0x1de: {  	[hbm4b:s26+s3] =	stream.linear.scatter [tilespmem:s29], [sflag:$0x6], $0x80, $0x38;
	[tilespmem:$0x16C00] =	vst v63  }
0x1df: {  	s26 =	sadd.s32 $0x40, s23;
	s29 =	simm.s32 $0x125E0  }
0x1e0: {  	[hbm4b:s26+s3] =	stream.linear.scatter [tilespmem:s29], [sflag:$0x6], $0x80, $0x38;
	[tilespmem:$0x16C00] =	vst v63  }
0x1e1: {  	s26 =	sadd.s32 $0x50, s23;
	s29 =	simm.s32 $0x12668  }
0x1e2: {  	[hbm4b:s26+s3] =	stream.linear.scatter [tilespmem:s29], [sflag:$0x6], $0x80, $0x38;
	[tilespmem:$0x16C00] =	vst v63  }
0x1e3: {  	s26 =	sadd.s32 $0x60, s23;
	s29 =	simm.s32 $0x126F0  }
0x1e4: {  	[hbm4b:s26+s3] =	stream.linear.scatter [tilespmem:s29], [sflag:$0x6], $0x80, $0x38;
	[tilespmem:$0x16C00] =	vst v63  }
0x1e5: {  	s23 =	sadd.s32 $0x70, s23;
	s29 =	simm.s32 $0x12778  }
0x1e6: {  	[hbm4b:s23+s3] =	stream.linear.scatter [tilespmem:s29], [sflag:$0x6], $0x80, $0x38;
	[tilespmem:$0x16C00] =	vst v63  }
0x1e7: {  	s24 =	simm.s32 @!p0 $0x80;
	s26 =	simm.s32 @!p0 $0x8400;
	s23 =	sadd.s32 @!p0 $0x280, s22  }
0x1e8: {  	[tilespmem:s26], [sflag:$0x2] =	stream.indirect.gather @!p0 [hbm4b:s4+s24], $0x40, s23, s24, $0xb8;
	[tilespmem:$0x16C00] =	vst v63  }
0x1e9: {  	_ =	swait.ge @p1 [sflag:s18], $0x2000  }
0x1ea: {  	[sflag:s18] =	ssyncset.done @p1 $0x0  }
0x1eb: {  	[sflag:s18] =	ssyncadd.s32 @p1 $0xFFFFE000  }
0x1ec: {  	_ =	swait.ge [sflag:s13], $0x2000  }
0x1ed: {  	[sflag:s13] =	ssyncset.done $0x0  }
0x1ee: {  	s28 =	simm.s32 $0xA480;
	s26 =	simm.s32 $0x3;
	[sflag:s13] =	ssyncadd.s32 $0xFFFFE000  }
0x1ef: {  	v5 =	vmov s26;
	v4 =	vld [tilespmem:s28+$0x40]  }
0x1f0: {  	v9 =	vand.u32 $0x7F, v5  }
0x1f1: {  	s29 =	simm.s32 $0x1;
	v5 =	vadd.s32 v0, v9  }
0x1f2: {  	v6 =	vmov s29;
	v8 =	vld [tilespmem:s28+$0xFFFFFFC0]  }
0x1f3: {  	s24 =	simm.s32 $0x2;
	v14 =	vand.u32 $0x7D, v6  }
0x1f4: {  	v7 =	vmov s24;
	s26 =	simm.s32 $0x0;
	v10 =	vadd.s32 v0, v14;
	v6 =	vld [tilespmem:s28+$0x0];
	v4 =	vmul.f32 $8.000000000e+00, v4  }
0x1f5: {  	v17 =	vand.u32 $0x7E, v7;
	v7 =	vmov s26;
	v11 =	vld [tilespmem:s28+$0xFFFFFF80]  }
0x1f6: {  	v12 =	vadd.s32 v0, v17;
	v7 =	vand.u32 $0x7C, v7;
	[tilespmem:v5+s14+$0x0] =	vst.idx.msk $0xffff, v4  }
0x1f7: {  	v4 =	vadd.s32 v0, v7;
	v5 =	vmul.f32 $8.000000000e+00, v8;
	v8 =	vld [tilespmem:s28+$0x50];
	_ =	sdelay $0x1  }
0x1f8: {  	v6 =	vmul.f32 $8.000000000e+00, v6;
	[tilespmem:v10+s14+$0x0] =	vst.idx.msk $0xffff, v5;
	v5 =	vadd.s32 v1, v9  }
0x1f9: {  	v10 =	vmul.f32 $8.000000000e+00, v11  }
0x1fa: {  	[tilespmem:v12+s14+$0x0] =	vst.idx.msk $0xffff, v6;
	v11 =	vld [tilespmem:s28+$0xFFFFFFD0]  }
0x1fb: {  	v6 =	vld [tilespmem:s28+$0x10];
	[tilespmem:v4+s14+$0x0] =	vst.idx.msk $0xffff, v10;
	v4 =	vmul.f32 $8.000000000e+00, v8  }
0x1fc: {  	s29 =	simm.s32 $0x4;
	s23 =	simm.s32 $0xA580;
	s26 =	simm.s32 $0x7;
	v10 =	vadd.s32 v1, v14;
	v8 =	vld [tilespmem:s28+$0xFFFFFF90]  }
0x1fd: {  	v13 =	vmov s29;
	v15 =	vld [tilespmem:s23+$0x40];
	v12 =	vadd.s32 v1, v17;
	[tilespmem:v5+s14+$0x0] =	vst.idx.msk $0xffff, v4;
	v4 =	vmov s26  }
0x1fe: {  	s29 =	simm.s32 $0x5;
	v23 =	vadd.s32 v2, v9;
	v16 =	vadd.s32 v1, v7;
	v4 =	vand.u32 $0x7F, v4;
	v18 =	vld [tilespmem:s28+$0x60]  }
0x1ff: {  	v20 =	vld [tilespmem:s23+$0xFFFFFFC0];
	v5 =	vmov s29;
	v11 =	vmul.f32 $8.000000000e+00, v11;
	s26 =	simm.s32 $0x6;
	v21 =	vadd.s32 v0, v4  }
0x200: {  	v22 =	vld [tilespmem:s23+$0x0];
	v19 =	vmul.f32 $8.000000000e+00, v6;
	v6 =	vmov s26;
	v5 =	vand.u32 $0x7D, v5  }
0x201: {  	[tilespmem:v10+s14+$0x0] =	vst.idx.msk $0xffff, v11;
	v10 =	vld [tilespmem:s23+$0xFFFFFF80];
	v11 =	vadd.s32 v0, v5;
	v6 =	vand.u32 $0x7E, v6;
	v57 =	vmul.f32 $8.000000000e+00, v8  }
0x202: {  	[tilespmem:v12+s14+$0x0] =	vst.idx.msk $0xffff, v19;
	v8 =	vand.u32 $0x7C, v13;
	v12 =	vadd.s32 v0, v6;
	v13 =	vmul.f32 $8.000000000e+00, v15;
	v15 =	vld [tilespmem:s28+$0xFFFFFFE0]  }
0x203: {  	v19 =	vld [tilespmem:s28+$0x20];
	[tilespmem:v16+s14+$0x0] =	vst.idx.msk $0xffff, v57;
	v16 =	vadd.s32 v0, v8;
	v18 =	vmul.f32 $8.000000000e+00, v18  }
0x204: {  	v20 =	vmul.f32 $8.000000000e+00, v20;
	[tilespmem:v21+s14+$0x0] =	vst.idx.msk $0xffff, v13;
	v13 =	vld [tilespmem:s28+$0xFFFFFFA0];
	v21 =	vadd.s32 v2, v14  }
0x205: {  	v59 =	vadd.s32 v2, v17;
	v22 =	vmul.f32 $8.000000000e+00, v22;
	v58 =	vld [tilespmem:s23+$0x50];
	[tilespmem:v23+s14+$0x0] =	vst.idx.msk $0xffff, v18  }
0x206: {  	v10 =	vmul.f32 $8.000000000e+00, v10;
	[tilespmem:v11+s14+$0x0] =	vst.idx.msk $0xffff, v20;
	v20 =	vadd.s32 v2, v7;
	v23 =	vld [tilespmem:s28+$0x70]  }
0x207: {  	v60 =	vld [tilespmem:s23+$0xFFFFFFD0];
	[tilespmem:v12+s14+$0x0] =	vst.idx.msk $0xffff, v22;
	v22 =	vadd.s32 v1, v4;
	v11 =	vmul.f32 $8.000000000e+00, v15  }
0x208: {  	v62 =	vadd.s32 v3, v9;
	v12 =	vmul.f32 $8.000000000e+00, v19;
	v61 =	vld [tilespmem:s23+$0x10];
	[tilespmem:v16+s14+$0x0] =	vst.idx.msk $0xffff, v10  }
0x209: {  	v18 =	vadd.s32 v1, v5;
	v10 =	vld [tilespmem:s23+$0xFFFFFF90];
	v13 =	vmul.f32 $8.000000000e+00, v13;
	[tilespmem:v21+s14+$0x0] =	vst.idx.msk $0xffff, v11  }
0x20a: {  	v16 =	vadd.s32 v1, v6;
	[tilespmem:v59+s14+$0x0] =	vst.idx.msk $0xffff, v12;
	v19 =	vmul.f32 $8.000000000e+00, v58;
	v9 =	vld [tilespmem:s28+$0xFFFFFFF0]  }
0x20b: {  	v17 =	vadd.s32 v3, v17;
	s29 =	simm.s32 $0x9;
	v12 =	vld [tilespmem:s28+$0x30];
	v11 =	vadd.s32 v1, v8;
	[tilespmem:v20+s14+$0x0] =	vst.idx.msk $0xffff, v13;
	v63 =	vmul.f32 $8.000000000e+00, v23  }
0x20c: {  	s24 =	simm.s32 $0xA680;
	s26 =	simm.s32 $0x8;
	v14 =	vadd.s32 v3, v14;
	v21 =	vmul.f32 $8.000000000e+00, v60;
	v20 =	vmov s29;
	s29 =	simm.s32 $0xB;
	[tilespmem:v22+s14+$0x0] =	vst.idx.msk $0xffff, v19;
	v13 =	vld [tilespmem:s28+$0xFFFFFFB0]  }
0x20d: {  	v15 =	vmov s26;
	v19 =	vld [tilespmem:s24+$0x40];
	v23 =	vmov s29;
	s28 =	simm.s32 $0xC;
	v22 =	vmul.f32 $8.000000000e+00, v61;
	[tilespmem:v62+s14+$0x0] =	vst.idx.msk $0xffff, v63  }
.LBB2_7:
0x20e: {  	p2 =	slt.u32 s28, $0x7C;
	s29 =	sadd.s32 $0x2, s26;
	v23 =	vand.u32 $0x7F, v23;
	v10 =	vmul.f32 $8.000000000e+00, v10;
	[tilespmem:v18+s14+$0x0] =	vst.idx.msk $0xffff, v21;
	v18 =	vld [tilespmem:s23+$0x60];
	v21 =	vadd.s32 v3, v7;
	v7 =	vmovc v8;
	s26 =	smov.u32 s28  }
0x20f: {  	v24 =	vld [tilespmem:s24+$0xFFFFFFC0];
	v8 =	vmov s29;
	v25 =	vadd.s32 v0, v23;
	[tilespmem:v16+s14+$0x0] =	vst.idx.msk $0xffff, v22;
	v9 =	vmul.f32 $8.000000000e+00, v9  }
0x210: {  	v22 =	vand.u32 $0x7D, v20;
	v16 =	vld [tilespmem:s24+$0x0];
	[tilespmem:v11+s14+$0x0] =	vst.idx.msk $0xffff, v10;
	v10 =	vadd.s32 v2, v4;
	v11 =	vmul.f32 $8.000000000e+00, v12  }
0x211: {  	v20 =	vadd.s32 v0, v22;
	v26 =	vand.u32 $0x7E, v8;
	v12 =	vld [tilespmem:s24+$0xFFFFFF80];
	v13 =	vmul.f32 $8.000000000e+00, v13;
	[tilespmem:v14+s14+$0x0] =	vst.idx.msk $0xffff, v9  }
0x212: {  	v8 =	vand.u32 $0x7C, v15;
	v9 =	vadd.s32 v0, v26;
	v14 =	vmul.f32 $8.000000000e+00, v19;
	v15 =	vld [tilespmem:s23+$0xFFFFFFE0];
	[tilespmem:v17+s14+$0x0] =	vst.idx.msk $0xffff, v11  }
0x213: {  	v11 =	vadd.s32 v0, v8;
	v17 =	vld [tilespmem:s23+$0x20];
	v18 =	vmul.f32 $8.000000000e+00, v18;
	[tilespmem:v21+s14+$0x0] =	vst.idx.msk $0xffff, v13  }
0x214: {  	v19 =	vadd.s32 v2, v5;
	v13 =	vmul.f32 $8.000000000e+00, v24;
	[tilespmem:v25+s14+$0x0] =	vst.idx.msk $0xffff, v14;
	v14 =	vld [tilespmem:s23+$0xFFFFFFA0]  }
0x215: {  	v24 =	vadd.s32 v2, v6;
	v16 =	vmul.f32 $8.000000000e+00, v16;
	v21 =	vld [tilespmem:s24+$0x50];
	[tilespmem:v10+s14+$0x0] =	vst.idx.msk $0xffff, v18  }
0x216: {  	v10 =	vmul.f32 $8.000000000e+00, v12;
	[tilespmem:v20+s14+$0x0] =	vst.idx.msk $0xffff, v13;
	v12 =	vadd.s32 v2, v7;
	v13 =	vld [tilespmem:s23+$0x70]  }
0x217: {  	v27 =	vadd.s32 v1, v23;
	v25 =	vld [tilespmem:s24+$0xFFFFFFD0];
	[tilespmem:v9+s14+$0x0] =	vst.idx.msk $0xffff, v16;
	v9 =	vmul.f32 $8.000000000e+00, v15  }
0x218: {  	v29 =	vadd.s32 v3, v4;
	v4 =	vmov v23;
	[tilespmem:v11+s14+$0x0] =	vst.idx.msk $0xffff, v10;
	v28 =	vld [tilespmem:s24+$0x10];
	v11 =	vmul.f32 $8.000000000e+00, v17  }
.Ltmp2:
0x219: {  	v18 =	vadd.s32 v1, v22;
	v10 =	vld [tilespmem:s24+$0xFFFFFF90];
	v14 =	vmul.f32 $8.000000000e+00, v14;
	[tilespmem:v19+s14+$0x0] =	vst.idx.msk $0xffff, v9;
	(pc) =	sbr.rel @p2 .LBB2_7-.Ltmp2, $4  }
0x21a: {  	v16 =	vadd.s32 v1, v26;
	v17 =	vmul.f32 $8.000000000e+00, v21;
	v9 =	vld [tilespmem:s23+$0xFFFFFFF0];
	[tilespmem:v24+s14+$0x0] =	vst.idx.msk $0xffff, v11  }
0x21b: {  	s29 =	sadd.s32 $0x1, s28;
	v15 =	vmov s28;
	v11 =	vadd.s32 v1, v8;
	[tilespmem:v12+s14+$0x0] =	vst.idx.msk $0xffff, v14;
	v12 =	vld [tilespmem:s23+$0x30];
	v24 =	vmul.f32 $8.000000000e+00, v13  }
0x21c: {  	v20 =	vmov s29;
	s29 =	sadd.s32 $0x3, s28;
	v14 =	vadd.s32 v3, v5;
	v5 =	vmovc v22;
	v21 =	vmul.f32 $8.000000000e+00, v25;
	[tilespmem:v27+s14+$0x0] =	vst.idx.msk $0xffff, v17;
	v13 =	vld [tilespmem:s23+$0xFFFFFFB0];
	s23 =	smov.u32 s24;
	s24 =	sadd.s32 $0x100, s24  }
0x21d: {  	v23 =	vmov s29;
	s28 =	sadd.s32 $0x4, s28;
	v17 =	vadd.s32 v3, v6;
	v6 =	vmovc v26;
	v19 =	vld [tilespmem:s24+$0x40];
	v22 =	vmul.f32 $8.000000000e+00, v28;
	[tilespmem:v29+s14+$0x0] =	vst.idx.msk $0xffff, v24  }
0x21e: {  	s26 =	sadd.s32 $0x2, s26;
	v23 =	vand.u32 $0x7F, v23;
	v24 =	vld [tilespmem:s24+$0xFFFFFFC0]  }
0x21f: {  	v20 =	vand.u32 $0x7D, v20;
	v27 =	vld [tilespmem:s24+$0x0];
	v25 =	vmov s26;
	v26 =	vadd.s32 v0, v23  }
0x220: {  	v28 =	vld [tilespmem:s24+$0xFFFFFF80];
	v29 =	vadd.s32 v0, v20;
	v25 =	vand.u32 $0x7E, v25  }
0x221: {  	v15 =	vand.u32 $0x7C, v15;
	v30 =	vadd.s32 v0, v25  }
0x222: {  	[tilespmem:v18+s14+$0x0] =	vst.idx.msk $0xffff, v21;
	v18 =	vmul.f32 $8.000000000e+00, v19;
	v19 =	vadd.s32 v0, v15  }
0x223: {  	[tilespmem:v16+s14+$0x0] =	vst.idx.msk $0xffff, v22;
	v16 =	vmul.f32 $8.000000000e+00, v24  }
0x224: {  	[tilespmem:v26+s14+$0x0] =	vst.idx.msk $0xffff, v18;
	v18 =	vmul.f32 $8.000000000e+00, v27  }
0x225: {  	v21 =	vmul.f32 $8.000000000e+00, v28;
	[tilespmem:v29+s14+$0x0] =	vst.idx.msk $0xffff, v16;
	v16 =	vld [tilespmem:s24+$0x50]  }
0x226: {  	v10 =	vmul.f32 $8.000000000e+00, v10;
	v7 =	vadd.s32 v3, v7;
	v22 =	vld [tilespmem:s24+$0xFFFFFFD0];
	[tilespmem:v30+s14+$0x0] =	vst.idx.msk $0xffff, v18  }
0x227: {  	v9 =	vmul.f32 $8.000000000e+00, v9;
	v18 =	vadd.s32 v1, v23;
	[tilespmem:v19+s14+$0x0] =	vst.idx.msk $0xffff, v21;
	v19 =	vld [tilespmem:s24+$0x10]  }
0x228: {  	[tilespmem:v11+s14+$0x0] =	vst.idx.msk $0xffff, v10;
	v10 =	vmul.f32 $8.000000000e+00, v12;
	v12 =	vadd.s32 v1, v20;
	v11 =	vld [tilespmem:s24+$0xFFFFFF90]  }
0x229: {  	v13 =	vmul.f32 $8.000000000e+00, v13;
	[tilespmem:v14+s14+$0x0] =	vst.idx.msk $0xffff, v9;
	v9 =	vadd.s32 v1, v25;
	v21 =	vld [tilespmem:s23+$0x60]  }
0x22a: {  	v14 =	vld [tilespmem:s23+$0xFFFFFFE0];
	[tilespmem:v17+s14+$0x0] =	vst.idx.msk $0xffff, v10;
	v10 =	vmul.f32 $8.000000000e+00, v16;
	v16 =	vadd.s32 v1, v15  }
0x22b: {  	v56 =	vld [tilespmem:s23+$0x20];
	v17 =	vadd.s32 v2, v4;
	[tilespmem:v7+s14+$0x0] =	vst.idx.msk $0xffff, v13;
	v7 =	vmul.f32 $8.000000000e+00, v22  }
0x22c: {  	v13 =	vld [tilespmem:s23+$0xFFFFFFA0];
	v22 =	vadd.s32 v2, v5;
	[tilespmem:v18+s14+$0x0] =	vst.idx.msk $0xffff, v10;
	v10 =	vmul.f32 $8.000000000e+00, v19  }
0x22d: {  	v18 =	vadd.s32 v2, v6;
	v11 =	vmul.f32 $8.000000000e+00, v11;
	[tilespmem:v12+s14+$0x0] =	vst.idx.msk $0xffff, v7;
	v7 =	vld [tilespmem:s24+$0x60]  }
0x22e: {  	v19 =	vadd.s32 v2, v8;
	v12 =	vmul.f32 $8.000000000e+00, v21;
	[tilespmem:v9+s14+$0x0] =	vst.idx.msk $0xffff, v10;
	v9 =	vld [tilespmem:s24+$0xFFFFFFE0]  }
0x22f: {  	v10 =	vmul.f32 $8.000000000e+00, v14;
	[tilespmem:v16+s14+$0x0] =	vst.idx.msk $0xffff, v11;
	v11 =	vadd.s32 v2, v23;
	v14 =	vld [tilespmem:s24+$0x20]  }
0x230: {  	[tilespmem:v17+s14+$0x0] =	vst.idx.msk $0xffff, v12;
	v12 =	vmul.f32 $8.000000000e+00, v56;
	v17 =	vadd.s32 v2, v20;
	v16 =	vld [tilespmem:s24+$0xFFFFFFA0]  }
0x231: {  	v13 =	vmul.f32 $8.000000000e+00, v13;
	v21 =	vld [tilespmem:s23+$0x70];
	[tilespmem:v22+s14+$0x0] =	vst.idx.msk $0xffff, v10;
	v10 =	vadd.s32 v2, v25  }
0x232: {  	v22 =	vld [tilespmem:s23+$0xFFFFFFF0];
	[tilespmem:v18+s14+$0x0] =	vst.idx.msk $0xffff, v12;
	v12 =	vadd.s32 v2, v15;
	v7 =	vmul.f32 $8.000000000e+00, v7  }
0x233: {  	v4 =	vadd.s32 v3, v4;
	[tilespmem:v19+s14+$0x0] =	vst.idx.msk $0xffff, v13;
	v13 =	vld [tilespmem:s23+$0x30];
	v9 =	vmul.f32 $8.000000000e+00, v9  }
0x234: {  	v5 =	vadd.s32 v3, v5;
	v18 =	vld [tilespmem:s23+$0xFFFFFFB0];
	[tilespmem:v11+s14+$0x0] =	vst.idx.msk $0xffff, v7;
	v7 =	vmul.f32 $8.000000000e+00, v14  }
0x235: {  	v6 =	vadd.s32 v3, v6;
	v11 =	vld [tilespmem:s24+$0x70];
	v14 =	vmul.f32 $8.000000000e+00, v16;
	[tilespmem:v17+s14+$0x0] =	vst.idx.msk $0xffff, v9  }
0x236: {  	v8 =	vadd.s32 v3, v8;
	v9 =	vmul.f32 $8.000000000e+00, v21;
	v16 =	vld [tilespmem:s24+$0xFFFFFFF0];
	[tilespmem:v10+s14+$0x0] =	vst.idx.msk $0xffff, v7  }
0x237: {  	v7 =	vmul.f32 $8.000000000e+00, v22;
	v10 =	vadd.s32 v3, v23;
	[tilespmem:v12+s14+$0x0] =	vst.idx.msk $0xffff, v14;
	v12 =	vld [tilespmem:s24+$0x30]  }
0x238: {  	[tilespmem:v4+s14+$0x0] =	vst.idx.msk $0xffff, v9;
	v4 =	vmul.f32 $8.000000000e+00, v13;
	v13 =	vadd.s32 v3, v20;
	v9 =	vld [tilespmem:s24+$0xFFFFFFB0]  }
0x239: {  	v14 =	vmul.f32 $8.000000000e+00, v18;
	[tilespmem:v5+s14+$0x0] =	vst.idx.msk $0xffff, v7;
	v5 =	vadd.s32 v3, v25  }
0x23a: {  	[tilespmem:v6+s14+$0x0] =	vst.idx.msk $0xffff, v4;
	v6 =	vadd.s32 v3, v15;
	v4 =	vmul.f32 $8.000000000e+00, v11  }
0x23b: {  	[tilespmem:v8+s14+$0x0] =	vst.idx.msk $0xffff, v14;
	v7 =	vmul.f32 $8.000000000e+00, v16  }
0x23c: {  	[tilespmem:v10+s14+$0x0] =	vst.idx.msk $0xffff, v4;
	v4 =	vmul.f32 $8.000000000e+00, v12  }
0x23d: {  	v8 =	vmul.f32 $8.000000000e+00, v9;
	[tilespmem:v13+s14+$0x0] =	vst.idx.msk $0xffff, v7  }
0x23e: {  	[tilespmem:v5+s14+$0x0] =	vst.idx.msk $0xffff, v4  }
0x23f: {  	[tilespmem:v6+s14+$0x0] =	vst.idx.msk $0xffff, v8  }
0x240: {  	s24 =	rddreg [dreg:$0x14]  }
0x241: {  	s23 =	sadd.s32 s21, s24  }
0x242: {  	[hbm4b:s23+s3] =	stream.linear.scatter [tilespmem:s14], [sflag:$0x7], $0x80, $0x38;
	[tilespmem:$0x16C00] =	vst v63  }
0x243: {  	s29 =	simm.s32 $0x12888;
	s26 =	sadd.s32 $0x10, s23  }
0x244: {  	[hbm4b:s26+s3] =	stream.linear.scatter [tilespmem:s29], [sflag:$0x7], $0x80, $0x38;
	[tilespmem:$0x16C00] =	vst v63  }
0x245: {  	s26 =	sadd.s32 $0x20, s23;
	s29 =	simm.s32 $0x12910  }
0x246: {  	[hbm4b:s26+s3] =	stream.linear.scatter [tilespmem:s29], [sflag:$0x7], $0x80, $0x38;
	[tilespmem:$0x16C00] =	vst v63  }
0x247: {  	s26 =	sadd.s32 $0x30, s23;
	s29 =	simm.s32 $0x12998  }
0x248: {  	[hbm4b:s26+s3] =	stream.linear.scatter [tilespmem:s29], [sflag:$0x7], $0x80, $0x38;
	[tilespmem:$0x16C00] =	vst v63  }
0x249: {  	s26 =	sadd.s32 $0x40, s23;
	s29 =	simm.s32 $0x12A20  }
0x24a: {  	[hbm4b:s26+s3] =	stream.linear.scatter [tilespmem:s29], [sflag:$0x7], $0x80, $0x38;
	[tilespmem:$0x16C00] =	vst v63  }
0x24b: {  	s26 =	sadd.s32 $0x50, s23;
	s29 =	simm.s32 $0x12AA8  }
0x24c: {  	[hbm4b:s26+s3] =	stream.linear.scatter [tilespmem:s29], [sflag:$0x7], $0x80, $0x38;
	[tilespmem:$0x16C00] =	vst v63  }
0x24d: {  	s26 =	sadd.s32 $0x60, s23;
	s29 =	simm.s32 $0x12B30  }
0x24e: {  	[hbm4b:s26+s3] =	stream.linear.scatter [tilespmem:s29], [sflag:$0x7], $0x80, $0x38;
	[tilespmem:$0x16C00] =	vst v63  }
0x24f: {  	s23 =	sadd.s32 $0x70, s23;
	s29 =	simm.s32 $0x12BB8;
	s26 =	rddreg [dreg:$0x15]  }
0x250: {  	[hbm4b:s23+s3] =	stream.linear.scatter [tilespmem:s29], [sflag:$0x7], $0x80, $0x38;
	[tilespmem:$0x16C00] =	vst v63  }
0x251: {  	s23 =	sadd.s32 s21, s26;
	s29 =	simm.s32 $0x12C40  }
0x252: {  	[hbm4b:s23+s3] =	stream.linear.scatter [tilespmem:s29], [sflag:$0x7], $0x80, $0x38;
	[tilespmem:$0x16C00] =	vst v63  }
0x253: {  	s26 =	sadd.s32 $0x10, s23;
	s29 =	simm.s32 $0x12CC8  }
0x254: {  	[hbm4b:s26+s3] =	stream.linear.scatter [tilespmem:s29], [sflag:$0x7], $0x80, $0x38;
	[tilespmem:$0x16C00] =	vst v63  }
0x255: {  	s26 =	sadd.s32 $0x20, s23;
	s29 =	simm.s32 $0x12D50  }
0x256: {  	[hbm4b:s26+s3] =	stream.linear.scatter [tilespmem:s29], [sflag:$0x7], $0x80, $0x38;
	[tilespmem:$0x16C00] =	vst v63  }
0x257: {  	s26 =	sadd.s32 $0x30, s23;
	s29 =	simm.s32 $0x12DD8  }
0x258: {  	[hbm4b:s26+s3] =	stream.linear.scatter [tilespmem:s29], [sflag:$0x7], $0x80, $0x38;
	[tilespmem:$0x16C00] =	vst v63  }
0x259: {  	s26 =	sadd.s32 $0x40, s23;
	s29 =	simm.s32 $0x12E60  }
0x25a: {  	[hbm4b:s26+s3] =	stream.linear.scatter [tilespmem:s29], [sflag:$0x7], $0x80, $0x38;
	[tilespmem:$0x16C00] =	vst v63  }
0x25b: {  	s26 =	sadd.s32 $0x50, s23;
	s29 =	simm.s32 $0x12EE8  }
0x25c: {  	[hbm4b:s26+s3] =	stream.linear.scatter [tilespmem:s29], [sflag:$0x7], $0x80, $0x38;
	[tilespmem:$0x16C00] =	vst v63  }
0x25d: {  	s26 =	sadd.s32 $0x60, s23;
	s29 =	simm.s32 $0x12F70  }
0x25e: {  	[hbm4b:s26+s3] =	stream.linear.scatter [tilespmem:s29], [sflag:$0x7], $0x80, $0x38;
	[tilespmem:$0x16C00] =	vst v63  }
0x25f: {  	s23 =	sadd.s32 $0x70, s23;
	s29 =	simm.s32 $0x12FF8;
	s26 =	rddreg [dreg:$0x16]  }
0x260: {  	[hbm4b:s23+s3] =	stream.linear.scatter [tilespmem:s29], [sflag:$0x7], $0x80, $0x38;
	[tilespmem:$0x16C00] =	vst v63  }
0x261: {  	s23 =	sadd.s32 s21, s26;
	s29 =	simm.s32 $0x13080  }
0x262: {  	[hbm4b:s23+s3] =	stream.linear.scatter [tilespmem:s29], [sflag:$0x7], $0x80, $0x38;
	[tilespmem:$0x16C00] =	vst v63  }
0x263: {  	s26 =	sadd.s32 $0x10, s23;
	s29 =	simm.s32 $0x13108  }
0x264: {  	[hbm4b:s26+s3] =	stream.linear.scatter [tilespmem:s29], [sflag:$0x7], $0x80, $0x38;
	[tilespmem:$0x16C00] =	vst v63  }
0x265: {  	s26 =	sadd.s32 $0x20, s23;
	s29 =	simm.s32 $0x13190  }
0x266: {  	[hbm4b:s26+s3] =	stream.linear.scatter [tilespmem:s29], [sflag:$0x7], $0x80, $0x38;
	[tilespmem:$0x16C00] =	vst v63  }
0x267: {  	s26 =	sadd.s32 $0x30, s23;
	s29 =	simm.s32 $0x13218  }
0x268: {  	[hbm4b:s26+s3] =	stream.linear.scatter [tilespmem:s29], [sflag:$0x7], $0x80, $0x38;
	[tilespmem:$0x16C00] =	vst v63  }
0x269: {  	s26 =	sadd.s32 $0x40, s23;
	s29 =	simm.s32 $0x132A0  }
0x26a: {  	[hbm4b:s26+s3] =	stream.linear.scatter [tilespmem:s29], [sflag:$0x7], $0x80, $0x38;
	[tilespmem:$0x16C00] =	vst v63  }
0x26b: {  	s26 =	sadd.s32 $0x50, s23;
	s29 =	simm.s32 $0x13328  }
0x26c: {  	[hbm4b:s26+s3] =	stream.linear.scatter [tilespmem:s29], [sflag:$0x7], $0x80, $0x38;
	[tilespmem:$0x16C00] =	vst v63  }
0x26d: {  	s26 =	sadd.s32 $0x60, s23;
	s29 =	simm.s32 $0x133B0  }
0x26e: {  	[hbm4b:s26+s3] =	stream.linear.scatter [tilespmem:s29], [sflag:$0x7], $0x80, $0x38;
	[tilespmem:$0x16C00] =	vst v63  }
0x26f: {  	s23 =	sadd.s32 $0x70, s23;
	s29 =	simm.s32 $0x13438;
	s26 =	rddreg [dreg:$0x18]  }
0x270: {  	[hbm4b:s23+s3] =	stream.linear.scatter [tilespmem:s29], [sflag:$0x7], $0x80, $0x38;
	[tilespmem:$0x16C00] =	vst v63  }
0x271: {  	s23 =	sadd.s32 s21, s26;
	s29 =	simm.s32 $0x134C0  }
0x272: {  	[hbm4b:s23+s3] =	stream.linear.scatter [tilespmem:s29], [sflag:$0x7], $0x80, $0x38;
	[tilespmem:$0x16C00] =	vst v63  }
0x273: {  	s26 =	sadd.s32 $0x10, s23;
	s29 =	simm.s32 $0x13548  }
0x274: {  	[hbm4b:s26+s3] =	stream.linear.scatter [tilespmem:s29], [sflag:$0x7], $0x80, $0x38;
	[tilespmem:$0x16C00] =	vst v63  }
0x275: {  	s26 =	sadd.s32 $0x20, s23;
	s29 =	simm.s32 $0x135D0  }
0x276: {  	[hbm4b:s26+s3] =	stream.linear.scatter [tilespmem:s29], [sflag:$0x7], $0x80, $0x38;
	[tilespmem:$0x16C00] =	vst v63  }
0x277: {  	s26 =	sadd.s32 $0x30, s23;
	s29 =	simm.s32 $0x13658  }
0x278: {  	[hbm4b:s26+s3] =	stream.linear.scatter [tilespmem:s29], [sflag:$0x7], $0x80, $0x38;
	[tilespmem:$0x16C00] =	vst v63  }
0x279: {  	s26 =	sadd.s32 $0x40, s23;
	s29 =	simm.s32 $0x136E0  }
0x27a: {  	[hbm4b:s26+s3] =	stream.linear.scatter [tilespmem:s29], [sflag:$0x7], $0x80, $0x38;
	[tilespmem:$0x16C00] =	vst v63  }
0x27b: {  	s26 =	sadd.s32 $0x50, s23;
	s29 =	simm.s32 $0x13768  }
0x27c: {  	[hbm4b:s26+s3] =	stream.linear.scatter [tilespmem:s29], [sflag:$0x7], $0x80, $0x38;
	[tilespmem:$0x16C00] =	vst v63  }
0x27d: {  	s26 =	sadd.s32 $0x60, s23;
	s29 =	simm.s32 $0x137F0  }
0x27e: {  	[hbm4b:s26+s3] =	stream.linear.scatter [tilespmem:s29], [sflag:$0x7], $0x80, $0x38;
	[tilespmem:$0x16C00] =	vst v63  }
0x27f: {  	s23 =	sadd.s32 $0x70, s23;
	s29 =	simm.s32 $0x13878;
	s26 =	rddreg [dreg:$0x19]  }
0x280: {  	[hbm4b:s23+s3] =	stream.linear.scatter [tilespmem:s29], [sflag:$0x7], $0x80, $0x38;
	[tilespmem:$0x16C00] =	vst v63  }
0x281: {  	s23 =	sadd.s32 s21, s26;
	s29 =	simm.s32 $0x13900  }
0x282: {  	[hbm4b:s23+s3] =	stream.linear.scatter [tilespmem:s29], [sflag:$0x7], $0x80, $0x38;
	[tilespmem:$0x16C00] =	vst v63  }
0x283: {  	s26 =	sadd.s32 $0x10, s23;
	s29 =	simm.s32 $0x13988  }
0x284: {  	[hbm4b:s26+s3] =	stream.linear.scatter [tilespmem:s29], [sflag:$0x7], $0x80, $0x38;
	[tilespmem:$0x16C00] =	vst v63  }
0x285: {  	s26 =	sadd.s32 $0x20, s23;
	s29 =	simm.s32 $0x13A10  }
0x286: {  	[hbm4b:s26+s3] =	stream.linear.scatter [tilespmem:s29], [sflag:$0x7], $0x80, $0x38;
	[tilespmem:$0x16C00] =	vst v63  }
0x287: {  	s26 =	sadd.s32 $0x30, s23;
	s29 =	simm.s32 $0x13A98  }
0x288: {  	[hbm4b:s26+s3] =	stream.linear.scatter [tilespmem:s29], [sflag:$0x7], $0x80, $0x38;
	[tilespmem:$0x16C00] =	vst v63  }
0x289: {  	s26 =	sadd.s32 $0x40, s23;
	s29 =	simm.s32 $0x13B20  }
0x28a: {  	[hbm4b:s26+s3] =	stream.linear.scatter [tilespmem:s29], [sflag:$0x7], $0x80, $0x38;
	[tilespmem:$0x16C00] =	vst v63  }
0x28b: {  	s26 =	sadd.s32 $0x50, s23;
	s29 =	simm.s32 $0x13BA8  }
0x28c: {  	[hbm4b:s26+s3] =	stream.linear.scatter [tilespmem:s29], [sflag:$0x7], $0x80, $0x38;
	[tilespmem:$0x16C00] =	vst v63  }
0x28d: {  	s26 =	sadd.s32 $0x60, s23;
	s29 =	simm.s32 $0x13C30  }
0x28e: {  	[hbm4b:s26+s3] =	stream.linear.scatter [tilespmem:s29], [sflag:$0x7], $0x80, $0x38;
	[tilespmem:$0x16C00] =	vst v63  }
0x28f: {  	s23 =	sadd.s32 $0x70, s23;
	s29 =	simm.s32 $0x13CB8;
	s26 =	rddreg [dreg:$0x1a]  }
0x290: {  	[hbm4b:s23+s3] =	stream.linear.scatter [tilespmem:s29], [sflag:$0x7], $0x80, $0x38;
	[tilespmem:$0x16C00] =	vst v63  }
0x291: {  	s23 =	sadd.s32 s21, s26;
	s29 =	simm.s32 $0x13D40  }
0x292: {  	[hbm4b:s23+s3] =	stream.linear.scatter [tilespmem:s29], [sflag:$0x7], $0x80, $0x38;
	[tilespmem:$0x16C00] =	vst v63  }
0x293: {  	s26 =	sadd.s32 $0x10, s23;
	s29 =	simm.s32 $0x13DC8  }
0x294: {  	[hbm4b:s26+s3] =	stream.linear.scatter [tilespmem:s29], [sflag:$0x7], $0x80, $0x38;
	[tilespmem:$0x16C00] =	vst v63  }
0x295: {  	s26 =	sadd.s32 $0x20, s23;
	s29 =	simm.s32 $0x13E50  }
0x296: {  	[hbm4b:s26+s3] =	stream.linear.scatter [tilespmem:s29], [sflag:$0x7], $0x80, $0x38;
	[tilespmem:$0x16C00] =	vst v63  }
0x297: {  	s26 =	sadd.s32 $0x30, s23;
	s29 =	simm.s32 $0x13ED8  }
0x298: {  	[hbm4b:s26+s3] =	stream.linear.scatter [tilespmem:s29], [sflag:$0x7], $0x80, $0x38;
	[tilespmem:$0x16C00] =	vst v63  }
0x299: {  	s26 =	sadd.s32 $0x40, s23;
	s29 =	simm.s32 $0x13F60  }
0x29a: {  	[hbm4b:s26+s3] =	stream.linear.scatter [tilespmem:s29], [sflag:$0x7], $0x80, $0x38;
	[tilespmem:$0x16C00] =	vst v63  }
0x29b: {  	s26 =	sadd.s32 $0x50, s23;
	s29 =	simm.s32 $0x13FE8  }
0x29c: {  	[hbm4b:s26+s3] =	stream.linear.scatter [tilespmem:s29], [sflag:$0x7], $0x80, $0x38;
	[tilespmem:$0x16C00] =	vst v63  }
0x29d: {  	s26 =	sadd.s32 $0x60, s23;
	s29 =	simm.s32 $0x14070  }
0x29e: {  	[hbm4b:s26+s3] =	stream.linear.scatter [tilespmem:s29], [sflag:$0x7], $0x80, $0x38;
	[tilespmem:$0x16C00] =	vst v63  }
0x29f: {  	s23 =	sadd.s32 $0x70, s23;
	s26 =	simm.s32 $0x140F8  }
0x2a0: {  	[hbm4b:s23+s3] =	stream.linear.scatter [tilespmem:s26], [sflag:$0x7], $0x80, $0x38;
	[tilespmem:$0x16C00] =	vst v63  }
0x2a1: {  	s29 =	simm.s32 $0x14180;
	s23 =	sadd.s32 s21, s30  }
0x2a2: {  	[hbm4b:s23+s3] =	stream.linear.scatter [tilespmem:s29], [sflag:$0x7], $0x80, $0x38;
	[tilespmem:$0x16C00] =	vst v63  }
0x2a3: {  	s26 =	sadd.s32 $0x10, s23;
	s29 =	simm.s32 $0x14208  }
0x2a4: {  	[hbm4b:s26+s3] =	stream.linear.scatter [tilespmem:s29], [sflag:$0x7], $0x80, $0x38;
	[tilespmem:$0x16C00] =	vst v63  }
0x2a5: {  	s26 =	sadd.s32 $0x20, s23;
	s29 =	simm.s32 $0x14290  }
0x2a6: {  	[hbm4b:s26+s3] =	stream.linear.scatter [tilespmem:s29], [sflag:$0x7], $0x80, $0x38;
	[tilespmem:$0x16C00] =	vst v63  }
0x2a7: {  	s26 =	sadd.s32 $0x30, s23;
	s29 =	simm.s32 $0x14318  }
0x2a8: {  	[hbm4b:s26+s3] =	stream.linear.scatter [tilespmem:s29], [sflag:$0x7], $0x80, $0x38;
	[tilespmem:$0x16C00] =	vst v63  }
0x2a9: {  	s26 =	sadd.s32 $0x40, s23;
	s29 =	simm.s32 $0x143A0  }
0x2aa: {  	[hbm4b:s26+s3] =	stream.linear.scatter [tilespmem:s29], [sflag:$0x7], $0x80, $0x38;
	[tilespmem:$0x16C00] =	vst v63  }
0x2ab: {  	s26 =	sadd.s32 $0x50, s23;
	s29 =	simm.s32 $0x14428  }
0x2ac: {  	[hbm4b:s26+s3] =	stream.linear.scatter [tilespmem:s29], [sflag:$0x7], $0x80, $0x38;
	[tilespmem:$0x16C00] =	vst v63  }
0x2ad: {  	s26 =	sadd.s32 $0x60, s23;
	s29 =	simm.s32 $0x144B0  }
0x2ae: {  	[hbm4b:s26+s3] =	stream.linear.scatter [tilespmem:s29], [sflag:$0x7], $0x80, $0x38;
	[tilespmem:$0x16C00] =	vst v63  }
0x2af: {  	s23 =	sadd.s32 $0x70, s23;
	s26 =	simm.s32 $0x14538  }
0x2b0: {  	[hbm4b:s23+s3] =	stream.linear.scatter [tilespmem:s26], [sflag:$0x7], $0x80, $0x38;
	[tilespmem:$0x16C00] =	vst v63  }
0x2b1: {  	s29 =	simm.s32 $0x145C0;
	s23 =	sadd.s32 s21, s31  }
0x2b2: {  	[hbm4b:s23+s3] =	stream.linear.scatter [tilespmem:s29], [sflag:$0x7], $0x80, $0x38;
	[tilespmem:$0x16C00] =	vst v63  }
0x2b3: {  	s26 =	sadd.s32 $0x10, s23;
	s29 =	simm.s32 $0x14648  }
0x2b4: {  	[hbm4b:s26+s3] =	stream.linear.scatter [tilespmem:s29], [sflag:$0x7], $0x80, $0x38;
	[tilespmem:$0x16C00] =	vst v63  }
0x2b5: {  	s26 =	sadd.s32 $0x20, s23;
	s29 =	simm.s32 $0x146D0  }
0x2b6: {  	[hbm4b:s26+s3] =	stream.linear.scatter [tilespmem:s29], [sflag:$0x7], $0x80, $0x38;
	[tilespmem:$0x16C00] =	vst v63  }
0x2b7: {  	s26 =	sadd.s32 $0x30, s23;
	s29 =	simm.s32 $0x14758  }
0x2b8: {  	[hbm4b:s26+s3] =	stream.linear.scatter [tilespmem:s29], [sflag:$0x7], $0x80, $0x38;
	[tilespmem:$0x16C00] =	vst v63  }
0x2b9: {  	s26 =	sadd.s32 $0x40, s23;
	s29 =	simm.s32 $0x147E0  }
0x2ba: {  	[hbm4b:s26+s3] =	stream.linear.scatter [tilespmem:s29], [sflag:$0x7], $0x80, $0x38;
	[tilespmem:$0x16C00] =	vst v63  }
0x2bb: {  	s26 =	sadd.s32 $0x50, s23;
	s29 =	simm.s32 $0x14868  }
0x2bc: {  	[hbm4b:s26+s3] =	stream.linear.scatter [tilespmem:s29], [sflag:$0x7], $0x80, $0x38;
	[tilespmem:$0x16C00] =	vst v63  }
0x2bd: {  	s26 =	sadd.s32 $0x60, s23;
	s29 =	simm.s32 $0x148F0  }
0x2be: {  	[hbm4b:s26+s3] =	stream.linear.scatter [tilespmem:s29], [sflag:$0x7], $0x80, $0x38;
	[tilespmem:$0x16C00] =	vst v63  }
0x2bf: {  	s23 =	sadd.s32 $0x70, s23;
	s29 =	simm.s32 $0x14978  }
0x2c0: {  	[hbm4b:s23+s3] =	stream.linear.scatter [tilespmem:s29], [sflag:$0x7], $0x80, $0x38;
	[tilespmem:$0x16C00] =	vst v63  }
0x2c1: {  	s24 =	simm.s32 @!p0 $0x80;
	s26 =	simm.s32 @!p0 $0xA400;
	s23 =	sadd.s32 @!p0 $0x300, s22  }
0x2c2: {  	[tilespmem:s26], [sflag:$0x3] =	stream.indirect.gather @!p0 [hbm4b:s4+s24], $0x40, s23, s24, $0xb8;
	[tilespmem:$0x16C00] =	vst v63  }
0x2c3: {  	_ =	swait.ge @p1 [sflag:s19], $0x2000  }
0x2c4: {  	[sflag:s19] =	ssyncset.done @p1 $0x0  }
0x2c5: {  	[sflag:s19] =	ssyncadd.s32 @p1 $0xFFFFE000  }
0x2c6: {  	_ =	swait.ge [sflag:s15], $0x2000  }
0x2c7: {  	[sflag:s15] =	ssyncset.done $0x0  }
0x2c8: {  	s28 =	simm.s32 $0xC480;
	s26 =	simm.s32 $0x3;
	[sflag:s15] =	ssyncadd.s32 $0xFFFFE000  }
0x2c9: {  	v5 =	vmov s26;
	v4 =	vld [tilespmem:s28+$0x40]  }
0x2ca: {  	v9 =	vand.u32 $0x7F, v5  }
0x2cb: {  	s29 =	simm.s32 $0x1;
	v5 =	vadd.s32 v0, v9  }
0x2cc: {  	v6 =	vmov s29;
	v8 =	vld [tilespmem:s28+$0xFFFFFFC0]  }
0x2cd: {  	s24 =	simm.s32 $0x2;
	v14 =	vand.u32 $0x7D, v6  }
0x2ce: {  	v7 =	vmov s24;
	s26 =	simm.s32 $0x0;
	v10 =	vadd.s32 v0, v14;
	v6 =	vld [tilespmem:s28+$0x0];
	v4 =	vmul.f32 $8.000000000e+00, v4  }
0x2cf: {  	v17 =	vand.u32 $0x7E, v7;
	v7 =	vmov s26;
	v11 =	vld [tilespmem:s28+$0xFFFFFF80]  }
0x2d0: {  	v12 =	vadd.s32 v0, v17;
	v7 =	vand.u32 $0x7C, v7;
	[tilespmem:v5+s16+$0x0] =	vst.idx.msk $0xffff, v4  }
0x2d1: {  	v4 =	vadd.s32 v0, v7;
	v5 =	vmul.f32 $8.000000000e+00, v8;
	v8 =	vld [tilespmem:s28+$0x50];
	_ =	sdelay $0x1  }
0x2d2: {  	v6 =	vmul.f32 $8.000000000e+00, v6;
	[tilespmem:v10+s16+$0x0] =	vst.idx.msk $0xffff, v5;
	v5 =	vadd.s32 v1, v9  }
0x2d3: {  	v10 =	vmul.f32 $8.000000000e+00, v11  }
0x2d4: {  	[tilespmem:v12+s16+$0x0] =	vst.idx.msk $0xffff, v6;
	v11 =	vld [tilespmem:s28+$0xFFFFFFD0]  }
0x2d5: {  	v6 =	vld [tilespmem:s28+$0x10];
	[tilespmem:v4+s16+$0x0] =	vst.idx.msk $0xffff, v10;
	v4 =	vmul.f32 $8.000000000e+00, v8  }
0x2d6: {  	s29 =	simm.s32 $0x4;
	s23 =	simm.s32 $0xC580;
	s26 =	simm.s32 $0x7;
	v10 =	vadd.s32 v1, v14;
	v8 =	vld [tilespmem:s28+$0xFFFFFF90]  }
0x2d7: {  	v13 =	vmov s29;
	v15 =	vld [tilespmem:s23+$0x40];
	v12 =	vadd.s32 v1, v17;
	[tilespmem:v5+s16+$0x0] =	vst.idx.msk $0xffff, v4;
	v4 =	vmov s26  }
0x2d8: {  	s29 =	simm.s32 $0x5;
	v23 =	vadd.s32 v2, v9;
	v16 =	vadd.s32 v1, v7;
	v4 =	vand.u32 $0x7F, v4;
	v18 =	vld [tilespmem:s28+$0x60]  }
0x2d9: {  	v20 =	vld [tilespmem:s23+$0xFFFFFFC0];
	v5 =	vmov s29;
	v11 =	vmul.f32 $8.000000000e+00, v11;
	s26 =	simm.s32 $0x6;
	v21 =	vadd.s32 v0, v4  }
0x2da: {  	v22 =	vld [tilespmem:s23+$0x0];
	v19 =	vmul.f32 $8.000000000e+00, v6;
	v6 =	vmov s26;
	v5 =	vand.u32 $0x7D, v5  }
0x2db: {  	[tilespmem:v10+s16+$0x0] =	vst.idx.msk $0xffff, v11;
	v10 =	vld [tilespmem:s23+$0xFFFFFF80];
	v11 =	vadd.s32 v0, v5;
	v6 =	vand.u32 $0x7E, v6;
	v57 =	vmul.f32 $8.000000000e+00, v8  }
0x2dc: {  	[tilespmem:v12+s16+$0x0] =	vst.idx.msk $0xffff, v19;
	v8 =	vand.u32 $0x7C, v13;
	v12 =	vadd.s32 v0, v6;
	v13 =	vmul.f32 $8.000000000e+00, v15;
	v15 =	vld [tilespmem:s28+$0xFFFFFFE0]  }
0x2dd: {  	v19 =	vld [tilespmem:s28+$0x20];
	[tilespmem:v16+s16+$0x0] =	vst.idx.msk $0xffff, v57;
	v16 =	vadd.s32 v0, v8;
	v18 =	vmul.f32 $8.000000000e+00, v18  }
0x2de: {  	v20 =	vmul.f32 $8.000000000e+00, v20;
	[tilespmem:v21+s16+$0x0] =	vst.idx.msk $0xffff, v13;
	v13 =	vld [tilespmem:s28+$0xFFFFFFA0];
	v21 =	vadd.s32 v2, v14  }
0x2df: {  	v59 =	vadd.s32 v2, v17;
	v22 =	vmul.f32 $8.000000000e+00, v22;
	v58 =	vld [tilespmem:s23+$0x50];
	[tilespmem:v23+s16+$0x0] =	vst.idx.msk $0xffff, v18  }
0x2e0: {  	v10 =	vmul.f32 $8.000000000e+00, v10;
	[tilespmem:v11+s16+$0x0] =	vst.idx.msk $0xffff, v20;
	v20 =	vadd.s32 v2, v7;
	v23 =	vld [tilespmem:s28+$0x70]  }
0x2e1: {  	v60 =	vld [tilespmem:s23+$0xFFFFFFD0];
	[tilespmem:v12+s16+$0x0] =	vst.idx.msk $0xffff, v22;
	v22 =	vadd.s32 v1, v4;
	v11 =	vmul.f32 $8.000000000e+00, v15  }
0x2e2: {  	v62 =	vadd.s32 v3, v9;
	v12 =	vmul.f32 $8.000000000e+00, v19;
	v61 =	vld [tilespmem:s23+$0x10];
	[tilespmem:v16+s16+$0x0] =	vst.idx.msk $0xffff, v10  }
0x2e3: {  	v18 =	vadd.s32 v1, v5;
	v10 =	vld [tilespmem:s23+$0xFFFFFF90];
	v13 =	vmul.f32 $8.000000000e+00, v13;
	[tilespmem:v21+s16+$0x0] =	vst.idx.msk $0xffff, v11  }
0x2e4: {  	v16 =	vadd.s32 v1, v6;
	[tilespmem:v59+s16+$0x0] =	vst.idx.msk $0xffff, v12;
	v19 =	vmul.f32 $8.000000000e+00, v58;
	v9 =	vld [tilespmem:s28+$0xFFFFFFF0]  }
0x2e5: {  	v17 =	vadd.s32 v3, v17;
	s29 =	simm.s32 $0x9;
	v12 =	vld [tilespmem:s28+$0x30];
	v11 =	vadd.s32 v1, v8;
	[tilespmem:v20+s16+$0x0] =	vst.idx.msk $0xffff, v13;
	v63 =	vmul.f32 $8.000000000e+00, v23  }
0x2e6: {  	s24 =	simm.s32 $0xC680;
	s26 =	simm.s32 $0x8;
	v14 =	vadd.s32 v3, v14;
	v21 =	vmul.f32 $8.000000000e+00, v60;
	v20 =	vmov s29;
	s29 =	simm.s32 $0xB;
	[tilespmem:v22+s16+$0x0] =	vst.idx.msk $0xffff, v19;
	v13 =	vld [tilespmem:s28+$0xFFFFFFB0]  }
0x2e7: {  	v15 =	vmov s26;
	v19 =	vld [tilespmem:s24+$0x40];
	v23 =	vmov s29;
	s28 =	simm.s32 $0xC;
	v22 =	vmul.f32 $8.000000000e+00, v61;
	[tilespmem:v62+s16+$0x0] =	vst.idx.msk $0xffff, v63  }
.LBB2_9:
0x2e8: {  	p1 =	slt.u32 s28, $0x7C;
	s29 =	sadd.s32 $0x2, s26;
	v23 =	vand.u32 $0x7F, v23;
	v10 =	vmul.f32 $8.000000000e+00, v10;
	[tilespmem:v18+s16+$0x0] =	vst.idx.msk $0xffff, v21;
	v18 =	vld [tilespmem:s23+$0x60];
	v21 =	vadd.s32 v3, v7;
	v7 =	vmovc v8;
	s26 =	smov.u32 s28  }
0x2e9: {  	v24 =	vld [tilespmem:s24+$0xFFFFFFC0];
	v8 =	vmov s29;
	v25 =	vadd.s32 v0, v23;
	[tilespmem:v16+s16+$0x0] =	vst.idx.msk $0xffff, v22;
	v9 =	vmul.f32 $8.000000000e+00, v9  }
0x2ea: {  	v22 =	vand.u32 $0x7D, v20;
	v16 =	vld [tilespmem:s24+$0x0];
	[tilespmem:v11+s16+$0x0] =	vst.idx.msk $0xffff, v10;
	v10 =	vadd.s32 v2, v4;
	v11 =	vmul.f32 $8.000000000e+00, v12  }
0x2eb: {  	v20 =	vadd.s32 v0, v22;
	v26 =	vand.u32 $0x7E, v8;
	v12 =	vld [tilespmem:s24+$0xFFFFFF80];
	v13 =	vmul.f32 $8.000000000e+00, v13;
	[tilespmem:v14+s16+$0x0] =	vst.idx.msk $0xffff, v9  }
0x2ec: {  	v8 =	vand.u32 $0x7C, v15;
	v9 =	vadd.s32 v0, v26;
	v14 =	vmul.f32 $8.000000000e+00, v19;
	v15 =	vld [tilespmem:s23+$0xFFFFFFE0];
	[tilespmem:v17+s16+$0x0] =	vst.idx.msk $0xffff, v11  }
0x2ed: {  	v11 =	vadd.s32 v0, v8;
	v17 =	vld [tilespmem:s23+$0x20];
	v18 =	vmul.f32 $8.000000000e+00, v18;
	[tilespmem:v21+s16+$0x0] =	vst.idx.msk $0xffff, v13  }
0x2ee: {  	v19 =	vadd.s32 v2, v5;
	v13 =	vmul.f32 $8.000000000e+00, v24;
	[tilespmem:v25+s16+$0x0] =	vst.idx.msk $0xffff, v14;
	v14 =	vld [tilespmem:s23+$0xFFFFFFA0]  }
0x2ef: {  	v24 =	vadd.s32 v2, v6;
	v16 =	vmul.f32 $8.000000000e+00, v16;
	v21 =	vld [tilespmem:s24+$0x50];
	[tilespmem:v10+s16+$0x0] =	vst.idx.msk $0xffff, v18  }
0x2f0: {  	v10 =	vmul.f32 $8.000000000e+00, v12;
	[tilespmem:v20+s16+$0x0] =	vst.idx.msk $0xffff, v13;
	v12 =	vadd.s32 v2, v7;
	v13 =	vld [tilespmem:s23+$0x70]  }
0x2f1: {  	v27 =	vadd.s32 v1, v23;
	v25 =	vld [tilespmem:s24+$0xFFFFFFD0];
	[tilespmem:v9+s16+$0x0] =	vst.idx.msk $0xffff, v16;
	v9 =	vmul.f32 $8.000000000e+00, v15  }
0x2f2: {  	v29 =	vadd.s32 v3, v4;
	v4 =	vmov v23;
	[tilespmem:v11+s16+$0x0] =	vst.idx.msk $0xffff, v10;
	v28 =	vld [tilespmem:s24+$0x10];
	v11 =	vmul.f32 $8.000000000e+00, v17  }
.Ltmp3:
0x2f3: {  	v18 =	vadd.s32 v1, v22;
	v10 =	vld [tilespmem:s24+$0xFFFFFF90];
	v14 =	vmul.f32 $8.000000000e+00, v14;
	[tilespmem:v19+s16+$0x0] =	vst.idx.msk $0xffff, v9;
	(pc) =	sbr.rel @p1 .LBB2_9-.Ltmp3, $4  }
0x2f4: {  	v16 =	vadd.s32 v1, v26;
	v17 =	vmul.f32 $8.000000000e+00, v21;
	v9 =	vld [tilespmem:s23+$0xFFFFFFF0];
	[tilespmem:v24+s16+$0x0] =	vst.idx.msk $0xffff, v11  }
0x2f5: {  	s29 =	sadd.s32 $0x1, s28;
	v15 =	vmov s28;
	v11 =	vadd.s32 v1, v8;
	[tilespmem:v12+s16+$0x0] =	vst.idx.msk $0xffff, v14;
	v12 =	vld [tilespmem:s23+$0x30];
	v24 =	vmul.f32 $8.000000000e+00, v13  }
0x2f6: {  	v20 =	vmov s29;
	s29 =	sadd.s32 $0x3, s28;
	v14 =	vadd.s32 v3, v5;
	v5 =	vmovc v22;
	v21 =	vmul.f32 $8.000000000e+00, v25;
	[tilespmem:v27+s16+$0x0] =	vst.idx.msk $0xffff, v17;
	v13 =	vld [tilespmem:s23+$0xFFFFFFB0];
	s23 =	smov.u32 s24;
	s24 =	sadd.s32 $0x100, s24  }
0x2f7: {  	v23 =	vmov s29;
	s28 =	sadd.s32 $0x4, s28;
	v17 =	vadd.s32 v3, v6;
	v6 =	vmovc v26;
	v19 =	vld [tilespmem:s24+$0x40];
	v22 =	vmul.f32 $8.000000000e+00, v28;
	[tilespmem:v29+s16+$0x0] =	vst.idx.msk $0xffff, v24  }
0x2f8: {  	v23 =	vand.u32 $0x7F, v23;
	v24 =	vld [tilespmem:s24+$0xFFFFFFC0]  }
0x2f9: {  	s26 =	sadd.s32 $0x2, s26;
	v20 =	vand.u32 $0x7D, v20;
	v28 =	vld [tilespmem:s24+$0xFFFFFF80];
	v26 =	vadd.s32 v0, v23  }
0x2fa: {  	v27 =	vld [tilespmem:s24+$0x0];
	v15 =	vand.u32 $0x7C, v15;
	v25 =	vmov s26;
	v29 =	vadd.s32 v0, v20  }
0x2fb: {  	v48 =	vadd.s32 v0, v15;
	v25 =	vand.u32 $0x7E, v25  }
0x2fc: {  	[tilespmem:v18+s16+$0x0] =	vst.idx.msk $0xffff, v21;
	v30 =	vadd.s32 v0, v25;
	v47 =	vmul.f32 $8.000000000e+00, v19  }
0x2fd: {  	[tilespmem:v16+s16+$0x0] =	vst.idx.msk $0xffff, v22;
	v49 =	vmul.f32 $8.000000000e+00, v24  }
0x2fe: {  	v52 =	vmul.f32 $8.000000000e+00, v28;
	[tilespmem:v26+s16+$0x0] =	vst.idx.msk $0xffff, v47  }
0x2ff: {  	v50 =	vmul.f32 $8.000000000e+00, v27;
	[tilespmem:v29+s16+$0x0] =	vst.idx.msk $0xffff, v49;
	v51 =	vld [tilespmem:s24+$0x50]  }
0x300: {  	v10 =	vmul.f32 $8.000000000e+00, v10;
	v7 =	vadd.s32 v3, v7;
	[tilespmem:v48+s16+$0x0] =	vst.idx.msk $0xffff, v52;
	v53 =	vld [tilespmem:s24+$0xFFFFFFD0]  }
0x301: {  	v9 =	vmul.f32 $8.000000000e+00, v9;
	v54 =	vadd.s32 v1, v23;
	[tilespmem:v30+s16+$0x0] =	vst.idx.msk $0xffff, v50;
	v57 =	vld [tilespmem:s24+$0xFFFFFF90]  }
0x302: {  	v58 =	vadd.s32 v1, v20;
	[tilespmem:v11+s16+$0x0] =	vst.idx.msk $0xffff, v10;
	v56 =	vmul.f32 $8.000000000e+00, v12;
	v55 =	vld [tilespmem:s24+$0x10]  }
0x303: {  	v59 =	vld [tilespmem:s23+$0x60];
	v63 =	vadd.s32 v1, v15;
	v13 =	vmul.f32 $8.000000000e+00, v13;
	[tilespmem:v14+s16+$0x0] =	vst.idx.msk $0xffff, v9  }
0x304: {  	v61 =	vld [tilespmem:s23+$0xFFFFFFE0];
	v60 =	vadd.s32 v1, v25;
	[tilespmem:v17+s16+$0x0] =	vst.idx.msk $0xffff, v56;
	v62 =	vmul.f32 $8.000000000e+00, v51  }
0x305: {  	v28 =	vadd.s32 v2, v4;
	[tilespmem:v7+s16+$0x0] =	vst.idx.msk $0xffff, v13;
	v29 =	vld [tilespmem:s23+$0x20];
	v30 =	vmul.f32 $8.000000000e+00, v53  }
0x306: {  	v32 =	vadd.s32 v2, v5;
	v31 =	vld [tilespmem:s23+$0xFFFFFFA0];
	v11 =	vmul.f32 $8.000000000e+00, v57;
	[tilespmem:v54+s16+$0x0] =	vst.idx.msk $0xffff, v62  }
0x307: {  	v34 =	vadd.s32 v2, v6;
	v33 =	vmul.f32 $8.000000000e+00, v55;
	[tilespmem:v58+s16+$0x0] =	vst.idx.msk $0xffff, v30;
	v35 =	vld [tilespmem:s24+$0x60]  }
0x308: {  	v37 =	vadd.s32 v2, v8;
	v36 =	vmul.f32 $8.000000000e+00, v59;
	[tilespmem:v63+s16+$0x0] =	vst.idx.msk $0xffff, v11;
	v38 =	vld [tilespmem:s24+$0xFFFFFFE0]  }
0x309: {  	v40 =	vadd.s32 v2, v23;
	v39 =	vmul.f32 $8.000000000e+00, v61;
	[tilespmem:v60+s16+$0x0] =	vst.idx.msk $0xffff, v33;
	v16 =	vld [tilespmem:s24+$0xFFFFFFA0]  }
0x30a: {  	v43 =	vadd.s32 v2, v20;
	[tilespmem:v28+s16+$0x0] =	vst.idx.msk $0xffff, v36;
	v42 =	vmul.f32 $8.000000000e+00, v29;
	v41 =	vld [tilespmem:s24+$0x20]  }
0x30b: {  	v46 =	vadd.s32 v2, v15;
	v13 =	vmul.f32 $8.000000000e+00, v31;
	[tilespmem:v32+s16+$0x0] =	vst.idx.msk $0xffff, v39;
	v44 =	vld [tilespmem:s23+$0x70]  }
0x30c: {  	v45 =	vadd.s32 v2, v25;
	v22 =	vld [tilespmem:s23+$0xFFFFFFF0];
	[tilespmem:v34+s16+$0x0] =	vst.idx.msk $0xffff, v42;
	v7 =	vmul.f32 $8.000000000e+00, v35  }
0x30d: {  	v4 =	vadd.s32 v3, v4;
	[tilespmem:v37+s16+$0x0] =	vst.idx.msk $0xffff, v13;
	v47 =	vld [tilespmem:s23+$0x30];
	v9 =	vmul.f32 $8.000000000e+00, v38  }
0x30e: {  	v5 =	vadd.s32 v3, v5;
	v48 =	vld [tilespmem:s23+$0xFFFFFFB0];
	v51 =	vmul.f32 $8.000000000e+00, v16;
	[tilespmem:v40+s16+$0x0] =	vst.idx.msk $0xffff, v7  }
0x30f: {  	v50 =	vadd.s32 v3, v6;
	v49 =	vmul.f32 $8.000000000e+00, v41;
	v11 =	vld [tilespmem:s24+$0x70];
	[tilespmem:v43+s16+$0x0] =	vst.idx.msk $0xffff, v9  }
0x310: {  	v53 =	vadd.s32 v3, v8;
	v52 =	vmul.f32 $8.000000000e+00, v44;
	[tilespmem:v46+s16+$0x0] =	vst.idx.msk $0xffff, v51;
	v54 =	vld [tilespmem:s24+$0xFFFFFFF0]  }
0x311: {  	v56 =	vadd.s32 v3, v23;
	v55 =	vmul.f32 $8.000000000e+00, v22;
	[tilespmem:v45+s16+$0x0] =	vst.idx.msk $0xffff, v49;
	v58 =	vld [tilespmem:s24+$0xFFFFFFB0]  }
0x312: {  	v59 =	vadd.s32 v3, v20;
	[tilespmem:v4+s16+$0x0] =	vst.idx.msk $0xffff, v52;
	v4 =	vmul.f32 $8.000000000e+00, v47;
	v57 =	vld [tilespmem:s24+$0x30]  }
0x313: {  	v61 =	vadd.s32 v3, v15;
	v60 =	vmul.f32 $8.000000000e+00, v48;
	[tilespmem:v5+s16+$0x0] =	vst.idx.msk $0xffff, v55  }
0x314: {  	v5 =	vadd.s32 v3, v25;
	[tilespmem:v50+s16+$0x0] =	vst.idx.msk $0xffff, v4;
	v4 =	vmul.f32 $8.000000000e+00, v11  }
0x315: {  	[tilespmem:v53+s16+$0x0] =	vst.idx.msk $0xffff, v60;
	v62 =	vmul.f32 $8.000000000e+00, v54  }
0x316: {  	v63 =	vmul.f32 $8.000000000e+00, v58;
	[tilespmem:v56+s16+$0x0] =	vst.idx.msk $0xffff, v4  }
0x317: {  	v4 =	vmul.f32 $8.000000000e+00, v57;
	[tilespmem:v59+s16+$0x0] =	vst.idx.msk $0xffff, v62  }
0x318: {  	[tilespmem:v61+s16+$0x0] =	vst.idx.msk $0xffff, v63  }
0x319: {  	s23 =	sadd.s32 s21, s0;
	[tilespmem:v5+s16+$0x0] =	vst.idx.msk $0xffff, v4  }
0x31a: {  	[hbm4b:s23+s3] =	stream.linear.scatter [tilespmem:s16], [sflag:$0x8], $0x80, $0x38;
	[tilespmem:$0x16C00] =	vst v63  }
0x31b: {  	s29 =	simm.s32 $0x14A88;
	s28 =	sadd.s32 $0x10, s23  }
0x31c: {  	[hbm4b:s28+s3] =	stream.linear.scatter [tilespmem:s29], [sflag:$0x8], $0x80, $0x38;
	[tilespmem:$0x16C00] =	vst v63  }
0x31d: {  	s28 =	sadd.s32 $0x20, s23;
	s29 =	simm.s32 $0x14B10  }
0x31e: {  	[hbm4b:s28+s3] =	stream.linear.scatter [tilespmem:s29], [sflag:$0x8], $0x80, $0x38;
	[tilespmem:$0x16C00] =	vst v63  }
0x31f: {  	s28 =	sadd.s32 $0x30, s23;
	s29 =	simm.s32 $0x14B98  }
0x320: {  	[hbm4b:s28+s3] =	stream.linear.scatter [tilespmem:s29], [sflag:$0x8], $0x80, $0x38;
	[tilespmem:$0x16C00] =	vst v63  }
0x321: {  	s28 =	sadd.s32 $0x40, s23;
	s29 =	simm.s32 $0x14C20  }
0x322: {  	[hbm4b:s28+s3] =	stream.linear.scatter [tilespmem:s29], [sflag:$0x8], $0x80, $0x38;
	[tilespmem:$0x16C00] =	vst v63  }
0x323: {  	s28 =	sadd.s32 $0x50, s23;
	s29 =	simm.s32 $0x14CA8  }
0x324: {  	[hbm4b:s28+s3] =	stream.linear.scatter [tilespmem:s29], [sflag:$0x8], $0x80, $0x38;
	[tilespmem:$0x16C00] =	vst v63  }
0x325: {  	s26 =	sadd.s32 $0x60, s23;
	s28 =	simm.s32 $0x14D30  }
0x326: {  	[hbm4b:s26+s3] =	stream.linear.scatter [tilespmem:s28], [sflag:$0x8], $0x80, $0x38;
	[tilespmem:$0x16C00] =	vst v63  }
0x327: {  	s23 =	sadd.s32 $0x70, s23;
	s29 =	simm.s32 $0x14DB8  }
0x328: {  	[hbm4b:s23+s3] =	stream.linear.scatter [tilespmem:s29], [sflag:$0x8], $0x80, $0x38;
	[tilespmem:$0x16C00] =	vst v63  }
0x329: {  	s26 =	simm.s32 $0x14E40;
	s23 =	sadd.s32 s21, s1  }
0x32a: {  	[hbm4b:s23+s3] =	stream.linear.scatter [tilespmem:s26], [sflag:$0x8], $0x80, $0x38;
	[tilespmem:$0x16C00] =	vst v63  }
0x32b: {  	s29 =	simm.s32 $0x14EC8;
	s28 =	sadd.s32 $0x10, s23  }
0x32c: {  	[hbm4b:s28+s3] =	stream.linear.scatter [tilespmem:s29], [sflag:$0x8], $0x80, $0x38;
	[tilespmem:$0x16C00] =	vst v63  }
0x32d: {  	s28 =	sadd.s32 $0x20, s23;
	s29 =	simm.s32 $0x14F50  }
0x32e: {  	[hbm4b:s28+s3] =	stream.linear.scatter [tilespmem:s29], [sflag:$0x8], $0x80, $0x38;
	[tilespmem:$0x16C00] =	vst v63  }
0x32f: {  	s28 =	sadd.s32 $0x30, s23;
	s29 =	simm.s32 $0x14FD8  }
0x330: {  	[hbm4b:s28+s3] =	stream.linear.scatter [tilespmem:s29], [sflag:$0x8], $0x80, $0x38;
	[tilespmem:$0x16C00] =	vst v63  }
0x331: {  	s28 =	sadd.s32 $0x40, s23;
	s29 =	simm.s32 $0x15060  }
0x332: {  	[hbm4b:s28+s3] =	stream.linear.scatter [tilespmem:s29], [sflag:$0x8], $0x80, $0x38;
	[tilespmem:$0x16C00] =	vst v63  }
0x333: {  	s28 =	sadd.s32 $0x50, s23;
	s29 =	simm.s32 $0x150E8  }
0x334: {  	[hbm4b:s28+s3] =	stream.linear.scatter [tilespmem:s29], [sflag:$0x8], $0x80, $0x38;
	[tilespmem:$0x16C00] =	vst v63  }
0x335: {  	s26 =	sadd.s32 $0x60, s23;
	s28 =	simm.s32 $0x15170  }
0x336: {  	[hbm4b:s26+s3] =	stream.linear.scatter [tilespmem:s28], [sflag:$0x8], $0x80, $0x38;
	[tilespmem:$0x16C00] =	vst v63  }
0x337: {  	s23 =	sadd.s32 $0x70, s23;
	s29 =	simm.s32 $0x151F8  }
0x338: {  	[hbm4b:s23+s3] =	stream.linear.scatter [tilespmem:s29], [sflag:$0x8], $0x80, $0x38;
	[tilespmem:$0x16C00] =	vst v63  }
0x339: {  	s26 =	simm.s32 $0x15280;
	s23 =	sadd.s32 s21, s5  }
0x33a: {  	[hbm4b:s23+s3] =	stream.linear.scatter [tilespmem:s26], [sflag:$0x8], $0x80, $0x38;
	[tilespmem:$0x16C00] =	vst v63  }
0x33b: {  	s29 =	simm.s32 $0x15308;
	s28 =	sadd.s32 $0x10, s23  }
0x33c: {  	[hbm4b:s28+s3] =	stream.linear.scatter [tilespmem:s29], [sflag:$0x8], $0x80, $0x38;
	[tilespmem:$0x16C00] =	vst v63  }
0x33d: {  	s28 =	sadd.s32 $0x20, s23;
	s29 =	simm.s32 $0x15390  }
0x33e: {  	[hbm4b:s28+s3] =	stream.linear.scatter [tilespmem:s29], [sflag:$0x8], $0x80, $0x38;
	[tilespmem:$0x16C00] =	vst v63  }
0x33f: {  	s28 =	sadd.s32 $0x30, s23;
	s29 =	simm.s32 $0x15418  }
0x340: {  	[hbm4b:s28+s3] =	stream.linear.scatter [tilespmem:s29], [sflag:$0x8], $0x80, $0x38;
	[tilespmem:$0x16C00] =	vst v63  }
0x341: {  	s28 =	sadd.s32 $0x40, s23;
	s29 =	simm.s32 $0x154A0  }
0x342: {  	[hbm4b:s28+s3] =	stream.linear.scatter [tilespmem:s29], [sflag:$0x8], $0x80, $0x38;
	[tilespmem:$0x16C00] =	vst v63  }
0x343: {  	s28 =	sadd.s32 $0x50, s23;
	s29 =	simm.s32 $0x15528  }
0x344: {  	[hbm4b:s28+s3] =	stream.linear.scatter [tilespmem:s29], [sflag:$0x8], $0x80, $0x38;
	[tilespmem:$0x16C00] =	vst v63  }
0x345: {  	s26 =	sadd.s32 $0x60, s23;
	s28 =	simm.s32 $0x155B0  }
0x346: {  	[hbm4b:s26+s3] =	stream.linear.scatter [tilespmem:s28], [sflag:$0x8], $0x80, $0x38;
	[tilespmem:$0x16C00] =	vst v63  }
0x347: {  	s23 =	sadd.s32 $0x70, s23;
	s29 =	simm.s32 $0x15638  }
0x348: {  	[hbm4b:s23+s3] =	stream.linear.scatter [tilespmem:s29], [sflag:$0x8], $0x80, $0x38;
	[tilespmem:$0x16C00] =	vst v63  }
0x349: {  	s26 =	simm.s32 $0x156C0;
	s23 =	sadd.s32 s21, s25  }
0x34a: {  	[hbm4b:s23+s3] =	stream.linear.scatter [tilespmem:s26], [sflag:$0x8], $0x80, $0x38;
	[tilespmem:$0x16C00] =	vst v63  }
0x34b: {  	s29 =	simm.s32 $0x15748;
	s28 =	sadd.s32 $0x10, s23  }
0x34c: {  	[hbm4b:s28+s3] =	stream.linear.scatter [tilespmem:s29], [sflag:$0x8], $0x80, $0x38;
	[tilespmem:$0x16C00] =	vst v63  }
0x34d: {  	s28 =	sadd.s32 $0x20, s23;
	s29 =	simm.s32 $0x157D0  }
0x34e: {  	[hbm4b:s28+s3] =	stream.linear.scatter [tilespmem:s29], [sflag:$0x8], $0x80, $0x38;
	[tilespmem:$0x16C00] =	vst v63  }
0x34f: {  	s28 =	sadd.s32 $0x30, s23;
	s29 =	simm.s32 $0x15858  }
0x350: {  	[hbm4b:s28+s3] =	stream.linear.scatter [tilespmem:s29], [sflag:$0x8], $0x80, $0x38;
	[tilespmem:$0x16C00] =	vst v63  }
0x351: {  	s28 =	sadd.s32 $0x40, s23;
	s29 =	simm.s32 $0x158E0  }
0x352: {  	[hbm4b:s28+s3] =	stream.linear.scatter [tilespmem:s29], [sflag:$0x8], $0x80, $0x38;
	[tilespmem:$0x16C00] =	vst v63  }
0x353: {  	s28 =	sadd.s32 $0x50, s23;
	s29 =	simm.s32 $0x15968  }
0x354: {  	[hbm4b:s28+s3] =	stream.linear.scatter [tilespmem:s29], [sflag:$0x8], $0x80, $0x38;
	[tilespmem:$0x16C00] =	vst v63  }
0x355: {  	s26 =	sadd.s32 $0x60, s23;
	s28 =	simm.s32 $0x159F0  }
0x356: {  	[hbm4b:s26+s3] =	stream.linear.scatter [tilespmem:s28], [sflag:$0x8], $0x80, $0x38;
	[tilespmem:$0x16C00] =	vst v63  }
0x357: {  	s23 =	sadd.s32 $0x70, s23;
	s29 =	simm.s32 $0x15A78  }
0x358: {  	[hbm4b:s23+s3] =	stream.linear.scatter [tilespmem:s29], [sflag:$0x8], $0x80, $0x38;
	[tilespmem:$0x16C00] =	vst v63  }
0x359: {  	s26 =	simm.s32 $0x15B00;
	s23 =	sadd.s32 s21, s2  }
0x35a: {  	[hbm4b:s23+s3] =	stream.linear.scatter [tilespmem:s26], [sflag:$0x8], $0x80, $0x38;
	[tilespmem:$0x16C00] =	vst v63  }
0x35b: {  	s29 =	simm.s32 $0x15B88;
	s28 =	sadd.s32 $0x10, s23  }
0x35c: {  	[hbm4b:s28+s3] =	stream.linear.scatter [tilespmem:s29], [sflag:$0x8], $0x80, $0x38;
	[tilespmem:$0x16C00] =	vst v63  }
0x35d: {  	s28 =	sadd.s32 $0x20, s23;
	s29 =	simm.s32 $0x15C10  }
0x35e: {  	[hbm4b:s28+s3] =	stream.linear.scatter [tilespmem:s29], [sflag:$0x8], $0x80, $0x38;
	[tilespmem:$0x16C00] =	vst v63  }
0x35f: {  	s28 =	sadd.s32 $0x30, s23;
	s29 =	simm.s32 $0x15C98  }
0x360: {  	[hbm4b:s28+s3] =	stream.linear.scatter [tilespmem:s29], [sflag:$0x8], $0x80, $0x38;
	[tilespmem:$0x16C00] =	vst v63  }
0x361: {  	s28 =	sadd.s32 $0x40, s23;
	s29 =	simm.s32 $0x15D20  }
0x362: {  	[hbm4b:s28+s3] =	stream.linear.scatter [tilespmem:s29], [sflag:$0x8], $0x80, $0x38;
	[tilespmem:$0x16C00] =	vst v63  }
0x363: {  	s28 =	sadd.s32 $0x50, s23;
	s29 =	simm.s32 $0x15DA8  }
0x364: {  	[hbm4b:s28+s3] =	stream.linear.scatter [tilespmem:s29], [sflag:$0x8], $0x80, $0x38;
	[tilespmem:$0x16C00] =	vst v63  }
0x365: {  	s26 =	sadd.s32 $0x60, s23;
	s28 =	simm.s32 $0x15E30  }
0x366: {  	[hbm4b:s26+s3] =	stream.linear.scatter [tilespmem:s28], [sflag:$0x8], $0x80, $0x38;
	[tilespmem:$0x16C00] =	vst v63  }
0x367: {  	s23 =	sadd.s32 $0x70, s23;
	s29 =	simm.s32 $0x15EB8  }
0x368: {  	[hbm4b:s23+s3] =	stream.linear.scatter [tilespmem:s29], [sflag:$0x8], $0x80, $0x38;
	[tilespmem:$0x16C00] =	vst v63  }
0x369: {  	s26 =	simm.s32 $0x15F40;
	s23 =	sadd.s32 s21, s6  }
0x36a: {  	[hbm4b:s23+s3] =	stream.linear.scatter [tilespmem:s26], [sflag:$0x8], $0x80, $0x38;
	[tilespmem:$0x16C00] =	vst v63  }
0x36b: {  	s29 =	simm.s32 $0x15FC8;
	s28 =	sadd.s32 $0x10, s23  }
0x36c: {  	[hbm4b:s28+s3] =	stream.linear.scatter [tilespmem:s29], [sflag:$0x8], $0x80, $0x38;
	[tilespmem:$0x16C00] =	vst v63  }
0x36d: {  	s28 =	sadd.s32 $0x20, s23;
	s29 =	simm.s32 $0x16050  }
0x36e: {  	[hbm4b:s28+s3] =	stream.linear.scatter [tilespmem:s29], [sflag:$0x8], $0x80, $0x38;
	[tilespmem:$0x16C00] =	vst v63  }
0x36f: {  	s28 =	sadd.s32 $0x30, s23;
	s29 =	simm.s32 $0x160D8  }
0x370: {  	[hbm4b:s28+s3] =	stream.linear.scatter [tilespmem:s29], [sflag:$0x8], $0x80, $0x38;
	[tilespmem:$0x16C00] =	vst v63  }
0x371: {  	s28 =	sadd.s32 $0x40, s23;
	s29 =	simm.s32 $0x16160  }
0x372: {  	[hbm4b:s28+s3] =	stream.linear.scatter [tilespmem:s29], [sflag:$0x8], $0x80, $0x38;
	[tilespmem:$0x16C00] =	vst v63  }
0x373: {  	s28 =	sadd.s32 $0x50, s23;
	s29 =	simm.s32 $0x161E8  }
0x374: {  	[hbm4b:s28+s3] =	stream.linear.scatter [tilespmem:s29], [sflag:$0x8], $0x80, $0x38;
	[tilespmem:$0x16C00] =	vst v63  }
0x375: {  	s26 =	sadd.s32 $0x60, s23;
	s28 =	simm.s32 $0x16270  }
0x376: {  	[hbm4b:s26+s3] =	stream.linear.scatter [tilespmem:s28], [sflag:$0x8], $0x80, $0x38;
	[tilespmem:$0x16C00] =	vst v63  }
0x377: {  	s23 =	sadd.s32 $0x70, s23;
	s29 =	simm.s32 $0x162F8  }
0x378: {  	[hbm4b:s23+s3] =	stream.linear.scatter [tilespmem:s29], [sflag:$0x8], $0x80, $0x38;
	[tilespmem:$0x16C00] =	vst v63  }
0x379: {  	s26 =	simm.s32 $0x16380;
	s23 =	sadd.s32 s21, s7  }
0x37a: {  	[hbm4b:s23+s3] =	stream.linear.scatter [tilespmem:s26], [sflag:$0x8], $0x80, $0x38;
	[tilespmem:$0x16C00] =	vst v63  }
0x37b: {  	s29 =	simm.s32 $0x16408;
	s28 =	sadd.s32 $0x10, s23  }
0x37c: {  	[hbm4b:s28+s3] =	stream.linear.scatter [tilespmem:s29], [sflag:$0x8], $0x80, $0x38;
	[tilespmem:$0x16C00] =	vst v63  }
0x37d: {  	s28 =	sadd.s32 $0x20, s23;
	s29 =	simm.s32 $0x16490  }
0x37e: {  	[hbm4b:s28+s3] =	stream.linear.scatter [tilespmem:s29], [sflag:$0x8], $0x80, $0x38;
	[tilespmem:$0x16C00] =	vst v63  }
0x37f: {  	s28 =	sadd.s32 $0x30, s23;
	s29 =	simm.s32 $0x16518  }
0x380: {  	[hbm4b:s28+s3] =	stream.linear.scatter [tilespmem:s29], [sflag:$0x8], $0x80, $0x38;
	[tilespmem:$0x16C00] =	vst v63  }
0x381: {  	s28 =	sadd.s32 $0x40, s23;
	s29 =	simm.s32 $0x165A0  }
0x382: {  	[hbm4b:s28+s3] =	stream.linear.scatter [tilespmem:s29], [sflag:$0x8], $0x80, $0x38;
	[tilespmem:$0x16C00] =	vst v63  }
0x383: {  	s28 =	sadd.s32 $0x50, s23;
	s29 =	simm.s32 $0x16628  }
0x384: {  	[hbm4b:s28+s3] =	stream.linear.scatter [tilespmem:s29], [sflag:$0x8], $0x80, $0x38;
	[tilespmem:$0x16C00] =	vst v63  }
0x385: {  	s26 =	sadd.s32 $0x60, s23;
	s28 =	simm.s32 $0x166B0  }
0x386: {  	[hbm4b:s26+s3] =	stream.linear.scatter [tilespmem:s28], [sflag:$0x8], $0x80, $0x38;
	[tilespmem:$0x16C00] =	vst v63  }
0x387: {  	s23 =	sadd.s32 $0x70, s23;
	s29 =	simm.s32 $0x16738  }
0x388: {  	[hbm4b:s23+s3] =	stream.linear.scatter [tilespmem:s29], [sflag:$0x8], $0x80, $0x38;
	[tilespmem:$0x16C00] =	vst v63  }
0x389: {  	s21 =	sadd.s32 s21, s8;
	s26 =	simm.s32 $0x167C0  }
0x38a: {  	[hbm4b:s21+s3] =	stream.linear.scatter [tilespmem:s26], [sflag:$0x8], $0x80, $0x38;
	[tilespmem:$0x16C00] =	vst v63  }
0x38b: {  	s28 =	sadd.s32 $0x10, s21;
	s29 =	simm.s32 $0x16848  }
0x38c: {  	[hbm4b:s28+s3] =	stream.linear.scatter [tilespmem:s29], [sflag:$0x8], $0x80, $0x38;
	[tilespmem:$0x16C00] =	vst v63  }
0x38d: {  	s24 =	sadd.s32 $0x20, s21;
	s26 =	simm.s32 $0x168D0  }
0x38e: {  	[hbm4b:s24+s3] =	stream.linear.scatter [tilespmem:s26], [sflag:$0x8], $0x80, $0x38;
	[tilespmem:$0x16C00] =	vst v63  }
0x38f: {  	s28 =	sadd.s32 $0x30, s21;
	s29 =	simm.s32 $0x16958  }
0x390: {  	[hbm4b:s28+s3] =	stream.linear.scatter [tilespmem:s29], [sflag:$0x8], $0x80, $0x38;
	[tilespmem:$0x16C00] =	vst v63  }
0x391: {  	s24 =	sadd.s32 $0x40, s21;
	s26 =	simm.s32 $0x169E0  }
0x392: {  	[hbm4b:s24+s3] =	stream.linear.scatter [tilespmem:s26], [sflag:$0x8], $0x80, $0x38;
	[tilespmem:$0x16C00] =	vst v63  }
0x393: {  	s28 =	sadd.s32 $0x50, s21;
	s29 =	simm.s32 $0x16A68  }
0x394: {  	[hbm4b:s28+s3] =	stream.linear.scatter [tilespmem:s29], [sflag:$0x8], $0x80, $0x38;
	[tilespmem:$0x16C00] =	vst v63  }
0x395: {  	s26 =	sadd.s32 $0x60, s21;
	s28 =	simm.s32 $0x16AF0  }
0x396: {  	[hbm4b:s26+s3] =	stream.linear.scatter [tilespmem:s28], [sflag:$0x8], $0x80, $0x38;
	[tilespmem:$0x16C00] =	vst v63  }
0x397: {  	p1 =	sne.s32 @!p0 s20, $0x32;
	s21 =	sadd.s32 $0x70, s21;
	s29 =	simm.s32 $0x16B78  }
0x398: {  	[hbm4b:s21+s3] =	stream.linear.scatter [tilespmem:s29], [sflag:$0x8], $0x80, $0x38;
	[tilespmem:$0x16C00] =	vst v63  }
0x399: {  	s23 =	simm.s32 @!p0 $0xC400;
	s21 =	sadd.s32 @!p0 $0x380, s22;
	s22 =	simm.s32 @!p0 $0x80  }
0x39a: {  	[tilespmem:s23], [sflag:$0x4] =	stream.indirect.gather @!p0 [hbm4b:s4+s22], $0x40, s21, s22, $0xb8;
	[tilespmem:$0x16C00] =	vst v63  }
0x39b: {  	p0 =	por p0, !p1  }
.Ltmp4:
0x39c: {  	_ = 	snop;
	(pc) =	sbr.rel @!p0 .LBB2_2-.Ltmp4, $1  }
0x39d: {  	_ =	sdelay $0x3  }
0x39e: {  	s20 =	simm.s32 $0x5  }
0x39f: {  	_ =	swait.ge [sflag:s20], $0x2000  }
0x3a0: {  	[sflag:s20] =	ssyncset.done $0x0  }
0x3a1: {  	[sflag:s20] =	ssyncadd.s32 $0xFFFFE000  }
0x3a2: {  	_ =	swait.ge [sflag:s17], $0x2000  }
0x3a3: {  	[sflag:s17] =	ssyncset.done $0x0  }
0x3a4: {  	[sflag:s17] =	ssyncadd.s32 $0xFFFFE000  }
0x3a5: {  	_ =	swait.ge [sflag:s18], $0x2000  }
0x3a6: {  	[sflag:s18] =	ssyncset.done $0x0  }
0x3a7: {  	[sflag:s18] =	ssyncadd.s32 $0xFFFFE000  }
0x3a8: {  	_ =	swait.ge [sflag:s19], $0x2000  }
0x3a9: {  	s21 =	rddreg [dreg:$0x1b]  }
0x3aa: {  	s29 =	rddreg [dreg:$0x17];
	s21 =	sadd.s32 $0x1, s21  }
0x3ab: {  	p0 =	sne.s32 s21, s29  }
.Ltmp5:
0x3ac: {  	_ = 	snop;
	(pc) =	sbr.rel @p0 .LBB2_1-.Ltmp5, $3  }
0x3ad: {  	_ =	sdelay $0x1  }
0x3ae: {  	[sflag:s19] =	ssyncset.done $0x0  }
0x3af: {  	[sflag:s19] =	ssyncadd.s32 $0xFFFFE000  }
0x3b0: {  	_ =	sfence.sel $0x180000  }
0x3b1: {  	[bflag:$0x0] =	sbarrier.arrive $0xFFFF  }
0x3b2: {  	_ =	strace $0x9000004A  }
0x3b3: {  	s0 =	stileid.u32;
	[bflag:$0x2] =	sbarrier.arrive $0xFFFF  }
0x3b4: {  	p0 =	sne.s32 s0, $0x0;
	s0 =	rddreg [dreg:$0x2]  }
0x3b5: {  	s0 =	sadd.s32 @!p0 $0x100000, s0  }
0x3b6: {  	[sflag:s0] =	ssyncadd.tile.s32 @!p0 $0x1;
	_ =	shalt  }
.Lfunc_end2:
_tile_overlayer_lowered:
.L_overlay_start_2:
0x3b7: {  	(tag) =	ssettag $0x2  }
0x3b8: {  	s0 =	rddreg [dreg:$0x0];
	s2 =	stileid.u32  }
0x3b9: {  	s1 =	rddreg [dreg:$0x1];
	p0 =	sne.s32 s2, $0x0  }
0x3ba: {  	s3 =	rddreg [dreg:$0x2];
	[bflag:$0x3] =	sbarrier.arrive $0xFFFF;
	s2 =	simm.s32 @!p0 $0x1C09  }
0x3bb: {  	[timem:s3], [sflag:s2] =	dma.local @!p0 [hbm:s0], s1  }
0x3bc: {  	s0 =	simm.s32 @!p0 $0x9  }
0x3bd: {  	_ =	swait.ge @!p0 [sflag:s0], s1  }
0x3be: {  	s1 =	ssub.s32 @!p0 $0x0, s1;
	[sflag:s0] =	ssyncset.done @!p0 $0x0  }
0x3bf: {  	[sflag:s0] =	ssyncadd.s32 @!p0 s1  }
0x3c0: {  	[bflag:$0x3] =	sbarrier.arrive $0xFFFF  }
0x3c1: {  	_ =	shalt  }

</sc_bundles>
